<compile_context>
chip_gen: v7x
topology: tpu7x:2x2x1
jax: 0.10.2.dev20260603
libtpu: 0.0.44.dev20260713+nightly
codegen_flags: <defaults>
</compile_context>

<pallas_src>
import functools

import jax
import jax.numpy as jnp
from jax import lax
from jax.experimental import pallas as pl
from jax.experimental.pallas import tpu as pltpu
from jax.experimental.pallas import tpu_sc as plsc

TOP_K = 2
NUM_EXPERTS = 8
D_MODEL = 1024
TOKENS = 4096
D32 = D_MODEL // 2

RBLK = 256
NBLK = 40
PADDED = NBLK * RBLK

CHUNK = 128
NCHUNK = TOKENS // CHUNK

NWORK = 32
ROWS_PER_W = PADDED // NWORK
TOK_PER_W = TOKENS // NWORK


def _tri_left(n, strict):
    r = lax.broadcasted_iota(jnp.int32, (n, n), 0)
    c = lax.broadcasted_iota(jnp.int32, (n, n), 1)
    return jnp.where((r > c) if strict else (r >= c), 1.0, 0.0)


def _tri_right(n):
    r = lax.broadcasted_iota(jnp.int32, (n, n), 0)
    c = lax.broadcasted_iota(jnp.int32, (n, n), 1)
    return jnp.where(r <= c, 1.0, 0.0)


def _router_kernel(x_ref, wg_ref, bg_ref, probs_ref, pos_ref,
                   bexp_ref, bias_ref):
    x = x_ref[...]
    scores = jnp.dot(x, wg_ref[...], preferred_element_type=jnp.float32)
    scores = scores + bg_ref[...]
    idx = lax.broadcasted_iota(jnp.int32, scores.shape, 1)
    m1 = jnp.max(scores, axis=1, keepdims=True)
    i1 = jnp.min(jnp.where(scores == m1, idx, NUM_EXPERTS), axis=1,
                 keepdims=True)
    masked = jnp.where(idx == i1, -jnp.inf, scores)
    m2 = jnp.max(masked, axis=1, keepdims=True)
    i2 = jnp.min(jnp.where(masked == m2, idx, NUM_EXPERTS), axis=1,
                 keepdims=True)
    e2 = jnp.exp(m2 - m1)
    denom = 1.0 + e2
    p0 = 1.0 / denom
    p1 = e2 / denom
    probs_ref[...] = jnp.concatenate([p0, p1], axis=1)

    oh0 = jnp.where(idx == i1, 1.0, 0.0)
    oh1 = jnp.where(idx == i2, 1.0, 0.0)
    oh = jnp.concatenate([oh0, oh1], axis=1)

    t_in = _tri_left(CHUNK, strict=False)
    incl_chunks = []
    last_rows = []
    for c in range(NCHUNK):
        blk = lax.slice(oh, (c * CHUNK, 0), ((c + 1) * CHUNK, 2 * NUM_EXPERTS))
        inc = jnp.dot(t_in, blk, preferred_element_type=jnp.float32)
        incl_chunks.append(inc)
        last_rows.append(lax.slice(inc, (CHUNK - 1, 0),
                                   (CHUNK, 2 * NUM_EXPERTS)))
    p_sums = jnp.concatenate(last_rows, axis=0)
    t_ex = _tri_left(NCHUNK, strict=True)
    chunk_prefix = jnp.dot(t_ex, p_sums,
                           preferred_element_type=jnp.float32)
    full = jnp.concatenate(
        [incl_chunks[c] + lax.slice(chunk_prefix, (c, 0),
                                    (c + 1, 2 * NUM_EXPERTS))
         for c in range(NCHUNK)], axis=0)
    c0 = full[:, :NUM_EXPERTS]
    c1 = full[:, NUM_EXPERTS:]
    totals = jnp.sum(p_sums, axis=0, keepdims=True)
    count0 = totals[:, :NUM_EXPERTS]
    count1 = totals[:, NUM_EXPERTS:]
    counts = count0 + count1

    nb = jnp.floor((counts + (RBLK - 1)) * (1.0 / RBLK))
    incl_nb = jnp.dot(nb, _tri_right(NUM_EXPERTS),
                      preferred_element_type=jnp.float32)
    start_rows = (incl_nb - nb) * RBLK

    rank0 = jnp.sum(oh0 * c0, axis=1, keepdims=True) - 1.0
    rank1 = jnp.sum(oh1 * (count0 + c1), axis=1, keepdims=True) - 1.0
    base0 = jnp.sum(oh0 * start_rows, axis=1, keepdims=True)
    base1 = jnp.sum(oh1 * start_rows, axis=1, keepdims=True)
    pos0 = (base0 + rank0).astype(jnp.int32)
    pos1 = (base1 + rank1).astype(jnp.int32)
    pos_ref[...] = jnp.concatenate([pos0, pos1], axis=1)

    bidx = lax.broadcasted_iota(jnp.int32, (1, 128), 1).astype(jnp.float32)
    bexp = jnp.zeros((1, 128), jnp.float32)
    for e in range(NUM_EXPERTS):
        ends_e = lax.slice(incl_nb, (0, e), (1, e + 1))
        bexp = bexp + jnp.where(bidx >= ends_e, 1.0, 0.0)
    bexp_ref[...] = jnp.minimum(bexp, float(NUM_EXPERTS - 1)).astype(jnp.int32)

    bias_ref[...] = oh0 * p0 + oh1 * p1


def _router(inputs, Wg, bg):
    return pl.pallas_call(
        _router_kernel,
        grid=(1,),
        in_specs=[
            pl.BlockSpec((TOKENS, D_MODEL), lambda i: (0, 0)),
            pl.BlockSpec((D_MODEL, NUM_EXPERTS), lambda i: (0, 0)),
            pl.BlockSpec((1, NUM_EXPERTS), lambda i: (0, 0)),
        ],
        out_specs=[
            pl.BlockSpec((TOKENS, TOP_K), lambda i: (0, 0)),
            pl.BlockSpec((TOKENS, TOP_K), lambda i: (0, 0)),
            pl.BlockSpec((1, 128), lambda i: (0, 0)),
            pl.BlockSpec((TOKENS, NUM_EXPERTS), lambda i: (0, 0)),
        ],
        out_shape=[
            jax.ShapeDtypeStruct((TOKENS, TOP_K), jnp.float32),
            jax.ShapeDtypeStruct((TOKENS, TOP_K), jnp.int32),
            jax.ShapeDtypeStruct((1, 128), jnp.int32),
            jax.ShapeDtypeStruct((TOKENS, NUM_EXPERTS), jnp.float32),
        ],
    )(inputs, Wg, bg.reshape(1, NUM_EXPERTS))


def _bias_kernel(h_ref, be_ref, out_ref):
    out_ref[...] = jnp.dot(h_ref[...], be_ref[...],
                           preferred_element_type=jnp.float32,
                           precision=lax.Precision.HIGHEST)


def _bias_comb(hcomb, be):
    return pl.pallas_call(
        _bias_kernel,
        grid=(8,),
        in_specs=[
            pl.BlockSpec((TOKENS // 8, NUM_EXPERTS), lambda i: (i, 0)),
            pl.BlockSpec((NUM_EXPERTS, D_MODEL), lambda i: (0, 0)),
        ],
        out_specs=pl.BlockSpec((TOKENS // 8, D_MODEL), lambda i: (i, 0)),
        out_shape=jax.ShapeDtypeStruct((TOKENS, D_MODEL), jnp.float32),
    )(hcomb, be)


GCHUNK = 64


def _dispatch_body(pos_hbm, xb_hbm, xs_hbm, posbuf, sortids, rowbuf0,
                   rowbuf1, gsem, wsem):
    wid = lax.axis_index("s") * 2 + lax.axis_index("c")
    pltpu.sync_copy(pos_hbm, posbuf)

    def zero_body(i, _):
        pv = posbuf[pl.ds((i % 512) * 16, 16)]
        sortids[pl.ds(i * 16, 16)] = lax.shift_right_arithmetic(pv, 2)
        return 0

    lax.fori_loop(0, PADDED // 16, zero_body, 0)

    base = wid * ROWS_PER_W
    nch = ROWS_PER_W // GCHUNK
    bufs = [rowbuf0, rowbuf1]

    def gather(j):
        idx_sl = sortids.at[pl.ds(base + j * GCHUNK, GCHUNK)]
        return pltpu.async_copy(xb_hbm.at[idx_sl], bufs[j % 2], gsem)

    def write(j):
        return pltpu.async_copy(
            bufs[j % 2], xs_hbm.at[pl.ds(base + j * GCHUNK, GCHUNK)], wsem)

    gh = [None] * nch
    wh = [None] * nch
    gh[0] = gather(0)
    for j in range(nch):
        if j + 1 < nch:
            if j >= 1:
                wh[j - 1].wait()
            gh[j + 1] = gather(j + 1)
        gh[j].wait()
        wh[j] = write(j)
    wh[nch - 2].wait()
    wh[nch - 1].wait()


def _dispatch(posflat, xb32):
    mesh = plsc.VectorSubcoreMesh(core_axis_name="c", subcore_axis_name="s")
    return pl.kernel(
        _dispatch_body,
        mesh=mesh,
        out_type=jax.ShapeDtypeStruct((PADDED, D32), jnp.int32),
        compiler_params=pltpu.CompilerParams(needs_layout_passes=False),
        scratch_types=[
            pltpu.VMEM((TOKENS * TOP_K,), jnp.int32),
            pltpu.VMEM((PADDED,), jnp.int32),
            pltpu.VMEM((GCHUNK, D32), jnp.int32),
            pltpu.VMEM((GCHUNK, D32), jnp.int32),
            pltpu.SemaphoreType.DMA,
            pltpu.SemaphoreType.DMA,
        ],
    )(posflat, xb32)


def _gmm_kernel(bexp_ref, xs_ref, we_ref, ys_ref):
    del bexp_ref
    ys_ref[...] = jnp.dot(xs_ref[...], we_ref[0],
                          preferred_element_type=jnp.float32)


def _grouped_matmul(block_expert, xs_bf16, We_bf16):
    grid_spec = pltpu.PrefetchScalarGridSpec(
        num_scalar_prefetch=1,
        grid=(NBLK,),
        in_specs=[
            pl.BlockSpec((RBLK, D_MODEL), lambda i, be: (i, 0)),
            pl.BlockSpec((1, D_MODEL, D_MODEL), lambda i, be: (be[i], 0, 0)),
        ],
        out_specs=pl.BlockSpec((RBLK, D_MODEL), lambda i, be: (i, 0)),
    )
    return pl.pallas_call(
        _gmm_kernel,
        grid_spec=grid_spec,
        out_shape=jax.ShapeDtypeStruct((PADDED, D_MODEL), jnp.float32),
    )(block_expert, xs_bf16, We_bf16)


CTOK = 8


def _combine_body(pos_hbm, gates_hbm, bias_hbm, ys_hbm, out_hbm,
                  posbuf, gbuf, row0, row1, bias0, bias1, out0, out1,
                  gsem, bsem, osem):
    wid = lax.axis_index("s") * 2 + lax.axis_index("c")
    tbase = wid * TOK_PER_W
    nch = TOK_PER_W // CTOK
    rows = [row0, row1]
    biases = [bias0, bias1]
    outs = [out0, out1]
    pltpu.sync_copy(pos_hbm.at[pl.ds(TOP_K * tbase, TOP_K * TOK_PER_W)],
                    posbuf)
    pltpu.sync_copy(gates_hbm.at[pl.ds(TOP_K * tbase, TOP_K * TOK_PER_W)],
                    gbuf)

    def fetch(j):
        idx_sl = posbuf.at[pl.ds(j * 2 * CTOK, 2 * CTOK)]
        gh = pltpu.async_copy(ys_hbm.at[idx_sl], rows[j % 2], gsem)
        bh = pltpu.async_copy(bias_hbm.at[pl.ds(tbase + j * CTOK, CTOK)],
                              biases[j % 2], bsem)
        return gh, bh

    pend = [None] * nch
    wh = [None] * nch
    pend[0] = fetch(0)
    for j in range(nch):
        if j + 1 < nch:
            if j >= 1:
                wh[j - 1].wait()
            pend[j + 1] = fetch(j + 1)
        pend[j][0].wait()
        pend[j][1].wait()
        rowbuf = rows[j % 2]
        biasbuf = biases[j % 2]
        outbuf = outs[j % 2]

        def tok_body(i, _):
            gi = j * 2 * CTOK + 2 * i
            g0 = plsc.load_gather(gbuf, [jnp.full((16,), gi, jnp.int32)])
            sl = pl.ds(0, 16)
            outbuf[i, sl] = (g0 * rowbuf[2 * i, sl] + biasbuf[i, sl])
            return 0

        lax.fori_loop(0, CTOK, tok_body, 0)
        wh[j] = pltpu.async_copy(
            outbuf, out_hbm.at[pl.ds(tbase + j * CTOK, CTOK)], osem)
    wh[nch - 2].wait()
    wh[nch - 1].wait()


def _combine(posflat, gates, bias_comb, ys):
    mesh = plsc.VectorSubcoreMesh(core_axis_name="c", subcore_axis_name="s")
    return pl.kernel(
        _combine_body,
        mesh=mesh,
        out_type=jax.ShapeDtypeStruct((TOKENS, D_MODEL), jnp.float32),
        compiler_params=pltpu.CompilerParams(needs_layout_passes=False),
        scratch_types=[
            pltpu.VMEM((TOP_K * TOK_PER_W,), jnp.int32),
            pltpu.VMEM((TOP_K * TOK_PER_W,), jnp.float32),
            pltpu.VMEM((2 * CTOK, D_MODEL), jnp.float32),
            pltpu.VMEM((2 * CTOK, D_MODEL), jnp.float32),
            pltpu.VMEM((CTOK, D_MODEL), jnp.float32),
            pltpu.VMEM((CTOK, D_MODEL), jnp.float32),
            pltpu.VMEM((CTOK, D_MODEL), jnp.float32),
            pltpu.VMEM((CTOK, D_MODEL), jnp.float32),
            pltpu.SemaphoreType.DMA,
            pltpu.SemaphoreType.DMA,
            pltpu.SemaphoreType.DMA,
        ],
    )(posflat, gates, bias_comb, ys)


def kernel(inputs, Wg, bg, We, be):
    xb = inputs.astype(jnp.bfloat16)
    xb32 = lax.bitcast_convert_type(
        xb.reshape(TOKENS, D32, 2), jnp.int32)

    probs, posflat2, bexp_row, hcomb = _router(inputs, Wg, bg)
    bias_comb = _bias_comb(hcomb, be)
    posflat = posflat2.reshape(TOKENS * TOP_K)
    gates = probs.reshape(TOKENS * TOP_K)
    block_expert = bexp_row[0, :NBLK]

    xs32 = _dispatch(posflat, xb32)
    xs_bf16 = lax.bitcast_convert_type(xs32, jnp.bfloat16).reshape(
        PADDED, D_MODEL)
    ys = _grouped_matmul(block_expert, xs_bf16, We.astype(jnp.bfloat16))
    out = _combine(posflat, gates, bias_comb, ys)
    return (out, probs)

# --- scband reference (transcript-rebuilt; emitter-appended) ---
"""Pipeline reference for scband-mixture-of-experts-1623497637920 (READ-ONLY COPY).

The authoritative reference and input builder live on the scoring server;
editing this copy changes nothing except your own understanding.
"""

import jax, jax.numpy as jnp
import numpy as np

TOP_K = 2
NUM_EXPERTS = 8
D_MODEL = 1024
TOKENS = 4096

def setup_inputs(seed: int = 0) -> dict:
    key = jax.random.key(seed)
    ks = jax.random.split(key, 5)
    inputs = jax.random.normal(ks[0], (TOKENS, D_MODEL), dtype=jnp.float32)
    # router projection: Linear(input_dim -> num_experts)
    Wg = jax.random.normal(ks[1], (D_MODEL, NUM_EXPERTS), dtype=jnp.float32) * (1.0 / np.sqrt(D_MODEL))
    bg = jnp.zeros((NUM_EXPERTS,), dtype=jnp.float32)
    # experts: num_experts x Linear(expert_dim -> output_dim), expert_dim == output_dim == input_dim
    We = jax.random.normal(ks[2], (NUM_EXPERTS, D_MODEL, D_MODEL), dtype=jnp.float32) * (1.0 / np.sqrt(D_MODEL))
    be = jnp.zeros((NUM_EXPERTS, D_MODEL), dtype=jnp.float32)
    return {"inputs": inputs, "Wg": Wg, "bg": bg, "We": We, "be": be}

def reference(inputs, Wg, bg, We, be):
    # Router: scores -> top-k -> softmax over the top-k scores
    scores = inputs @ Wg + bg  # [T, E]
    top_k_scores, top_k_indices = jax.lax.top_k(scores, TOP_K)  # [T, k], [T, k] (sorted desc, matches torch.topk)
    probabilities = jax.nn.softmax(top_k_scores, axis=1)  # [T, k]
    # Per-token expert application: each token routed to its top-k experts' Linear layers.
    # Compute all experts densely then gather the selected ones (same math as indexing experts per token).
    y_all = jnp.einsum('td,edo->teo', inputs, We) + be[None, :, :]  # [T, E, D]
    expert_outputs = jnp.take_along_axis(y_all, top_k_indices[:, :, None], axis=1)  # [T, k, D]
    final_output = jnp.sum(expert_outputs * probabilities[:, :, None], axis=1)  # [T, D]
    return (final_output, probabilities)

if __name__ == "__main__":
    import jax
    _d = setup_inputs()
    print(jax.jit(kernel)(*tuple(_d.values())))

</pallas_src>

<mosaic_0001>
#map = affine_map<(d0, d1) -> (0)>
#map1 = affine_map<(d0, d1) -> (0, 0)>
module attributes {stable_mosaic.version = 14 : i64} {
  func.func @_combine_body(%arg0: i32, %arg1: i32, %arg2: memref<8192xi32, #tpu.memory_space<hbm>>, %arg3: memref<8192xf32, #tpu.memory_space<hbm>>, %arg4: memref<4096x1024xf32, #tpu.memory_space<hbm>>, %arg5: memref<10240x1024xf32, #tpu.memory_space<hbm>>, %arg6: memref<4096x1024xf32, #tpu.memory_space<hbm>>, %arg7: memref<256xi32, #tpu.memory_space<vmem>>, %arg8: memref<256xf32, #tpu.memory_space<vmem>>, %arg9: memref<16x1024xf32, #tpu.memory_space<vmem>>, %arg10: memref<16x1024xf32, #tpu.memory_space<vmem>>, %arg11: memref<8x1024xf32, #tpu.memory_space<vmem>>, %arg12: memref<8x1024xf32, #tpu.memory_space<vmem>>, %arg13: memref<8x1024xf32, #tpu.memory_space<vmem>>, %arg14: memref<8x1024xf32, #tpu.memory_space<vmem>>, %arg15: memref<!tpu.dma_semaphore, #tpu.memory_space<semaphore_mem>>, %arg16: memref<!tpu.dma_semaphore, #tpu.memory_space<semaphore_mem>>, %arg17: memref<!tpu.dma_semaphore, #tpu.memory_space<semaphore_mem>>) attributes {dimension_semantics = [#tpu.dimension_semantics<core_parallel>, #tpu.dimension_semantics<subcore_parallel>], iteration_bounds = array<i64: 2, 16>, scalar_prefetch = 0 : i64, scratch_operands = 11 : i64, tpu.core_type = #tpu.core_type<sc_vector_subcore>, window_params = [{transform_indices = #map}, {transform_indices = #map}, {transform_indices = #map1}, {transform_indices = #map1}, {transform_indices = #map1}]} {
    %mul3A = arith.constant 2 : i32
    %mul3A_0 = arith.muli %arg1, %mul3A : i32
    %add3A = arith.addi %mul3A_0, %arg0 : i32
    %mul3A_1 = arith.constant 128 : i32
    %mul3A_2 = arith.muli %add3A, %mul3A_1 : i32
    %mul3A_3 = arith.constant 2 : i32
    %mul3A_4 = arith.muli %mul3A_3, %mul3A_2 : i32
    "tpu.region"() ({
      %run_scoped3A = tpu.sem_alloc : memref<!tpu.dma_semaphore, #tpu.memory_space<semaphore_mem>>
      %dma_start3A_596 = tpu.memref_slice %arg2[%mul3A_4] : memref<8192xi32, #tpu.memory_space<hbm>> -> memref<256xi32, #tpu.memory_space<hbm>>
      %dma_start3A_597 = tpu.memref_slice %arg2[%mul3A_4] : memref<8192xi32, #tpu.memory_space<hbm>> -> memref<256xi32, #tpu.memory_space<hbm>>
      tpu.enqueue_dma source(%dma_start3A_597 : memref<256xi32, #tpu.memory_space<hbm>>) target(%arg7 : memref<256xi32, #tpu.memory_space<vmem>>) target_semaphore(%run_scoped3A : memref<!tpu.dma_semaphore, #tpu.memory_space<semaphore_mem>>)
      %dma_wait3A_598 = tpu.memref_slice %arg2[%mul3A_4] : memref<8192xi32, #tpu.memory_space<hbm>> -> memref<256xi32, #tpu.memory_space<hbm>>
      %dma_wait3A_599 = tpu.memref_slice %arg2[%mul3A_4] : memref<8192xi32, #tpu.memory_space<hbm>> -> memref<256xi32, #tpu.memory_space<hbm>>
      tpu.wait_dma2 semaphore(%run_scoped3A : memref<!tpu.dma_semaphore, #tpu.memory_space<semaphore_mem>>) src(%dma_wait3A_599 : memref<256xi32, #tpu.memory_space<hbm>>) dst(%arg7 : memref<256xi32, #tpu.memory_space<vmem>>)
      tpu.yield
    }) : () -> ()
    %mul3A_5 = arith.constant 2 : i32
    %mul3A_6 = arith.muli %mul3A_5, %mul3A_2 : i32
    "tpu.region"() ({
      %run_scoped3A = tpu.sem_alloc : memref<!tpu.dma_semaphore, #tpu.memory_space<semaphore_mem>>
      %dma_start3A_596 = tpu.memref_slice %arg3[%mul3A_6] : memref<8192xf32, #tpu.memory_space<hbm>> -> memref<256xf32, #tpu.memory_space<hbm>>
      %dma_start3A_597 = tpu.memref_slice %arg3[%mul3A_6] : memref<8192xf32, #tpu.memory_space<hbm>> -> memref<256xf32, #tpu.memory_space<hbm>>
      tpu.enqueue_dma source(%dma_start3A_597 : memref<256xf32, #tpu.memory_space<hbm>>) target(%arg8 : memref<256xf32, #tpu.memory_space<vmem>>) target_semaphore(%run_scoped3A : memref<!tpu.dma_semaphore, #tpu.memory_space<semaphore_mem>>)
      %dma_wait3A_598 = tpu.memref_slice %arg3[%mul3A_6] : memref<8192xf32, #tpu.memory_space<hbm>> -> memref<256xf32, #tpu.memory_space<hbm>>
      %dma_wait3A_599 = tpu.memref_slice %arg3[%mul3A_6] : memref<8192xf32, #tpu.memory_space<hbm>> -> memref<256xf32, #tpu.memory_space<hbm>>
      tpu.wait_dma2 semaphore(%run_scoped3A : memref<!tpu.dma_semaphore, #tpu.memory_space<semaphore_mem>>) src(%dma_wait3A_599 : memref<256xf32, #tpu.memory_space<hbm>>) dst(%arg8 : memref<256xf32, #tpu.memory_space<vmem>>)
      tpu.yield
    }) : () -> ()
    %dma_start3A = arith.constant 0 : i32
    %dma_start3A_7 = tpu.memref_slice %arg7[%dma_start3A] : memref<256xi32, #tpu.memory_space<vmem>> -> memref<16xi32, #tpu.memory_space<vmem>>
    %dma_start3A_8 = arith.constant 0 : i32
    %dma_start3A_9 = arith.constant 0 : i32
    %dma_start3A_10 = tpu.memref_slice %arg5[%dma_start3A_8, %dma_start3A_9] : memref<10240x1024xf32, #tpu.memory_space<hbm>> -> memref<10240x1024xf32, #tpu.memory_space<hbm>>
    tpu.enqueue_indirect_dma source(%dma_start3A_10 : memref<10240x1024xf32, #tpu.memory_space<hbm>>) target(%arg9 : memref<16x1024xf32, #tpu.memory_space<vmem>>) offsets(%dma_start3A_7 : memref<16xi32, #tpu.memory_space<vmem>>) semaphore(%arg15 : memref<!tpu.dma_semaphore, #tpu.memory_space<semaphore_mem>>)
    %add3A_11 = arith.constant 0 : i32
    %add3A_12 = arith.addi %mul3A_2, %add3A_11 : i32
    %dma_start3A_13 = arith.constant 0 : i32
    %dma_start3A_14 = tpu.memref_slice %arg4[%add3A_12, %dma_start3A_13] : memref<4096x1024xf32, #tpu.memory_space<hbm>> -> memref<8x1024xf32, #tpu.memory_space<hbm>>
    %dma_start3A_15 = arith.constant 0 : i32
    %dma_start3A_16 = tpu.memref_slice %arg4[%add3A_12, %dma_start3A_15] : memref<4096x1024xf32, #tpu.memory_space<hbm>> -> memref<8x1024xf32, #tpu.memory_space<hbm>>
    tpu.enqueue_dma source(%dma_start3A_16 : memref<8x1024xf32, #tpu.memory_space<hbm>>) target(%arg11 : memref<8x1024xf32, #tpu.memory_space<vmem>>) target_semaphore(%arg16 : memref<!tpu.dma_semaphore, #tpu.memory_space<semaphore_mem>>)
    %dma_start3A_17 = arith.constant 16 : i32
    %dma_start3A_18 = tpu.memref_slice %arg7[%dma_start3A_17] : memref<256xi32, #tpu.memory_space<vmem>> -> memref<16xi32, #tpu.memory_space<vmem>>
    %dma_start3A_19 = arith.constant 0 : i32
    %dma_start3A_20 = arith.constant 0 : i32
    %dma_start3A_21 = tpu.memref_slice %arg5[%dma_start3A_19, %dma_start3A_20] : memref<10240x1024xf32, #tpu.memory_space<hbm>> -> memref<10240x1024xf32, #tpu.memory_space<hbm>>
    tpu.enqueue_indirect_dma source(%dma_start3A_21 : memref<10240x1024xf32, #tpu.memory_space<hbm>>) target(%arg10 : memref<16x1024xf32, #tpu.memory_space<vmem>>) offsets(%dma_start3A_18 : memref<16xi32, #tpu.memory_space<vmem>>) semaphore(%arg15 : memref<!tpu.dma_semaphore, #tpu.memory_space<semaphore_mem>>)
    %add3A_22 = arith.constant 8 : i32
    %add3A_23 = arith.addi %mul3A_2, %add3A_22 : i32
    %dma_start3A_24 = arith.constant 0 : i32
    %dma_start3A_25 = tpu.memref_slice %arg4[%add3A_23, %dma_start3A_24] : memref<4096x1024xf32, #tpu.memory_space<hbm>> -> memref<8x1024xf32, #tpu.memory_space<hbm>>
    %dma_start3A_26 = arith.constant 0 : i32
    %dma_start3A_27 = tpu.memref_slice %arg4[%add3A_23, %dma_start3A_26] : memref<4096x1024xf32, #tpu.memory_space<hbm>> -> memref<8x1024xf32, #tpu.memory_space<hbm>>
    tpu.enqueue_dma source(%dma_start3A_27 : memref<8x1024xf32, #tpu.memory_space<hbm>>) target(%arg12 : memref<8x1024xf32, #tpu.memory_space<vmem>>) target_semaphore(%arg16 : memref<!tpu.dma_semaphore, #tpu.memory_space<semaphore_mem>>)
    %dma_wait3A = arith.constant 0 : i32
    %dma_wait3A_28 = tpu.memref_slice %arg7[%dma_wait3A] : memref<256xi32, #tpu.memory_space<vmem>> -> memref<16xi32, #tpu.memory_space<vmem>>
    %dma_wait3A_29 = arith.constant 0 : i32
    %dma_wait3A_30 = arith.constant 0 : i32
    %dma_wait3A_31 = tpu.memref_slice %arg5[%dma_wait3A_29, %dma_wait3A_30] : memref<10240x1024xf32, #tpu.memory_space<hbm>> -> memref<10240x1024xf32, #tpu.memory_space<hbm>>
    tpu.wait_indirect_dma semaphore(%arg15 : memref<!tpu.dma_semaphore, #tpu.memory_space<semaphore_mem>>) src(%dma_wait3A_31 : memref<10240x1024xf32, #tpu.memory_space<hbm>>) dst(%arg9 : memref<16x1024xf32, #tpu.memory_space<vmem>>)
    %dma_wait3A_32 = arith.constant 0 : i32
    %dma_wait3A_33 = tpu.memref_slice %arg4[%add3A_12, %dma_wait3A_32] : memref<4096x1024xf32, #tpu.memory_space<hbm>> -> memref<8x1024xf32, #tpu.memory_space<hbm>>
    %dma_wait3A_34 = arith.constant 0 : i32
    %dma_wait3A_35 = tpu.memref_slice %arg4[%add3A_12, %dma_wait3A_34] : memref<4096x1024xf32, #tpu.memory_space<hbm>> -> memref<8x1024xf32, #tpu.memory_space<hbm>>
    tpu.wait_dma2 semaphore(%arg16 : memref<!tpu.dma_semaphore, #tpu.memory_space<semaphore_mem>>) src(%dma_wait3A_35 : memref<8x1024xf32, #tpu.memory_space<hbm>>) dst(%arg11 : memref<8x1024xf32, #tpu.memory_space<vmem>>)
    %scan3A = arith.constant 0 : i32
    %scan3A_36 = arith.constant 0 : i32
    %scan3A_37 = arith.constant 8 : i32
    %scan3A_38 = arith.addi %scan3A_36, %scan3A_37 : i32
    %scan3A_39 = arith.constant 1 : i32
    %scan3A_40 = scf.for %scan3A_596 = %scan3A_36 to %scan3A_38 step %scan3A_39 iter_args(%scan3A_597 = %scan3A) -> (i32)  : i32 {
      %mul3A_598 = arith.constant 2 : i32
      %mul3A_599 = arith.muli %mul3A_598, %scan3A_596 : i32
      %add3A_600 = arith.constant 0 : i32
      %add3A_601 = arith.addi %add3A_600, %mul3A_599 : i32
      %broadcast_in_dim3A = vector.broadcast %add3A_601 : i32 to vector<16xi32>
      %gather3A = tpu.vector_load_idx %arg8[%broadcast_in_dim3A] : memref<256xf32, #tpu.memory_space<vmem>>[vector<16xi32>], vector<16xf32>,
      %mul3A_602 = arith.constant 2 : i32
      %mul3A_603 = arith.muli %mul3A_602, %scan3A_596 : i32
      %get3A = arith.index_cast %mul3A_603 : i32 to index
      %get3A_604 = arith.constant 0 : index
      %get3A_605 = tpu.vector_load %arg9[%get3A, %get3A_604] {strides = array<i32>} : memref<16x1024xf32, #tpu.memory_space<vmem>>, vector<16xf32>,
      %mul3A_606 = arith.mulf %gather3A, %get3A_605 : vector<16xf32>
      %get3A_607 = arith.index_cast %scan3A_596 : i32 to index
      %get3A_608 = arith.constant 0 : index
      %get3A_609 = tpu.vector_load %arg11[%get3A_607, %get3A_608] {strides = array<i32>} : memref<8x1024xf32, #tpu.memory_space<vmem>>, vector<16xf32>,
      %add3A_610 = arith.addf %mul3A_606, %get3A_609 : vector<16xf32>
      %swap3A = arith.index_cast %scan3A_596 : i32 to index
      %swap3A_611 = arith.constant 0 : index
      %swap3A_612 = tpu.vector_load %arg13[%swap3A, %swap3A_611] {strides = array<i32>} : memref<8x1024xf32, #tpu.memory_space<vmem>>, vector<16xf32>,
      tpu.vector_store %arg13[%swap3A, %swap3A_611], %add3A_610 {strides = array<i32>} : memref<8x1024xf32, #tpu.memory_space<vmem>>, vector<16xf32>,
      %scan3A_613 = arith.constant 0 : i32
      scf.yield %scan3A_613 : i32
    }
    %scan3A_41 = arith.constant 8 : i32
    %add3A_42 = arith.constant 0 : i32
    %add3A_43 = arith.addi %mul3A_2, %add3A_42 : i32
    %dma_start3A_44 = arith.constant 0 : i32
    %dma_start3A_45 = tpu.memref_slice %arg6[%add3A_43, %dma_start3A_44] : memref<4096x1024xf32, #tpu.memory_space<hbm>> -> memref<8x1024xf32, #tpu.memory_space<hbm>>
    %dma_start3A_46 = arith.constant 0 : i32
    %dma_start3A_47 = tpu.memref_slice %arg6[%add3A_43, %dma_start3A_46] : memref<4096x1024xf32, #tpu.memory_space<hbm>> -> memref<8x1024xf32, #tpu.memory_space<hbm>>
    tpu.enqueue_dma source(%arg13 : memref<8x1024xf32, #tpu.memory_space<vmem>>) target(%dma_start3A_47 : memref<8x1024xf32, #tpu.memory_space<hbm>>) target_semaphore(%arg17 : memref<!tpu.dma_semaphore, #tpu.memory_space<semaphore_mem>>)
    %dma_wait3A_48 = arith.constant 0 : i32
    %dma_wait3A_49 = tpu.memref_slice %arg6[%add3A_43, %dma_wait3A_48] : memref<4096x1024xf32, #tpu.memory_space<hbm>> -> memref<8x1024xf32, #tpu.memory_space<hbm>>
    %dma_wait3A_50 = arith.constant 0 : i32
    %dma_wait3A_51 = tpu.memref_slice %arg6[%add3A_43, %dma_wait3A_50] : memref<4096x1024xf32, #tpu.memory_space<hbm>> -> memref<8x1024xf32, #tpu.memory_space<hbm>>
    tpu.wait_dma2 semaphore(%arg17 : memref<!tpu.dma_semaphore, #tpu.memory_space<semaphore_mem>>) src(%arg13 : memref<8x1024xf32, #tpu.memory_space<vmem>>) dst(%dma_wait3A_51 : memref<8x1024xf32, #tpu.memory_space<hbm>>)
    %dma_start3A_52 = arith.constant 32 : i32
    %dma_start3A_53 = tpu.memref_slice %arg7[%dma_start3A_52] : memref<256xi32, #tpu.memory_space<vmem>> -> memref<16xi32, #tpu.memory_space<vmem>>
    %dma_start3A_54 = arith.constant 0 : i32
    %dma_start3A_55 = arith.constant 0 : i32
    %dma_start3A_56 = tpu.memref_slice %arg5[%dma_start3A_54, %dma_start3A_55] : memref<10240x1024xf32, #tpu.memory_space<hbm>> -> memref<10240x1024xf32, #tpu.memory_space<hbm>>
    tpu.enqueue_indirect_dma source(%dma_start3A_56 : memref<10240x1024xf32, #tpu.memory_space<hbm>>) target(%arg9 : memref<16x1024xf32, #tpu.memory_space<vmem>>) offsets(%dma_start3A_53 : memref<16xi32, #tpu.memory_space<vmem>>) semaphore(%arg15 : memref<!tpu.dma_semaphore, #tpu.memory_space<semaphore_mem>>)
    %add3A_57 = arith.constant 16 : i32
    %add3A_58 = arith.addi %mul3A_2, %add3A_57 : i32
    %dma_start3A_59 = arith.constant 0 : i32
    %dma_start3A_60 = tpu.memref_slice %arg4[%add3A_58, %dma_start3A_59] : memref<4096x1024xf32, #tpu.memory_space<hbm>> -> memref<8x1024xf32, #tpu.memory_space<hbm>>
    %dma_start3A_61 = arith.constant 0 : i32
    %dma_start3A_62 = tpu.memref_slice %arg4[%add3A_58, %dma_start3A_61] : memref<4096x1024xf32, #tpu.memory_space<hbm>> -> memref<8x1024xf32, #tpu.memory_space<hbm>>
    tpu.enqueue_dma source(%dma_start3A_62 : memref<8x1024xf32, #tpu.memory_space<hbm>>) target(%arg11 : memref<8x1024xf32, #tpu.memory_space<vmem>>) target_semaphore(%arg16 : memref<!tpu.dma_semaphore, #tpu.memory_space<semaphore_mem>>)
    %dma_wait3A_63 = arith.constant 16 : i32
    %dma_wait3A_64 = tpu.memref_slice %arg7[%dma_wait3A_63] : memref<256xi32, #tpu.memory_space<vmem>> -> memref<16xi32, #tpu.memory_space<vmem>>
    %dma_wait3A_65 = arith.constant 0 : i32
    %dma_wait3A_66 = arith.constant 0 : i32
    %dma_wait3A_67 = tpu.memref_slice %arg5[%dma_wait3A_65, %dma_wait3A_66] : memref<10240x1024xf32, #tpu.memory_space<hbm>> -> memref<10240x1024xf32, #tpu.memory_space<hbm>>
    tpu.wait_indirect_dma semaphore(%arg15 : memref<!tpu.dma_semaphore, #tpu.memory_space<semaphore_mem>>) src(%dma_wait3A_67 : memref<10240x1024xf32, #tpu.memory_space<hbm>>) dst(%arg10 : memref<16x1024xf32, #tpu.memory_space<vmem>>)
    %dma_wait3A_68 = arith.constant 0 : i32
    %dma_wait3A_69 = tpu.memref_slice %arg4[%add3A_23, %dma_wait3A_68] : memref<4096x1024xf32, #tpu.memory_space<hbm>> -> memref<8x1024xf32, #tpu.memory_space<hbm>>
    %dma_wait3A_70 = arith.constant 0 : i32
    %dma_wait3A_71 = tpu.memref_slice %arg4[%add3A_23, %dma_wait3A_70] : memref<4096x1024xf32, #tpu.memory_space<hbm>> -> memref<8x1024xf32, #tpu.memory_space<hbm>>
    tpu.wait_dma2 semaphore(%arg16 : memref<!tpu.dma_semaphore, #tpu.memory_space<semaphore_mem>>) src(%dma_wait3A_71 : memref<8x1024xf32, #tpu.memory_space<hbm>>) dst(%arg12 : memref<8x1024xf32, #tpu.memory_space<vmem>>)
    %scan3A_72 = arith.constant 0 : i32
    %scan3A_73 = arith.constant 0 : i32
    %scan3A_74 = arith.constant 8 : i32
    %scan3A_75 = arith.addi %scan3A_73, %scan3A_74 : i32
    %scan3A_76 = arith.constant 1 : i32
    %scan3A_77 = scf.for %scan3A_596 = %scan3A_73 to %scan3A_75 step %scan3A_76 iter_args(%scan3A_597 = %scan3A_72) -> (i32)  : i32 {
      %mul3A_598 = arith.constant 2 : i32
      %mul3A_599 = arith.muli %mul3A_598, %scan3A_596 : i32
      %add3A_600 = arith.constant 16 : i32
      %add3A_601 = arith.addi %add3A_600, %mul3A_599 : i32
      %broadcast_in_dim3A = vector.broadcast %add3A_601 : i32 to vector<16xi32>
      %gather3A = tpu.vector_load_idx %arg8[%broadcast_in_dim3A] : memref<256xf32, #tpu.memory_space<vmem>>[vector<16xi32>], vector<16xf32>,
      %mul3A_602 = arith.constant 2 : i32
      %mul3A_603 = arith.muli %mul3A_602, %scan3A_596 : i32
      %get3A = arith.index_cast %mul3A_603 : i32 to index
      %get3A_604 = arith.constant 0 : index
      %get3A_605 = tpu.vector_load %arg10[%get3A, %get3A_604] {strides = array<i32>} : memref<16x1024xf32, #tpu.memory_space<vmem>>, vector<16xf32>,
      %mul3A_606 = arith.mulf %gather3A, %get3A_605 : vector<16xf32>
      %get3A_607 = arith.index_cast %scan3A_596 : i32 to index
      %get3A_608 = arith.constant 0 : index
      %get3A_609 = tpu.vector_load %arg12[%get3A_607, %get3A_608] {strides = array<i32>} : memref<8x1024xf32, #tpu.memory_space<vmem>>, vector<16xf32>,
      %add3A_610 = arith.addf %mul3A_606, %get3A_609 : vector<16xf32>
      %swap3A = arith.index_cast %scan3A_596 : i32 to index
      %swap3A_611 = arith.constant 0 : index
      %swap3A_612 = tpu.vector_load %arg14[%swap3A, %swap3A_611] {strides = array<i32>} : memref<8x1024xf32, #tpu.memory_space<vmem>>, vector<16xf32>,
      tpu.vector_store %arg14[%swap3A, %swap3A_611], %add3A_610 {strides = array<i32>} : memref<8x1024xf32, #tpu.memory_space<vmem>>, vector<16xf32>,
      %scan3A_613 = arith.constant 0 : i32
      scf.yield %scan3A_613 : i32
    }
    %scan3A_78 = arith.constant 8 : i32
    %add3A_79 = arith.constant 8 : i32
    %add3A_80 = arith.addi %mul3A_2, %add3A_79 : i32
    %dma_start3A_81 = arith.constant 0 : i32
    %dma_start3A_82 = tpu.memref_slice %arg6[%add3A_80, %dma_start3A_81] : memref<4096x1024xf32, #tpu.memory_space<hbm>> -> memref<8x1024xf32, #tpu.memory_space<hbm>>
    %dma_start3A_83 = arith.constant 0 : i32
    %dma_start3A_84 = tpu.memref_slice %arg6[%add3A_80, %dma_start3A_83] : memref<4096x1024xf32, #tpu.memory_space<hbm>> -> memref<8x1024xf32, #tpu.memory_space<hbm>>
    tpu.enqueue_dma source(%arg14 : memref<8x1024xf32, #tpu.memory_space<vmem>>) target(%dma_start3A_84 : memref<8x1024xf32, #tpu.memory_space<hbm>>) target_semaphore(%arg17 : memref<!tpu.dma_semaphore, #tpu.memory_space<semaphore_mem>>)
    %dma_wait3A_85 = arith.constant 0 : i32
    %dma_wait3A_86 = tpu.memref_slice %arg6[%add3A_80, %dma_wait3A_85] : memref<4096x1024xf32, #tpu.memory_space<hbm>> -> memref<8x1024xf32, #tpu.memory_space<hbm>>
    %dma_wait3A_87 = arith.constant 0 : i32
    %dma_wait3A_88 = tpu.memref_slice %arg6[%add3A_80, %dma_wait3A_87] : memref<4096x1024xf32, #tpu.memory_space<hbm>> -> memref<8x1024xf32, #tpu.memory_space<hbm>>
    tpu.wait_dma2 semaphore(%arg17 : memref<!tpu.dma_semaphore, #tpu.memory_space<semaphore_mem>>) src(%arg14 : memref<8x1024xf32, #tpu.memory_space<vmem>>) dst(%dma_wait3A_88 : memref<8x1024xf32, #tpu.memory_space<hbm>>)
    %dma_start3A_89 = arith.constant 48 : i32
    %dma_start3A_90 = tpu.memref_slice %arg7[%dma_start3A_89] : memref<256xi32, #tpu.memory_space<vmem>> -> memref<16xi32, #tpu.memory_space<vmem>>
    %dma_start3A_91 = arith.constant 0 : i32
    %dma_start3A_92 = arith.constant 0 : i32
    %dma_start3A_93 = tpu.memref_slice %arg5[%dma_start3A_91, %dma_start3A_92] : memref<10240x1024xf32, #tpu.memory_space<hbm>> -> memref<10240x1024xf32, #tpu.memory_space<hbm>>
    tpu.enqueue_indirect_dma source(%dma_start3A_93 : memref<10240x1024xf32, #tpu.memory_space<hbm>>) target(%arg10 : memref<16x1024xf32, #tpu.memory_space<vmem>>) offsets(%dma_start3A_90 : memref<16xi32, #tpu.memory_space<vmem>>) semaphore(%arg15 : memref<!tpu.dma_semaphore, #tpu.memory_space<semaphore_mem>>)
    %add3A_94 = arith.constant 24 : i32
    %add3A_95 = arith.addi %mul3A_2, %add3A_94 : i32
    %dma_start3A_96 = arith.constant 0 : i32
    %dma_start3A_97 = tpu.memref_slice %arg4[%add3A_95, %dma_start3A_96] : memref<4096x1024xf32, #tpu.memory_space<hbm>> -> memref<8x1024xf32, #tpu.memory_space<hbm>>
    %dma_start3A_98 = arith.constant 0 : i32
    %dma_start3A_99 = tpu.memref_slice %arg4[%add3A_95, %dma_start3A_98] : memref<4096x1024xf32, #tpu.memory_space<hbm>> -> memref<8x1024xf32, #tpu.memory_space<hbm>>
    tpu.enqueue_dma source(%dma_start3A_99 : memref<8x1024xf32, #tpu.memory_space<hbm>>) target(%arg12 : memref<8x1024xf32, #tpu.memory_space<vmem>>) target_semaphore(%arg16 : memref<!tpu.dma_semaphore, #tpu.memory_space<semaphore_mem>>)
    %dma_wait3A_100 = arith.constant 32 : i32
    %dma_wait3A_101 = tpu.memref_slice %arg7[%dma_wait3A_100] : memref<256xi32, #tpu.memory_space<vmem>> -> memref<16xi32, #tpu.memory_space<vmem>>
    %dma_wait3A_102 = arith.constant 0 : i32
    %dma_wait3A_103 = arith.constant 0 : i32
    %dma_wait3A_104 = tpu.memref_slice %arg5[%dma_wait3A_102, %dma_wait3A_103] : memref<10240x1024xf32, #tpu.memory_space<hbm>> -> memref<10240x1024xf32, #tpu.memory_space<hbm>>
    tpu.wait_indirect_dma semaphore(%arg15 : memref<!tpu.dma_semaphore, #tpu.memory_space<semaphore_mem>>) src(%dma_wait3A_104 : memref<10240x1024xf32, #tpu.memory_space<hbm>>) dst(%arg9 : memref<16x1024xf32, #tpu.memory_space<vmem>>)
    %dma_wait3A_105 = arith.constant 0 : i32
    %dma_wait3A_106 = tpu.memref_slice %arg4[%add3A_58, %dma_wait3A_105] : memref<4096x1024xf32, #tpu.memory_space<hbm>> -> memref<8x1024xf32, #tpu.memory_space<hbm>>
    %dma_wait3A_107 = arith.constant 0 : i32
    %dma_wait3A_108 = tpu.memref_slice %arg4[%add3A_58, %dma_wait3A_107] : memref<4096x1024xf32, #tpu.memory_space<hbm>> -> memref<8x1024xf32, #tpu.memory_space<hbm>>
    tpu.wait_dma2 semaphore(%arg16 : memref<!tpu.dma_semaphore, #tpu.memory_space<semaphore_mem>>) src(%dma_wait3A_108 : memref<8x1024xf32, #tpu.memory_space<hbm>>) dst(%arg11 : memref<8x1024xf32, #tpu.memory_space<vmem>>)
    %scan3A_109 = arith.constant 0 : i32
    %scan3A_110 = arith.constant 0 : i32
    %scan3A_111 = arith.constant 8 : i32
    %scan3A_112 = arith.addi %scan3A_110, %scan3A_111 : i32
    %scan3A_113 = arith.constant 1 : i32
    %scan3A_114 = scf.for %scan3A_596 = %scan3A_110 to %scan3A_112 step %scan3A_113 iter_args(%scan3A_597 = %scan3A_109) -> (i32)  : i32 {
      %mul3A_598 = arith.constant 2 : i32
      %mul3A_599 = arith.muli %mul3A_598, %scan3A_596 : i32
      %add3A_600 = arith.constant 32 : i32
      %add3A_601 = arith.addi %add3A_600, %mul3A_599 : i32
      %broadcast_in_dim3A = vector.broadcast %add3A_601 : i32 to vector<16xi32>
      %gather3A = tpu.vector_load_idx %arg8[%broadcast_in_dim3A] : memref<256xf32, #tpu.memory_space<vmem>>[vector<16xi32>], vector<16xf32>,
      %mul3A_602 = arith.constant 2 : i32
      %mul3A_603 = arith.muli %mul3A_602, %scan3A_596 : i32
      %get3A = arith.index_cast %mul3A_603 : i32 to index
      %get3A_604 = arith.constant 0 : index
      %get3A_605 = tpu.vector_load %arg9[%get3A, %get3A_604] {strides = array<i32>} : memref<16x1024xf32, #tpu.memory_space<vmem>>, vector<16xf32>,
      %mul3A_606 = arith.mulf %gather3A, %get3A_605 : vector<16xf32>
      %get3A_607 = arith.index_cast %scan3A_596 : i32 to index
      %get3A_608 = arith.constant 0 : index
      %get3A_609 = tpu.vector_load %arg11[%get3A_607, %get3A_608] {strides = array<i32>} : memref<8x1024xf32, #tpu.memory_space<vmem>>, vector<16xf32>,
      %add3A_610 = arith.addf %mul3A_606, %get3A_609 : vector<16xf32>
      %swap3A = arith.index_cast %scan3A_596 : i32 to index
      %swap3A_611 = arith.constant 0 : index
      %swap3A_612 = tpu.vector_load %arg13[%swap3A, %swap3A_611] {strides = array<i32>} : memref<8x1024xf32, #tpu.memory_space<vmem>>, vector<16xf32>,
      tpu.vector_store %arg13[%swap3A, %swap3A_611], %add3A_610 {strides = array<i32>} : memref<8x1024xf32, #tpu.memory_space<vmem>>, vector<16xf32>,
      %scan3A_613 = arith.constant 0 : i32
      scf.yield %scan3A_613 : i32
    }
    %scan3A_115 = arith.constant 8 : i32
    %add3A_116 = arith.constant 16 : i32
    %add3A_117 = arith.addi %mul3A_2, %add3A_116 : i32
    %dma_start3A_118 = arith.constant 0 : i32
    %dma_start3A_119 = tpu.memref_slice %arg6[%add3A_117, %dma_start3A_118] : memref<4096x1024xf32, #tpu.memory_space<hbm>> -> memref<8x1024xf32, #tpu.memory_space<hbm>>
    %dma_start3A_120 = arith.constant 0 : i32
    %dma_start3A_121 = tpu.memref_slice %arg6[%add3A_117, %dma_start3A_120] : memref<4096x1024xf32, #tpu.memory_space<hbm>> -> memref<8x1024xf32, #tpu.memory_space<hbm>>
    tpu.enqueue_dma source(%arg13 : memref<8x1024xf32, #tpu.memory_space<vmem>>) target(%dma_start3A_121 : memref<8x1024xf32, #tpu.memory_space<hbm>>) target_semaphore(%arg17 : memref<!tpu.dma_semaphore, #tpu.memory_space<semaphore_mem>>)
    %dma_wait3A_122 = arith.constant 0 : i32
    %dma_wait3A_123 = tpu.memref_slice %arg6[%add3A_117, %dma_wait3A_122] : memref<4096x1024xf32, #tpu.memory_space<hbm>> -> memref<8x1024xf32, #tpu.memory_space<hbm>>
    %dma_wait3A_124 = arith.constant 0 : i32
    %dma_wait3A_125 = tpu.memref_slice %arg6[%add3A_117, %dma_wait3A_124] : memref<4096x1024xf32, #tpu.memory_space<hbm>> -> memref<8x1024xf32, #tpu.memory_space<hbm>>
    tpu.wait_dma2 semaphore(%arg17 : memref<!tpu.dma_semaphore, #tpu.memory_space<semaphore_mem>>) src(%arg13 : memref<8x1024xf32, #tpu.memory_space<vmem>>) dst(%dma_wait3A_125 : memref<8x1024xf32, #tpu.memory_space<hbm>>)
    %dma_start3A_126 = arith.constant 64 : i32
    %dma_start3A_127 = tpu.memref_slice %arg7[%dma_start3A_126] : memref<256xi32, #tpu.memory_space<vmem>> -> memref<16xi32, #tpu.memory_space<vmem>>
    %dma_start3A_128 = arith.constant 0 : i32
    %dma_start3A_129 = arith.constant 0 : i32
    %dma_start3A_130 = tpu.memref_slice %arg5[%dma_start3A_128, %dma_start3A_129] : memref<10240x1024xf32, #tpu.memory_space<hbm>> -> memref<10240x1024xf32, #tpu.memory_space<hbm>>
    tpu.enqueue_indirect_dma source(%dma_start3A_130 : memref<10240x1024xf32, #tpu.memory_space<hbm>>) target(%arg9 : memref<16x1024xf32, #tpu.memory_space<vmem>>) offsets(%dma_start3A_127 : memref<16xi32, #tpu.memory_space<vmem>>) semaphore(%arg15 : memref<!tpu.dma_semaphore, #tpu.memory_space<semaphore_mem>>)
    %add3A_131 = arith.constant 32 : i32
    %add3A_132 = arith.addi %mul3A_2, %add3A_131 : i32
    %dma_start3A_133 = arith.constant 0 : i32
    %dma_start3A_134 = tpu.memref_slice %arg4[%add3A_132, %dma_start3A_133] : memref<4096x1024xf32, #tpu.memory_space<hbm>> -> memref<8x1024xf32, #tpu.memory_space<hbm>>
    %dma_start3A_135 = arith.constant 0 : i32
    %dma_start3A_136 = tpu.memref_slice %arg4[%add3A_132, %dma_start3A_135] : memref<4096x1024xf32, #tpu.memory_space<hbm>> -> memref<8x1024xf32, #tpu.memory_space<hbm>>
    tpu.enqueue_dma source(%dma_start3A_136 : memref<8x1024xf32, #tpu.memory_space<hbm>>) target(%arg11 : memref<8x1024xf32, #tpu.memory_space<vmem>>) target_semaphore(%arg16 : memref<!tpu.dma_semaphore, #tpu.memory_space<semaphore_mem>>)
    %dma_wait3A_137 = arith.constant 48 : i32
    %dma_wait3A_138 = tpu.memref_slice %arg7[%dma_wait3A_137] : memref<256xi32, #tpu.memory_space<vmem>> -> memref<16xi32, #tpu.memory_space<vmem>>
    %dma_wait3A_139 = arith.constant 0 : i32
    %dma_wait3A_140 = arith.constant 0 : i32
    %dma_wait3A_141 = tpu.memref_slice %arg5[%dma_wait3A_139, %dma_wait3A_140] : memref<10240x1024xf32, #tpu.memory_space<hbm>> -> memref<10240x1024xf32, #tpu.memory_space<hbm>>
    tpu.wait_indirect_dma semaphore(%arg15 : memref<!tpu.dma_semaphore, #tpu.memory_space<semaphore_mem>>) src(%dma_wait3A_141 : memref<10240x1024xf32, #tpu.memory_space<hbm>>) dst(%arg10 : memref<16x1024xf32, #tpu.memory_space<vmem>>)
    %dma_wait3A_142 = arith.constant 0 : i32
    %dma_wait3A_143 = tpu.memref_slice %arg4[%add3A_95, %dma_wait3A_142] : memref<4096x1024xf32, #tpu.memory_space<hbm>> -> memref<8x1024xf32, #tpu.memory_space<hbm>>
    %dma_wait3A_144 = arith.constant 0 : i32
    %dma_wait3A_145 = tpu.memref_slice %arg4[%add3A_95, %dma_wait3A_144] : memref<4096x1024xf32, #tpu.memory_space<hbm>> -> memref<8x1024xf32, #tpu.memory_space<hbm>>
    tpu.wait_dma2 semaphore(%arg16 : memref<!tpu.dma_semaphore, #tpu.memory_space<semaphore_mem>>) src(%dma_wait3A_145 : memref<8x1024xf32, #tpu.memory_space<hbm>>) dst(%arg12 : memref<8x1024xf32, #tpu.memory_space<vmem>>)
    %scan3A_146 = arith.constant 0 : i32
    %scan3A_147 = arith.constant 0 : i32
    %scan3A_148 = arith.constant 8 : i32
    %scan3A_149 = arith.addi %scan3A_147, %scan3A_148 : i32
    %scan3A_150 = arith.constant 1 : i32
    %scan3A_151 = scf.for %scan3A_596 = %scan3A_147 to %scan3A_149 step %scan3A_150 iter_args(%scan3A_597 = %scan3A_146) -> (i32)  : i32 {
      %mul3A_598 = arith.constant 2 : i32
      %mul3A_599 = arith.muli %mul3A_598, %scan3A_596 : i32
      %add3A_600 = arith.constant 48 : i32
      %add3A_601 = arith.addi %add3A_600, %mul3A_599 : i32
      %broadcast_in_dim3A = vector.broadcast %add3A_601 : i32 to vector<16xi32>
      %gather3A = tpu.vector_load_idx %arg8[%broadcast_in_dim3A] : memref<256xf32, #tpu.memory_space<vmem>>[vector<16xi32>], vector<16xf32>,
      %mul3A_602 = arith.constant 2 : i32
      %mul3A_603 = arith.muli %mul3A_602, %scan3A_596 : i32
      %get3A = arith.index_cast %mul3A_603 : i32 to index
      %get3A_604 = arith.constant 0 : index
      %get3A_605 = tpu.vector_load %arg10[%get3A, %get3A_604] {strides = array<i32>} : memref<16x1024xf32, #tpu.memory_space<vmem>>, vector<16xf32>,
      %mul3A_606 = arith.mulf %gather3A, %get3A_605 : vector<16xf32>
      %get3A_607 = arith.index_cast %scan3A_596 : i32 to index
      %get3A_608 = arith.constant 0 : index
      %get3A_609 = tpu.vector_load %arg12[%get3A_607, %get3A_608] {strides = array<i32>} : memref<8x1024xf32, #tpu.memory_space<vmem>>, vector<16xf32>,
      %add3A_610 = arith.addf %mul3A_606, %get3A_609 : vector<16xf32>
      %swap3A = arith.index_cast %scan3A_596 : i32 to index
      %swap3A_611 = arith.constant 0 : index
      %swap3A_612 = tpu.vector_load %arg14[%swap3A, %swap3A_611] {strides = array<i32>} : memref<8x1024xf32, #tpu.memory_space<vmem>>, vector<16xf32>,
      tpu.vector_store %arg14[%swap3A, %swap3A_611], %add3A_610 {strides = array<i32>} : memref<8x1024xf32, #tpu.memory_space<vmem>>, vector<16xf32>,
      %scan3A_613 = arith.constant 0 : i32
      scf.yield %scan3A_613 : i32
    }
    %scan3A_152 = arith.constant 8 : i32
    %add3A_153 = arith.constant 24 : i32
    %add3A_154 = arith.addi %mul3A_2, %add3A_153 : i32
    %dma_start3A_155 = arith.constant 0 : i32
    %dma_start3A_156 = tpu.memref_slice %arg6[%add3A_154, %dma_start3A_155] : memref<4096x1024xf32, #tpu.memory_space<hbm>> -> memref<8x1024xf32, #tpu.memory_space<hbm>>
    %dma_start3A_157 = arith.constant 0 : i32
    %dma_start3A_158 = tpu.memref_slice %arg6[%add3A_154, %dma_start3A_157] : memref<4096x1024xf32, #tpu.memory_space<hbm>> -> memref<8x1024xf32, #tpu.memory_space<hbm>>
    tpu.enqueue_dma source(%arg14 : memref<8x1024xf32, #tpu.memory_space<vmem>>) target(%dma_start3A_158 : memref<8x1024xf32, #tpu.memory_space<hbm>>) target_semaphore(%arg17 : memref<!tpu.dma_semaphore, #tpu.memory_space<semaphore_mem>>)
    %dma_wait3A_159 = arith.constant 0 : i32
    %dma_wait3A_160 = tpu.memref_slice %arg6[%add3A_154, %dma_wait3A_159] : memref<4096x1024xf32, #tpu.memory_space<hbm>> -> memref<8x1024xf32, #tpu.memory_space<hbm>>
    %dma_wait3A_161 = arith.constant 0 : i32
    %dma_wait3A_162 = tpu.memref_slice %arg6[%add3A_154, %dma_wait3A_161] : memref<4096x1024xf32, #tpu.memory_space<hbm>> -> memref<8x1024xf32, #tpu.memory_space<hbm>>
    tpu.wait_dma2 semaphore(%arg17 : memref<!tpu.dma_semaphore, #tpu.memory_space<semaphore_mem>>) src(%arg14 : memref<8x1024xf32, #tpu.memory_space<vmem>>) dst(%dma_wait3A_162 : memref<8x1024xf32, #tpu.memory_space<hbm>>)
    %dma_start3A_163 = arith.constant 80 : i32
    %dma_start3A_164 = tpu.memref_slice %arg7[%dma_start3A_163] : memref<256xi32, #tpu.memory_space<vmem>> -> memref<16xi32, #tpu.memory_space<vmem>>
    %dma_start3A_165 = arith.constant 0 : i32
    %dma_start3A_166 = arith.constant 0 : i32
    %dma_start3A_167 = tpu.memref_slice %arg5[%dma_start3A_165, %dma_start3A_166] : memref<10240x1024xf32, #tpu.memory_space<hbm>> -> memref<10240x1024xf32, #tpu.memory_space<hbm>>
    tpu.enqueue_indirect_dma source(%dma_start3A_167 : memref<10240x1024xf32, #tpu.memory_space<hbm>>) target(%arg10 : memref<16x1024xf32, #tpu.memory_space<vmem>>) offsets(%dma_start3A_164 : memref<16xi32, #tpu.memory_space<vmem>>) semaphore(%arg15 : memref<!tpu.dma_semaphore, #tpu.memory_space<semaphore_mem>>)
    %add3A_168 = arith.constant 40 : i32
    %add3A_169 = arith.addi %mul3A_2, %add3A_168 : i32
    %dma_start3A_170 = arith.constant 0 : i32
    %dma_start3A_171 = tpu.memref_slice %arg4[%add3A_169, %dma_start3A_170] : memref<4096x1024xf32, #tpu.memory_space<hbm>> -> memref<8x1024xf32, #tpu.memory_space<hbm>>
    %dma_start3A_172 = arith.constant 0 : i32
    %dma_start3A_173 = tpu.memref_slice %arg4[%add3A_169, %dma_start3A_172] : memref<4096x1024xf32, #tpu.memory_space<hbm>> -> memref<8x1024xf32, #tpu.memory_space<hbm>>
    tpu.enqueue_dma source(%dma_start3A_173 : memref<8x1024xf32, #tpu.memory_space<hbm>>) target(%arg12 : memref<8x1024xf32, #tpu.memory_space<vmem>>) target_semaphore(%arg16 : memref<!tpu.dma_semaphore, #tpu.memory_space<semaphore_mem>>)
    %dma_wait3A_174 = arith.constant 64 : i32
    %dma_wait3A_175 = tpu.memref_slice %arg7[%dma_wait3A_174] : memref<256xi32, #tpu.memory_space<vmem>> -> memref<16xi32, #tpu.memory_space<vmem>>
    %dma_wait3A_176 = arith.constant 0 : i32
    %dma_wait3A_177 = arith.constant 0 : i32
    %dma_wait3A_178 = tpu.memref_slice %arg5[%dma_wait3A_176, %dma_wait3A_177] : memref<10240x1024xf32, #tpu.memory_space<hbm>> -> memref<10240x1024xf32, #tpu.memory_space<hbm>>
    tpu.wait_indirect_dma semaphore(%arg15 : memref<!tpu.dma_semaphore, #tpu.memory_space<semaphore_mem>>) src(%dma_wait3A_178 : memref<10240x1024xf32, #tpu.memory_space<hbm>>) dst(%arg9 : memref<16x1024xf32, #tpu.memory_space<vmem>>)
    %dma_wait3A_179 = arith.constant 0 : i32
    %dma_wait3A_180 = tpu.memref_slice %arg4[%add3A_132, %dma_wait3A_179] : memref<4096x1024xf32, #tpu.memory_space<hbm>> -> memref<8x1024xf32, #tpu.memory_space<hbm>>
    %dma_wait3A_181 = arith.constant 0 : i32
    %dma_wait3A_182 = tpu.memref_slice %arg4[%add3A_132, %dma_wait3A_181] : memref<4096x1024xf32, #tpu.memory_space<hbm>> -> memref<8x1024xf32, #tpu.memory_space<hbm>>
    tpu.wait_dma2 semaphore(%arg16 : memref<!tpu.dma_semaphore, #tpu.memory_space<semaphore_mem>>) src(%dma_wait3A_182 : memref<8x1024xf32, #tpu.memory_space<hbm>>) dst(%arg11 : memref<8x1024xf32, #tpu.memory_space<vmem>>)
    %scan3A_183 = arith.constant 0 : i32
    %scan3A_184 = arith.constant 0 : i32
    %scan3A_185 = arith.constant 8 : i32
    %scan3A_186 = arith.addi %scan3A_184, %scan3A_185 : i32
    %scan3A_187 = arith.constant 1 : i32
    %scan3A_188 = scf.for %scan3A_596 = %scan3A_184 to %scan3A_186 step %scan3A_187 iter_args(%scan3A_597 = %scan3A_183) -> (i32)  : i32 {
      %mul3A_598 = arith.constant 2 : i32
      %mul3A_599 = arith.muli %mul3A_598, %scan3A_596 : i32
      %add3A_600 = arith.constant 64 : i32
      %add3A_601 = arith.addi %add3A_600, %mul3A_599 : i32
      %broadcast_in_dim3A = vector.broadcast %add3A_601 : i32 to vector<16xi32>
      %gather3A = tpu.vector_load_idx %arg8[%broadcast_in_dim3A] : memref<256xf32, #tpu.memory_space<vmem>>[vector<16xi32>], vector<16xf32>,
      %mul3A_602 = arith.constant 2 : i32
      %mul3A_603 = arith.muli %mul3A_602, %scan3A_596 : i32
      %get3A = arith.index_cast %mul3A_603 : i32 to index
      %get3A_604 = arith.constant 0 : index
      %get3A_605 = tpu.vector_load %arg9[%get3A, %get3A_604] {strides = array<i32>} : memref<16x1024xf32, #tpu.memory_space<vmem>>, vector<16xf32>,
      %mul3A_606 = arith.mulf %gather3A, %get3A_605 : vector<16xf32>
      %get3A_607 = arith.index_cast %scan3A_596 : i32 to index
      %get3A_608 = arith.constant 0 : index
      %get3A_609 = tpu.vector_load %arg11[%get3A_607, %get3A_608] {strides = array<i32>} : memref<8x1024xf32, #tpu.memory_space<vmem>>, vector<16xf32>,
      %add3A_610 = arith.addf %mul3A_606, %get3A_609 : vector<16xf32>
      %swap3A = arith.index_cast %scan3A_596 : i32 to index
      %swap3A_611 = arith.constant 0 : index
      %swap3A_612 = tpu.vector_load %arg13[%swap3A, %swap3A_611] {strides = array<i32>} : memref<8x1024xf32, #tpu.memory_space<vmem>>, vector<16xf32>,
      tpu.vector_store %arg13[%swap3A, %swap3A_611], %add3A_610 {strides = array<i32>} : memref<8x1024xf32, #tpu.memory_space<vmem>>, vector<16xf32>,
      %scan3A_613 = arith.constant 0 : i32
      scf.yield %scan3A_613 : i32
    }
    %scan3A_189 = arith.constant 8 : i32
    %add3A_190 = arith.constant 32 : i32
    %add3A_191 = arith.addi %mul3A_2, %add3A_190 : i32
    %dma_start3A_192 = arith.constant 0 : i32
    %dma_start3A_193 = tpu.memref_slice %arg6[%add3A_191, %dma_start3A_192] : memref<4096x1024xf32, #tpu.memory_space<hbm>> -> memref<8x1024xf32, #tpu.memory_space<hbm>>
    %dma_start3A_194 = arith.constant 0 : i32
    %dma_start3A_195 = tpu.memref_slice %arg6[%add3A_191, %dma_start3A_194] : memref<4096x1024xf32, #tpu.memory_space<hbm>> -> memref<8x1024xf32, #tpu.memory_space<hbm>>
    tpu.enqueue_dma source(%arg13 : memref<8x1024xf32, #tpu.memory_space<vmem>>) target(%dma_start3A_195 : memref<8x1024xf32, #tpu.memory_space<hbm>>) target_semaphore(%arg17 : memref<!tpu.dma_semaphore, #tpu.memory_space<semaphore_mem>>)
    %dma_wait3A_196 = arith.constant 0 : i32
    %dma_wait3A_197 = tpu.memref_slice %arg6[%add3A_191, %dma_wait3A_196] : memref<4096x1024xf32, #tpu.memory_space<hbm>> -> memref<8x1024xf32, #tpu.memory_space<hbm>>
    %dma_wait3A_198 = arith.constant 0 : i32
    %dma_wait3A_199 = tpu.memref_slice %arg6[%add3A_191, %dma_wait3A_198] : memref<4096x1024xf32, #tpu.memory_space<hbm>> -> memref<8x1024xf32, #tpu.memory_space<hbm>>
    tpu.wait_dma2 semaphore(%arg17 : memref<!tpu.dma_semaphore, #tpu.memory_space<semaphore_mem>>) src(%arg13 : memref<8x1024xf32, #tpu.memory_space<vmem>>) dst(%dma_wait3A_199 : memref<8x1024xf32, #tpu.memory_space<hbm>>)
    %dma_start3A_200 = arith.constant 96 : i32
    %dma_start3A_201 = tpu.memref_slice %arg7[%dma_start3A_200] : memref<256xi32, #tpu.memory_space<vmem>> -> memref<16xi32, #tpu.memory_space<vmem>>
    %dma_start3A_202 = arith.constant 0 : i32
    %dma_start3A_203 = arith.constant 0 : i32
    %dma_start3A_204 = tpu.memref_slice %arg5[%dma_start3A_202, %dma_start3A_203] : memref<10240x1024xf32, #tpu.memory_space<hbm>> -> memref<10240x1024xf32, #tpu.memory_space<hbm>>
    tpu.enqueue_indirect_dma source(%dma_start3A_204 : memref<10240x1024xf32, #tpu.memory_space<hbm>>) target(%arg9 : memref<16x1024xf32, #tpu.memory_space<vmem>>) offsets(%dma_start3A_201 : memref<16xi32, #tpu.memory_space<vmem>>) semaphore(%arg15 : memref<!tpu.dma_semaphore, #tpu.memory_space<semaphore_mem>>)
    %add3A_205 = arith.constant 48 : i32
    %add3A_206 = arith.addi %mul3A_2, %add3A_205 : i32
    %dma_start3A_207 = arith.constant 0 : i32
    %dma_start3A_208 = tpu.memref_slice %arg4[%add3A_206, %dma_start3A_207] : memref<4096x1024xf32, #tpu.memory_space<hbm>> -> memref<8x1024xf32, #tpu.memory_space<hbm>>
    %dma_start3A_209 = arith.constant 0 : i32
    %dma_start3A_210 = tpu.memref_slice %arg4[%add3A_206, %dma_start3A_209] : memref<4096x1024xf32, #tpu.memory_space<hbm>> -> memref<8x1024xf32, #tpu.memory_space<hbm>>
    tpu.enqueue_dma source(%dma_start3A_210 : memref<8x1024xf32, #tpu.memory_space<hbm>>) target(%arg11 : memref<8x1024xf32, #tpu.memory_space<vmem>>) target_semaphore(%arg16 : memref<!tpu.dma_semaphore, #tpu.memory_space<semaphore_mem>>)
    %dma_wait3A_211 = arith.constant 80 : i32
    %dma_wait3A_212 = tpu.memref_slice %arg7[%dma_wait3A_211] : memref<256xi32, #tpu.memory_space<vmem>> -> memref<16xi32, #tpu.memory_space<vmem>>
    %dma_wait3A_213 = arith.constant 0 : i32
    %dma_wait3A_214 = arith.constant 0 : i32
    %dma_wait3A_215 = tpu.memref_slice %arg5[%dma_wait3A_213, %dma_wait3A_214] : memref<10240x1024xf32, #tpu.memory_space<hbm>> -> memref<10240x1024xf32, #tpu.memory_space<hbm>>
    tpu.wait_indirect_dma semaphore(%arg15 : memref<!tpu.dma_semaphore, #tpu.memory_space<semaphore_mem>>) src(%dma_wait3A_215 : memref<10240x1024xf32, #tpu.memory_space<hbm>>) dst(%arg10 : memref<16x1024xf32, #tpu.memory_space<vmem>>)
    %dma_wait3A_216 = arith.constant 0 : i32
    %dma_wait3A_217 = tpu.memref_slice %arg4[%add3A_169, %dma_wait3A_216] : memref<4096x1024xf32, #tpu.memory_space<hbm>> -> memref<8x1024xf32, #tpu.memory_space<hbm>>
    %dma_wait3A_218 = arith.constant 0 : i32
    %dma_wait3A_219 = tpu.memref_slice %arg4[%add3A_169, %dma_wait3A_218] : memref<4096x1024xf32, #tpu.memory_space<hbm>> -> memref<8x1024xf32, #tpu.memory_space<hbm>>
    tpu.wait_dma2 semaphore(%arg16 : memref<!tpu.dma_semaphore, #tpu.memory_space<semaphore_mem>>) src(%dma_wait3A_219 : memref<8x1024xf32, #tpu.memory_space<hbm>>) dst(%arg12 : memref<8x1024xf32, #tpu.memory_space<vmem>>)
    %scan3A_220 = arith.constant 0 : i32
    %scan3A_221 = arith.constant 0 : i32
    %scan3A_222 = arith.constant 8 : i32
    %scan3A_223 = arith.addi %scan3A_221, %scan3A_222 : i32
    %scan3A_224 = arith.constant 1 : i32
    %scan3A_225 = scf.for %scan3A_596 = %scan3A_221 to %scan3A_223 step %scan3A_224 iter_args(%scan3A_597 = %scan3A_220) -> (i32)  : i32 {
      %mul3A_598 = arith.constant 2 : i32
      %mul3A_599 = arith.muli %mul3A_598, %scan3A_596 : i32
      %add3A_600 = arith.constant 80 : i32
      %add3A_601 = arith.addi %add3A_600, %mul3A_599 : i32
      %broadcast_in_dim3A = vector.broadcast %add3A_601 : i32 to vector<16xi32>
      %gather3A = tpu.vector_load_idx %arg8[%broadcast_in_dim3A] : memref<256xf32, #tpu.memory_space<vmem>>[vector<16xi32>], vector<16xf32>,
      %mul3A_602 = arith.constant 2 : i32
      %mul3A_603 = arith.muli %mul3A_602, %scan3A_596 : i32
      %get3A = arith.index_cast %mul3A_603 : i32 to index
      %get3A_604 = arith.constant 0 : index
      %get3A_605 = tpu.vector_load %arg10[%get3A, %get3A_604] {strides = array<i32>} : memref<16x1024xf32, #tpu.memory_space<vmem>>, vector<16xf32>,
      %mul3A_606 = arith.mulf %gather3A, %get3A_605 : vector<16xf32>
      %get3A_607 = arith.index_cast %scan3A_596 : i32 to index
      %get3A_608 = arith.constant 0 : index
      %get3A_609 = tpu.vector_load %arg12[%get3A_607, %get3A_608] {strides = array<i32>} : memref<8x1024xf32, #tpu.memory_space<vmem>>, vector<16xf32>,
      %add3A_610 = arith.addf %mul3A_606, %get3A_609 : vector<16xf32>
      %swap3A = arith.index_cast %scan3A_596 : i32 to index
      %swap3A_611 = arith.constant 0 : index
      %swap3A_612 = tpu.vector_load %arg14[%swap3A, %swap3A_611] {strides = array<i32>} : memref<8x1024xf32, #tpu.memory_space<vmem>>, vector<16xf32>,
      tpu.vector_store %arg14[%swap3A, %swap3A_611], %add3A_610 {strides = array<i32>} : memref<8x1024xf32, #tpu.memory_space<vmem>>, vector<16xf32>,
      %scan3A_613 = arith.constant 0 : i32
      scf.yield %scan3A_613 : i32
    }
    %scan3A_226 = arith.constant 8 : i32
    %add3A_227 = arith.constant 40 : i32
    %add3A_228 = arith.addi %mul3A_2, %add3A_227 : i32
    %dma_start3A_229 = arith.constant 0 : i32
    %dma_start3A_230 = tpu.memref_slice %arg6[%add3A_228, %dma_start3A_229] : memref<4096x1024xf32, #tpu.memory_space<hbm>> -> memref<8x1024xf32, #tpu.memory_space<hbm>>
    %dma_start3A_231 = arith.constant 0 : i32
    %dma_start3A_232 = tpu.memref_slice %arg6[%add3A_228, %dma_start3A_231] : memref<4096x1024xf32, #tpu.memory_space<hbm>> -> memref<8x1024xf32, #tpu.memory_space<hbm>>
    tpu.enqueue_dma source(%arg14 : memref<8x1024xf32, #tpu.memory_space<vmem>>) target(%dma_start3A_232 : memref<8x1024xf32, #tpu.memory_space<hbm>>) target_semaphore(%arg17 : memref<!tpu.dma_semaphore, #tpu.memory_space<semaphore_mem>>)
    %dma_wait3A_233 = arith.constant 0 : i32
    %dma_wait3A_234 = tpu.memref_slice %arg6[%add3A_228, %dma_wait3A_233] : memref<4096x1024xf32, #tpu.memory_space<hbm>> -> memref<8x1024xf32, #tpu.memory_space<hbm>>
    %dma_wait3A_235 = arith.constant 0 : i32
    %dma_wait3A_236 = tpu.memref_slice %arg6[%add3A_228, %dma_wait3A_235] : memref<4096x1024xf32, #tpu.memory_space<hbm>> -> memref<8x1024xf32, #tpu.memory_space<hbm>>
    tpu.wait_dma2 semaphore(%arg17 : memref<!tpu.dma_semaphore, #tpu.memory_space<semaphore_mem>>) src(%arg14 : memref<8x1024xf32, #tpu.memory_space<vmem>>) dst(%dma_wait3A_236 : memref<8x1024xf32, #tpu.memory_space<hbm>>)
    %dma_start3A_237 = arith.constant 112 : i32
    %dma_start3A_238 = tpu.memref_slice %arg7[%dma_start3A_237] : memref<256xi32, #tpu.memory_space<vmem>> -> memref<16xi32, #tpu.memory_space<vmem>>
    %dma_start3A_239 = arith.constant 0 : i32
    %dma_start3A_240 = arith.constant 0 : i32
    %dma_start3A_241 = tpu.memref_slice %arg5[%dma_start3A_239, %dma_start3A_240] : memref<10240x1024xf32, #tpu.memory_space<hbm>> -> memref<10240x1024xf32, #tpu.memory_space<hbm>>
    tpu.enqueue_indirect_dma source(%dma_start3A_241 : memref<10240x1024xf32, #tpu.memory_space<hbm>>) target(%arg10 : memref<16x1024xf32, #tpu.memory_space<vmem>>) offsets(%dma_start3A_238 : memref<16xi32, #tpu.memory_space<vmem>>) semaphore(%arg15 : memref<!tpu.dma_semaphore, #tpu.memory_space<semaphore_mem>>)
    %add3A_242 = arith.constant 56 : i32
    %add3A_243 = arith.addi %mul3A_2, %add3A_242 : i32
    %dma_start3A_244 = arith.constant 0 : i32
    %dma_start3A_245 = tpu.memref_slice %arg4[%add3A_243, %dma_start3A_244] : memref<4096x1024xf32, #tpu.memory_space<hbm>> -> memref<8x1024xf32, #tpu.memory_space<hbm>>
    %dma_start3A_246 = arith.constant 0 : i32
    %dma_start3A_247 = tpu.memref_slice %arg4[%add3A_243, %dma_start3A_246] : memref<4096x1024xf32, #tpu.memory_space<hbm>> -> memref<8x1024xf32, #tpu.memory_space<hbm>>
    tpu.enqueue_dma source(%dma_start3A_247 : memref<8x1024xf32, #tpu.memory_space<hbm>>) target(%arg12 : memref<8x1024xf32, #tpu.memory_space<vmem>>) target_semaphore(%arg16 : memref<!tpu.dma_semaphore, #tpu.memory_space<semaphore_mem>>)
    %dma_wait3A_248 = arith.constant 96 : i32
    %dma_wait3A_249 = tpu.memref_slice %arg7[%dma_wait3A_248] : memref<256xi32, #tpu.memory_space<vmem>> -> memref<16xi32, #tpu.memory_space<vmem>>
    %dma_wait3A_250 = arith.constant 0 : i32
    %dma_wait3A_251 = arith.constant 0 : i32
    %dma_wait3A_252 = tpu.memref_slice %arg5[%dma_wait3A_250, %dma_wait3A_251] : memref<10240x1024xf32, #tpu.memory_space<hbm>> -> memref<10240x1024xf32, #tpu.memory_space<hbm>>
    tpu.wait_indirect_dma semaphore(%arg15 : memref<!tpu.dma_semaphore, #tpu.memory_space<semaphore_mem>>) src(%dma_wait3A_252 : memref<10240x1024xf32, #tpu.memory_space<hbm>>) dst(%arg9 : memref<16x1024xf32, #tpu.memory_space<vmem>>)
    %dma_wait3A_253 = arith.constant 0 : i32
    %dma_wait3A_254 = tpu.memref_slice %arg4[%add3A_206, %dma_wait3A_253] : memref<4096x1024xf32, #tpu.memory_space<hbm>> -> memref<8x1024xf32, #tpu.memory_space<hbm>>
    %dma_wait3A_255 = arith.constant 0 : i32
    %dma_wait3A_256 = tpu.memref_slice %arg4[%add3A_206, %dma_wait3A_255] : memref<4096x1024xf32, #tpu.memory_space<hbm>> -> memref<8x1024xf32, #tpu.memory_space<hbm>>
    tpu.wait_dma2 semaphore(%arg16 : memref<!tpu.dma_semaphore, #tpu.memory_space<semaphore_mem>>) src(%dma_wait3A_256 : memref<8x1024xf32, #tpu.memory_space<hbm>>) dst(%arg11 : memref<8x1024xf32, #tpu.memory_space<vmem>>)
    %scan3A_257 = arith.constant 0 : i32
    %scan3A_258 = arith.constant 0 : i32
    %scan3A_259 = arith.constant 8 : i32
    %scan3A_260 = arith.addi %scan3A_258, %scan3A_259 : i32
    %scan3A_261 = arith.constant 1 : i32
    %scan3A_262 = scf.for %scan3A_596 = %scan3A_258 to %scan3A_260 step %scan3A_261 iter_args(%scan3A_597 = %scan3A_257) -> (i32)  : i32 {
      %mul3A_598 = arith.constant 2 : i32
      %mul3A_599 = arith.muli %mul3A_598, %scan3A_596 : i32
      %add3A_600 = arith.constant 96 : i32
      %add3A_601 = arith.addi %add3A_600, %mul3A_599 : i32
      %broadcast_in_dim3A = vector.broadcast %add3A_601 : i32 to vector<16xi32>
      %gather3A = tpu.vector_load_idx %arg8[%broadcast_in_dim3A] : memref<256xf32, #tpu.memory_space<vmem>>[vector<16xi32>], vector<16xf32>,
      %mul3A_602 = arith.constant 2 : i32
      %mul3A_603 = arith.muli %mul3A_602, %scan3A_596 : i32
      %get3A = arith.index_cast %mul3A_603 : i32 to index
      %get3A_604 = arith.constant 0 : index
      %get3A_605 = tpu.vector_load %arg9[%get3A, %get3A_604] {strides = array<i32>} : memref<16x1024xf32, #tpu.memory_space<vmem>>, vector<16xf32>,
      %mul3A_606 = arith.mulf %gather3A, %get3A_605 : vector<16xf32>
      %get3A_607 = arith.index_cast %scan3A_596 : i32 to index
      %get3A_608 = arith.constant 0 : index
      %get3A_609 = tpu.vector_load %arg11[%get3A_607, %get3A_608] {strides = array<i32>} : memref<8x1024xf32, #tpu.memory_space<vmem>>, vector<16xf32>,
      %add3A_610 = arith.addf %mul3A_606, %get3A_609 : vector<16xf32>
      %swap3A = arith.index_cast %scan3A_596 : i32 to index
      %swap3A_611 = arith.constant 0 : index
      %swap3A_612 = tpu.vector_load %arg13[%swap3A, %swap3A_611] {strides = array<i32>} : memref<8x1024xf32, #tpu.memory_space<vmem>>, vector<16xf32>,
      tpu.vector_store %arg13[%swap3A, %swap3A_611], %add3A_610 {strides = array<i32>} : memref<8x1024xf32, #tpu.memory_space<vmem>>, vector<16xf32>,
      %scan3A_613 = arith.constant 0 : i32
      scf.yield %scan3A_613 : i32
    }
    %scan3A_263 = arith.constant 8 : i32
    %add3A_264 = arith.constant 48 : i32
    %add3A_265 = arith.addi %mul3A_2, %add3A_264 : i32
    %dma_start3A_266 = arith.constant 0 : i32
    %dma_start3A_267 = tpu.memref_slice %arg6[%add3A_265, %dma_start3A_266] : memref<4096x1024xf32, #tpu.memory_space<hbm>> -> memref<8x1024xf32, #tpu.memory_space<hbm>>
    %dma_start3A_268 = arith.constant 0 : i32
    %dma_start3A_269 = tpu.memref_slice %arg6[%add3A_265, %dma_start3A_268] : memref<4096x1024xf32, #tpu.memory_space<hbm>> -> memref<8x1024xf32, #tpu.memory_space<hbm>>
    tpu.enqueue_dma source(%arg13 : memref<8x1024xf32, #tpu.memory_space<vmem>>) target(%dma_start3A_269 : memref<8x1024xf32, #tpu.memory_space<hbm>>) target_semaphore(%arg17 : memref<!tpu.dma_semaphore, #tpu.memory_space<semaphore_mem>>)
    %dma_wait3A_270 = arith.constant 0 : i32
    %dma_wait3A_271 = tpu.memref_slice %arg6[%add3A_265, %dma_wait3A_270] : memref<4096x1024xf32, #tpu.memory_space<hbm>> -> memref<8x1024xf32, #tpu.memory_space<hbm>>
    %dma_wait3A_272 = arith.constant 0 : i32
    %dma_wait3A_273 = tpu.memref_slice %arg6[%add3A_265, %dma_wait3A_272] : memref<4096x1024xf32, #tpu.memory_space<hbm>> -> memref<8x1024xf32, #tpu.memory_space<hbm>>
    tpu.wait_dma2 semaphore(%arg17 : memref<!tpu.dma_semaphore, #tpu.memory_space<semaphore_mem>>) src(%arg13 : memref<8x1024xf32, #tpu.memory_space<vmem>>) dst(%dma_wait3A_273 : memref<8x1024xf32, #tpu.memory_space<hbm>>)
    %dma_start3A_274 = arith.constant 128 : i32
    %dma_start3A_275 = tpu.memref_slice %arg7[%dma_start3A_274] : memref<256xi32, #tpu.memory_space<vmem>> -> memref<16xi32, #tpu.memory_space<vmem>>
    %dma_start3A_276 = arith.constant 0 : i32
    %dma_start3A_277 = arith.constant 0 : i32
    %dma_start3A_278 = tpu.memref_slice %arg5[%dma_start3A_276, %dma_start3A_277] : memref<10240x1024xf32, #tpu.memory_space<hbm>> -> memref<10240x1024xf32, #tpu.memory_space<hbm>>
    tpu.enqueue_indirect_dma source(%dma_start3A_278 : memref<10240x1024xf32, #tpu.memory_space<hbm>>) target(%arg9 : memref<16x1024xf32, #tpu.memory_space<vmem>>) offsets(%dma_start3A_275 : memref<16xi32, #tpu.memory_space<vmem>>) semaphore(%arg15 : memref<!tpu.dma_semaphore, #tpu.memory_space<semaphore_mem>>)
    %add3A_279 = arith.constant 64 : i32
    %add3A_280 = arith.addi %mul3A_2, %add3A_279 : i32
    %dma_start3A_281 = arith.constant 0 : i32
    %dma_start3A_282 = tpu.memref_slice %arg4[%add3A_280, %dma_start3A_281] : memref<4096x1024xf32, #tpu.memory_space<hbm>> -> memref<8x1024xf32, #tpu.memory_space<hbm>>
    %dma_start3A_283 = arith.constant 0 : i32
    %dma_start3A_284 = tpu.memref_slice %arg4[%add3A_280, %dma_start3A_283] : memref<4096x1024xf32, #tpu.memory_space<hbm>> -> memref<8x1024xf32, #tpu.memory_space<hbm>>
    tpu.enqueue_dma source(%dma_start3A_284 : memref<8x1024xf32, #tpu.memory_space<hbm>>) target(%arg11 : memref<8x1024xf32, #tpu.memory_space<vmem>>) target_semaphore(%arg16 : memref<!tpu.dma_semaphore, #tpu.memory_space<semaphore_mem>>)
    %dma_wait3A_285 = arith.constant 112 : i32
    %dma_wait3A_286 = tpu.memref_slice %arg7[%dma_wait3A_285] : memref<256xi32, #tpu.memory_space<vmem>> -> memref<16xi32, #tpu.memory_space<vmem>>
    %dma_wait3A_287 = arith.constant 0 : i32
    %dma_wait3A_288 = arith.constant 0 : i32
    %dma_wait3A_289 = tpu.memref_slice %arg5[%dma_wait3A_287, %dma_wait3A_288] : memref<10240x1024xf32, #tpu.memory_space<hbm>> -> memref<10240x1024xf32, #tpu.memory_space<hbm>>
    tpu.wait_indirect_dma semaphore(%arg15 : memref<!tpu.dma_semaphore, #tpu.memory_space<semaphore_mem>>) src(%dma_wait3A_289 : memref<10240x1024xf32, #tpu.memory_space<hbm>>) dst(%arg10 : memref<16x1024xf32, #tpu.memory_space<vmem>>)
    %dma_wait3A_290 = arith.constant 0 : i32
    %dma_wait3A_291 = tpu.memref_slice %arg4[%add3A_243, %dma_wait3A_290] : memref<4096x1024xf32, #tpu.memory_space<hbm>> -> memref<8x1024xf32, #tpu.memory_space<hbm>>
    %dma_wait3A_292 = arith.constant 0 : i32
    %dma_wait3A_293 = tpu.memref_slice %arg4[%add3A_243, %dma_wait3A_292] : memref<4096x1024xf32, #tpu.memory_space<hbm>> -> memref<8x1024xf32, #tpu.memory_space<hbm>>
    tpu.wait_dma2 semaphore(%arg16 : memref<!tpu.dma_semaphore, #tpu.memory_space<semaphore_mem>>) src(%dma_wait3A_293 : memref<8x1024xf32, #tpu.memory_space<hbm>>) dst(%arg12 : memref<8x1024xf32, #tpu.memory_space<vmem>>)
    %scan3A_294 = arith.constant 0 : i32
    %scan3A_295 = arith.constant 0 : i32
    %scan3A_296 = arith.constant 8 : i32
    %scan3A_297 = arith.addi %scan3A_295, %scan3A_296 : i32
    %scan3A_298 = arith.constant 1 : i32
    %scan3A_299 = scf.for %scan3A_596 = %scan3A_295 to %scan3A_297 step %scan3A_298 iter_args(%scan3A_597 = %scan3A_294) -> (i32)  : i32 {
      %mul3A_598 = arith.constant 2 : i32
      %mul3A_599 = arith.muli %mul3A_598, %scan3A_596 : i32
      %add3A_600 = arith.constant 112 : i32
      %add3A_601 = arith.addi %add3A_600, %mul3A_599 : i32
      %broadcast_in_dim3A = vector.broadcast %add3A_601 : i32 to vector<16xi32>
      %gather3A = tpu.vector_load_idx %arg8[%broadcast_in_dim3A] : memref<256xf32, #tpu.memory_space<vmem>>[vector<16xi32>], vector<16xf32>,
      %mul3A_602 = arith.constant 2 : i32
      %mul3A_603 = arith.muli %mul3A_602, %scan3A_596 : i32
      %get3A = arith.index_cast %mul3A_603 : i32 to index
      %get3A_604 = arith.constant 0 : index
      %get3A_605 = tpu.vector_load %arg10[%get3A, %get3A_604] {strides = array<i32>} : memref<16x1024xf32, #tpu.memory_space<vmem>>, vector<16xf32>,
      %mul3A_606 = arith.mulf %gather3A, %get3A_605 : vector<16xf32>
      %get3A_607 = arith.index_cast %scan3A_596 : i32 to index
      %get3A_608 = arith.constant 0 : index
      %get3A_609 = tpu.vector_load %arg12[%get3A_607, %get3A_608] {strides = array<i32>} : memref<8x1024xf32, #tpu.memory_space<vmem>>, vector<16xf32>,
      %add3A_610 = arith.addf %mul3A_606, %get3A_609 : vector<16xf32>
      %swap3A = arith.index_cast %scan3A_596 : i32 to index
      %swap3A_611 = arith.constant 0 : index
      %swap3A_612 = tpu.vector_load %arg14[%swap3A, %swap3A_611] {strides = array<i32>} : memref<8x1024xf32, #tpu.memory_space<vmem>>, vector<16xf32>,
      tpu.vector_store %arg14[%swap3A, %swap3A_611], %add3A_610 {strides = array<i32>} : memref<8x1024xf32, #tpu.memory_space<vmem>>, vector<16xf32>,
      %scan3A_613 = arith.constant 0 : i32
      scf.yield %scan3A_613 : i32
    }
    %scan3A_300 = arith.constant 8 : i32
    %add3A_301 = arith.constant 56 : i32
    %add3A_302 = arith.addi %mul3A_2, %add3A_301 : i32
    %dma_start3A_303 = arith.constant 0 : i32
    %dma_start3A_304 = tpu.memref_slice %arg6[%add3A_302, %dma_start3A_303] : memref<4096x1024xf32, #tpu.memory_space<hbm>> -> memref<8x1024xf32, #tpu.memory_space<hbm>>
    %dma_start3A_305 = arith.constant 0 : i32
    %dma_start3A_306 = tpu.memref_slice %arg6[%add3A_302, %dma_start3A_305] : memref<4096x1024xf32, #tpu.memory_space<hbm>> -> memref<8x1024xf32, #tpu.memory_space<hbm>>
    tpu.enqueue_dma source(%arg14 : memref<8x1024xf32, #tpu.memory_space<vmem>>) target(%dma_start3A_306 : memref<8x1024xf32, #tpu.memory_space<hbm>>) target_semaphore(%arg17 : memref<!tpu.dma_semaphore, #tpu.memory_space<semaphore_mem>>)
    %dma_wait3A_307 = arith.constant 0 : i32
    %dma_wait3A_308 = tpu.memref_slice %arg6[%add3A_302, %dma_wait3A_307] : memref<4096x1024xf32, #tpu.memory_space<hbm>> -> memref<8x1024xf32, #tpu.memory_space<hbm>>
    %dma_wait3A_309 = arith.constant 0 : i32
    %dma_wait3A_310 = tpu.memref_slice %arg6[%add3A_302, %dma_wait3A_309] : memref<4096x1024xf32, #tpu.memory_space<hbm>> -> memref<8x1024xf32, #tpu.memory_space<hbm>>
    tpu.wait_dma2 semaphore(%arg17 : memref<!tpu.dma_semaphore, #tpu.memory_space<semaphore_mem>>) src(%arg14 : memref<8x1024xf32, #tpu.memory_space<vmem>>) dst(%dma_wait3A_310 : memref<8x1024xf32, #tpu.memory_space<hbm>>)
    %dma_start3A_311 = arith.constant 144 : i32
    %dma_start3A_312 = tpu.memref_slice %arg7[%dma_start3A_311] : memref<256xi32, #tpu.memory_space<vmem>> -> memref<16xi32, #tpu.memory_space<vmem>>
    %dma_start3A_313 = arith.constant 0 : i32
    %dma_start3A_314 = arith.constant 0 : i32
    %dma_start3A_315 = tpu.memref_slice %arg5[%dma_start3A_313, %dma_start3A_314] : memref<10240x1024xf32, #tpu.memory_space<hbm>> -> memref<10240x1024xf32, #tpu.memory_space<hbm>>
    tpu.enqueue_indirect_dma source(%dma_start3A_315 : memref<10240x1024xf32, #tpu.memory_space<hbm>>) target(%arg10 : memref<16x1024xf32, #tpu.memory_space<vmem>>) offsets(%dma_start3A_312 : memref<16xi32, #tpu.memory_space<vmem>>) semaphore(%arg15 : memref<!tpu.dma_semaphore, #tpu.memory_space<semaphore_mem>>)
    %add3A_316 = arith.constant 72 : i32
    %add3A_317 = arith.addi %mul3A_2, %add3A_316 : i32
    %dma_start3A_318 = arith.constant 0 : i32
    %dma_start3A_319 = tpu.memref_slice %arg4[%add3A_317, %dma_start3A_318] : memref<4096x1024xf32, #tpu.memory_space<hbm>> -> memref<8x1024xf32, #tpu.memory_space<hbm>>
    %dma_start3A_320 = arith.constant 0 : i32
    %dma_start3A_321 = tpu.memref_slice %arg4[%add3A_317, %dma_start3A_320] : memref<4096x1024xf32, #tpu.memory_space<hbm>> -> memref<8x1024xf32, #tpu.memory_space<hbm>>
    tpu.enqueue_dma source(%dma_start3A_321 : memref<8x1024xf32, #tpu.memory_space<hbm>>) target(%arg12 : memref<8x1024xf32, #tpu.memory_space<vmem>>) target_semaphore(%arg16 : memref<!tpu.dma_semaphore, #tpu.memory_space<semaphore_mem>>)
    %dma_wait3A_322 = arith.constant 128 : i32
    %dma_wait3A_323 = tpu.memref_slice %arg7[%dma_wait3A_322] : memref<256xi32, #tpu.memory_space<vmem>> -> memref<16xi32, #tpu.memory_space<vmem>>
    %dma_wait3A_324 = arith.constant 0 : i32
    %dma_wait3A_325 = arith.constant 0 : i32
    %dma_wait3A_326 = tpu.memref_slice %arg5[%dma_wait3A_324, %dma_wait3A_325] : memref<10240x1024xf32, #tpu.memory_space<hbm>> -> memref<10240x1024xf32, #tpu.memory_space<hbm>>
    tpu.wait_indirect_dma semaphore(%arg15 : memref<!tpu.dma_semaphore, #tpu.memory_space<semaphore_mem>>) src(%dma_wait3A_326 : memref<10240x1024xf32, #tpu.memory_space<hbm>>) dst(%arg9 : memref<16x1024xf32, #tpu.memory_space<vmem>>)
    %dma_wait3A_327 = arith.constant 0 : i32
    %dma_wait3A_328 = tpu.memref_slice %arg4[%add3A_280, %dma_wait3A_327] : memref<4096x1024xf32, #tpu.memory_space<hbm>> -> memref<8x1024xf32, #tpu.memory_space<hbm>>
    %dma_wait3A_329 = arith.constant 0 : i32
    %dma_wait3A_330 = tpu.memref_slice %arg4[%add3A_280, %dma_wait3A_329] : memref<4096x1024xf32, #tpu.memory_space<hbm>> -> memref<8x1024xf32, #tpu.memory_space<hbm>>
    tpu.wait_dma2 semaphore(%arg16 : memref<!tpu.dma_semaphore, #tpu.memory_space<semaphore_mem>>) src(%dma_wait3A_330 : memref<8x1024xf32, #tpu.memory_space<hbm>>) dst(%arg11 : memref<8x1024xf32, #tpu.memory_space<vmem>>)
    %scan3A_331 = arith.constant 0 : i32
    %scan3A_332 = arith.constant 0 : i32
    %scan3A_333 = arith.constant 8 : i32
    %scan3A_334 = arith.addi %scan3A_332, %scan3A_333 : i32
    %scan3A_335 = arith.constant 1 : i32
    %scan3A_336 = scf.for %scan3A_596 = %scan3A_332 to %scan3A_334 step %scan3A_335 iter_args(%scan3A_597 = %scan3A_331) -> (i32)  : i32 {
      %mul3A_598 = arith.constant 2 : i32
      %mul3A_599 = arith.muli %mul3A_598, %scan3A_596 : i32
      %add3A_600 = arith.constant 128 : i32
      %add3A_601 = arith.addi %add3A_600, %mul3A_599 : i32
      %broadcast_in_dim3A = vector.broadcast %add3A_601 : i32 to vector<16xi32>
      %gather3A = tpu.vector_load_idx %arg8[%broadcast_in_dim3A] : memref<256xf32, #tpu.memory_space<vmem>>[vector<16xi32>], vector<16xf32>,
      %mul3A_602 = arith.constant 2 : i32
      %mul3A_603 = arith.muli %mul3A_602, %scan3A_596 : i32
      %get3A = arith.index_cast %mul3A_603 : i32 to index
      %get3A_604 = arith.constant 0 : index
      %get3A_605 = tpu.vector_load %arg9[%get3A, %get3A_604] {strides = array<i32>} : memref<16x1024xf32, #tpu.memory_space<vmem>>, vector<16xf32>,
      %mul3A_606 = arith.mulf %gather3A, %get3A_605 : vector<16xf32>
      %get3A_607 = arith.index_cast %scan3A_596 : i32 to index
      %get3A_608 = arith.constant 0 : index
      %get3A_609 = tpu.vector_load %arg11[%get3A_607, %get3A_608] {strides = array<i32>} : memref<8x1024xf32, #tpu.memory_space<vmem>>, vector<16xf32>,
      %add3A_610 = arith.addf %mul3A_606, %get3A_609 : vector<16xf32>
      %swap3A = arith.index_cast %scan3A_596 : i32 to index
      %swap3A_611 = arith.constant 0 : index
      %swap3A_612 = tpu.vector_load %arg13[%swap3A, %swap3A_611] {strides = array<i32>} : memref<8x1024xf32, #tpu.memory_space<vmem>>, vector<16xf32>,
      tpu.vector_store %arg13[%swap3A, %swap3A_611], %add3A_610 {strides = array<i32>} : memref<8x1024xf32, #tpu.memory_space<vmem>>, vector<16xf32>,
      %scan3A_613 = arith.constant 0 : i32
      scf.yield %scan3A_613 : i32
    }
    %scan3A_337 = arith.constant 8 : i32
    %add3A_338 = arith.constant 64 : i32
    %add3A_339 = arith.addi %mul3A_2, %add3A_338 : i32
    %dma_start3A_340 = arith.constant 0 : i32
    %dma_start3A_341 = tpu.memref_slice %arg6[%add3A_339, %dma_start3A_340] : memref<4096x1024xf32, #tpu.memory_space<hbm>> -> memref<8x1024xf32, #tpu.memory_space<hbm>>
    %dma_start3A_342 = arith.constant 0 : i32
    %dma_start3A_343 = tpu.memref_slice %arg6[%add3A_339, %dma_start3A_342] : memref<4096x1024xf32, #tpu.memory_space<hbm>> -> memref<8x1024xf32, #tpu.memory_space<hbm>>
    tpu.enqueue_dma source(%arg13 : memref<8x1024xf32, #tpu.memory_space<vmem>>) target(%dma_start3A_343 : memref<8x1024xf32, #tpu.memory_space<hbm>>) target_semaphore(%arg17 : memref<!tpu.dma_semaphore, #tpu.memory_space<semaphore_mem>>)
    %dma_wait3A_344 = arith.constant 0 : i32
    %dma_wait3A_345 = tpu.memref_slice %arg6[%add3A_339, %dma_wait3A_344] : memref<4096x1024xf32, #tpu.memory_space<hbm>> -> memref<8x1024xf32, #tpu.memory_space<hbm>>
    %dma_wait3A_346 = arith.constant 0 : i32
    %dma_wait3A_347 = tpu.memref_slice %arg6[%add3A_339, %dma_wait3A_346] : memref<4096x1024xf32, #tpu.memory_space<hbm>> -> memref<8x1024xf32, #tpu.memory_space<hbm>>
    tpu.wait_dma2 semaphore(%arg17 : memref<!tpu.dma_semaphore, #tpu.memory_space<semaphore_mem>>) src(%arg13 : memref<8x1024xf32, #tpu.memory_space<vmem>>) dst(%dma_wait3A_347 : memref<8x1024xf32, #tpu.memory_space<hbm>>)
    %dma_start3A_348 = arith.constant 160 : i32
    %dma_start3A_349 = tpu.memref_slice %arg7[%dma_start3A_348] : memref<256xi32, #tpu.memory_space<vmem>> -> memref<16xi32, #tpu.memory_space<vmem>>
    %dma_start3A_350 = arith.constant 0 : i32
    %dma_start3A_351 = arith.constant 0 : i32
    %dma_start3A_352 = tpu.memref_slice %arg5[%dma_start3A_350, %dma_start3A_351] : memref<10240x1024xf32, #tpu.memory_space<hbm>> -> memref<10240x1024xf32, #tpu.memory_space<hbm>>
    tpu.enqueue_indirect_dma source(%dma_start3A_352 : memref<10240x1024xf32, #tpu.memory_space<hbm>>) target(%arg9 : memref<16x1024xf32, #tpu.memory_space<vmem>>) offsets(%dma_start3A_349 : memref<16xi32, #tpu.memory_space<vmem>>) semaphore(%arg15 : memref<!tpu.dma_semaphore, #tpu.memory_space<semaphore_mem>>)
    %add3A_353 = arith.constant 80 : i32
    %add3A_354 = arith.addi %mul3A_2, %add3A_353 : i32
    %dma_start3A_355 = arith.constant 0 : i32
    %dma_start3A_356 = tpu.memref_slice %arg4[%add3A_354, %dma_start3A_355] : memref<4096x1024xf32, #tpu.memory_space<hbm>> -> memref<8x1024xf32, #tpu.memory_space<hbm>>
    %dma_start3A_357 = arith.constant 0 : i32
    %dma_start3A_358 = tpu.memref_slice %arg4[%add3A_354, %dma_start3A_357] : memref<4096x1024xf32, #tpu.memory_space<hbm>> -> memref<8x1024xf32, #tpu.memory_space<hbm>>
    tpu.enqueue_dma source(%dma_start3A_358 : memref<8x1024xf32, #tpu.memory_space<hbm>>) target(%arg11 : memref<8x1024xf32, #tpu.memory_space<vmem>>) target_semaphore(%arg16 : memref<!tpu.dma_semaphore, #tpu.memory_space<semaphore_mem>>)
    %dma_wait3A_359 = arith.constant 144 : i32
    %dma_wait3A_360 = tpu.memref_slice %arg7[%dma_wait3A_359] : memref<256xi32, #tpu.memory_space<vmem>> -> memref<16xi32, #tpu.memory_space<vmem>>
    %dma_wait3A_361 = arith.constant 0 : i32
    %dma_wait3A_362 = arith.constant 0 : i32
    %dma_wait3A_363 = tpu.memref_slice %arg5[%dma_wait3A_361, %dma_wait3A_362] : memref<10240x1024xf32, #tpu.memory_space<hbm>> -> memref<10240x1024xf32, #tpu.memory_space<hbm>>
    tpu.wait_indirect_dma semaphore(%arg15 : memref<!tpu.dma_semaphore, #tpu.memory_space<semaphore_mem>>) src(%dma_wait3A_363 : memref<10240x1024xf32, #tpu.memory_space<hbm>>) dst(%arg10 : memref<16x1024xf32, #tpu.memory_space<vmem>>)
    %dma_wait3A_364 = arith.constant 0 : i32
    %dma_wait3A_365 = tpu.memref_slice %arg4[%add3A_317, %dma_wait3A_364] : memref<4096x1024xf32, #tpu.memory_space<hbm>> -> memref<8x1024xf32, #tpu.memory_space<hbm>>
    %dma_wait3A_366 = arith.constant 0 : i32
    %dma_wait3A_367 = tpu.memref_slice %arg4[%add3A_317, %dma_wait3A_366] : memref<4096x1024xf32, #tpu.memory_space<hbm>> -> memref<8x1024xf32, #tpu.memory_space<hbm>>
    tpu.wait_dma2 semaphore(%arg16 : memref<!tpu.dma_semaphore, #tpu.memory_space<semaphore_mem>>) src(%dma_wait3A_367 : memref<8x1024xf32, #tpu.memory_space<hbm>>) dst(%arg12 : memref<8x1024xf32, #tpu.memory_space<vmem>>)
    %scan3A_368 = arith.constant 0 : i32
    %scan3A_369 = arith.constant 0 : i32
    %scan3A_370 = arith.constant 8 : i32
    %scan3A_371 = arith.addi %scan3A_369, %scan3A_370 : i32
    %scan3A_372 = arith.constant 1 : i32
    %scan3A_373 = scf.for %scan3A_596 = %scan3A_369 to %scan3A_371 step %scan3A_372 iter_args(%scan3A_597 = %scan3A_368) -> (i32)  : i32 {
      %mul3A_598 = arith.constant 2 : i32
      %mul3A_599 = arith.muli %mul3A_598, %scan3A_596 : i32
      %add3A_600 = arith.constant 144 : i32
      %add3A_601 = arith.addi %add3A_600, %mul3A_599 : i32
      %broadcast_in_dim3A = vector.broadcast %add3A_601 : i32 to vector<16xi32>
      %gather3A = tpu.vector_load_idx %arg8[%broadcast_in_dim3A] : memref<256xf32, #tpu.memory_space<vmem>>[vector<16xi32>], vector<16xf32>,
      %mul3A_602 = arith.constant 2 : i32
      %mul3A_603 = arith.muli %mul3A_602, %scan3A_596 : i32
      %get3A = arith.index_cast %mul3A_603 : i32 to index
      %get3A_604 = arith.constant 0 : index
      %get3A_605 = tpu.vector_load %arg10[%get3A, %get3A_604] {strides = array<i32>} : memref<16x1024xf32, #tpu.memory_space<vmem>>, vector<16xf32>,
      %mul3A_606 = arith.mulf %gather3A, %get3A_605 : vector<16xf32>
      %get3A_607 = arith.index_cast %scan3A_596 : i32 to index
      %get3A_608 = arith.constant 0 : index
      %get3A_609 = tpu.vector_load %arg12[%get3A_607, %get3A_608] {strides = array<i32>} : memref<8x1024xf32, #tpu.memory_space<vmem>>, vector<16xf32>,
      %add3A_610 = arith.addf %mul3A_606, %get3A_609 : vector<16xf32>
      %swap3A = arith.index_cast %scan3A_596 : i32 to index
      %swap3A_611 = arith.constant 0 : index
      %swap3A_612 = tpu.vector_load %arg14[%swap3A, %swap3A_611] {strides = array<i32>} : memref<8x1024xf32, #tpu.memory_space<vmem>>, vector<16xf32>,
      tpu.vector_store %arg14[%swap3A, %swap3A_611], %add3A_610 {strides = array<i32>} : memref<8x1024xf32, #tpu.memory_space<vmem>>, vector<16xf32>,
      %scan3A_613 = arith.constant 0 : i32
      scf.yield %scan3A_613 : i32
    }
    %scan3A_374 = arith.constant 8 : i32
    %add3A_375 = arith.constant 72 : i32
    %add3A_376 = arith.addi %mul3A_2, %add3A_375 : i32
    %dma_start3A_377 = arith.constant 0 : i32
    %dma_start3A_378 = tpu.memref_slice %arg6[%add3A_376, %dma_start3A_377] : memref<4096x1024xf32, #tpu.memory_space<hbm>> -> memref<8x1024xf32, #tpu.memory_space<hbm>>
    %dma_start3A_379 = arith.constant 0 : i32
    %dma_start3A_380 = tpu.memref_slice %arg6[%add3A_376, %dma_start3A_379] : memref<4096x1024xf32, #tpu.memory_space<hbm>> -> memref<8x1024xf32, #tpu.memory_space<hbm>>
    tpu.enqueue_dma source(%arg14 : memref<8x1024xf32, #tpu.memory_space<vmem>>) target(%dma_start3A_380 : memref<8x1024xf32, #tpu.memory_space<hbm>>) target_semaphore(%arg17 : memref<!tpu.dma_semaphore, #tpu.memory_space<semaphore_mem>>)
    %dma_wait3A_381 = arith.constant 0 : i32
    %dma_wait3A_382 = tpu.memref_slice %arg6[%add3A_376, %dma_wait3A_381] : memref<4096x1024xf32, #tpu.memory_space<hbm>> -> memref<8x1024xf32, #tpu.memory_space<hbm>>
    %dma_wait3A_383 = arith.constant 0 : i32
    %dma_wait3A_384 = tpu.memref_slice %arg6[%add3A_376, %dma_wait3A_383] : memref<4096x1024xf32, #tpu.memory_space<hbm>> -> memref<8x1024xf32, #tpu.memory_space<hbm>>
    tpu.wait_dma2 semaphore(%arg17 : memref<!tpu.dma_semaphore, #tpu.memory_space<semaphore_mem>>) src(%arg14 : memref<8x1024xf32, #tpu.memory_space<vmem>>) dst(%dma_wait3A_384 : memref<8x1024xf32, #tpu.memory_space<hbm>>)
    %dma_start3A_385 = arith.constant 176 : i32
    %dma_start3A_386 = tpu.memref_slice %arg7[%dma_start3A_385] : memref<256xi32, #tpu.memory_space<vmem>> -> memref<16xi32, #tpu.memory_space<vmem>>
    %dma_start3A_387 = arith.constant 0 : i32
    %dma_start3A_388 = arith.constant 0 : i32
    %dma_start3A_389 = tpu.memref_slice %arg5[%dma_start3A_387, %dma_start3A_388] : memref<10240x1024xf32, #tpu.memory_space<hbm>> -> memref<10240x1024xf32, #tpu.memory_space<hbm>>
    tpu.enqueue_indirect_dma source(%dma_start3A_389 : memref<10240x1024xf32, #tpu.memory_space<hbm>>) target(%arg10 : memref<16x1024xf32, #tpu.memory_space<vmem>>) offsets(%dma_start3A_386 : memref<16xi32, #tpu.memory_space<vmem>>) semaphore(%arg15 : memref<!tpu.dma_semaphore, #tpu.memory_space<semaphore_mem>>)
    %add3A_390 = arith.constant 88 : i32
    %add3A_391 = arith.addi %mul3A_2, %add3A_390 : i32
    %dma_start3A_392 = arith.constant 0 : i32
    %dma_start3A_393 = tpu.memref_slice %arg4[%add3A_391, %dma_start3A_392] : memref<4096x1024xf32, #tpu.memory_space<hbm>> -> memref<8x1024xf32, #tpu.memory_space<hbm>>
    %dma_start3A_394 = arith.constant 0 : i32
    %dma_start3A_395 = tpu.memref_slice %arg4[%add3A_391, %dma_start3A_394] : memref<4096x1024xf32, #tpu.memory_space<hbm>> -> memref<8x1024xf32, #tpu.memory_space<hbm>>
    tpu.enqueue_dma source(%dma_start3A_395 : memref<8x1024xf32, #tpu.memory_space<hbm>>) target(%arg12 : memref<8x1024xf32, #tpu.memory_space<vmem>>) target_semaphore(%arg16 : memref<!tpu.dma_semaphore, #tpu.memory_space<semaphore_mem>>)
    %dma_wait3A_396 = arith.constant 160 : i32
    %dma_wait3A_397 = tpu.memref_slice %arg7[%dma_wait3A_396] : memref<256xi32, #tpu.memory_space<vmem>> -> memref<16xi32, #tpu.memory_space<vmem>>
    %dma_wait3A_398 = arith.constant 0 : i32
    %dma_wait3A_399 = arith.constant 0 : i32
    %dma_wait3A_400 = tpu.memref_slice %arg5[%dma_wait3A_398, %dma_wait3A_399] : memref<10240x1024xf32, #tpu.memory_space<hbm>> -> memref<10240x1024xf32, #tpu.memory_space<hbm>>
    tpu.wait_indirect_dma semaphore(%arg15 : memref<!tpu.dma_semaphore, #tpu.memory_space<semaphore_mem>>) src(%dma_wait3A_400 : memref<10240x1024xf32, #tpu.memory_space<hbm>>) dst(%arg9 : memref<16x1024xf32, #tpu.memory_space<vmem>>)
    %dma_wait3A_401 = arith.constant 0 : i32
    %dma_wait3A_402 = tpu.memref_slice %arg4[%add3A_354, %dma_wait3A_401] : memref<4096x1024xf32, #tpu.memory_space<hbm>> -> memref<8x1024xf32, #tpu.memory_space<hbm>>
    %dma_wait3A_403 = arith.constant 0 : i32
    %dma_wait3A_404 = tpu.memref_slice %arg4[%add3A_354, %dma_wait3A_403] : memref<4096x1024xf32, #tpu.memory_space<hbm>> -> memref<8x1024xf32, #tpu.memory_space<hbm>>
    tpu.wait_dma2 semaphore(%arg16 : memref<!tpu.dma_semaphore, #tpu.memory_space<semaphore_mem>>) src(%dma_wait3A_404 : memref<8x1024xf32, #tpu.memory_space<hbm>>) dst(%arg11 : memref<8x1024xf32, #tpu.memory_space<vmem>>)
    %scan3A_405 = arith.constant 0 : i32
    %scan3A_406 = arith.constant 0 : i32
    %scan3A_407 = arith.constant 8 : i32
    %scan3A_408 = arith.addi %scan3A_406, %scan3A_407 : i32
    %scan3A_409 = arith.constant 1 : i32
    %scan3A_410 = scf.for %scan3A_596 = %scan3A_406 to %scan3A_408 step %scan3A_409 iter_args(%scan3A_597 = %scan3A_405) -> (i32)  : i32 {
      %mul3A_598 = arith.constant 2 : i32
      %mul3A_599 = arith.muli %mul3A_598, %scan3A_596 : i32
      %add3A_600 = arith.constant 160 : i32
      %add3A_601 = arith.addi %add3A_600, %mul3A_599 : i32
      %broadcast_in_dim3A = vector.broadcast %add3A_601 : i32 to vector<16xi32>
      %gather3A = tpu.vector_load_idx %arg8[%broadcast_in_dim3A] : memref<256xf32, #tpu.memory_space<vmem>>[vector<16xi32>], vector<16xf32>,
      %mul3A_602 = arith.constant 2 : i32
      %mul3A_603 = arith.muli %mul3A_602, %scan3A_596 : i32
      %get3A = arith.index_cast %mul3A_603 : i32 to index
      %get3A_604 = arith.constant 0 : index
      %get3A_605 = tpu.vector_load %arg9[%get3A, %get3A_604] {strides = array<i32>} : memref<16x1024xf32, #tpu.memory_space<vmem>>, vector<16xf32>,
      %mul3A_606 = arith.mulf %gather3A, %get3A_605 : vector<16xf32>
      %get3A_607 = arith.index_cast %scan3A_596 : i32 to index
      %get3A_608 = arith.constant 0 : index
      %get3A_609 = tpu.vector_load %arg11[%get3A_607, %get3A_608] {strides = array<i32>} : memref<8x1024xf32, #tpu.memory_space<vmem>>, vector<16xf32>,
      %add3A_610 = arith.addf %mul3A_606, %get3A_609 : vector<16xf32>
      %swap3A = arith.index_cast %scan3A_596 : i32 to index
      %swap3A_611 = arith.constant 0 : index
      %swap3A_612 = tpu.vector_load %arg13[%swap3A, %swap3A_611] {strides = array<i32>} : memref<8x1024xf32, #tpu.memory_space<vmem>>, vector<16xf32>,
      tpu.vector_store %arg13[%swap3A, %swap3A_611], %add3A_610 {strides = array<i32>} : memref<8x1024xf32, #tpu.memory_space<vmem>>, vector<16xf32>,
      %scan3A_613 = arith.constant 0 : i32
      scf.yield %scan3A_613 : i32
    }
    %scan3A_411 = arith.constant 8 : i32
    %add3A_412 = arith.constant 80 : i32
    %add3A_413 = arith.addi %mul3A_2, %add3A_412 : i32
    %dma_start3A_414 = arith.constant 0 : i32
    %dma_start3A_415 = tpu.memref_slice %arg6[%add3A_413, %dma_start3A_414] : memref<4096x1024xf32, #tpu.memory_space<hbm>> -> memref<8x1024xf32, #tpu.memory_space<hbm>>
    %dma_start3A_416 = arith.constant 0 : i32
    %dma_start3A_417 = tpu.memref_slice %arg6[%add3A_413, %dma_start3A_416] : memref<4096x1024xf32, #tpu.memory_space<hbm>> -> memref<8x1024xf32, #tpu.memory_space<hbm>>
    tpu.enqueue_dma source(%arg13 : memref<8x1024xf32, #tpu.memory_space<vmem>>) target(%dma_start3A_417 : memref<8x1024xf32, #tpu.memory_space<hbm>>) target_semaphore(%arg17 : memref<!tpu.dma_semaphore, #tpu.memory_space<semaphore_mem>>)
    %dma_wait3A_418 = arith.constant 0 : i32
    %dma_wait3A_419 = tpu.memref_slice %arg6[%add3A_413, %dma_wait3A_418] : memref<4096x1024xf32, #tpu.memory_space<hbm>> -> memref<8x1024xf32, #tpu.memory_space<hbm>>
    %dma_wait3A_420 = arith.constant 0 : i32
    %dma_wait3A_421 = tpu.memref_slice %arg6[%add3A_413, %dma_wait3A_420] : memref<4096x1024xf32, #tpu.memory_space<hbm>> -> memref<8x1024xf32, #tpu.memory_space<hbm>>
    tpu.wait_dma2 semaphore(%arg17 : memref<!tpu.dma_semaphore, #tpu.memory_space<semaphore_mem>>) src(%arg13 : memref<8x1024xf32, #tpu.memory_space<vmem>>) dst(%dma_wait3A_421 : memref<8x1024xf32, #tpu.memory_space<hbm>>)
    %dma_start3A_422 = arith.constant 192 : i32
    %dma_start3A_423 = tpu.memref_slice %arg7[%dma_start3A_422] : memref<256xi32, #tpu.memory_space<vmem>> -> memref<16xi32, #tpu.memory_space<vmem>>
    %dma_start3A_424 = arith.constant 0 : i32
    %dma_start3A_425 = arith.constant 0 : i32
    %dma_start3A_426 = tpu.memref_slice %arg5[%dma_start3A_424, %dma_start3A_425] : memref<10240x1024xf32, #tpu.memory_space<hbm>> -> memref<10240x1024xf32, #tpu.memory_space<hbm>>
    tpu.enqueue_indirect_dma source(%dma_start3A_426 : memref<10240x1024xf32, #tpu.memory_space<hbm>>) target(%arg9 : memref<16x1024xf32, #tpu.memory_space<vmem>>) offsets(%dma_start3A_423 : memref<16xi32, #tpu.memory_space<vmem>>) semaphore(%arg15 : memref<!tpu.dma_semaphore, #tpu.memory_space<semaphore_mem>>)
    %add3A_427 = arith.constant 96 : i32
    %add3A_428 = arith.addi %mul3A_2, %add3A_427 : i32
    %dma_start3A_429 = arith.constant 0 : i32
    %dma_start3A_430 = tpu.memref_slice %arg4[%add3A_428, %dma_start3A_429] : memref<4096x1024xf32, #tpu.memory_space<hbm>> -> memref<8x1024xf32, #tpu.memory_space<hbm>>
    %dma_start3A_431 = arith.constant 0 : i32
    %dma_start3A_432 = tpu.memref_slice %arg4[%add3A_428, %dma_start3A_431] : memref<4096x1024xf32, #tpu.memory_space<hbm>> -> memref<8x1024xf32, #tpu.memory_space<hbm>>
    tpu.enqueue_dma source(%dma_start3A_432 : memref<8x1024xf32, #tpu.memory_space<hbm>>) target(%arg11 : memref<8x1024xf32, #tpu.memory_space<vmem>>) target_semaphore(%arg16 : memref<!tpu.dma_semaphore, #tpu.memory_space<semaphore_mem>>)
    %dma_wait3A_433 = arith.constant 176 : i32
    %dma_wait3A_434 = tpu.memref_slice %arg7[%dma_wait3A_433] : memref<256xi32, #tpu.memory_space<vmem>> -> memref<16xi32, #tpu.memory_space<vmem>>
    %dma_wait3A_435 = arith.constant 0 : i32
    %dma_wait3A_436 = arith.constant 0 : i32
    %dma_wait3A_437 = tpu.memref_slice %arg5[%dma_wait3A_435, %dma_wait3A_436] : memref<10240x1024xf32, #tpu.memory_space<hbm>> -> memref<10240x1024xf32, #tpu.memory_space<hbm>>
    tpu.wait_indirect_dma semaphore(%arg15 : memref<!tpu.dma_semaphore, #tpu.memory_space<semaphore_mem>>) src(%dma_wait3A_437 : memref<10240x1024xf32, #tpu.memory_space<hbm>>) dst(%arg10 : memref<16x1024xf32, #tpu.memory_space<vmem>>)
    %dma_wait3A_438 = arith.constant 0 : i32
    %dma_wait3A_439 = tpu.memref_slice %arg4[%add3A_391, %dma_wait3A_438] : memref<4096x1024xf32, #tpu.memory_space<hbm>> -> memref<8x1024xf32, #tpu.memory_space<hbm>>
    %dma_wait3A_440 = arith.constant 0 : i32
    %dma_wait3A_441 = tpu.memref_slice %arg4[%add3A_391, %dma_wait3A_440] : memref<4096x1024xf32, #tpu.memory_space<hbm>> -> memref<8x1024xf32, #tpu.memory_space<hbm>>
    tpu.wait_dma2 semaphore(%arg16 : memref<!tpu.dma_semaphore, #tpu.memory_space<semaphore_mem>>) src(%dma_wait3A_441 : memref<8x1024xf32, #tpu.memory_space<hbm>>) dst(%arg12 : memref<8x1024xf32, #tpu.memory_space<vmem>>)
    %scan3A_442 = arith.constant 0 : i32
    %scan3A_443 = arith.constant 0 : i32
    %scan3A_444 = arith.constant 8 : i32
    %scan3A_445 = arith.addi %scan3A_443, %scan3A_444 : i32
    %scan3A_446 = arith.constant 1 : i32
    %scan3A_447 = scf.for %scan3A_596 = %scan3A_443 to %scan3A_445 step %scan3A_446 iter_args(%scan3A_597 = %scan3A_442) -> (i32)  : i32 {
      %mul3A_598 = arith.constant 2 : i32
      %mul3A_599 = arith.muli %mul3A_598, %scan3A_596 : i32
      %add3A_600 = arith.constant 176 : i32
      %add3A_601 = arith.addi %add3A_600, %mul3A_599 : i32
      %broadcast_in_dim3A = vector.broadcast %add3A_601 : i32 to vector<16xi32>
      %gather3A = tpu.vector_load_idx %arg8[%broadcast_in_dim3A] : memref<256xf32, #tpu.memory_space<vmem>>[vector<16xi32>], vector<16xf32>,
      %mul3A_602 = arith.constant 2 : i32
      %mul3A_603 = arith.muli %mul3A_602, %scan3A_596 : i32
      %get3A = arith.index_cast %mul3A_603 : i32 to index
      %get3A_604 = arith.constant 0 : index
      %get3A_605 = tpu.vector_load %arg10[%get3A, %get3A_604] {strides = array<i32>} : memref<16x1024xf32, #tpu.memory_space<vmem>>, vector<16xf32>,
      %mul3A_606 = arith.mulf %gather3A, %get3A_605 : vector<16xf32>
      %get3A_607 = arith.index_cast %scan3A_596 : i32 to index
      %get3A_608 = arith.constant 0 : index
      %get3A_609 = tpu.vector_load %arg12[%get3A_607, %get3A_608] {strides = array<i32>} : memref<8x1024xf32, #tpu.memory_space<vmem>>, vector<16xf32>,
      %add3A_610 = arith.addf %mul3A_606, %get3A_609 : vector<16xf32>
      %swap3A = arith.index_cast %scan3A_596 : i32 to index
      %swap3A_611 = arith.constant 0 : index
      %swap3A_612 = tpu.vector_load %arg14[%swap3A, %swap3A_611] {strides = array<i32>} : memref<8x1024xf32, #tpu.memory_space<vmem>>, vector<16xf32>,
      tpu.vector_store %arg14[%swap3A, %swap3A_611], %add3A_610 {strides = array<i32>} : memref<8x1024xf32, #tpu.memory_space<vmem>>, vector<16xf32>,
      %scan3A_613 = arith.constant 0 : i32
      scf.yield %scan3A_613 : i32
    }
    %scan3A_448 = arith.constant 8 : i32
    %add3A_449 = arith.constant 88 : i32
    %add3A_450 = arith.addi %mul3A_2, %add3A_449 : i32
    %dma_start3A_451 = arith.constant 0 : i32
    %dma_start3A_452 = tpu.memref_slice %arg6[%add3A_450, %dma_start3A_451] : memref<4096x1024xf32, #tpu.memory_space<hbm>> -> memref<8x1024xf32, #tpu.memory_space<hbm>>
    %dma_start3A_453 = arith.constant 0 : i32
    %dma_start3A_454 = tpu.memref_slice %arg6[%add3A_450, %dma_start3A_453] : memref<4096x1024xf32, #tpu.memory_space<hbm>> -> memref<8x1024xf32, #tpu.memory_space<hbm>>
    tpu.enqueue_dma source(%arg14 : memref<8x1024xf32, #tpu.memory_space<vmem>>) target(%dma_start3A_454 : memref<8x1024xf32, #tpu.memory_space<hbm>>) target_semaphore(%arg17 : memref<!tpu.dma_semaphore, #tpu.memory_space<semaphore_mem>>)
    %dma_wait3A_455 = arith.constant 0 : i32
    %dma_wait3A_456 = tpu.memref_slice %arg6[%add3A_450, %dma_wait3A_455] : memref<4096x1024xf32, #tpu.memory_space<hbm>> -> memref<8x1024xf32, #tpu.memory_space<hbm>>
    %dma_wait3A_457 = arith.constant 0 : i32
    %dma_wait3A_458 = tpu.memref_slice %arg6[%add3A_450, %dma_wait3A_457] : memref<4096x1024xf32, #tpu.memory_space<hbm>> -> memref<8x1024xf32, #tpu.memory_space<hbm>>
    tpu.wait_dma2 semaphore(%arg17 : memref<!tpu.dma_semaphore, #tpu.memory_space<semaphore_mem>>) src(%arg14 : memref<8x1024xf32, #tpu.memory_space<vmem>>) dst(%dma_wait3A_458 : memref<8x1024xf32, #tpu.memory_space<hbm>>)
    %dma_start3A_459 = arith.constant 208 : i32
    %dma_start3A_460 = tpu.memref_slice %arg7[%dma_start3A_459] : memref<256xi32, #tpu.memory_space<vmem>> -> memref<16xi32, #tpu.memory_space<vmem>>
    %dma_start3A_461 = arith.constant 0 : i32
    %dma_start3A_462 = arith.constant 0 : i32
    %dma_start3A_463 = tpu.memref_slice %arg5[%dma_start3A_461, %dma_start3A_462] : memref<10240x1024xf32, #tpu.memory_space<hbm>> -> memref<10240x1024xf32, #tpu.memory_space<hbm>>
    tpu.enqueue_indirect_dma source(%dma_start3A_463 : memref<10240x1024xf32, #tpu.memory_space<hbm>>) target(%arg10 : memref<16x1024xf32, #tpu.memory_space<vmem>>) offsets(%dma_start3A_460 : memref<16xi32, #tpu.memory_space<vmem>>) semaphore(%arg15 : memref<!tpu.dma_semaphore, #tpu.memory_space<semaphore_mem>>)
    %add3A_464 = arith.constant 104 : i32
    %add3A_465 = arith.addi %mul3A_2, %add3A_464 : i32
    %dma_start3A_466 = arith.constant 0 : i32
    %dma_start3A_467 = tpu.memref_slice %arg4[%add3A_465, %dma_start3A_466] : memref<4096x1024xf32, #tpu.memory_space<hbm>> -> memref<8x1024xf32, #tpu.memory_space<hbm>>
    %dma_start3A_468 = arith.constant 0 : i32
    %dma_start3A_469 = tpu.memref_slice %arg4[%add3A_465, %dma_start3A_468] : memref<4096x1024xf32, #tpu.memory_space<hbm>> -> memref<8x1024xf32, #tpu.memory_space<hbm>>
    tpu.enqueue_dma source(%dma_start3A_469 : memref<8x1024xf32, #tpu.memory_space<hbm>>) target(%arg12 : memref<8x1024xf32, #tpu.memory_space<vmem>>) target_semaphore(%arg16 : memref<!tpu.dma_semaphore, #tpu.memory_space<semaphore_mem>>)
    %dma_wait3A_470 = arith.constant 192 : i32
    %dma_wait3A_471 = tpu.memref_slice %arg7[%dma_wait3A_470] : memref<256xi32, #tpu.memory_space<vmem>> -> memref<16xi32, #tpu.memory_space<vmem>>
    %dma_wait3A_472 = arith.constant 0 : i32
    %dma_wait3A_473 = arith.constant 0 : i32
    %dma_wait3A_474 = tpu.memref_slice %arg5[%dma_wait3A_472, %dma_wait3A_473] : memref<10240x1024xf32, #tpu.memory_space<hbm>> -> memref<10240x1024xf32, #tpu.memory_space<hbm>>
    tpu.wait_indirect_dma semaphore(%arg15 : memref<!tpu.dma_semaphore, #tpu.memory_space<semaphore_mem>>) src(%dma_wait3A_474 : memref<10240x1024xf32, #tpu.memory_space<hbm>>) dst(%arg9 : memref<16x1024xf32, #tpu.memory_space<vmem>>)
    %dma_wait3A_475 = arith.constant 0 : i32
    %dma_wait3A_476 = tpu.memref_slice %arg4[%add3A_428, %dma_wait3A_475] : memref<4096x1024xf32, #tpu.memory_space<hbm>> -> memref<8x1024xf32, #tpu.memory_space<hbm>>
    %dma_wait3A_477 = arith.constant 0 : i32
    %dma_wait3A_478 = tpu.memref_slice %arg4[%add3A_428, %dma_wait3A_477] : memref<4096x1024xf32, #tpu.memory_space<hbm>> -> memref<8x1024xf32, #tpu.memory_space<hbm>>
    tpu.wait_dma2 semaphore(%arg16 : memref<!tpu.dma_semaphore, #tpu.memory_space<semaphore_mem>>) src(%dma_wait3A_478 : memref<8x1024xf32, #tpu.memory_space<hbm>>) dst(%arg11 : memref<8x1024xf32, #tpu.memory_space<vmem>>)
    %scan3A_479 = arith.constant 0 : i32
    %scan3A_480 = arith.constant 0 : i32
    %scan3A_481 = arith.constant 8 : i32
    %scan3A_482 = arith.addi %scan3A_480, %scan3A_481 : i32
    %scan3A_483 = arith.constant 1 : i32
    %scan3A_484 = scf.for %scan3A_596 = %scan3A_480 to %scan3A_482 step %scan3A_483 iter_args(%scan3A_597 = %scan3A_479) -> (i32)  : i32 {
      %mul3A_598 = arith.constant 2 : i32
      %mul3A_599 = arith.muli %mul3A_598, %scan3A_596 : i32
      %add3A_600 = arith.constant 192 : i32
      %add3A_601 = arith.addi %add3A_600, %mul3A_599 : i32
      %broadcast_in_dim3A = vector.broadcast %add3A_601 : i32 to vector<16xi32>
      %gather3A = tpu.vector_load_idx %arg8[%broadcast_in_dim3A] : memref<256xf32, #tpu.memory_space<vmem>>[vector<16xi32>], vector<16xf32>,
      %mul3A_602 = arith.constant 2 : i32
      %mul3A_603 = arith.muli %mul3A_602, %scan3A_596 : i32
      %get3A = arith.index_cast %mul3A_603 : i32 to index
      %get3A_604 = arith.constant 0 : index
      %get3A_605 = tpu.vector_load %arg9[%get3A, %get3A_604] {strides = array<i32>} : memref<16x1024xf32, #tpu.memory_space<vmem>>, vector<16xf32>,
      %mul3A_606 = arith.mulf %gather3A, %get3A_605 : vector<16xf32>
      %get3A_607 = arith.index_cast %scan3A_596 : i32 to index
      %get3A_608 = arith.constant 0 : index
      %get3A_609 = tpu.vector_load %arg11[%get3A_607, %get3A_608] {strides = array<i32>} : memref<8x1024xf32, #tpu.memory_space<vmem>>, vector<16xf32>,
      %add3A_610 = arith.addf %mul3A_606, %get3A_609 : vector<16xf32>
      %swap3A = arith.index_cast %scan3A_596 : i32 to index
      %swap3A_611 = arith.constant 0 : index
      %swap3A_612 = tpu.vector_load %arg13[%swap3A, %swap3A_611] {strides = array<i32>} : memref<8x1024xf32, #tpu.memory_space<vmem>>, vector<16xf32>,
      tpu.vector_store %arg13[%swap3A, %swap3A_611], %add3A_610 {strides = array<i32>} : memref<8x1024xf32, #tpu.memory_space<vmem>>, vector<16xf32>,
      %scan3A_613 = arith.constant 0 : i32
      scf.yield %scan3A_613 : i32
    }
    %scan3A_485 = arith.constant 8 : i32
    %add3A_486 = arith.constant 96 : i32
    %add3A_487 = arith.addi %mul3A_2, %add3A_486 : i32
    %dma_start3A_488 = arith.constant 0 : i32
    %dma_start3A_489 = tpu.memref_slice %arg6[%add3A_487, %dma_start3A_488] : memref<4096x1024xf32, #tpu.memory_space<hbm>> -> memref<8x1024xf32, #tpu.memory_space<hbm>>
    %dma_start3A_490 = arith.constant 0 : i32
    %dma_start3A_491 = tpu.memref_slice %arg6[%add3A_487, %dma_start3A_490] : memref<4096x1024xf32, #tpu.memory_space<hbm>> -> memref<8x1024xf32, #tpu.memory_space<hbm>>
    tpu.enqueue_dma source(%arg13 : memref<8x1024xf32, #tpu.memory_space<vmem>>) target(%dma_start3A_491 : memref<8x1024xf32, #tpu.memory_space<hbm>>) target_semaphore(%arg17 : memref<!tpu.dma_semaphore, #tpu.memory_space<semaphore_mem>>)
    %dma_wait3A_492 = arith.constant 0 : i32
    %dma_wait3A_493 = tpu.memref_slice %arg6[%add3A_487, %dma_wait3A_492] : memref<4096x1024xf32, #tpu.memory_space<hbm>> -> memref<8x1024xf32, #tpu.memory_space<hbm>>
    %dma_wait3A_494 = arith.constant 0 : i32
    %dma_wait3A_495 = tpu.memref_slice %arg6[%add3A_487, %dma_wait3A_494] : memref<4096x1024xf32, #tpu.memory_space<hbm>> -> memref<8x1024xf32, #tpu.memory_space<hbm>>
    tpu.wait_dma2 semaphore(%arg17 : memref<!tpu.dma_semaphore, #tpu.memory_space<semaphore_mem>>) src(%arg13 : memref<8x1024xf32, #tpu.memory_space<vmem>>) dst(%dma_wait3A_495 : memref<8x1024xf32, #tpu.memory_space<hbm>>)
    %dma_start3A_496 = arith.constant 224 : i32
    %dma_start3A_497 = tpu.memref_slice %arg7[%dma_start3A_496] : memref<256xi32, #tpu.memory_space<vmem>> -> memref<16xi32, #tpu.memory_space<vmem>>
    %dma_start3A_498 = arith.constant 0 : i32
    %dma_start3A_499 = arith.constant 0 : i32
    %dma_start3A_500 = tpu.memref_slice %arg5[%dma_start3A_498, %dma_start3A_499] : memref<10240x1024xf32, #tpu.memory_space<hbm>> -> memref<10240x1024xf32, #tpu.memory_space<hbm>>
    tpu.enqueue_indirect_dma source(%dma_start3A_500 : memref<10240x1024xf32, #tpu.memory_space<hbm>>) target(%arg9 : memref<16x1024xf32, #tpu.memory_space<vmem>>) offsets(%dma_start3A_497 : memref<16xi32, #tpu.memory_space<vmem>>) semaphore(%arg15 : memref<!tpu.dma_semaphore, #tpu.memory_space<semaphore_mem>>)
    %add3A_501 = arith.constant 112 : i32
    %add3A_502 = arith.addi %mul3A_2, %add3A_501 : i32
    %dma_start3A_503 = arith.constant 0 : i32
    %dma_start3A_504 = tpu.memref_slice %arg4[%add3A_502, %dma_start3A_503] : memref<4096x1024xf32, #tpu.memory_space<hbm>> -> memref<8x1024xf32, #tpu.memory_space<hbm>>
    %dma_start3A_505 = arith.constant 0 : i32
    %dma_start3A_506 = tpu.memref_slice %arg4[%add3A_502, %dma_start3A_505] : memref<4096x1024xf32, #tpu.memory_space<hbm>> -> memref<8x1024xf32, #tpu.memory_space<hbm>>
    tpu.enqueue_dma source(%dma_start3A_506 : memref<8x1024xf32, #tpu.memory_space<hbm>>) target(%arg11 : memref<8x1024xf32, #tpu.memory_space<vmem>>) target_semaphore(%arg16 : memref<!tpu.dma_semaphore, #tpu.memory_space<semaphore_mem>>)
    %dma_wait3A_507 = arith.constant 208 : i32
    %dma_wait3A_508 = tpu.memref_slice %arg7[%dma_wait3A_507] : memref<256xi32, #tpu.memory_space<vmem>> -> memref<16xi32, #tpu.memory_space<vmem>>
    %dma_wait3A_509 = arith.constant 0 : i32
    %dma_wait3A_510 = arith.constant 0 : i32
    %dma_wait3A_511 = tpu.memref_slice %arg5[%dma_wait3A_509, %dma_wait3A_510] : memref<10240x1024xf32, #tpu.memory_space<hbm>> -> memref<10240x1024xf32, #tpu.memory_space<hbm>>
    tpu.wait_indirect_dma semaphore(%arg15 : memref<!tpu.dma_semaphore, #tpu.memory_space<semaphore_mem>>) src(%dma_wait3A_511 : memref<10240x1024xf32, #tpu.memory_space<hbm>>) dst(%arg10 : memref<16x1024xf32, #tpu.memory_space<vmem>>)
    %dma_wait3A_512 = arith.constant 0 : i32
    %dma_wait3A_513 = tpu.memref_slice %arg4[%add3A_465, %dma_wait3A_512] : memref<4096x1024xf32, #tpu.memory_space<hbm>> -> memref<8x1024xf32, #tpu.memory_space<hbm>>
    %dma_wait3A_514 = arith.constant 0 : i32
    %dma_wait3A_515 = tpu.memref_slice %arg4[%add3A_465, %dma_wait3A_514] : memref<4096x1024xf32, #tpu.memory_space<hbm>> -> memref<8x1024xf32, #tpu.memory_space<hbm>>
    tpu.wait_dma2 semaphore(%arg16 : memref<!tpu.dma_semaphore, #tpu.memory_space<semaphore_mem>>) src(%dma_wait3A_515 : memref<8x1024xf32, #tpu.memory_space<hbm>>) dst(%arg12 : memref<8x1024xf32, #tpu.memory_space<vmem>>)
    %scan3A_516 = arith.constant 0 : i32
    %scan3A_517 = arith.constant 0 : i32
    %scan3A_518 = arith.constant 8 : i32
    %scan3A_519 = arith.addi %scan3A_517, %scan3A_518 : i32
    %scan3A_520 = arith.constant 1 : i32
    %scan3A_521 = scf.for %scan3A_596 = %scan3A_517 to %scan3A_519 step %scan3A_520 iter_args(%scan3A_597 = %scan3A_516) -> (i32)  : i32 {
      %mul3A_598 = arith.constant 2 : i32
      %mul3A_599 = arith.muli %mul3A_598, %scan3A_596 : i32
      %add3A_600 = arith.constant 208 : i32
      %add3A_601 = arith.addi %add3A_600, %mul3A_599 : i32
      %broadcast_in_dim3A = vector.broadcast %add3A_601 : i32 to vector<16xi32>
      %gather3A = tpu.vector_load_idx %arg8[%broadcast_in_dim3A] : memref<256xf32, #tpu.memory_space<vmem>>[vector<16xi32>], vector<16xf32>,
      %mul3A_602 = arith.constant 2 : i32
      %mul3A_603 = arith.muli %mul3A_602, %scan3A_596 : i32
      %get3A = arith.index_cast %mul3A_603 : i32 to index
      %get3A_604 = arith.constant 0 : index
      %get3A_605 = tpu.vector_load %arg10[%get3A, %get3A_604] {strides = array<i32>} : memref<16x1024xf32, #tpu.memory_space<vmem>>, vector<16xf32>,
      %mul3A_606 = arith.mulf %gather3A, %get3A_605 : vector<16xf32>
      %get3A_607 = arith.index_cast %scan3A_596 : i32 to index
      %get3A_608 = arith.constant 0 : index
      %get3A_609 = tpu.vector_load %arg12[%get3A_607, %get3A_608] {strides = array<i32>} : memref<8x1024xf32, #tpu.memory_space<vmem>>, vector<16xf32>,
      %add3A_610 = arith.addf %mul3A_606, %get3A_609 : vector<16xf32>
      %swap3A = arith.index_cast %scan3A_596 : i32 to index
      %swap3A_611 = arith.constant 0 : index
      %swap3A_612 = tpu.vector_load %arg14[%swap3A, %swap3A_611] {strides = array<i32>} : memref<8x1024xf32, #tpu.memory_space<vmem>>, vector<16xf32>,
      tpu.vector_store %arg14[%swap3A, %swap3A_611], %add3A_610 {strides = array<i32>} : memref<8x1024xf32, #tpu.memory_space<vmem>>, vector<16xf32>,
      %scan3A_613 = arith.constant 0 : i32
      scf.yield %scan3A_613 : i32
    }
    %scan3A_522 = arith.constant 8 : i32
    %add3A_523 = arith.constant 104 : i32
    %add3A_524 = arith.addi %mul3A_2, %add3A_523 : i32
    %dma_start3A_525 = arith.constant 0 : i32
    %dma_start3A_526 = tpu.memref_slice %arg6[%add3A_524, %dma_start3A_525] : memref<4096x1024xf32, #tpu.memory_space<hbm>> -> memref<8x1024xf32, #tpu.memory_space<hbm>>
    %dma_start3A_527 = arith.constant 0 : i32
    %dma_start3A_528 = tpu.memref_slice %arg6[%add3A_524, %dma_start3A_527] : memref<4096x1024xf32, #tpu.memory_space<hbm>> -> memref<8x1024xf32, #tpu.memory_space<hbm>>
    tpu.enqueue_dma source(%arg14 : memref<8x1024xf32, #tpu.memory_space<vmem>>) target(%dma_start3A_528 : memref<8x1024xf32, #tpu.memory_space<hbm>>) target_semaphore(%arg17 : memref<!tpu.dma_semaphore, #tpu.memory_space<semaphore_mem>>)
    %dma_wait3A_529 = arith.constant 0 : i32
    %dma_wait3A_530 = tpu.memref_slice %arg6[%add3A_524, %dma_wait3A_529] : memref<4096x1024xf32, #tpu.memory_space<hbm>> -> memref<8x1024xf32, #tpu.memory_space<hbm>>
    %dma_wait3A_531 = arith.constant 0 : i32
    %dma_wait3A_532 = tpu.memref_slice %arg6[%add3A_524, %dma_wait3A_531] : memref<4096x1024xf32, #tpu.memory_space<hbm>> -> memref<8x1024xf32, #tpu.memory_space<hbm>>
    tpu.wait_dma2 semaphore(%arg17 : memref<!tpu.dma_semaphore, #tpu.memory_space<semaphore_mem>>) src(%arg14 : memref<8x1024xf32, #tpu.memory_space<vmem>>) dst(%dma_wait3A_532 : memref<8x1024xf32, #tpu.memory_space<hbm>>)
    %dma_start3A_533 = arith.constant 240 : i32
    %dma_start3A_534 = tpu.memref_slice %arg7[%dma_start3A_533] : memref<256xi32, #tpu.memory_space<vmem>> -> memref<16xi32, #tpu.memory_space<vmem>>
    %dma_start3A_535 = arith.constant 0 : i32
    %dma_start3A_536 = arith.constant 0 : i32
    %dma_start3A_537 = tpu.memref_slice %arg5[%dma_start3A_535, %dma_start3A_536] : memref<10240x1024xf32, #tpu.memory_space<hbm>> -> memref<10240x1024xf32, #tpu.memory_space<hbm>>
    tpu.enqueue_indirect_dma source(%dma_start3A_537 : memref<10240x1024xf32, #tpu.memory_space<hbm>>) target(%arg10 : memref<16x1024xf32, #tpu.memory_space<vmem>>) offsets(%dma_start3A_534 : memref<16xi32, #tpu.memory_space<vmem>>) semaphore(%arg15 : memref<!tpu.dma_semaphore, #tpu.memory_space<semaphore_mem>>)
    %add3A_538 = arith.constant 120 : i32
    %add3A_539 = arith.addi %mul3A_2, %add3A_538 : i32
    %dma_start3A_540 = arith.constant 0 : i32
    %dma_start3A_541 = tpu.memref_slice %arg4[%add3A_539, %dma_start3A_540] : memref<4096x1024xf32, #tpu.memory_space<hbm>> -> memref<8x1024xf32, #tpu.memory_space<hbm>>
    %dma_start3A_542 = arith.constant 0 : i32
    %dma_start3A_543 = tpu.memref_slice %arg4[%add3A_539, %dma_start3A_542] : memref<4096x1024xf32, #tpu.memory_space<hbm>> -> memref<8x1024xf32, #tpu.memory_space<hbm>>
    tpu.enqueue_dma source(%dma_start3A_543 : memref<8x1024xf32, #tpu.memory_space<hbm>>) target(%arg12 : memref<8x1024xf32, #tpu.memory_space<vmem>>) target_semaphore(%arg16 : memref<!tpu.dma_semaphore, #tpu.memory_space<semaphore_mem>>)
    %dma_wait3A_544 = arith.constant 224 : i32
    %dma_wait3A_545 = tpu.memref_slice %arg7[%dma_wait3A_544] : memref<256xi32, #tpu.memory_space<vmem>> -> memref<16xi32, #tpu.memory_space<vmem>>
    %dma_wait3A_546 = arith.constant 0 : i32
    %dma_wait3A_547 = arith.constant 0 : i32
    %dma_wait3A_548 = tpu.memref_slice %arg5[%dma_wait3A_546, %dma_wait3A_547] : memref<10240x1024xf32, #tpu.memory_space<hbm>> -> memref<10240x1024xf32, #tpu.memory_space<hbm>>
    tpu.wait_indirect_dma semaphore(%arg15 : memref<!tpu.dma_semaphore, #tpu.memory_space<semaphore_mem>>) src(%dma_wait3A_548 : memref<10240x1024xf32, #tpu.memory_space<hbm>>) dst(%arg9 : memref<16x1024xf32, #tpu.memory_space<vmem>>)
    %dma_wait3A_549 = arith.constant 0 : i32
    %dma_wait3A_550 = tpu.memref_slice %arg4[%add3A_502, %dma_wait3A_549] : memref<4096x1024xf32, #tpu.memory_space<hbm>> -> memref<8x1024xf32, #tpu.memory_space<hbm>>
    %dma_wait3A_551 = arith.constant 0 : i32
    %dma_wait3A_552 = tpu.memref_slice %arg4[%add3A_502, %dma_wait3A_551] : memref<4096x1024xf32, #tpu.memory_space<hbm>> -> memref<8x1024xf32, #tpu.memory_space<hbm>>
    tpu.wait_dma2 semaphore(%arg16 : memref<!tpu.dma_semaphore, #tpu.memory_space<semaphore_mem>>) src(%dma_wait3A_552 : memref<8x1024xf32, #tpu.memory_space<hbm>>) dst(%arg11 : memref<8x1024xf32, #tpu.memory_space<vmem>>)
    %scan3A_553 = arith.constant 0 : i32
    %scan3A_554 = arith.constant 0 : i32
    %scan3A_555 = arith.constant 8 : i32
    %scan3A_556 = arith.addi %scan3A_554, %scan3A_555 : i32
    %scan3A_557 = arith.constant 1 : i32
    %scan3A_558 = scf.for %scan3A_596 = %scan3A_554 to %scan3A_556 step %scan3A_557 iter_args(%scan3A_597 = %scan3A_553) -> (i32)  : i32 {
      %mul3A_598 = arith.constant 2 : i32
      %mul3A_599 = arith.muli %mul3A_598, %scan3A_596 : i32
      %add3A_600 = arith.constant 224 : i32
      %add3A_601 = arith.addi %add3A_600, %mul3A_599 : i32
      %broadcast_in_dim3A = vector.broadcast %add3A_601 : i32 to vector<16xi32>
      %gather3A = tpu.vector_load_idx %arg8[%broadcast_in_dim3A] : memref<256xf32, #tpu.memory_space<vmem>>[vector<16xi32>], vector<16xf32>,
      %mul3A_602 = arith.constant 2 : i32
      %mul3A_603 = arith.muli %mul3A_602, %scan3A_596 : i32
      %get3A = arith.index_cast %mul3A_603 : i32 to index
      %get3A_604 = arith.constant 0 : index
      %get3A_605 = tpu.vector_load %arg9[%get3A, %get3A_604] {strides = array<i32>} : memref<16x1024xf32, #tpu.memory_space<vmem>>, vector<16xf32>,
      %mul3A_606 = arith.mulf %gather3A, %get3A_605 : vector<16xf32>
      %get3A_607 = arith.index_cast %scan3A_596 : i32 to index
      %get3A_608 = arith.constant 0 : index
      %get3A_609 = tpu.vector_load %arg11[%get3A_607, %get3A_608] {strides = array<i32>} : memref<8x1024xf32, #tpu.memory_space<vmem>>, vector<16xf32>,
      %add3A_610 = arith.addf %mul3A_606, %get3A_609 : vector<16xf32>
      %swap3A = arith.index_cast %scan3A_596 : i32 to index
      %swap3A_611 = arith.constant 0 : index
      %swap3A_612 = tpu.vector_load %arg13[%swap3A, %swap3A_611] {strides = array<i32>} : memref<8x1024xf32, #tpu.memory_space<vmem>>, vector<16xf32>,
      tpu.vector_store %arg13[%swap3A, %swap3A_611], %add3A_610 {strides = array<i32>} : memref<8x1024xf32, #tpu.memory_space<vmem>>, vector<16xf32>,
      %scan3A_613 = arith.constant 0 : i32
      scf.yield %scan3A_613 : i32
    }
    %scan3A_559 = arith.constant 8 : i32
    %add3A_560 = arith.constant 112 : i32
    %add3A_561 = arith.addi %mul3A_2, %add3A_560 : i32
    %dma_start3A_562 = arith.constant 0 : i32
    %dma_start3A_563 = tpu.memref_slice %arg6[%add3A_561, %dma_start3A_562] : memref<4096x1024xf32, #tpu.memory_space<hbm>> -> memref<8x1024xf32, #tpu.memory_space<hbm>>
    %dma_start3A_564 = arith.constant 0 : i32
    %dma_start3A_565 = tpu.memref_slice %arg6[%add3A_561, %dma_start3A_564] : memref<4096x1024xf32, #tpu.memory_space<hbm>> -> memref<8x1024xf32, #tpu.memory_space<hbm>>
    tpu.enqueue_dma source(%arg13 : memref<8x1024xf32, #tpu.memory_space<vmem>>) target(%dma_start3A_565 : memref<8x1024xf32, #tpu.memory_space<hbm>>) target_semaphore(%arg17 : memref<!tpu.dma_semaphore, #tpu.memory_space<semaphore_mem>>)
    %dma_wait3A_566 = arith.constant 240 : i32
    %dma_wait3A_567 = tpu.memref_slice %arg7[%dma_wait3A_566] : memref<256xi32, #tpu.memory_space<vmem>> -> memref<16xi32, #tpu.memory_space<vmem>>
    %dma_wait3A_568 = arith.constant 0 : i32
    %dma_wait3A_569 = arith.constant 0 : i32
    %dma_wait3A_570 = tpu.memref_slice %arg5[%dma_wait3A_568, %dma_wait3A_569] : memref<10240x1024xf32, #tpu.memory_space<hbm>> -> memref<10240x1024xf32, #tpu.memory_space<hbm>>
    tpu.wait_indirect_dma semaphore(%arg15 : memref<!tpu.dma_semaphore, #tpu.memory_space<semaphore_mem>>) src(%dma_wait3A_570 : memref<10240x1024xf32, #tpu.memory_space<hbm>>) dst(%arg10 : memref<16x1024xf32, #tpu.memory_space<vmem>>)
    %dma_wait3A_571 = arith.constant 0 : i32
    %dma_wait3A_572 = tpu.memref_slice %arg4[%add3A_539, %dma_wait3A_571] : memref<4096x1024xf32, #tpu.memory_space<hbm>> -> memref<8x1024xf32, #tpu.memory_space<hbm>>
    %dma_wait3A_573 = arith.constant 0 : i32
    %dma_wait3A_574 = tpu.memref_slice %arg4[%add3A_539, %dma_wait3A_573] : memref<4096x1024xf32, #tpu.memory_space<hbm>> -> memref<8x1024xf32, #tpu.memory_space<hbm>>
    tpu.wait_dma2 semaphore(%arg16 : memref<!tpu.dma_semaphore, #tpu.memory_space<semaphore_mem>>) src(%dma_wait3A_574 : memref<8x1024xf32, #tpu.memory_space<hbm>>) dst(%arg12 : memref<8x1024xf32, #tpu.memory_space<vmem>>)
    %scan3A_575 = arith.constant 0 : i32
    %scan3A_576 = arith.constant 0 : i32
    %scan3A_577 = arith.constant 8 : i32
    %scan3A_578 = arith.addi %scan3A_576, %scan3A_577 : i32
    %scan3A_579 = arith.constant 1 : i32
    %scan3A_580 = scf.for %scan3A_596 = %scan3A_576 to %scan3A_578 step %scan3A_579 iter_args(%scan3A_597 = %scan3A_575) -> (i32)  : i32 {
      %mul3A_598 = arith.constant 2 : i32
      %mul3A_599 = arith.muli %mul3A_598, %scan3A_596 : i32
      %add3A_600 = arith.constant 240 : i32
      %add3A_601 = arith.addi %add3A_600, %mul3A_599 : i32
      %broadcast_in_dim3A = vector.broadcast %add3A_601 : i32 to vector<16xi32>
      %gather3A = tpu.vector_load_idx %arg8[%broadcast_in_dim3A] : memref<256xf32, #tpu.memory_space<vmem>>[vector<16xi32>], vector<16xf32>,
      %mul3A_602 = arith.constant 2 : i32
      %mul3A_603 = arith.muli %mul3A_602, %scan3A_596 : i32
      %get3A = arith.index_cast %mul3A_603 : i32 to index
      %get3A_604 = arith.constant 0 : index
      %get3A_605 = tpu.vector_load %arg10[%get3A, %get3A_604] {strides = array<i32>} : memref<16x1024xf32, #tpu.memory_space<vmem>>, vector<16xf32>,
      %mul3A_606 = arith.mulf %gather3A, %get3A_605 : vector<16xf32>
      %get3A_607 = arith.index_cast %scan3A_596 : i32 to index
      %get3A_608 = arith.constant 0 : index
      %get3A_609 = tpu.vector_load %arg12[%get3A_607, %get3A_608] {strides = array<i32>} : memref<8x1024xf32, #tpu.memory_space<vmem>>, vector<16xf32>,
      %add3A_610 = arith.addf %mul3A_606, %get3A_609 : vector<16xf32>
      %swap3A = arith.index_cast %scan3A_596 : i32 to index
      %swap3A_611 = arith.constant 0 : index
      %swap3A_612 = tpu.vector_load %arg14[%swap3A, %swap3A_611] {strides = array<i32>} : memref<8x1024xf32, #tpu.memory_space<vmem>>, vector<16xf32>,
      tpu.vector_store %arg14[%swap3A, %swap3A_611], %add3A_610 {strides = array<i32>} : memref<8x1024xf32, #tpu.memory_space<vmem>>, vector<16xf32>,
      %scan3A_613 = arith.constant 0 : i32
      scf.yield %scan3A_613 : i32
    }
    %scan3A_581 = arith.constant 8 : i32
    %add3A_582 = arith.constant 120 : i32
    %add3A_583 = arith.addi %mul3A_2, %add3A_582 : i32
    %dma_start3A_584 = arith.constant 0 : i32
    %dma_start3A_585 = tpu.memref_slice %arg6[%add3A_583, %dma_start3A_584] : memref<4096x1024xf32, #tpu.memory_space<hbm>> -> memref<8x1024xf32, #tpu.memory_space<hbm>>
    %dma_start3A_586 = arith.constant 0 : i32
    %dma_start3A_587 = tpu.memref_slice %arg6[%add3A_583, %dma_start3A_586] : memref<4096x1024xf32, #tpu.memory_space<hbm>> -> memref<8x1024xf32, #tpu.memory_space<hbm>>
    tpu.enqueue_dma source(%arg14 : memref<8x1024xf32, #tpu.memory_space<vmem>>) target(%dma_start3A_587 : memref<8x1024xf32, #tpu.memory_space<hbm>>) target_semaphore(%arg17 : memref<!tpu.dma_semaphore, #tpu.memory_space<semaphore_mem>>)
    %dma_wait3A_588 = arith.constant 0 : i32
    %dma_wait3A_589 = tpu.memref_slice %arg6[%add3A_561, %dma_wait3A_588] : memref<4096x1024xf32, #tpu.memory_space<hbm>> -> memref<8x1024xf32, #tpu.memory_space<hbm>>
    %dma_wait3A_590 = arith.constant 0 : i32
    %dma_wait3A_591 = tpu.memref_slice %arg6[%add3A_561, %dma_wait3A_590] : memref<4096x1024xf32, #tpu.memory_space<hbm>> -> memref<8x1024xf32, #tpu.memory_space<hbm>>
    tpu.wait_dma2 semaphore(%arg17 : memref<!tpu.dma_semaphore, #tpu.memory_space<semaphore_mem>>) src(%arg13 : memref<8x1024xf32, #tpu.memory_space<vmem>>) dst(%dma_wait3A_591 : memref<8x1024xf32, #tpu.memory_space<hbm>>)
    %dma_wait3A_592 = arith.constant 0 : i32
    %dma_wait3A_593 = tpu.memref_slice %arg6[%add3A_583, %dma_wait3A_592] : memref<4096x1024xf32, #tpu.memory_space<hbm>> -> memref<8x1024xf32, #tpu.memory_space<hbm>>
    %dma_wait3A_594 = arith.constant 0 : i32
    %dma_wait3A_595 = tpu.memref_slice %arg6[%add3A_583, %dma_wait3A_594] : memref<4096x1024xf32, #tpu.memory_space<hbm>> -> memref<8x1024xf32, #tpu.memory_space<hbm>>
    tpu.wait_dma2 semaphore(%arg17 : memref<!tpu.dma_semaphore, #tpu.memory_space<semaphore_mem>>) src(%arg14 : memref<8x1024xf32, #tpu.memory_space<vmem>>) dst(%dma_wait3A_595 : memref<8x1024xf32, #tpu.memory_space<hbm>>)
    return
  }
}

#map = affine_map<(d0, d1) -> (0)>
#map1 = affine_map<(d0, d1) -> (0, 0)>
module attributes {stable_mosaic.version = 14 : i64} {
  func.func @_dispatch_body(%arg0: i32, %arg1: i32, %arg2: memref<8192xi32, #tpu.memory_space<hbm>>, %arg3: memref<4096x512xi32, #tpu.memory_space<hbm>>, %arg4: memref<10240x512xi32, #tpu.memory_space<hbm>>, %arg5: memref<8192xi32, #tpu.memory_space<vmem>>, %arg6: memref<10240xi32, #tpu.memory_space<vmem>>, %arg7: memref<64x512xi32, #tpu.memory_space<vmem>>, %arg8: memref<64x512xi32, #tpu.memory_space<vmem>>, %arg9: memref<!tpu.dma_semaphore, #tpu.memory_space<semaphore_mem>>, %arg10: memref<!tpu.dma_semaphore, #tpu.memory_space<semaphore_mem>>) attributes {dimension_semantics = [#tpu.dimension_semantics<core_parallel>, #tpu.dimension_semantics<subcore_parallel>], iteration_bounds = array<i64: 2, 16>, scalar_prefetch = 0 : i64, scratch_operands = 6 : i64, tpu.core_type = #tpu.core_type<sc_vector_subcore>, window_params = [{transform_indices = #map}, {transform_indices = #map1}, {transform_indices = #map1}]} {
    %mul3A = arith.constant 2 : i32
    %mul3A_0 = arith.muli %arg1, %mul3A : i32
    %add3A = arith.addi %mul3A_0, %arg0 : i32
    "tpu.region"() ({
      %run_scoped3A = tpu.sem_alloc : memref<!tpu.dma_semaphore, #tpu.memory_space<semaphore_mem>>
      tpu.enqueue_dma source(%arg2 : memref<8192xi32, #tpu.memory_space<hbm>>) target(%arg5 : memref<8192xi32, #tpu.memory_space<vmem>>) target_semaphore(%run_scoped3A : memref<!tpu.dma_semaphore, #tpu.memory_space<semaphore_mem>>)
      tpu.wait_dma2 semaphore(%run_scoped3A : memref<!tpu.dma_semaphore, #tpu.memory_space<semaphore_mem>>) src(%arg2 : memref<8192xi32, #tpu.memory_space<hbm>>) dst(%arg5 : memref<8192xi32, #tpu.memory_space<vmem>>)
      tpu.yield
    }) : () -> ()
    %scan3A = arith.constant 0 : i32
    %scan3A_1 = arith.constant 0 : i32
    %scan3A_2 = arith.constant 640 : i32
    %scan3A_3 = arith.addi %scan3A_1, %scan3A_2 : i32
    %scan3A_4 = arith.constant 1 : i32
    %scan3A_5 = scf.for %scan3A_107 = %scan3A_1 to %scan3A_3 step %scan3A_4 iter_args(%scan3A_108 = %scan3A) -> (i32)  : i32 {
      %jit3A = arith.constant 512 : i32
      %eq3A = arith.constant 0 : i32
      %eq3A_109 = arith.cmpi eq, %jit3A, %eq3A : i32
      %jit3A_110 = arith.constant 1 : i32
      %select_n3A = arith.select %eq3A_109, %jit3A_110, %jit3A : i32
      %rem3A = arith.remsi %scan3A_107, %select_n3A : i32
      %ne3A = arith.constant 0 : i32
      %ne3A_111 = arith.cmpi ne, %rem3A, %ne3A : i32
      %lt3A = arith.constant 0 : i32
      %lt3A_112 = arith.cmpi slt, %rem3A, %lt3A : i32
      %lt3A_113 = arith.constant 0 : i32
      %lt3A_114 = arith.cmpi slt, %select_n3A, %lt3A_113 : i32
      %ne3A_115 = arith.xori %lt3A_112, %lt3A_114 : i1
      %and3A = arith.andi %ne3A_115, %ne3A_111 : i1
      %add3A_116 = arith.addi %rem3A, %select_n3A : i32
      %select_n3A_117 = arith.select %and3A, %add3A_116, %rem3A : i32
      %mul3A_118 = arith.constant 16 : i32
      %mul3A_119 = arith.muli %select_n3A_117, %mul3A_118 : i32
      %get3A = arith.index_cast %mul3A_119 : i32 to index
      %get3A_120 = tpu.vector_load %arg5[%get3A] {strides = array<i32>} : memref<8192xi32, #tpu.memory_space<vmem>>, vector<16xi32>,
      %shift_right_arithmetic3A = arith.constant 2 : i32
      %shift_right_arithmetic3A_121 = vector.broadcast %shift_right_arithmetic3A : i32 to vector<16xi32>
      %shift_right_arithmetic3A_122 = arith.shrsi %get3A_120, %shift_right_arithmetic3A_121 : vector<16xi32>
      %mul3A_123 = arith.constant 16 : i32
      %mul3A_124 = arith.muli %scan3A_107, %mul3A_123 : i32
      %swap3A = arith.index_cast %mul3A_124 : i32 to index
      %swap3A_125 = tpu.vector_load %arg6[%swap3A] {strides = array<i32>} : memref<10240xi32, #tpu.memory_space<vmem>>, vector<16xi32>,
      tpu.vector_store %arg6[%swap3A], %shift_right_arithmetic3A_122 {strides = array<i32>} : memref<10240xi32, #tpu.memory_space<vmem>>, vector<16xi32>,
      %scan3A_126 = arith.constant 0 : i32
      scf.yield %scan3A_126 : i32
    }
    %scan3A_6 = arith.constant 640 : i32
    %mul3A_7 = arith.constant 320 : i32
    %mul3A_8 = arith.muli %add3A, %mul3A_7 : i32
    %add3A_9 = arith.constant 0 : i32
    %add3A_10 = arith.addi %mul3A_8, %add3A_9 : i32
    %dma_start3A = tpu.memref_slice %arg6[%add3A_10] : memref<10240xi32, #tpu.memory_space<vmem>> -> memref<64xi32, #tpu.memory_space<vmem>>
    %dma_start3A_11 = arith.constant 0 : i32
    %dma_start3A_12 = arith.constant 0 : i32
    %dma_start3A_13 = tpu.memref_slice %arg3[%dma_start3A_11, %dma_start3A_12] : memref<4096x512xi32, #tpu.memory_space<hbm>> -> memref<4096x512xi32, #tpu.memory_space<hbm>>
    tpu.enqueue_indirect_dma source(%dma_start3A_13 : memref<4096x512xi32, #tpu.memory_space<hbm>>) target(%arg7 : memref<64x512xi32, #tpu.memory_space<vmem>>) offsets(%dma_start3A : memref<64xi32, #tpu.memory_space<vmem>>) semaphore(%arg9 : memref<!tpu.dma_semaphore, #tpu.memory_space<semaphore_mem>>)
    %add3A_14 = arith.constant 64 : i32
    %add3A_15 = arith.addi %mul3A_8, %add3A_14 : i32
    %dma_start3A_16 = tpu.memref_slice %arg6[%add3A_15] : memref<10240xi32, #tpu.memory_space<vmem>> -> memref<64xi32, #tpu.memory_space<vmem>>
    %dma_start3A_17 = arith.constant 0 : i32
    %dma_start3A_18 = arith.constant 0 : i32
    %dma_start3A_19 = tpu.memref_slice %arg3[%dma_start3A_17, %dma_start3A_18] : memref<4096x512xi32, #tpu.memory_space<hbm>> -> memref<4096x512xi32, #tpu.memory_space<hbm>>
    tpu.enqueue_indirect_dma source(%dma_start3A_19 : memref<4096x512xi32, #tpu.memory_space<hbm>>) target(%arg8 : memref<64x512xi32, #tpu.memory_space<vmem>>) offsets(%dma_start3A_16 : memref<64xi32, #tpu.memory_space<vmem>>) semaphore(%arg9 : memref<!tpu.dma_semaphore, #tpu.memory_space<semaphore_mem>>)
    %dma_wait3A = tpu.memref_slice %arg6[%add3A_10] : memref<10240xi32, #tpu.memory_space<vmem>> -> memref<64xi32, #tpu.memory_space<vmem>>
    %dma_wait3A_20 = arith.constant 0 : i32
    %dma_wait3A_21 = arith.constant 0 : i32
    %dma_wait3A_22 = tpu.memref_slice %arg3[%dma_wait3A_20, %dma_wait3A_21] : memref<4096x512xi32, #tpu.memory_space<hbm>> -> memref<4096x512xi32, #tpu.memory_space<hbm>>
    tpu.wait_indirect_dma semaphore(%arg9 : memref<!tpu.dma_semaphore, #tpu.memory_space<semaphore_mem>>) src(%dma_wait3A_22 : memref<4096x512xi32, #tpu.memory_space<hbm>>) dst(%arg7 : memref<64x512xi32, #tpu.memory_space<vmem>>)
    %add3A_23 = arith.constant 0 : i32
    %add3A_24 = arith.addi %mul3A_8, %add3A_23 : i32
    %dma_start3A_25 = arith.constant 0 : i32
    %dma_start3A_26 = tpu.memref_slice %arg4[%add3A_24, %dma_start3A_25] : memref<10240x512xi32, #tpu.memory_space<hbm>> -> memref<64x512xi32, #tpu.memory_space<hbm>>
    %dma_start3A_27 = arith.constant 0 : i32
    %dma_start3A_28 = tpu.memref_slice %arg4[%add3A_24, %dma_start3A_27] : memref<10240x512xi32, #tpu.memory_space<hbm>> -> memref<64x512xi32, #tpu.memory_space<hbm>>
    tpu.enqueue_dma source(%arg7 : memref<64x512xi32, #tpu.memory_space<vmem>>) target(%dma_start3A_28 : memref<64x512xi32, #tpu.memory_space<hbm>>) target_semaphore(%arg10 : memref<!tpu.dma_semaphore, #tpu.memory_space<semaphore_mem>>)
    %dma_wait3A_29 = arith.constant 0 : i32
    %dma_wait3A_30 = tpu.memref_slice %arg4[%add3A_24, %dma_wait3A_29] : memref<10240x512xi32, #tpu.memory_space<hbm>> -> memref<64x512xi32, #tpu.memory_space<hbm>>
    %dma_wait3A_31 = arith.constant 0 : i32
    %dma_wait3A_32 = tpu.memref_slice %arg4[%add3A_24, %dma_wait3A_31] : memref<10240x512xi32, #tpu.memory_space<hbm>> -> memref<64x512xi32, #tpu.memory_space<hbm>>
    tpu.wait_dma2 semaphore(%arg10 : memref<!tpu.dma_semaphore, #tpu.memory_space<semaphore_mem>>) src(%arg7 : memref<64x512xi32, #tpu.memory_space<vmem>>) dst(%dma_wait3A_32 : memref<64x512xi32, #tpu.memory_space<hbm>>)
    %add3A_33 = arith.constant 128 : i32
    %add3A_34 = arith.addi %mul3A_8, %add3A_33 : i32
    %dma_start3A_35 = tpu.memref_slice %arg6[%add3A_34] : memref<10240xi32, #tpu.memory_space<vmem>> -> memref<64xi32, #tpu.memory_space<vmem>>
    %dma_start3A_36 = arith.constant 0 : i32
    %dma_start3A_37 = arith.constant 0 : i32
    %dma_start3A_38 = tpu.memref_slice %arg3[%dma_start3A_36, %dma_start3A_37] : memref<4096x512xi32, #tpu.memory_space<hbm>> -> memref<4096x512xi32, #tpu.memory_space<hbm>>
    tpu.enqueue_indirect_dma source(%dma_start3A_38 : memref<4096x512xi32, #tpu.memory_space<hbm>>) target(%arg7 : memref<64x512xi32, #tpu.memory_space<vmem>>) offsets(%dma_start3A_35 : memref<64xi32, #tpu.memory_space<vmem>>) semaphore(%arg9 : memref<!tpu.dma_semaphore, #tpu.memory_space<semaphore_mem>>)
    %dma_wait3A_39 = tpu.memref_slice %arg6[%add3A_15] : memref<10240xi32, #tpu.memory_space<vmem>> -> memref<64xi32, #tpu.memory_space<vmem>>
    %dma_wait3A_40 = arith.constant 0 : i32
    %dma_wait3A_41 = arith.constant 0 : i32
    %dma_wait3A_42 = tpu.memref_slice %arg3[%dma_wait3A_40, %dma_wait3A_41] : memref<4096x512xi32, #tpu.memory_space<hbm>> -> memref<4096x512xi32, #tpu.memory_space<hbm>>
    tpu.wait_indirect_dma semaphore(%arg9 : memref<!tpu.dma_semaphore, #tpu.memory_space<semaphore_mem>>) src(%dma_wait3A_42 : memref<4096x512xi32, #tpu.memory_space<hbm>>) dst(%arg8 : memref<64x512xi32, #tpu.memory_space<vmem>>)
    %add3A_43 = arith.constant 64 : i32
    %add3A_44 = arith.addi %mul3A_8, %add3A_43 : i32
    %dma_start3A_45 = arith.constant 0 : i32
    %dma_start3A_46 = tpu.memref_slice %arg4[%add3A_44, %dma_start3A_45] : memref<10240x512xi32, #tpu.memory_space<hbm>> -> memref<64x512xi32, #tpu.memory_space<hbm>>
    %dma_start3A_47 = arith.constant 0 : i32
    %dma_start3A_48 = tpu.memref_slice %arg4[%add3A_44, %dma_start3A_47] : memref<10240x512xi32, #tpu.memory_space<hbm>> -> memref<64x512xi32, #tpu.memory_space<hbm>>
    tpu.enqueue_dma source(%arg8 : memref<64x512xi32, #tpu.memory_space<vmem>>) target(%dma_start3A_48 : memref<64x512xi32, #tpu.memory_space<hbm>>) target_semaphore(%arg10 : memref<!tpu.dma_semaphore, #tpu.memory_space<semaphore_mem>>)
    %dma_wait3A_49 = arith.constant 0 : i32
    %dma_wait3A_50 = tpu.memref_slice %arg4[%add3A_44, %dma_wait3A_49] : memref<10240x512xi32, #tpu.memory_space<hbm>> -> memref<64x512xi32, #tpu.memory_space<hbm>>
    %dma_wait3A_51 = arith.constant 0 : i32
    %dma_wait3A_52 = tpu.memref_slice %arg4[%add3A_44, %dma_wait3A_51] : memref<10240x512xi32, #tpu.memory_space<hbm>> -> memref<64x512xi32, #tpu.memory_space<hbm>>
    tpu.wait_dma2 semaphore(%arg10 : memref<!tpu.dma_semaphore, #tpu.memory_space<semaphore_mem>>) src(%arg8 : memref<64x512xi32, #tpu.memory_space<vmem>>) dst(%dma_wait3A_52 : memref<64x512xi32, #tpu.memory_space<hbm>>)
    %add3A_53 = arith.constant 192 : i32
    %add3A_54 = arith.addi %mul3A_8, %add3A_53 : i32
    %dma_start3A_55 = tpu.memref_slice %arg6[%add3A_54] : memref<10240xi32, #tpu.memory_space<vmem>> -> memref<64xi32, #tpu.memory_space<vmem>>
    %dma_start3A_56 = arith.constant 0 : i32
    %dma_start3A_57 = arith.constant 0 : i32
    %dma_start3A_58 = tpu.memref_slice %arg3[%dma_start3A_56, %dma_start3A_57] : memref<4096x512xi32, #tpu.memory_space<hbm>> -> memref<4096x512xi32, #tpu.memory_space<hbm>>
    tpu.enqueue_indirect_dma source(%dma_start3A_58 : memref<4096x512xi32, #tpu.memory_space<hbm>>) target(%arg8 : memref<64x512xi32, #tpu.memory_space<vmem>>) offsets(%dma_start3A_55 : memref<64xi32, #tpu.memory_space<vmem>>) semaphore(%arg9 : memref<!tpu.dma_semaphore, #tpu.memory_space<semaphore_mem>>)
    %dma_wait3A_59 = tpu.memref_slice %arg6[%add3A_34] : memref<10240xi32, #tpu.memory_space<vmem>> -> memref<64xi32, #tpu.memory_space<vmem>>
    %dma_wait3A_60 = arith.constant 0 : i32
    %dma_wait3A_61 = arith.constant 0 : i32
    %dma_wait3A_62 = tpu.memref_slice %arg3[%dma_wait3A_60, %dma_wait3A_61] : memref<4096x512xi32, #tpu.memory_space<hbm>> -> memref<4096x512xi32, #tpu.memory_space<hbm>>
    tpu.wait_indirect_dma semaphore(%arg9 : memref<!tpu.dma_semaphore, #tpu.memory_space<semaphore_mem>>) src(%dma_wait3A_62 : memref<4096x512xi32, #tpu.memory_space<hbm>>) dst(%arg7 : memref<64x512xi32, #tpu.memory_space<vmem>>)
    %add3A_63 = arith.constant 128 : i32
    %add3A_64 = arith.addi %mul3A_8, %add3A_63 : i32
    %dma_start3A_65 = arith.constant 0 : i32
    %dma_start3A_66 = tpu.memref_slice %arg4[%add3A_64, %dma_start3A_65] : memref<10240x512xi32, #tpu.memory_space<hbm>> -> memref<64x512xi32, #tpu.memory_space<hbm>>
    %dma_start3A_67 = arith.constant 0 : i32
    %dma_start3A_68 = tpu.memref_slice %arg4[%add3A_64, %dma_start3A_67] : memref<10240x512xi32, #tpu.memory_space<hbm>> -> memref<64x512xi32, #tpu.memory_space<hbm>>
    tpu.enqueue_dma source(%arg7 : memref<64x512xi32, #tpu.memory_space<vmem>>) target(%dma_start3A_68 : memref<64x512xi32, #tpu.memory_space<hbm>>) target_semaphore(%arg10 : memref<!tpu.dma_semaphore, #tpu.memory_space<semaphore_mem>>)
    %dma_wait3A_69 = arith.constant 0 : i32
    %dma_wait3A_70 = tpu.memref_slice %arg4[%add3A_64, %dma_wait3A_69] : memref<10240x512xi32, #tpu.memory_space<hbm>> -> memref<64x512xi32, #tpu.memory_space<hbm>>
    %dma_wait3A_71 = arith.constant 0 : i32
    %dma_wait3A_72 = tpu.memref_slice %arg4[%add3A_64, %dma_wait3A_71] : memref<10240x512xi32, #tpu.memory_space<hbm>> -> memref<64x512xi32, #tpu.memory_space<hbm>>
    tpu.wait_dma2 semaphore(%arg10 : memref<!tpu.dma_semaphore, #tpu.memory_space<semaphore_mem>>) src(%arg7 : memref<64x512xi32, #tpu.memory_space<vmem>>) dst(%dma_wait3A_72 : memref<64x512xi32, #tpu.memory_space<hbm>>)
    %add3A_73 = arith.constant 256 : i32
    %add3A_74 = arith.addi %mul3A_8, %add3A_73 : i32
    %dma_start3A_75 = tpu.memref_slice %arg6[%add3A_74] : memref<10240xi32, #tpu.memory_space<vmem>> -> memref<64xi32, #tpu.memory_space<vmem>>
    %dma_start3A_76 = arith.constant 0 : i32
    %dma_start3A_77 = arith.constant 0 : i32
    %dma_start3A_78 = tpu.memref_slice %arg3[%dma_start3A_76, %dma_start3A_77] : memref<4096x512xi32, #tpu.memory_space<hbm>> -> memref<4096x512xi32, #tpu.memory_space<hbm>>
    tpu.enqueue_indirect_dma source(%dma_start3A_78 : memref<4096x512xi32, #tpu.memory_space<hbm>>) target(%arg7 : memref<64x512xi32, #tpu.memory_space<vmem>>) offsets(%dma_start3A_75 : memref<64xi32, #tpu.memory_space<vmem>>) semaphore(%arg9 : memref<!tpu.dma_semaphore, #tpu.memory_space<semaphore_mem>>)
    %dma_wait3A_79 = tpu.memref_slice %arg6[%add3A_54] : memref<10240xi32, #tpu.memory_space<vmem>> -> memref<64xi32, #tpu.memory_space<vmem>>
    %dma_wait3A_80 = arith.constant 0 : i32
    %dma_wait3A_81 = arith.constant 0 : i32
    %dma_wait3A_82 = tpu.memref_slice %arg3[%dma_wait3A_80, %dma_wait3A_81] : memref<4096x512xi32, #tpu.memory_space<hbm>> -> memref<4096x512xi32, #tpu.memory_space<hbm>>
    tpu.wait_indirect_dma semaphore(%arg9 : memref<!tpu.dma_semaphore, #tpu.memory_space<semaphore_mem>>) src(%dma_wait3A_82 : memref<4096x512xi32, #tpu.memory_space<hbm>>) dst(%arg8 : memref<64x512xi32, #tpu.memory_space<vmem>>)
    %add3A_83 = arith.constant 192 : i32
    %add3A_84 = arith.addi %mul3A_8, %add3A_83 : i32
    %dma_start3A_85 = arith.constant 0 : i32
    %dma_start3A_86 = tpu.memref_slice %arg4[%add3A_84, %dma_start3A_85] : memref<10240x512xi32, #tpu.memory_space<hbm>> -> memref<64x512xi32, #tpu.memory_space<hbm>>
    %dma_start3A_87 = arith.constant 0 : i32
    %dma_start3A_88 = tpu.memref_slice %arg4[%add3A_84, %dma_start3A_87] : memref<10240x512xi32, #tpu.memory_space<hbm>> -> memref<64x512xi32, #tpu.memory_space<hbm>>
    tpu.enqueue_dma source(%arg8 : memref<64x512xi32, #tpu.memory_space<vmem>>) target(%dma_start3A_88 : memref<64x512xi32, #tpu.memory_space<hbm>>) target_semaphore(%arg10 : memref<!tpu.dma_semaphore, #tpu.memory_space<semaphore_mem>>)
    %dma_wait3A_89 = tpu.memref_slice %arg6[%add3A_74] : memref<10240xi32, #tpu.memory_space<vmem>> -> memref<64xi32, #tpu.memory_space<vmem>>
    %dma_wait3A_90 = arith.constant 0 : i32
    %dma_wait3A_91 = arith.constant 0 : i32
    %dma_wait3A_92 = tpu.memref_slice %arg3[%dma_wait3A_90, %dma_wait3A_91] : memref<4096x512xi32, #tpu.memory_space<hbm>> -> memref<4096x512xi32, #tpu.memory_space<hbm>>
    tpu.wait_indirect_dma semaphore(%arg9 : memref<!tpu.dma_semaphore, #tpu.memory_space<semaphore_mem>>) src(%dma_wait3A_92 : memref<4096x512xi32, #tpu.memory_space<hbm>>) dst(%arg7 : memref<64x512xi32, #tpu.memory_space<vmem>>)
    %add3A_93 = arith.constant 256 : i32
    %add3A_94 = arith.addi %mul3A_8, %add3A_93 : i32
    %dma_start3A_95 = arith.constant 0 : i32
    %dma_start3A_96 = tpu.memref_slice %arg4[%add3A_94, %dma_start3A_95] : memref<10240x512xi32, #tpu.memory_space<hbm>> -> memref<64x512xi32, #tpu.memory_space<hbm>>
    %dma_start3A_97 = arith.constant 0 : i32
    %dma_start3A_98 = tpu.memref_slice %arg4[%add3A_94, %dma_start3A_97] : memref<10240x512xi32, #tpu.memory_space<hbm>> -> memref<64x512xi32, #tpu.memory_space<hbm>>
    tpu.enqueue_dma source(%arg7 : memref<64x512xi32, #tpu.memory_space<vmem>>) target(%dma_start3A_98 : memref<64x512xi32, #tpu.memory_space<hbm>>) target_semaphore(%arg10 : memref<!tpu.dma_semaphore, #tpu.memory_space<semaphore_mem>>)
    %dma_wait3A_99 = arith.constant 0 : i32
    %dma_wait3A_100 = tpu.memref_slice %arg4[%add3A_84, %dma_wait3A_99] : memref<10240x512xi32, #tpu.memory_space<hbm>> -> memref<64x512xi32, #tpu.memory_space<hbm>>
    %dma_wait3A_101 = arith.constant 0 : i32
    %dma_wait3A_102 = tpu.memref_slice %arg4[%add3A_84, %dma_wait3A_101] : memref<10240x512xi32, #tpu.memory_space<hbm>> -> memref<64x512xi32, #tpu.memory_space<hbm>>
    tpu.wait_dma2 semaphore(%arg10 : memref<!tpu.dma_semaphore, #tpu.memory_space<semaphore_mem>>) src(%arg8 : memref<64x512xi32, #tpu.memory_space<vmem>>) dst(%dma_wait3A_102 : memref<64x512xi32, #tpu.memory_space<hbm>>)
    %dma_wait3A_103 = arith.constant 0 : i32
    %dma_wait3A_104 = tpu.memref_slice %arg4[%add3A_94, %dma_wait3A_103] : memref<10240x512xi32, #tpu.memory_space<hbm>> -> memref<64x512xi32, #tpu.memory_space<hbm>>
    %dma_wait3A_105 = arith.constant 0 : i32
    %dma_wait3A_106 = tpu.memref_slice %arg4[%add3A_94, %dma_wait3A_105] : memref<10240x512xi32, #tpu.memory_space<hbm>> -> memref<64x512xi32, #tpu.memory_space<hbm>>
    tpu.wait_dma2 semaphore(%arg10 : memref<!tpu.dma_semaphore, #tpu.memory_space<semaphore_mem>>) src(%arg7 : memref<64x512xi32, #tpu.memory_space<vmem>>) dst(%dma_wait3A_106 : memref<64x512xi32, #tpu.memory_space<hbm>>)
    return
  }
}

module attributes {stable_mosaic.version = 14 : i64} {
  func.func @_router_kernel(%arg0: i32, %arg1: memref<4096x1024xf32, #tpu.memory_space<vmem>>, %arg2: memref<1024x8xf32, #tpu.memory_space<vmem>>, %arg3: memref<1x8xf32, #tpu.memory_space<vmem>>, %arg4: memref<4096x2xf32, #tpu.memory_space<vmem>>, %arg5: memref<4096x2xi32, #tpu.memory_space<vmem>>, %arg6: memref<1x128xi32, #tpu.memory_space<vmem>>, %arg7: memref<4096x8xf32, #tpu.memory_space<vmem>>) attributes {dimension_semantics = [#tpu.dimension_semantics<arbitrary>], iteration_bounds = array<i64: 1>, scalar_prefetch = 0 : i64, scratch_operands = 0 : i64, tpu.core_type = #tpu.core_type<tc>, window_params = [{pipeline_mode = #tpu.pipeline_mode<synchronous>, transform_indices = @transform_0, window_bounds = array<i64: 4096, 1024>}, {pipeline_mode = #tpu.pipeline_mode<synchronous>, transform_indices = @transform_1, window_bounds = array<i64: 1024, 8>}, {pipeline_mode = #tpu.pipeline_mode<synchronous>, transform_indices = @transform_2, window_bounds = array<i64: 1, 8>}, {pipeline_mode = #tpu.pipeline_mode<synchronous>, transform_indices = @transform_3, window_bounds = array<i64: 4096, 2>}, {pipeline_mode = #tpu.pipeline_mode<synchronous>, transform_indices = @transform_4, window_bounds = array<i64: 4096, 2>}, {pipeline_mode = #tpu.pipeline_mode<synchronous>, transform_indices = @transform_5, window_bounds = array<i64: 1, 128>}, {pipeline_mode = #tpu.pipeline_mode<synchronous>, transform_indices = @transform_6, window_bounds = array<i64: 4096, 8>}]} {
    %get3A = arith.constant 0 : index
    %get3A_0 = arith.constant 0 : index
    %get3A_1 = vector.load %arg1[%get3A, %get3A_0] : memref<4096x1024xf32, #tpu.memory_space<vmem>>, vector<4096x1024xf32>
    %get3A_2 = arith.constant 0 : index
    %get3A_3 = arith.constant 0 : index
    %get3A_4 = vector.load %arg2[%get3A_2, %get3A_3] : memref<1024x8xf32, #tpu.memory_space<vmem>>, vector<1024x8xf32>
    %dot_general3A = arith.constant dense<0.000000e+00> : vector<4096x8xf32>
    %dot_general3A_5 = tpu.matmul %get3A_1, %get3A_4, %dot_general3A {dimension_numbers = #tpu.dot_dimension_numbers<[1], [0], [0], [1], [0, 0, 1, 1], [], []>, transpose_lhs_hint = false} : vector<4096x1024xf32>, vector<1024x8xf32>, vector<4096x8xf32> -> vector<4096x8xf32>
    %get3A_6 = arith.constant 0 : index
    %get3A_7 = arith.constant 0 : index
    %get3A_8 = vector.load %arg3[%get3A_6, %get3A_7] : memref<1x8xf32, #tpu.memory_space<vmem>>, vector<1x8xf32>
    %add3A = vector.broadcast %get3A_8 : vector<1x8xf32> to vector<4096x8xf32>
    %add3A_9 = arith.addf %dot_general3A_5, %add3A : vector<4096x8xf32>
    %iota3A = tpu.iota {dimensions = array<i32: 1>} : vector<4096x8xi32>
    %reduce_max3A = arith.constant dense<0xFF800000> : vector<4096xf32>
    %reduce_max3A_10 = vector.multi_reduction <maximumf>, %add3A_9, %reduce_max3A [1] : vector<4096x8xf32> to vector<4096xf32>
    %broadcast_in_dim3A = vector.shape_cast %reduce_max3A_10 : vector<4096xf32> to vector<4096x1xf32>
    %eq3A = vector.broadcast %broadcast_in_dim3A : vector<4096x1xf32> to vector<4096x8xf32>
    %eq3A_11 = arith.cmpf oeq, %add3A_9, %eq3A : vector<4096x8xf32>
    %jit3A = arith.constant 8 : i32
    %broadcast_in_dim3A_12 = vector.broadcast %jit3A : i32 to vector<4096x8xi32>
    %select_n3A = arith.select %eq3A_11, %iota3A, %broadcast_in_dim3A_12 : vector<4096x8xi1>, vector<4096x8xi32>
    %reduce_min3A = arith.constant dense<2147483647> : vector<4096xi32>
    %reduce_min3A_13 = vector.multi_reduction <minsi>, %select_n3A, %reduce_min3A [1] : vector<4096x8xi32> to vector<4096xi32>
    %broadcast_in_dim3A_14 = vector.shape_cast %reduce_min3A_13 : vector<4096xi32> to vector<4096x1xi32>
    %eq3A_15 = vector.broadcast %broadcast_in_dim3A_14 : vector<4096x1xi32> to vector<4096x8xi32>
    %eq3A_16 = arith.cmpi eq, %iota3A, %eq3A_15 : vector<4096x8xi32>
    %jit3A_17 = arith.constant 0xFF800000 : f32
    %broadcast_in_dim3A_18 = vector.broadcast %jit3A_17 : f32 to vector<4096x8xf32>
    %select_n3A_19 = arith.select %eq3A_16, %broadcast_in_dim3A_18, %add3A_9 : vector<4096x8xi1>, vector<4096x8xf32>
    %reduce_max3A_20 = arith.constant dense<0xFF800000> : vector<4096xf32>
    %reduce_max3A_21 = vector.multi_reduction <maximumf>, %select_n3A_19, %reduce_max3A_20 [1] : vector<4096x8xf32> to vector<4096xf32>
    %broadcast_in_dim3A_22 = vector.shape_cast %reduce_max3A_21 : vector<4096xf32> to vector<4096x1xf32>
    %eq3A_23 = vector.broadcast %broadcast_in_dim3A_22 : vector<4096x1xf32> to vector<4096x8xf32>
    %eq3A_24 = arith.cmpf oeq, %select_n3A_19, %eq3A_23 : vector<4096x8xf32>
    %jit3A_25 = arith.constant 8 : i32
    %broadcast_in_dim3A_26 = vector.broadcast %jit3A_25 : i32 to vector<4096x8xi32>
    %select_n3A_27 = arith.select %eq3A_24, %iota3A, %broadcast_in_dim3A_26 : vector<4096x8xi1>, vector<4096x8xi32>
    %reduce_min3A_28 = arith.constant dense<2147483647> : vector<4096xi32>
    %reduce_min3A_29 = vector.multi_reduction <minsi>, %select_n3A_27, %reduce_min3A_28 [1] : vector<4096x8xi32> to vector<4096xi32>
    %broadcast_in_dim3A_30 = vector.shape_cast %reduce_min3A_29 : vector<4096xi32> to vector<4096x1xi32>
    %sub3A = arith.subf %broadcast_in_dim3A_22, %broadcast_in_dim3A : vector<4096x1xf32>
    %exp3A = math.exp %sub3A : vector<4096x1xf32>
    %add3A_31 = arith.constant 1.000000e+00 : f32
    %add3A_32 = vector.broadcast %add3A_31 : f32 to vector<4096x1xf32>
    %add3A_33 = arith.addf %add3A_32, %exp3A : vector<4096x1xf32>
    %div3A = arith.constant 1.000000e+00 : f32
    %div3A_34 = vector.broadcast %div3A : f32 to vector<4096x1xf32>
    %div3A_35 = arith.divf %div3A_34, %add3A_33 : vector<4096x1xf32>
    %div3A_36 = arith.divf %exp3A, %add3A_33 : vector<4096x1xf32>
    %concatenate3A = tpu.concatenate %div3A_35, %div3A_36 in 1 : vector<4096x1xf32>, vector<4096x1xf32> -> vector<4096x2xf32>
    %swap3A = arith.constant 0 : index
    %swap3A_37 = arith.constant 0 : index
    %swap3A_38 = vector.load %arg4[%swap3A, %swap3A_37] : memref<4096x2xf32, #tpu.memory_space<vmem>>, vector<4096x2xf32>
    tpu.vector_store %arg4[%swap3A, %swap3A_37], %concatenate3A {strides = array<i32>} : memref<4096x2xf32, #tpu.memory_space<vmem>>, vector<4096x2xf32>,
    %eq3A_39 = vector.broadcast %broadcast_in_dim3A_14 : vector<4096x1xi32> to vector<4096x8xi32>
    %eq3A_40 = arith.cmpi eq, %iota3A, %eq3A_39 : vector<4096x8xi32>
    %jit3A_41 = arith.constant 1.000000e+00 : f32
    %jit3A_42 = arith.constant 0.000000e+00 : f32
    %broadcast_in_dim3A_43 = vector.broadcast %jit3A_41 : f32 to vector<4096x8xf32>
    %broadcast_in_dim3A_44 = vector.broadcast %jit3A_42 : f32 to vector<4096x8xf32>
    %select_n3A_45 = arith.select %eq3A_40, %broadcast_in_dim3A_43, %broadcast_in_dim3A_44 : vector<4096x8xi1>, vector<4096x8xf32>
    %eq3A_46 = vector.broadcast %broadcast_in_dim3A_30 : vector<4096x1xi32> to vector<4096x8xi32>
    %eq3A_47 = arith.cmpi eq, %iota3A, %eq3A_46 : vector<4096x8xi32>
    %jit3A_48 = arith.constant 1.000000e+00 : f32
    %jit3A_49 = arith.constant 0.000000e+00 : f32
    %broadcast_in_dim3A_50 = vector.broadcast %jit3A_48 : f32 to vector<4096x8xf32>
    %broadcast_in_dim3A_51 = vector.broadcast %jit3A_49 : f32 to vector<4096x8xf32>
    %select_n3A_52 = arith.select %eq3A_47, %broadcast_in_dim3A_50, %broadcast_in_dim3A_51 : vector<4096x8xi1>, vector<4096x8xf32>
    %concatenate3A_53 = tpu.concatenate %select_n3A_45, %select_n3A_52 in 1 : vector<4096x8xf32>, vector<4096x8xf32> -> vector<4096x16xf32>
    %iota3A_54 = tpu.iota {dimensions = array<i32: 0>} : vector<128x128xi32>
    %iota3A_55 = tpu.iota {dimensions = array<i32: 1>} : vector<128x128xi32>
    %ge3A = arith.cmpi sge, %iota3A_54, %iota3A_55 : vector<128x128xi32>
    %jit3A_56 = arith.constant 1.000000e+00 : f32
    %jit3A_57 = arith.constant 0.000000e+00 : f32
    %broadcast_in_dim3A_58 = vector.broadcast %jit3A_56 : f32 to vector<128x128xf32>
    %broadcast_in_dim3A_59 = vector.broadcast %jit3A_57 : f32 to vector<128x128xf32>
    %select_n3A_60 = arith.select %ge3A, %broadcast_in_dim3A_58, %broadcast_in_dim3A_59 : vector<128x128xi1>, vector<128x128xf32>
    %slice3A = vector.extract_strided_slice %concatenate3A_53 {offsets = [0, 0], sizes = [128, 16], strides = [1, 1]} : vector<4096x16xf32> to vector<128x16xf32>
    %dot_general3A_61 = arith.constant dense<0.000000e+00> : vector<128x16xf32>
    %dot_general3A_62 = tpu.matmul %select_n3A_60, %slice3A, %dot_general3A_61 {dimension_numbers = #tpu.dot_dimension_numbers<[1], [0], [0], [1], [0, 0, 1, 1], [], []>, transpose_lhs_hint = false} : vector<128x128xf32>, vector<128x16xf32>, vector<128x16xf32> -> vector<128x16xf32>
    %slice3A_63 = vector.extract_strided_slice %dot_general3A_62 {offsets = [127, 0], sizes = [1, 16], strides = [1, 1]} : vector<128x16xf32> to vector<1x16xf32>
    %slice3A_64 = vector.extract_strided_slice %concatenate3A_53 {offsets = [128, 0], sizes = [128, 16], strides = [1, 1]} : vector<4096x16xf32> to vector<128x16xf32>
    %dot_general3A_65 = arith.constant dense<0.000000e+00> : vector<128x16xf32>
    %dot_general3A_66 = tpu.matmul %select_n3A_60, %slice3A_64, %dot_general3A_65 {dimension_numbers = #tpu.dot_dimension_numbers<[1], [0], [0], [1], [0, 0, 1, 1], [], []>, transpose_lhs_hint = false} : vector<128x128xf32>, vector<128x16xf32>, vector<128x16xf32> -> vector<128x16xf32>
    %slice3A_67 = vector.extract_strided_slice %dot_general3A_66 {offsets = [127, 0], sizes = [1, 16], strides = [1, 1]} : vector<128x16xf32> to vector<1x16xf32>
    %slice3A_68 = vector.extract_strided_slice %concatenate3A_53 {offsets = [256, 0], sizes = [128, 16], strides = [1, 1]} : vector<4096x16xf32> to vector<128x16xf32>
    %dot_general3A_69 = arith.constant dense<0.000000e+00> : vector<128x16xf32>
    %dot_general3A_70 = tpu.matmul %select_n3A_60, %slice3A_68, %dot_general3A_69 {dimension_numbers = #tpu.dot_dimension_numbers<[1], [0], [0], [1], [0, 0, 1, 1], [], []>, transpose_lhs_hint = false} : vector<128x128xf32>, vector<128x16xf32>, vector<128x16xf32> -> vector<128x16xf32>
    %slice3A_71 = vector.extract_strided_slice %dot_general3A_70 {offsets = [127, 0], sizes = [1, 16], strides = [1, 1]} : vector<128x16xf32> to vector<1x16xf32>
    %slice3A_72 = vector.extract_strided_slice %concatenate3A_53 {offsets = [384, 0], sizes = [128, 16], strides = [1, 1]} : vector<4096x16xf32> to vector<128x16xf32>
    %dot_general3A_73 = arith.constant dense<0.000000e+00> : vector<128x16xf32>
    %dot_general3A_74 = tpu.matmul %select_n3A_60, %slice3A_72, %dot_general3A_73 {dimension_numbers = #tpu.dot_dimension_numbers<[1], [0], [0], [1], [0, 0, 1, 1], [], []>, transpose_lhs_hint = false} : vector<128x128xf32>, vector<128x16xf32>, vector<128x16xf32> -> vector<128x16xf32>
    %slice3A_75 = vector.extract_strided_slice %dot_general3A_74 {offsets = [127, 0], sizes = [1, 16], strides = [1, 1]} : vector<128x16xf32> to vector<1x16xf32>
    %slice3A_76 = vector.extract_strided_slice %concatenate3A_53 {offsets = [512, 0], sizes = [128, 16], strides = [1, 1]} : vector<4096x16xf32> to vector<128x16xf32>
    %dot_general3A_77 = arith.constant dense<0.000000e+00> : vector<128x16xf32>
    %dot_general3A_78 = tpu.matmul %select_n3A_60, %slice3A_76, %dot_general3A_77 {dimension_numbers = #tpu.dot_dimension_numbers<[1], [0], [0], [1], [0, 0, 1, 1], [], []>, transpose_lhs_hint = false} : vector<128x128xf32>, vector<128x16xf32>, vector<128x16xf32> -> vector<128x16xf32>
    %slice3A_79 = vector.extract_strided_slice %dot_general3A_78 {offsets = [127, 0], sizes = [1, 16], strides = [1, 1]} : vector<128x16xf32> to vector<1x16xf32>
    %slice3A_80 = vector.extract_strided_slice %concatenate3A_53 {offsets = [640, 0], sizes = [128, 16], strides = [1, 1]} : vector<4096x16xf32> to vector<128x16xf32>
    %dot_general3A_81 = arith.constant dense<0.000000e+00> : vector<128x16xf32>
    %dot_general3A_82 = tpu.matmul %select_n3A_60, %slice3A_80, %dot_general3A_81 {dimension_numbers = #tpu.dot_dimension_numbers<[1], [0], [0], [1], [0, 0, 1, 1], [], []>, transpose_lhs_hint = false} : vector<128x128xf32>, vector<128x16xf32>, vector<128x16xf32> -> vector<128x16xf32>
    %slice3A_83 = vector.extract_strided_slice %dot_general3A_82 {offsets = [127, 0], sizes = [1, 16], strides = [1, 1]} : vector<128x16xf32> to vector<1x16xf32>
    %slice3A_84 = vector.extract_strided_slice %concatenate3A_53 {offsets = [768, 0], sizes = [128, 16], strides = [1, 1]} : vector<4096x16xf32> to vector<128x16xf32>
    %dot_general3A_85 = arith.constant dense<0.000000e+00> : vector<128x16xf32>
    %dot_general3A_86 = tpu.matmul %select_n3A_60, %slice3A_84, %dot_general3A_85 {dimension_numbers = #tpu.dot_dimension_numbers<[1], [0], [0], [1], [0, 0, 1, 1], [], []>, transpose_lhs_hint = false} : vector<128x128xf32>, vector<128x16xf32>, vector<128x16xf32> -> vector<128x16xf32>
    %slice3A_87 = vector.extract_strided_slice %dot_general3A_86 {offsets = [127, 0], sizes = [1, 16], strides = [1, 1]} : vector<128x16xf32> to vector<1x16xf32>
    %slice3A_88 = vector.extract_strided_slice %concatenate3A_53 {offsets = [896, 0], sizes = [128, 16], strides = [1, 1]} : vector<4096x16xf32> to vector<128x16xf32>
    %dot_general3A_89 = arith.constant dense<0.000000e+00> : vector<128x16xf32>
    %dot_general3A_90 = tpu.matmul %select_n3A_60, %slice3A_88, %dot_general3A_89 {dimension_numbers = #tpu.dot_dimension_numbers<[1], [0], [0], [1], [0, 0, 1, 1], [], []>, transpose_lhs_hint = false} : vector<128x128xf32>, vector<128x16xf32>, vector<128x16xf32> -> vector<128x16xf32>
    %slice3A_91 = vector.extract_strided_slice %dot_general3A_90 {offsets = [127, 0], sizes = [1, 16], strides = [1, 1]} : vector<128x16xf32> to vector<1x16xf32>
    %slice3A_92 = vector.extract_strided_slice %concatenate3A_53 {offsets = [1024, 0], sizes = [128, 16], strides = [1, 1]} : vector<4096x16xf32> to vector<128x16xf32>
    %dot_general3A_93 = arith.constant dense<0.000000e+00> : vector<128x16xf32>
    %dot_general3A_94 = tpu.matmul %select_n3A_60, %slice3A_92, %dot_general3A_93 {dimension_numbers = #tpu.dot_dimension_numbers<[1], [0], [0], [1], [0, 0, 1, 1], [], []>, transpose_lhs_hint = false} : vector<128x128xf32>, vector<128x16xf32>, vector<128x16xf32> -> vector<128x16xf32>
    %slice3A_95 = vector.extract_strided_slice %dot_general3A_94 {offsets = [127, 0], sizes = [1, 16], strides = [1, 1]} : vector<128x16xf32> to vector<1x16xf32>
    %slice3A_96 = vector.extract_strided_slice %concatenate3A_53 {offsets = [1152, 0], sizes = [128, 16], strides = [1, 1]} : vector<4096x16xf32> to vector<128x16xf32>
    %dot_general3A_97 = arith.constant dense<0.000000e+00> : vector<128x16xf32>
    %dot_general3A_98 = tpu.matmul %select_n3A_60, %slice3A_96, %dot_general3A_97 {dimension_numbers = #tpu.dot_dimension_numbers<[1], [0], [0], [1], [0, 0, 1, 1], [], []>, transpose_lhs_hint = false} : vector<128x128xf32>, vector<128x16xf32>, vector<128x16xf32> -> vector<128x16xf32>
    %slice3A_99 = vector.extract_strided_slice %dot_general3A_98 {offsets = [127, 0], sizes = [1, 16], strides = [1, 1]} : vector<128x16xf32> to vector<1x16xf32>
    %slice3A_100 = vector.extract_strided_slice %concatenate3A_53 {offsets = [1280, 0], sizes = [128, 16], strides = [1, 1]} : vector<4096x16xf32> to vector<128x16xf32>
    %dot_general3A_101 = arith.constant dense<0.000000e+00> : vector<128x16xf32>
    %dot_general3A_102 = tpu.matmul %select_n3A_60, %slice3A_100, %dot_general3A_101 {dimension_numbers = #tpu.dot_dimension_numbers<[1], [0], [0], [1], [0, 0, 1, 1], [], []>, transpose_lhs_hint = false} : vector<128x128xf32>, vector<128x16xf32>, vector<128x16xf32> -> vector<128x16xf32>
    %slice3A_103 = vector.extract_strided_slice %dot_general3A_102 {offsets = [127, 0], sizes = [1, 16], strides = [1, 1]} : vector<128x16xf32> to vector<1x16xf32>
    %slice3A_104 = vector.extract_strided_slice %concatenate3A_53 {offsets = [1408, 0], sizes = [128, 16], strides = [1, 1]} : vector<4096x16xf32> to vector<128x16xf32>
    %dot_general3A_105 = arith.constant dense<0.000000e+00> : vector<128x16xf32>
    %dot_general3A_106 = tpu.matmul %select_n3A_60, %slice3A_104, %dot_general3A_105 {dimension_numbers = #tpu.dot_dimension_numbers<[1], [0], [0], [1], [0, 0, 1, 1], [], []>, transpose_lhs_hint = false} : vector<128x128xf32>, vector<128x16xf32>, vector<128x16xf32> -> vector<128x16xf32>
    %slice3A_107 = vector.extract_strided_slice %dot_general3A_106 {offsets = [127, 0], sizes = [1, 16], strides = [1, 1]} : vector<128x16xf32> to vector<1x16xf32>
    %slice3A_108 = vector.extract_strided_slice %concatenate3A_53 {offsets = [1536, 0], sizes = [128, 16], strides = [1, 1]} : vector<4096x16xf32> to vector<128x16xf32>
    %dot_general3A_109 = arith.constant dense<0.000000e+00> : vector<128x16xf32>
    %dot_general3A_110 = tpu.matmul %select_n3A_60, %slice3A_108, %dot_general3A_109 {dimension_numbers = #tpu.dot_dimension_numbers<[1], [0], [0], [1], [0, 0, 1, 1], [], []>, transpose_lhs_hint = false} : vector<128x128xf32>, vector<128x16xf32>, vector<128x16xf32> -> vector<128x16xf32>
    %slice3A_111 = vector.extract_strided_slice %dot_general3A_110 {offsets = [127, 0], sizes = [1, 16], strides = [1, 1]} : vector<128x16xf32> to vector<1x16xf32>
    %slice3A_112 = vector.extract_strided_slice %concatenate3A_53 {offsets = [1664, 0], sizes = [128, 16], strides = [1, 1]} : vector<4096x16xf32> to vector<128x16xf32>
    %dot_general3A_113 = arith.constant dense<0.000000e+00> : vector<128x16xf32>
    %dot_general3A_114 = tpu.matmul %select_n3A_60, %slice3A_112, %dot_general3A_113 {dimension_numbers = #tpu.dot_dimension_numbers<[1], [0], [0], [1], [0, 0, 1, 1], [], []>, transpose_lhs_hint = false} : vector<128x128xf32>, vector<128x16xf32>, vector<128x16xf32> -> vector<128x16xf32>
    %slice3A_115 = vector.extract_strided_slice %dot_general3A_114 {offsets = [127, 0], sizes = [1, 16], strides = [1, 1]} : vector<128x16xf32> to vector<1x16xf32>
    %slice3A_116 = vector.extract_strided_slice %concatenate3A_53 {offsets = [1792, 0], sizes = [128, 16], strides = [1, 1]} : vector<4096x16xf32> to vector<128x16xf32>
    %dot_general3A_117 = arith.constant dense<0.000000e+00> : vector<128x16xf32>
    %dot_general3A_118 = tpu.matmul %select_n3A_60, %slice3A_116, %dot_general3A_117 {dimension_numbers = #tpu.dot_dimension_numbers<[1], [0], [0], [1], [0, 0, 1, 1], [], []>, transpose_lhs_hint = false} : vector<128x128xf32>, vector<128x16xf32>, vector<128x16xf32> -> vector<128x16xf32>
    %slice3A_119 = vector.extract_strided_slice %dot_general3A_118 {offsets = [127, 0], sizes = [1, 16], strides = [1, 1]} : vector<128x16xf32> to vector<1x16xf32>
    %slice3A_120 = vector.extract_strided_slice %concatenate3A_53 {offsets = [1920, 0], sizes = [128, 16], strides = [1, 1]} : vector<4096x16xf32> to vector<128x16xf32>
    %dot_general3A_121 = arith.constant dense<0.000000e+00> : vector<128x16xf32>
    %dot_general3A_122 = tpu.matmul %select_n3A_60, %slice3A_120, %dot_general3A_121 {dimension_numbers = #tpu.dot_dimension_numbers<[1], [0], [0], [1], [0, 0, 1, 1], [], []>, transpose_lhs_hint = false} : vector<128x128xf32>, vector<128x16xf32>, vector<128x16xf32> -> vector<128x16xf32>
    %slice3A_123 = vector.extract_strided_slice %dot_general3A_122 {offsets = [127, 0], sizes = [1, 16], strides = [1, 1]} : vector<128x16xf32> to vector<1x16xf32>
    %slice3A_124 = vector.extract_strided_slice %concatenate3A_53 {offsets = [2048, 0], sizes = [128, 16], strides = [1, 1]} : vector<4096x16xf32> to vector<128x16xf32>
    %dot_general3A_125 = arith.constant dense<0.000000e+00> : vector<128x16xf32>
    %dot_general3A_126 = tpu.matmul %select_n3A_60, %slice3A_124, %dot_general3A_125 {dimension_numbers = #tpu.dot_dimension_numbers<[1], [0], [0], [1], [0, 0, 1, 1], [], []>, transpose_lhs_hint = false} : vector<128x128xf32>, vector<128x16xf32>, vector<128x16xf32> -> vector<128x16xf32>
    %slice3A_127 = vector.extract_strided_slice %dot_general3A_126 {offsets = [127, 0], sizes = [1, 16], strides = [1, 1]} : vector<128x16xf32> to vector<1x16xf32>
    %slice3A_128 = vector.extract_strided_slice %concatenate3A_53 {offsets = [2176, 0], sizes = [128, 16], strides = [1, 1]} : vector<4096x16xf32> to vector<128x16xf32>
    %dot_general3A_129 = arith.constant dense<0.000000e+00> : vector<128x16xf32>
    %dot_general3A_130 = tpu.matmul %select_n3A_60, %slice3A_128, %dot_general3A_129 {dimension_numbers = #tpu.dot_dimension_numbers<[1], [0], [0], [1], [0, 0, 1, 1], [], []>, transpose_lhs_hint = false} : vector<128x128xf32>, vector<128x16xf32>, vector<128x16xf32> -> vector<128x16xf32>
    %slice3A_131 = vector.extract_strided_slice %dot_general3A_130 {offsets = [127, 0], sizes = [1, 16], strides = [1, 1]} : vector<128x16xf32> to vector<1x16xf32>
    %slice3A_132 = vector.extract_strided_slice %concatenate3A_53 {offsets = [2304, 0], sizes = [128, 16], strides = [1, 1]} : vector<4096x16xf32> to vector<128x16xf32>
    %dot_general3A_133 = arith.constant dense<0.000000e+00> : vector<128x16xf32>
    %dot_general3A_134 = tpu.matmul %select_n3A_60, %slice3A_132, %dot_general3A_133 {dimension_numbers = #tpu.dot_dimension_numbers<[1], [0], [0], [1], [0, 0, 1, 1], [], []>, transpose_lhs_hint = false} : vector<128x128xf32>, vector<128x16xf32>, vector<128x16xf32> -> vector<128x16xf32>
    %slice3A_135 = vector.extract_strided_slice %dot_general3A_134 {offsets = [127, 0], sizes = [1, 16], strides = [1, 1]} : vector<128x16xf32> to vector<1x16xf32>
    %slice3A_136 = vector.extract_strided_slice %concatenate3A_53 {offsets = [2432, 0], sizes = [128, 16], strides = [1, 1]} : vector<4096x16xf32> to vector<128x16xf32>
    %dot_general3A_137 = arith.constant dense<0.000000e+00> : vector<128x16xf32>
    %dot_general3A_138 = tpu.matmul %select_n3A_60, %slice3A_136, %dot_general3A_137 {dimension_numbers = #tpu.dot_dimension_numbers<[1], [0], [0], [1], [0, 0, 1, 1], [], []>, transpose_lhs_hint = false} : vector<128x128xf32>, vector<128x16xf32>, vector<128x16xf32> -> vector<128x16xf32>
    %slice3A_139 = vector.extract_strided_slice %dot_general3A_138 {offsets = [127, 0], sizes = [1, 16], strides = [1, 1]} : vector<128x16xf32> to vector<1x16xf32>
    %slice3A_140 = vector.extract_strided_slice %concatenate3A_53 {offsets = [2560, 0], sizes = [128, 16], strides = [1, 1]} : vector<4096x16xf32> to vector<128x16xf32>
    %dot_general3A_141 = arith.constant dense<0.000000e+00> : vector<128x16xf32>
    %dot_general3A_142 = tpu.matmul %select_n3A_60, %slice3A_140, %dot_general3A_141 {dimension_numbers = #tpu.dot_dimension_numbers<[1], [0], [0], [1], [0, 0, 1, 1], [], []>, transpose_lhs_hint = false} : vector<128x128xf32>, vector<128x16xf32>, vector<128x16xf32> -> vector<128x16xf32>
    %slice3A_143 = vector.extract_strided_slice %dot_general3A_142 {offsets = [127, 0], sizes = [1, 16], strides = [1, 1]} : vector<128x16xf32> to vector<1x16xf32>
    %slice3A_144 = vector.extract_strided_slice %concatenate3A_53 {offsets = [2688, 0], sizes = [128, 16], strides = [1, 1]} : vector<4096x16xf32> to vector<128x16xf32>
    %dot_general3A_145 = arith.constant dense<0.000000e+00> : vector<128x16xf32>
    %dot_general3A_146 = tpu.matmul %select_n3A_60, %slice3A_144, %dot_general3A_145 {dimension_numbers = #tpu.dot_dimension_numbers<[1], [0], [0], [1], [0, 0, 1, 1], [], []>, transpose_lhs_hint = false} : vector<128x128xf32>, vector<128x16xf32>, vector<128x16xf32> -> vector<128x16xf32>
    %slice3A_147 = vector.extract_strided_slice %dot_general3A_146 {offsets = [127, 0], sizes = [1, 16], strides = [1, 1]} : vector<128x16xf32> to vector<1x16xf32>
    %slice3A_148 = vector.extract_strided_slice %concatenate3A_53 {offsets = [2816, 0], sizes = [128, 16], strides = [1, 1]} : vector<4096x16xf32> to vector<128x16xf32>
    %dot_general3A_149 = arith.constant dense<0.000000e+00> : vector<128x16xf32>
    %dot_general3A_150 = tpu.matmul %select_n3A_60, %slice3A_148, %dot_general3A_149 {dimension_numbers = #tpu.dot_dimension_numbers<[1], [0], [0], [1], [0, 0, 1, 1], [], []>, transpose_lhs_hint = false} : vector<128x128xf32>, vector<128x16xf32>, vector<128x16xf32> -> vector<128x16xf32>
    %slice3A_151 = vector.extract_strided_slice %dot_general3A_150 {offsets = [127, 0], sizes = [1, 16], strides = [1, 1]} : vector<128x16xf32> to vector<1x16xf32>
    %slice3A_152 = vector.extract_strided_slice %concatenate3A_53 {offsets = [2944, 0], sizes = [128, 16], strides = [1, 1]} : vector<4096x16xf32> to vector<128x16xf32>
    %dot_general3A_153 = arith.constant dense<0.000000e+00> : vector<128x16xf32>
    %dot_general3A_154 = tpu.matmul %select_n3A_60, %slice3A_152, %dot_general3A_153 {dimension_numbers = #tpu.dot_dimension_numbers<[1], [0], [0], [1], [0, 0, 1, 1], [], []>, transpose_lhs_hint = false} : vector<128x128xf32>, vector<128x16xf32>, vector<128x16xf32> -> vector<128x16xf32>
    %slice3A_155 = vector.extract_strided_slice %dot_general3A_154 {offsets = [127, 0], sizes = [1, 16], strides = [1, 1]} : vector<128x16xf32> to vector<1x16xf32>
    %slice3A_156 = vector.extract_strided_slice %concatenate3A_53 {offsets = [3072, 0], sizes = [128, 16], strides = [1, 1]} : vector<4096x16xf32> to vector<128x16xf32>
    %dot_general3A_157 = arith.constant dense<0.000000e+00> : vector<128x16xf32>
    %dot_general3A_158 = tpu.matmul %select_n3A_60, %slice3A_156, %dot_general3A_157 {dimension_numbers = #tpu.dot_dimension_numbers<[1], [0], [0], [1], [0, 0, 1, 1], [], []>, transpose_lhs_hint = false} : vector<128x128xf32>, vector<128x16xf32>, vector<128x16xf32> -> vector<128x16xf32>
    %slice3A_159 = vector.extract_strided_slice %dot_general3A_158 {offsets = [127, 0], sizes = [1, 16], strides = [1, 1]} : vector<128x16xf32> to vector<1x16xf32>
    %slice3A_160 = vector.extract_strided_slice %concatenate3A_53 {offsets = [3200, 0], sizes = [128, 16], strides = [1, 1]} : vector<4096x16xf32> to vector<128x16xf32>
    %dot_general3A_161 = arith.constant dense<0.000000e+00> : vector<128x16xf32>
    %dot_general3A_162 = tpu.matmul %select_n3A_60, %slice3A_160, %dot_general3A_161 {dimension_numbers = #tpu.dot_dimension_numbers<[1], [0], [0], [1], [0, 0, 1, 1], [], []>, transpose_lhs_hint = false} : vector<128x128xf32>, vector<128x16xf32>, vector<128x16xf32> -> vector<128x16xf32>
    %slice3A_163 = vector.extract_strided_slice %dot_general3A_162 {offsets = [127, 0], sizes = [1, 16], strides = [1, 1]} : vector<128x16xf32> to vector<1x16xf32>
    %slice3A_164 = vector.extract_strided_slice %concatenate3A_53 {offsets = [3328, 0], sizes = [128, 16], strides = [1, 1]} : vector<4096x16xf32> to vector<128x16xf32>
    %dot_general3A_165 = arith.constant dense<0.000000e+00> : vector<128x16xf32>
    %dot_general3A_166 = tpu.matmul %select_n3A_60, %slice3A_164, %dot_general3A_165 {dimension_numbers = #tpu.dot_dimension_numbers<[1], [0], [0], [1], [0, 0, 1, 1], [], []>, transpose_lhs_hint = false} : vector<128x128xf32>, vector<128x16xf32>, vector<128x16xf32> -> vector<128x16xf32>
    %slice3A_167 = vector.extract_strided_slice %dot_general3A_166 {offsets = [127, 0], sizes = [1, 16], strides = [1, 1]} : vector<128x16xf32> to vector<1x16xf32>
    %slice3A_168 = vector.extract_strided_slice %concatenate3A_53 {offsets = [3456, 0], sizes = [128, 16], strides = [1, 1]} : vector<4096x16xf32> to vector<128x16xf32>
    %dot_general3A_169 = arith.constant dense<0.000000e+00> : vector<128x16xf32>
    %dot_general3A_170 = tpu.matmul %select_n3A_60, %slice3A_168, %dot_general3A_169 {dimension_numbers = #tpu.dot_dimension_numbers<[1], [0], [0], [1], [0, 0, 1, 1], [], []>, transpose_lhs_hint = false} : vector<128x128xf32>, vector<128x16xf32>, vector<128x16xf32> -> vector<128x16xf32>
    %slice3A_171 = vector.extract_strided_slice %dot_general3A_170 {offsets = [127, 0], sizes = [1, 16], strides = [1, 1]} : vector<128x16xf32> to vector<1x16xf32>
    %slice3A_172 = vector.extract_strided_slice %concatenate3A_53 {offsets = [3584, 0], sizes = [128, 16], strides = [1, 1]} : vector<4096x16xf32> to vector<128x16xf32>
    %dot_general3A_173 = arith.constant dense<0.000000e+00> : vector<128x16xf32>
    %dot_general3A_174 = tpu.matmul %select_n3A_60, %slice3A_172, %dot_general3A_173 {dimension_numbers = #tpu.dot_dimension_numbers<[1], [0], [0], [1], [0, 0, 1, 1], [], []>, transpose_lhs_hint = false} : vector<128x128xf32>, vector<128x16xf32>, vector<128x16xf32> -> vector<128x16xf32>
    %slice3A_175 = vector.extract_strided_slice %dot_general3A_174 {offsets = [127, 0], sizes = [1, 16], strides = [1, 1]} : vector<128x16xf32> to vector<1x16xf32>
    %slice3A_176 = vector.extract_strided_slice %concatenate3A_53 {offsets = [3712, 0], sizes = [128, 16], strides = [1, 1]} : vector<4096x16xf32> to vector<128x16xf32>
    %dot_general3A_177 = arith.constant dense<0.000000e+00> : vector<128x16xf32>
    %dot_general3A_178 = tpu.matmul %select_n3A_60, %slice3A_176, %dot_general3A_177 {dimension_numbers = #tpu.dot_dimension_numbers<[1], [0], [0], [1], [0, 0, 1, 1], [], []>, transpose_lhs_hint = false} : vector<128x128xf32>, vector<128x16xf32>, vector<128x16xf32> -> vector<128x16xf32>
    %slice3A_179 = vector.extract_strided_slice %dot_general3A_178 {offsets = [127, 0], sizes = [1, 16], strides = [1, 1]} : vector<128x16xf32> to vector<1x16xf32>
    %slice3A_180 = vector.extract_strided_slice %concatenate3A_53 {offsets = [3840, 0], sizes = [128, 16], strides = [1, 1]} : vector<4096x16xf32> to vector<128x16xf32>
    %dot_general3A_181 = arith.constant dense<0.000000e+00> : vector<128x16xf32>
    %dot_general3A_182 = tpu.matmul %select_n3A_60, %slice3A_180, %dot_general3A_181 {dimension_numbers = #tpu.dot_dimension_numbers<[1], [0], [0], [1], [0, 0, 1, 1], [], []>, transpose_lhs_hint = false} : vector<128x128xf32>, vector<128x16xf32>, vector<128x16xf32> -> vector<128x16xf32>
    %slice3A_183 = vector.extract_strided_slice %dot_general3A_182 {offsets = [127, 0], sizes = [1, 16], strides = [1, 1]} : vector<128x16xf32> to vector<1x16xf32>
    %slice3A_184 = vector.extract_strided_slice %concatenate3A_53 {offsets = [3968, 0], sizes = [128, 16], strides = [1, 1]} : vector<4096x16xf32> to vector<128x16xf32>
    %dot_general3A_185 = arith.constant dense<0.000000e+00> : vector<128x16xf32>
    %dot_general3A_186 = tpu.matmul %select_n3A_60, %slice3A_184, %dot_general3A_185 {dimension_numbers = #tpu.dot_dimension_numbers<[1], [0], [0], [1], [0, 0, 1, 1], [], []>, transpose_lhs_hint = false} : vector<128x128xf32>, vector<128x16xf32>, vector<128x16xf32> -> vector<128x16xf32>
    %slice3A_187 = vector.extract_strided_slice %dot_general3A_186 {offsets = [127, 0], sizes = [1, 16], strides = [1, 1]} : vector<128x16xf32> to vector<1x16xf32>
    %concatenate3A_188 = tpu.concatenate %slice3A_63, %slice3A_67, %slice3A_71, %slice3A_75, %slice3A_79, %slice3A_83, %slice3A_87, %slice3A_91, %slice3A_95, %slice3A_99, %slice3A_103, %slice3A_107, %slice3A_111, %slice3A_115, %slice3A_119, %slice3A_123, %slice3A_127, %slice3A_131, %slice3A_135, %slice3A_139, %slice3A_143, %slice3A_147, %slice3A_151, %slice3A_155, %slice3A_159, %slice3A_163, %slice3A_167, %slice3A_171, %slice3A_175, %slice3A_179, %slice3A_183, %slice3A_187 in 0 : vector<1x16xf32>, vector<1x16xf32>, vector<1x16xf32>, vector<1x16xf32>, vector<1x16xf32>, vector<1x16xf32>, vector<1x16xf32>, vector<1x16xf32>, vector<1x16xf32>, vector<1x16xf32>, vector<1x16xf32>, vector<1x16xf32>, vector<1x16xf32>, vector<1x16xf32>, vector<1x16xf32>, vector<1x16xf32>, vector<1x16xf32>, vector<1x16xf32>, vector<1x16xf32>, vector<1x16xf32>, vector<1x16xf32>, vector<1x16xf32>, vector<1x16xf32>, vector<1x16xf32>, vector<1x16xf32>, vector<1x16xf32>, vector<1x16xf32>, vector<1x16xf32>, vector<1x16xf32>, vector<1x16xf32>, vector<1x16xf32>, vector<1x16xf32> -> vector<32x16xf32>
    %iota3A_189 = tpu.iota {dimensions = array<i32: 0>} : vector<32x32xi32>
    %iota3A_190 = tpu.iota {dimensions = array<i32: 1>} : vector<32x32xi32>
    %gt3A = arith.cmpi sgt, %iota3A_189, %iota3A_190 : vector<32x32xi32>
    %jit3A_191 = arith.constant 1.000000e+00 : f32
    %jit3A_192 = arith.constant 0.000000e+00 : f32
    %broadcast_in_dim3A_193 = vector.broadcast %jit3A_191 : f32 to vector<32x32xf32>
    %broadcast_in_dim3A_194 = vector.broadcast %jit3A_192 : f32 to vector<32x32xf32>
    %select_n3A_195 = arith.select %gt3A, %broadcast_in_dim3A_193, %broadcast_in_dim3A_194 : vector<32x32xi1>, vector<32x32xf32>
    %dot_general3A_196 = arith.constant dense<0.000000e+00> : vector<32x16xf32>
    %dot_general3A_197 = tpu.matmul %select_n3A_195, %concatenate3A_188, %dot_general3A_196 {dimension_numbers = #tpu.dot_dimension_numbers<[1], [0], [0], [1], [0, 0, 1, 1], [], []>, transpose_lhs_hint = false} : vector<32x32xf32>, vector<32x16xf32>, vector<32x16xf32> -> vector<32x16xf32>
    %slice3A_198 = vector.extract_strided_slice %dot_general3A_197 {offsets = [0, 0], sizes = [1, 16], strides = [1, 1]} : vector<32x16xf32> to vector<1x16xf32>
    %add3A_199 = vector.broadcast %slice3A_198 : vector<1x16xf32> to vector<128x16xf32>
    %add3A_200 = arith.addf %dot_general3A_62, %add3A_199 : vector<128x16xf32>
    %slice3A_201 = vector.extract_strided_slice %dot_general3A_197 {offsets = [1, 0], sizes = [1, 16], strides = [1, 1]} : vector<32x16xf32> to vector<1x16xf32>
    %add3A_202 = vector.broadcast %slice3A_201 : vector<1x16xf32> to vector<128x16xf32>
    %add3A_203 = arith.addf %dot_general3A_66, %add3A_202 : vector<128x16xf32>
    %slice3A_204 = vector.extract_strided_slice %dot_general3A_197 {offsets = [2, 0], sizes = [1, 16], strides = [1, 1]} : vector<32x16xf32> to vector<1x16xf32>
    %add3A_205 = vector.broadcast %slice3A_204 : vector<1x16xf32> to vector<128x16xf32>
    %add3A_206 = arith.addf %dot_general3A_70, %add3A_205 : vector<128x16xf32>
    %slice3A_207 = vector.extract_strided_slice %dot_general3A_197 {offsets = [3, 0], sizes = [1, 16], strides = [1, 1]} : vector<32x16xf32> to vector<1x16xf32>
    %add3A_208 = vector.broadcast %slice3A_207 : vector<1x16xf32> to vector<128x16xf32>
    %add3A_209 = arith.addf %dot_general3A_74, %add3A_208 : vector<128x16xf32>
    %slice3A_210 = vector.extract_strided_slice %dot_general3A_197 {offsets = [4, 0], sizes = [1, 16], strides = [1, 1]} : vector<32x16xf32> to vector<1x16xf32>
    %add3A_211 = vector.broadcast %slice3A_210 : vector<1x16xf32> to vector<128x16xf32>
    %add3A_212 = arith.addf %dot_general3A_78, %add3A_211 : vector<128x16xf32>
    %slice3A_213 = vector.extract_strided_slice %dot_general3A_197 {offsets = [5, 0], sizes = [1, 16], strides = [1, 1]} : vector<32x16xf32> to vector<1x16xf32>
    %add3A_214 = vector.broadcast %slice3A_213 : vector<1x16xf32> to vector<128x16xf32>
    %add3A_215 = arith.addf %dot_general3A_82, %add3A_214 : vector<128x16xf32>
    %slice3A_216 = vector.extract_strided_slice %dot_general3A_197 {offsets = [6, 0], sizes = [1, 16], strides = [1, 1]} : vector<32x16xf32> to vector<1x16xf32>
    %add3A_217 = vector.broadcast %slice3A_216 : vector<1x16xf32> to vector<128x16xf32>
    %add3A_218 = arith.addf %dot_general3A_86, %add3A_217 : vector<128x16xf32>
    %slice3A_219 = vector.extract_strided_slice %dot_general3A_197 {offsets = [7, 0], sizes = [1, 16], strides = [1, 1]} : vector<32x16xf32> to vector<1x16xf32>
    %add3A_220 = vector.broadcast %slice3A_219 : vector<1x16xf32> to vector<128x16xf32>
    %add3A_221 = arith.addf %dot_general3A_90, %add3A_220 : vector<128x16xf32>
    %slice3A_222 = vector.extract_strided_slice %dot_general3A_197 {offsets = [8, 0], sizes = [1, 16], strides = [1, 1]} : vector<32x16xf32> to vector<1x16xf32>
    %add3A_223 = vector.broadcast %slice3A_222 : vector<1x16xf32> to vector<128x16xf32>
    %add3A_224 = arith.addf %dot_general3A_94, %add3A_223 : vector<128x16xf32>
    %slice3A_225 = vector.extract_strided_slice %dot_general3A_197 {offsets = [9, 0], sizes = [1, 16], strides = [1, 1]} : vector<32x16xf32> to vector<1x16xf32>
    %add3A_226 = vector.broadcast %slice3A_225 : vector<1x16xf32> to vector<128x16xf32>
    %add3A_227 = arith.addf %dot_general3A_98, %add3A_226 : vector<128x16xf32>
    %slice3A_228 = vector.extract_strided_slice %dot_general3A_197 {offsets = [10, 0], sizes = [1, 16], strides = [1, 1]} : vector<32x16xf32> to vector<1x16xf32>
    %add3A_229 = vector.broadcast %slice3A_228 : vector<1x16xf32> to vector<128x16xf32>
    %add3A_230 = arith.addf %dot_general3A_102, %add3A_229 : vector<128x16xf32>
    %slice3A_231 = vector.extract_strided_slice %dot_general3A_197 {offsets = [11, 0], sizes = [1, 16], strides = [1, 1]} : vector<32x16xf32> to vector<1x16xf32>
    %add3A_232 = vector.broadcast %slice3A_231 : vector<1x16xf32> to vector<128x16xf32>
    %add3A_233 = arith.addf %dot_general3A_106, %add3A_232 : vector<128x16xf32>
    %slice3A_234 = vector.extract_strided_slice %dot_general3A_197 {offsets = [12, 0], sizes = [1, 16], strides = [1, 1]} : vector<32x16xf32> to vector<1x16xf32>
    %add3A_235 = vector.broadcast %slice3A_234 : vector<1x16xf32> to vector<128x16xf32>
    %add3A_236 = arith.addf %dot_general3A_110, %add3A_235 : vector<128x16xf32>
    %slice3A_237 = vector.extract_strided_slice %dot_general3A_197 {offsets = [13, 0], sizes = [1, 16], strides = [1, 1]} : vector<32x16xf32> to vector<1x16xf32>
    %add3A_238 = vector.broadcast %slice3A_237 : vector<1x16xf32> to vector<128x16xf32>
    %add3A_239 = arith.addf %dot_general3A_114, %add3A_238 : vector<128x16xf32>
    %slice3A_240 = vector.extract_strided_slice %dot_general3A_197 {offsets = [14, 0], sizes = [1, 16], strides = [1, 1]} : vector<32x16xf32> to vector<1x16xf32>
    %add3A_241 = vector.broadcast %slice3A_240 : vector<1x16xf32> to vector<128x16xf32>
    %add3A_242 = arith.addf %dot_general3A_118, %add3A_241 : vector<128x16xf32>
    %slice3A_243 = vector.extract_strided_slice %dot_general3A_197 {offsets = [15, 0], sizes = [1, 16], strides = [1, 1]} : vector<32x16xf32> to vector<1x16xf32>
    %add3A_244 = vector.broadcast %slice3A_243 : vector<1x16xf32> to vector<128x16xf32>
    %add3A_245 = arith.addf %dot_general3A_122, %add3A_244 : vector<128x16xf32>
    %slice3A_246 = vector.extract_strided_slice %dot_general3A_197 {offsets = [16, 0], sizes = [1, 16], strides = [1, 1]} : vector<32x16xf32> to vector<1x16xf32>
    %add3A_247 = vector.broadcast %slice3A_246 : vector<1x16xf32> to vector<128x16xf32>
    %add3A_248 = arith.addf %dot_general3A_126, %add3A_247 : vector<128x16xf32>
    %slice3A_249 = vector.extract_strided_slice %dot_general3A_197 {offsets = [17, 0], sizes = [1, 16], strides = [1, 1]} : vector<32x16xf32> to vector<1x16xf32>
    %add3A_250 = vector.broadcast %slice3A_249 : vector<1x16xf32> to vector<128x16xf32>
    %add3A_251 = arith.addf %dot_general3A_130, %add3A_250 : vector<128x16xf32>
    %slice3A_252 = vector.extract_strided_slice %dot_general3A_197 {offsets = [18, 0], sizes = [1, 16], strides = [1, 1]} : vector<32x16xf32> to vector<1x16xf32>
    %add3A_253 = vector.broadcast %slice3A_252 : vector<1x16xf32> to vector<128x16xf32>
    %add3A_254 = arith.addf %dot_general3A_134, %add3A_253 : vector<128x16xf32>
    %slice3A_255 = vector.extract_strided_slice %dot_general3A_197 {offsets = [19, 0], sizes = [1, 16], strides = [1, 1]} : vector<32x16xf32> to vector<1x16xf32>
    %add3A_256 = vector.broadcast %slice3A_255 : vector<1x16xf32> to vector<128x16xf32>
    %add3A_257 = arith.addf %dot_general3A_138, %add3A_256 : vector<128x16xf32>
    %slice3A_258 = vector.extract_strided_slice %dot_general3A_197 {offsets = [20, 0], sizes = [1, 16], strides = [1, 1]} : vector<32x16xf32> to vector<1x16xf32>
    %add3A_259 = vector.broadcast %slice3A_258 : vector<1x16xf32> to vector<128x16xf32>
    %add3A_260 = arith.addf %dot_general3A_142, %add3A_259 : vector<128x16xf32>
    %slice3A_261 = vector.extract_strided_slice %dot_general3A_197 {offsets = [21, 0], sizes = [1, 16], strides = [1, 1]} : vector<32x16xf32> to vector<1x16xf32>
    %add3A_262 = vector.broadcast %slice3A_261 : vector<1x16xf32> to vector<128x16xf32>
    %add3A_263 = arith.addf %dot_general3A_146, %add3A_262 : vector<128x16xf32>
    %slice3A_264 = vector.extract_strided_slice %dot_general3A_197 {offsets = [22, 0], sizes = [1, 16], strides = [1, 1]} : vector<32x16xf32> to vector<1x16xf32>
    %add3A_265 = vector.broadcast %slice3A_264 : vector<1x16xf32> to vector<128x16xf32>
    %add3A_266 = arith.addf %dot_general3A_150, %add3A_265 : vector<128x16xf32>
    %slice3A_267 = vector.extract_strided_slice %dot_general3A_197 {offsets = [23, 0], sizes = [1, 16], strides = [1, 1]} : vector<32x16xf32> to vector<1x16xf32>
    %add3A_268 = vector.broadcast %slice3A_267 : vector<1x16xf32> to vector<128x16xf32>
    %add3A_269 = arith.addf %dot_general3A_154, %add3A_268 : vector<128x16xf32>
    %slice3A_270 = vector.extract_strided_slice %dot_general3A_197 {offsets = [24, 0], sizes = [1, 16], strides = [1, 1]} : vector<32x16xf32> to vector<1x16xf32>
    %add3A_271 = vector.broadcast %slice3A_270 : vector<1x16xf32> to vector<128x16xf32>
    %add3A_272 = arith.addf %dot_general3A_158, %add3A_271 : vector<128x16xf32>
    %slice3A_273 = vector.extract_strided_slice %dot_general3A_197 {offsets = [25, 0], sizes = [1, 16], strides = [1, 1]} : vector<32x16xf32> to vector<1x16xf32>
    %add3A_274 = vector.broadcast %slice3A_273 : vector<1x16xf32> to vector<128x16xf32>
    %add3A_275 = arith.addf %dot_general3A_162, %add3A_274 : vector<128x16xf32>
    %slice3A_276 = vector.extract_strided_slice %dot_general3A_197 {offsets = [26, 0], sizes = [1, 16], strides = [1, 1]} : vector<32x16xf32> to vector<1x16xf32>
    %add3A_277 = vector.broadcast %slice3A_276 : vector<1x16xf32> to vector<128x16xf32>
    %add3A_278 = arith.addf %dot_general3A_166, %add3A_277 : vector<128x16xf32>
    %slice3A_279 = vector.extract_strided_slice %dot_general3A_197 {offsets = [27, 0], sizes = [1, 16], strides = [1, 1]} : vector<32x16xf32> to vector<1x16xf32>
    %add3A_280 = vector.broadcast %slice3A_279 : vector<1x16xf32> to vector<128x16xf32>
    %add3A_281 = arith.addf %dot_general3A_170, %add3A_280 : vector<128x16xf32>
    %slice3A_282 = vector.extract_strided_slice %dot_general3A_197 {offsets = [28, 0], sizes = [1, 16], strides = [1, 1]} : vector<32x16xf32> to vector<1x16xf32>
    %add3A_283 = vector.broadcast %slice3A_282 : vector<1x16xf32> to vector<128x16xf32>
    %add3A_284 = arith.addf %dot_general3A_174, %add3A_283 : vector<128x16xf32>
    %slice3A_285 = vector.extract_strided_slice %dot_general3A_197 {offsets = [29, 0], sizes = [1, 16], strides = [1, 1]} : vector<32x16xf32> to vector<1x16xf32>
    %add3A_286 = vector.broadcast %slice3A_285 : vector<1x16xf32> to vector<128x16xf32>
    %add3A_287 = arith.addf %dot_general3A_178, %add3A_286 : vector<128x16xf32>
    %slice3A_288 = vector.extract_strided_slice %dot_general3A_197 {offsets = [30, 0], sizes = [1, 16], strides = [1, 1]} : vector<32x16xf32> to vector<1x16xf32>
    %add3A_289 = vector.broadcast %slice3A_288 : vector<1x16xf32> to vector<128x16xf32>
    %add3A_290 = arith.addf %dot_general3A_182, %add3A_289 : vector<128x16xf32>
    %slice3A_291 = vector.extract_strided_slice %dot_general3A_197 {offsets = [31, 0], sizes = [1, 16], strides = [1, 1]} : vector<32x16xf32> to vector<1x16xf32>
    %add3A_292 = vector.broadcast %slice3A_291 : vector<1x16xf32> to vector<128x16xf32>
    %add3A_293 = arith.addf %dot_general3A_186, %add3A_292 : vector<128x16xf32>
    %concatenate3A_294 = tpu.concatenate %add3A_200, %add3A_203, %add3A_206, %add3A_209, %add3A_212, %add3A_215, %add3A_218, %add3A_221, %add3A_224, %add3A_227, %add3A_230, %add3A_233, %add3A_236, %add3A_239, %add3A_242, %add3A_245, %add3A_248, %add3A_251, %add3A_254, %add3A_257, %add3A_260, %add3A_263, %add3A_266, %add3A_269, %add3A_272, %add3A_275, %add3A_278, %add3A_281, %add3A_284, %add3A_287, %add3A_290, %add3A_293 in 0 : vector<128x16xf32>, vector<128x16xf32>, vector<128x16xf32>, vector<128x16xf32>, vector<128x16xf32>, vector<128x16xf32>, vector<128x16xf32>, vector<128x16xf32>, vector<128x16xf32>, vector<128x16xf32>, vector<128x16xf32>, vector<128x16xf32>, vector<128x16xf32>, vector<128x16xf32>, vector<128x16xf32>, vector<128x16xf32>, vector<128x16xf32>, vector<128x16xf32>, vector<128x16xf32>, vector<128x16xf32>, vector<128x16xf32>, vector<128x16xf32>, vector<128x16xf32>, vector<128x16xf32>, vector<128x16xf32>, vector<128x16xf32>, vector<128x16xf32>, vector<128x16xf32>, vector<128x16xf32>, vector<128x16xf32>, vector<128x16xf32>, vector<128x16xf32> -> vector<4096x16xf32>
    %slice3A_295 = vector.extract_strided_slice %concatenate3A_294 {offsets = [0, 0], sizes = [4096, 8], strides = [1, 1]} : vector<4096x16xf32> to vector<4096x8xf32>
    %slice3A_296 = vector.extract_strided_slice %concatenate3A_294 {offsets = [0, 8], sizes = [4096, 8], strides = [1, 1]} : vector<4096x16xf32> to vector<4096x8xf32>
    %reduce_sum3A = arith.constant dense<0.000000e+00> : vector<16xf32>
    %reduce_sum3A_297 = vector.multi_reduction <add>, %concatenate3A_188, %reduce_sum3A [0] : vector<32x16xf32> to vector<16xf32>
    %broadcast_in_dim3A_298 = vector.shape_cast %reduce_sum3A_297 : vector<16xf32> to vector<1x16xf32>
    %slice3A_299 = vector.extract_strided_slice %broadcast_in_dim3A_298 {offsets = [0, 0], sizes = [1, 8], strides = [1, 1]} : vector<1x16xf32> to vector<1x8xf32>
    %slice3A_300 = vector.extract_strided_slice %broadcast_in_dim3A_298 {offsets = [0, 8], sizes = [1, 8], strides = [1, 1]} : vector<1x16xf32> to vector<1x8xf32>
    %add3A_301 = arith.addf %slice3A_299, %slice3A_300 : vector<1x8xf32>
    %add3A_302 = arith.constant 2.550000e+02 : f32
    %add3A_303 = vector.broadcast %add3A_302 : f32 to vector<1x8xf32>
    %add3A_304 = arith.addf %add3A_301, %add3A_303 : vector<1x8xf32>
    %mul3A = arith.constant 3.906250e-03 : f32
    %mul3A_305 = vector.broadcast %mul3A : f32 to vector<1x8xf32>
    %mul3A_306 = arith.mulf %add3A_304, %mul3A_305 : vector<1x8xf32>
    %floor3A = math.floor %mul3A_306 : vector<1x8xf32>
    %iota3A_307 = tpu.iota {dimensions = array<i32: 0>} : vector<8x8xi32>
    %iota3A_308 = tpu.iota {dimensions = array<i32: 1>} : vector<8x8xi32>
    %le3A = arith.cmpi sle, %iota3A_307, %iota3A_308 : vector<8x8xi32>
    %jit3A_309 = arith.constant 1.000000e+00 : f32
    %jit3A_310 = arith.constant 0.000000e+00 : f32
    %broadcast_in_dim3A_311 = vector.broadcast %jit3A_309 : f32 to vector<8x8xf32>
    %broadcast_in_dim3A_312 = vector.broadcast %jit3A_310 : f32 to vector<8x8xf32>
    %select_n3A_313 = arith.select %le3A, %broadcast_in_dim3A_311, %broadcast_in_dim3A_312 : vector<8x8xi1>, vector<8x8xf32>
    %dot_general3A_314 = arith.constant dense<0.000000e+00> : vector<1x8xf32>
    %dot_general3A_315 = tpu.matmul %floor3A, %select_n3A_313, %dot_general3A_314 {dimension_numbers = #tpu.dot_dimension_numbers<[1], [0], [0], [1], [0, 0, 1, 1], [], []>, transpose_lhs_hint = false} : vector<1x8xf32>, vector<8x8xf32>, vector<1x8xf32> -> vector<1x8xf32>
    %sub3A_316 = arith.subf %dot_general3A_315, %floor3A : vector<1x8xf32>
    %mul3A_317 = arith.constant 2.560000e+02 : f32
    %mul3A_318 = vector.broadcast %mul3A_317 : f32 to vector<1x8xf32>
    %mul3A_319 = arith.mulf %sub3A_316, %mul3A_318 : vector<1x8xf32>
    %mul3A_320 = arith.mulf %select_n3A_45, %slice3A_295 : vector<4096x8xf32>
    %reduce_sum3A_321 = arith.constant dense<0.000000e+00> : vector<4096xf32>
    %reduce_sum3A_322 = vector.multi_reduction <add>, %mul3A_320, %reduce_sum3A_321 [1] : vector<4096x8xf32> to vector<4096xf32>
    %broadcast_in_dim3A_323 = vector.shape_cast %reduce_sum3A_322 : vector<4096xf32> to vector<4096x1xf32>
    %sub3A_324 = arith.constant 1.000000e+00 : f32
    %sub3A_325 = vector.broadcast %sub3A_324 : f32 to vector<4096x1xf32>
    %sub3A_326 = arith.subf %broadcast_in_dim3A_323, %sub3A_325 : vector<4096x1xf32>
    %add3A_327 = vector.broadcast %slice3A_299 : vector<1x8xf32> to vector<4096x8xf32>
    %add3A_328 = arith.addf %add3A_327, %slice3A_296 : vector<4096x8xf32>
    %mul3A_329 = arith.mulf %select_n3A_52, %add3A_328 : vector<4096x8xf32>
    %reduce_sum3A_330 = arith.constant dense<0.000000e+00> : vector<4096xf32>
    %reduce_sum3A_331 = vector.multi_reduction <add>, %mul3A_329, %reduce_sum3A_330 [1] : vector<4096x8xf32> to vector<4096xf32>
    %broadcast_in_dim3A_332 = vector.shape_cast %reduce_sum3A_331 : vector<4096xf32> to vector<4096x1xf32>
    %sub3A_333 = arith.constant 1.000000e+00 : f32
    %sub3A_334 = vector.broadcast %sub3A_333 : f32 to vector<4096x1xf32>
    %sub3A_335 = arith.subf %broadcast_in_dim3A_332, %sub3A_334 : vector<4096x1xf32>
    %mul3A_336 = vector.broadcast %mul3A_319 : vector<1x8xf32> to vector<4096x8xf32>
    %mul3A_337 = arith.mulf %select_n3A_45, %mul3A_336 : vector<4096x8xf32>
    %reduce_sum3A_338 = arith.constant dense<0.000000e+00> : vector<4096xf32>
    %reduce_sum3A_339 = vector.multi_reduction <add>, %mul3A_337, %reduce_sum3A_338 [1] : vector<4096x8xf32> to vector<4096xf32>
    %broadcast_in_dim3A_340 = vector.shape_cast %reduce_sum3A_339 : vector<4096xf32> to vector<4096x1xf32>
    %mul3A_341 = vector.broadcast %mul3A_319 : vector<1x8xf32> to vector<4096x8xf32>
    %mul3A_342 = arith.mulf %select_n3A_52, %mul3A_341 : vector<4096x8xf32>
    %reduce_sum3A_343 = arith.constant dense<0.000000e+00> : vector<4096xf32>
    %reduce_sum3A_344 = vector.multi_reduction <add>, %mul3A_342, %reduce_sum3A_343 [1] : vector<4096x8xf32> to vector<4096xf32>
    %broadcast_in_dim3A_345 = vector.shape_cast %reduce_sum3A_344 : vector<4096xf32> to vector<4096x1xf32>
    %add3A_346 = arith.addf %broadcast_in_dim3A_340, %sub3A_326 : vector<4096x1xf32>
    %convert_element_type3A = arith.fptosi %add3A_346 : vector<4096x1xf32> to vector<4096x1xi32>
    %add3A_347 = arith.addf %broadcast_in_dim3A_345, %sub3A_335 : vector<4096x1xf32>
    %convert_element_type3A_348 = arith.fptosi %add3A_347 : vector<4096x1xf32> to vector<4096x1xi32>
    %concatenate3A_349 = tpu.concatenate %convert_element_type3A, %convert_element_type3A_348 in 1 : vector<4096x1xi32>, vector<4096x1xi32> -> vector<4096x2xi32>
    %swap3A_350 = arith.constant 0 : index
    %swap3A_351 = arith.constant 0 : index
    %swap3A_352 = vector.load %arg5[%swap3A_350, %swap3A_351] : memref<4096x2xi32, #tpu.memory_space<vmem>>, vector<4096x2xi32>
    tpu.vector_store %arg5[%swap3A_350, %swap3A_351], %concatenate3A_349 {strides = array<i32>} : memref<4096x2xi32, #tpu.memory_space<vmem>>, vector<4096x2xi32>,
    %iota3A_353 = tpu.iota {dimensions = array<i32: 1>} : vector<1x128xi32>
    %convert_element_type3A_354 = arith.sitofp %iota3A_353 : vector<1x128xi32> to vector<1x128xf32>
    %broadcast_in_dim3A_355 = arith.constant 0.000000e+00 : f32
    %broadcast_in_dim3A_356 = vector.broadcast %broadcast_in_dim3A_355 : f32 to vector<1x128xf32>
    %slice3A_357 = vector.extract_strided_slice %dot_general3A_315 {offsets = [0, 0], sizes = [1, 1], strides = [1, 1]} : vector<1x8xf32> to vector<1x1xf32>
    %ge3A_358 = vector.broadcast %slice3A_357 : vector<1x1xf32> to vector<1x128xf32>
    %ge3A_359 = arith.cmpf oge, %convert_element_type3A_354, %ge3A_358 : vector<1x128xf32>
    %jit3A_360 = arith.constant 1.000000e+00 : f32
    %jit3A_361 = arith.constant 0.000000e+00 : f32
    %broadcast_in_dim3A_362 = vector.broadcast %jit3A_360 : f32 to vector<1x128xf32>
    %broadcast_in_dim3A_363 = vector.broadcast %jit3A_361 : f32 to vector<1x128xf32>
    %select_n3A_364 = arith.select %ge3A_359, %broadcast_in_dim3A_362, %broadcast_in_dim3A_363 : vector<1x128xi1>, vector<1x128xf32>
    %add3A_365 = arith.addf %broadcast_in_dim3A_356, %select_n3A_364 : vector<1x128xf32>
    %slice3A_366 = vector.extract_strided_slice %dot_general3A_315 {offsets = [0, 1], sizes = [1, 1], strides = [1, 1]} : vector<1x8xf32> to vector<1x1xf32>
    %ge3A_367 = vector.broadcast %slice3A_366 : vector<1x1xf32> to vector<1x128xf32>
    %ge3A_368 = arith.cmpf oge, %convert_element_type3A_354, %ge3A_367 : vector<1x128xf32>
    %jit3A_369 = arith.constant 1.000000e+00 : f32
    %jit3A_370 = arith.constant 0.000000e+00 : f32
    %broadcast_in_dim3A_371 = vector.broadcast %jit3A_369 : f32 to vector<1x128xf32>
    %broadcast_in_dim3A_372 = vector.broadcast %jit3A_370 : f32 to vector<1x128xf32>
    %select_n3A_373 = arith.select %ge3A_368, %broadcast_in_dim3A_371, %broadcast_in_dim3A_372 : vector<1x128xi1>, vector<1x128xf32>
    %add3A_374 = arith.addf %add3A_365, %select_n3A_373 : vector<1x128xf32>
    %slice3A_375 = vector.extract_strided_slice %dot_general3A_315 {offsets = [0, 2], sizes = [1, 1], strides = [1, 1]} : vector<1x8xf32> to vector<1x1xf32>
    %ge3A_376 = vector.broadcast %slice3A_375 : vector<1x1xf32> to vector<1x128xf32>
    %ge3A_377 = arith.cmpf oge, %convert_element_type3A_354, %ge3A_376 : vector<1x128xf32>
    %jit3A_378 = arith.constant 1.000000e+00 : f32
    %jit3A_379 = arith.constant 0.000000e+00 : f32
    %broadcast_in_dim3A_380 = vector.broadcast %jit3A_378 : f32 to vector<1x128xf32>
    %broadcast_in_dim3A_381 = vector.broadcast %jit3A_379 : f32 to vector<1x128xf32>
    %select_n3A_382 = arith.select %ge3A_377, %broadcast_in_dim3A_380, %broadcast_in_dim3A_381 : vector<1x128xi1>, vector<1x128xf32>
    %add3A_383 = arith.addf %add3A_374, %select_n3A_382 : vector<1x128xf32>
    %slice3A_384 = vector.extract_strided_slice %dot_general3A_315 {offsets = [0, 3], sizes = [1, 1], strides = [1, 1]} : vector<1x8xf32> to vector<1x1xf32>
    %ge3A_385 = vector.broadcast %slice3A_384 : vector<1x1xf32> to vector<1x128xf32>
    %ge3A_386 = arith.cmpf oge, %convert_element_type3A_354, %ge3A_385 : vector<1x128xf32>
    %jit3A_387 = arith.constant 1.000000e+00 : f32
    %jit3A_388 = arith.constant 0.000000e+00 : f32
    %broadcast_in_dim3A_389 = vector.broadcast %jit3A_387 : f32 to vector<1x128xf32>
    %broadcast_in_dim3A_390 = vector.broadcast %jit3A_388 : f32 to vector<1x128xf32>
    %select_n3A_391 = arith.select %ge3A_386, %broadcast_in_dim3A_389, %broadcast_in_dim3A_390 : vector<1x128xi1>, vector<1x128xf32>
    %add3A_392 = arith.addf %add3A_383, %select_n3A_391 : vector<1x128xf32>
    %slice3A_393 = vector.extract_strided_slice %dot_general3A_315 {offsets = [0, 4], sizes = [1, 1], strides = [1, 1]} : vector<1x8xf32> to vector<1x1xf32>
    %ge3A_394 = vector.broadcast %slice3A_393 : vector<1x1xf32> to vector<1x128xf32>
    %ge3A_395 = arith.cmpf oge, %convert_element_type3A_354, %ge3A_394 : vector<1x128xf32>
    %jit3A_396 = arith.constant 1.000000e+00 : f32
    %jit3A_397 = arith.constant 0.000000e+00 : f32
    %broadcast_in_dim3A_398 = vector.broadcast %jit3A_396 : f32 to vector<1x128xf32>
    %broadcast_in_dim3A_399 = vector.broadcast %jit3A_397 : f32 to vector<1x128xf32>
    %select_n3A_400 = arith.select %ge3A_395, %broadcast_in_dim3A_398, %broadcast_in_dim3A_399 : vector<1x128xi1>, vector<1x128xf32>
    %add3A_401 = arith.addf %add3A_392, %select_n3A_400 : vector<1x128xf32>
    %slice3A_402 = vector.extract_strided_slice %dot_general3A_315 {offsets = [0, 5], sizes = [1, 1], strides = [1, 1]} : vector<1x8xf32> to vector<1x1xf32>
    %ge3A_403 = vector.broadcast %slice3A_402 : vector<1x1xf32> to vector<1x128xf32>
    %ge3A_404 = arith.cmpf oge, %convert_element_type3A_354, %ge3A_403 : vector<1x128xf32>
    %jit3A_405 = arith.constant 1.000000e+00 : f32
    %jit3A_406 = arith.constant 0.000000e+00 : f32
    %broadcast_in_dim3A_407 = vector.broadcast %jit3A_405 : f32 to vector<1x128xf32>
    %broadcast_in_dim3A_408 = vector.broadcast %jit3A_406 : f32 to vector<1x128xf32>
    %select_n3A_409 = arith.select %ge3A_404, %broadcast_in_dim3A_407, %broadcast_in_dim3A_408 : vector<1x128xi1>, vector<1x128xf32>
    %add3A_410 = arith.addf %add3A_401, %select_n3A_409 : vector<1x128xf32>
    %slice3A_411 = vector.extract_strided_slice %dot_general3A_315 {offsets = [0, 6], sizes = [1, 1], strides = [1, 1]} : vector<1x8xf32> to vector<1x1xf32>
    %ge3A_412 = vector.broadcast %slice3A_411 : vector<1x1xf32> to vector<1x128xf32>
    %ge3A_413 = arith.cmpf oge, %convert_element_type3A_354, %ge3A_412 : vector<1x128xf32>
    %jit3A_414 = arith.constant 1.000000e+00 : f32
    %jit3A_415 = arith.constant 0.000000e+00 : f32
    %broadcast_in_dim3A_416 = vector.broadcast %jit3A_414 : f32 to vector<1x128xf32>
    %broadcast_in_dim3A_417 = vector.broadcast %jit3A_415 : f32 to vector<1x128xf32>
    %select_n3A_418 = arith.select %ge3A_413, %broadcast_in_dim3A_416, %broadcast_in_dim3A_417 : vector<1x128xi1>, vector<1x128xf32>
    %add3A_419 = arith.addf %add3A_410, %select_n3A_418 : vector<1x128xf32>
    %slice3A_420 = vector.extract_strided_slice %dot_general3A_315 {offsets = [0, 7], sizes = [1, 1], strides = [1, 1]} : vector<1x8xf32> to vector<1x1xf32>
    %ge3A_421 = vector.broadcast %slice3A_420 : vector<1x1xf32> to vector<1x128xf32>
    %ge3A_422 = arith.cmpf oge, %convert_element_type3A_354, %ge3A_421 : vector<1x128xf32>
    %jit3A_423 = arith.constant 1.000000e+00 : f32
    %jit3A_424 = arith.constant 0.000000e+00 : f32
    %broadcast_in_dim3A_425 = vector.broadcast %jit3A_423 : f32 to vector<1x128xf32>
    %broadcast_in_dim3A_426 = vector.broadcast %jit3A_424 : f32 to vector<1x128xf32>
    %select_n3A_427 = arith.select %ge3A_422, %broadcast_in_dim3A_425, %broadcast_in_dim3A_426 : vector<1x128xi1>, vector<1x128xf32>
    %add3A_428 = arith.addf %add3A_419, %select_n3A_427 : vector<1x128xf32>
    %min3A = arith.constant 7.000000e+00 : f32
    %min3A_429 = vector.broadcast %min3A : f32 to vector<1x128xf32>
    %min3A_430 = arith.minimumf %add3A_428, %min3A_429 : vector<1x128xf32>
    %convert_element_type3A_431 = arith.fptosi %min3A_430 : vector<1x128xf32> to vector<1x128xi32>
    %swap3A_432 = arith.constant 0 : index
    %swap3A_433 = arith.constant 0 : index
    %swap3A_434 = vector.load %arg6[%swap3A_432, %swap3A_433] : memref<1x128xi32, #tpu.memory_space<vmem>>, vector<1x128xi32>
    tpu.vector_store %arg6[%swap3A_432, %swap3A_433], %convert_element_type3A_431 {strides = array<i32>} : memref<1x128xi32, #tpu.memory_space<vmem>>, vector<1x128xi32>,
    %mul3A_435 = vector.broadcast %div3A_35 : vector<4096x1xf32> to vector<4096x8xf32>
    %mul3A_436 = arith.mulf %select_n3A_45, %mul3A_435 : vector<4096x8xf32>
    %mul3A_437 = vector.broadcast %div3A_36 : vector<4096x1xf32> to vector<4096x8xf32>
    %mul3A_438 = arith.mulf %select_n3A_52, %mul3A_437 : vector<4096x8xf32>
    %add3A_439 = arith.addf %mul3A_436, %mul3A_438 : vector<4096x8xf32>
    %swap3A_440 = arith.constant 0 : index
    %swap3A_441 = arith.constant 0 : index
    %swap3A_442 = vector.load %arg7[%swap3A_440, %swap3A_441] : memref<4096x8xf32, #tpu.memory_space<vmem>>, vector<4096x8xf32>
    tpu.vector_store %arg7[%swap3A_440, %swap3A_441], %add3A_439 {strides = array<i32>} : memref<4096x8xf32, #tpu.memory_space<vmem>>, vector<4096x8xf32>,
    return
  }
  func.func @transform_0(%arg0: i32) -> (i32, i32) {
    %c0_i32 = arith.constant 0 : i32
    %c0_i32_0 = arith.constant 0 : i32
    %c0_i32_1 = arith.constant 0 : i32
    return %c0_i32, %c0_i32_0 : i32, i32
  }
  func.func @transform_1(%arg0: i32) -> (i32, i32) {
    %c0_i32 = arith.constant 0 : i32
    %c0_i32_0 = arith.constant 0 : i32
    %c0_i32_1 = arith.constant 0 : i32
    return %c0_i32, %c0_i32_0 : i32, i32
  }
  func.func @transform_2(%arg0: i32) -> (i32, i32) {
    %c0_i32 = arith.constant 0 : i32
    %c0_i32_0 = arith.constant 0 : i32
    %c0_i32_1 = arith.constant 0 : i32
    return %c0_i32, %c0_i32_0 : i32, i32
  }
  func.func @transform_3(%arg0: i32) -> (i32, i32) {
    %c0_i32 = arith.constant 0 : i32
    %c0_i32_0 = arith.constant 0 : i32
    %c0_i32_1 = arith.constant 0 : i32
    return %c0_i32, %c0_i32_0 : i32, i32
  }
  func.func @transform_4(%arg0: i32) -> (i32, i32) {
    %c0_i32 = arith.constant 0 : i32
    %c0_i32_0 = arith.constant 0 : i32
    %c0_i32_1 = arith.constant 0 : i32
    return %c0_i32, %c0_i32_0 : i32, i32
  }
  func.func @transform_5(%arg0: i32) -> (i32, i32) {
    %c0_i32 = arith.constant 0 : i32
    %c0_i32_0 = arith.constant 0 : i32
    %c0_i32_1 = arith.constant 0 : i32
    return %c0_i32, %c0_i32_0 : i32, i32
  }
  func.func @transform_6(%arg0: i32) -> (i32, i32) {
    %c0_i32 = arith.constant 0 : i32
    %c0_i32_0 = arith.constant 0 : i32
    %c0_i32_1 = arith.constant 0 : i32
    return %c0_i32, %c0_i32_0 : i32, i32
  }
}

module attributes {stable_mosaic.version = 14 : i64} {
  func.func @_bias_kernel(%arg0: i32, %arg1: memref<512x8xf32, #tpu.memory_space<vmem>>, %arg2: memref<8x1024xf32, #tpu.memory_space<vmem>>, %arg3: memref<512x1024xf32, #tpu.memory_space<vmem>>) attributes {dimension_semantics = [#tpu.dimension_semantics<arbitrary>], iteration_bounds = array<i64: 8>, scalar_prefetch = 0 : i64, scratch_operands = 0 : i64, tpu.core_type = #tpu.core_type<tc>, window_params = [{transform_indices = @transform_0, window_bounds = array<i64: 512, 8>}, {pipeline_mode = #tpu.pipeline_mode<synchronous>, transform_indices = @transform_1, window_bounds = array<i64: 8, 1024>}, {transform_indices = @transform_2, window_bounds = array<i64: 512, 1024>}]} {
    %get3A = arith.constant 0 : index
    %get3A_0 = arith.constant 0 : index
    %get3A_1 = vector.load %arg1[%get3A, %get3A_0] : memref<512x8xf32, #tpu.memory_space<vmem>>, vector<512x8xf32>
    %get3A_2 = arith.constant 0 : index
    %get3A_3 = arith.constant 0 : index
    %get3A_4 = vector.load %arg2[%get3A_2, %get3A_3] : memref<8x1024xf32, #tpu.memory_space<vmem>>, vector<8x1024xf32>
    %dot_general3A = arith.constant dense<0.000000e+00> : vector<512x1024xf32>
    %dot_general3A_5 = tpu.matmul %get3A_1, %get3A_4, %dot_general3A {dimension_numbers = #tpu.dot_dimension_numbers<[1], [0], [0], [1], [0, 0, 1, 1], [], []>, precision = #tpu.contract_precision<fp32>, transpose_lhs_hint = false} : vector<512x8xf32>, vector<8x1024xf32>, vector<512x1024xf32> -> vector<512x1024xf32>
    %swap3A = arith.constant 0 : index
    %swap3A_6 = arith.constant 0 : index
    %swap3A_7 = vector.load %arg3[%swap3A, %swap3A_6] : memref<512x1024xf32, #tpu.memory_space<vmem>>, vector<512x1024xf32>
    tpu.vector_store %arg3[%swap3A, %swap3A_6], %dot_general3A_5 {strides = array<i32>} : memref<512x1024xf32, #tpu.memory_space<vmem>>, vector<512x1024xf32>,
    return
  }
  func.func @transform_0(%arg0: i32) -> (i32, i32) {
    %c0_i32 = arith.constant 0 : i32
    %c0_i32_0 = arith.constant 0 : i32
    return %arg0, %c0_i32 : i32, i32
  }
  func.func @transform_1(%arg0: i32) -> (i32, i32) {
    %c0_i32 = arith.constant 0 : i32
    %c0_i32_0 = arith.constant 0 : i32
    %c0_i32_1 = arith.constant 0 : i32
    return %c0_i32, %c0_i32_0 : i32, i32
  }
  func.func @transform_2(%arg0: i32) -> (i32, i32) {
    %c0_i32 = arith.constant 0 : i32
    %c0_i32_0 = arith.constant 0 : i32
    return %arg0, %c0_i32 : i32, i32
  }
}

module attributes {stable_mosaic.version = 14 : i64} {
  func.func @_gmm_kernel(%arg0: i32, %arg1: memref<40xi32, #tpu.memory_space<smem>>, %arg2: memref<256x1024xbf16, #tpu.memory_space<vmem>>, %arg3: memref<1x1024x1024xbf16, #tpu.memory_space<vmem>>, %arg4: memref<256x1024xf32, #tpu.memory_space<vmem>>) attributes {dimension_semantics = [#tpu.dimension_semantics<arbitrary>], iteration_bounds = array<i64: 40>, scalar_prefetch = 1 : i64, scratch_operands = 0 : i64, tpu.core_type = #tpu.core_type<tc>, window_params = [{transform_indices = @transform_0, window_bounds = array<i64: 256, 1024>}, {transform_indices = @transform_1, window_bounds = array<i64: 1, 1024, 1024>}, {transform_indices = @transform_2, window_bounds = array<i64: 256, 1024>}]} {
    %get3A = arith.constant 0 : index
    %get3A_0 = arith.constant 0 : index
    %get3A_1 = vector.load %arg2[%get3A, %get3A_0] : memref<256x1024xbf16, #tpu.memory_space<vmem>>, vector<256x1024xbf16>
    %get3A_2 = arith.constant 0 : index
    %get3A_3 = arith.constant 0 : index
    %get3A_4 = arith.constant 0 : index
    %get3A_5 = vector.load %arg3[%get3A_2, %get3A_3, %get3A_4] : memref<1x1024x1024xbf16, #tpu.memory_space<vmem>>, vector<1x1024x1024xbf16>
    %get3A_6 = vector.shape_cast %get3A_5 : vector<1x1024x1024xbf16> to vector<1024x1024xbf16>
    %dot_general3A = arith.constant dense<0.000000e+00> : vector<256x1024xf32>
    %dot_general3A_7 = tpu.matmul %get3A_1, %get3A_6, %dot_general3A {dimension_numbers = #tpu.dot_dimension_numbers<[1], [0], [0], [1], [0, 0, 1, 1], [], []>, transpose_lhs_hint = false} : vector<256x1024xbf16>, vector<1024x1024xbf16>, vector<256x1024xf32> -> vector<256x1024xf32>
    %swap3A = arith.constant 0 : index
    %swap3A_8 = arith.constant 0 : index
    %swap3A_9 = vector.load %arg4[%swap3A, %swap3A_8] : memref<256x1024xf32, #tpu.memory_space<vmem>>, vector<256x1024xf32>
    tpu.vector_store %arg4[%swap3A, %swap3A_8], %dot_general3A_7 {strides = array<i32>} : memref<256x1024xf32, #tpu.memory_space<vmem>>, vector<256x1024xf32>,
    return
  }
  func.func @transform_0(%arg0: i32, %arg1: memref<40xi32, #tpu.memory_space<smem>>) -> (i32, i32) {
    %c0_i32 = arith.constant 0 : i32
    %c0_i32_0 = arith.constant 0 : i32
    return %arg0, %c0_i32 : i32, i32
  }
  func.func @transform_1(%arg0: i32, %arg1: memref<40xi32, #tpu.memory_space<smem>>) -> (i32, i32, i32) {
    %get3A = arith.index_cast %arg0 : i32 to index
    %get3A_0 = memref.load %arg1[%get3A] : memref<40xi32, #tpu.memory_space<smem>>
    %c0_i32 = arith.constant 0 : i32
    %c0_i32_1 = arith.constant 0 : i32
    %c0_i32_2 = arith.constant 0 : i32
    return %get3A_0, %c0_i32, %c0_i32_1 : i32, i32, i32
  }
  func.func @transform_2(%arg0: i32, %arg1: memref<40xi32, #tpu.memory_space<smem>>) -> (i32, i32) {
    %c0_i32 = arith.constant 0 : i32
    %c0_i32_0 = arith.constant 0 : i32
    return %arg0, %c0_i32 : i32, i32
  }
}

</mosaic_0001>

<sc_bundles>
// kernel: kernel.10.cloned.1.call-start
scs
__scs_entry_jumppad:
0x0: {  	(pc) =	sbr.rel $0x88, $3  }
0x1: {  	(tag) =	ssettag $0x0;
	lr =	simm.s32 $0x1  }
0x2: {  	[smem:$0x3F9C] =	sst lr;
	_ =	strace $0xD0000000  }
0x3: {  	_ = 	snop  }
0x4: {  	_ = 	snop  }
0x5: {  	_ = 	snop  }
0x6: {  	_ = 	snop  }
0x7: {  	_ = 	snop  }
__scs_overlays_trampoline_lowered:
0x8: {  	[smem:$0x3FAB] =	sst s0  }
0x9: {  	[smem:$0x3FAC] =	sst s1  }
0xa: {  	[smem:$0x3FAD] =	sst s2  }
0xb: {  	[smem:$0x3FAE] =	sst s3  }
0xc: {  	[smem:$0x3FAF] =	sst s4  }
0xd: {  	[smem:$0x3FB0] =	sst s5  }
0xe: {  	[smem:$0x3FB1] =	sst s6  }
0xf: {  	[smem:$0x3FB2] =	sst s7  }
0x10: {  	[smem:$0x3FB3] =	sst s8  }
0x11: {  	[smem:$0x3FB4] =	sst s9;
	s0 =	simm.s32 @!p0 $0x0  }
0x12: {  	s1 =	sld [smem:$0x3F9A];
	s0 =	simm.s32 @p0 $0x1  }
0x13: {  	[smem:$0x3FB5] =	sst s0;
	s0 =	simm.s32 @!p1 $0x0  }
0x14: {  	s2 =	sld [smem:$0x3F99];
	s0 =	simm.s32 @p1 $0x1  }
0x15: {  	[smem:$0x3FB6] =	sst s0;
	s0 =	simm.s32 @!p2 $0x0  }
0x16: {  	s3 =	sld [smem:$0x3FDB];
	s0 =	simm.s32 @p2 $0x1  }
0x17: {  	s4 =	simm.s32 $0x1BF5;
	[smem:$0x3FB8] =	sst s0  }
0x18: {  	s0 =	sld [smem:$0x3F9B];
	_ =	swait.ge [sflag:s4], $0x0  }
0x19: {  	s7 =	sld [smem:$0x3F9C]  }
0x1a: {  	s8 =	sadd.s32 $0xFFFFE003, lr  }
0x1b: {  	s9 =	sadd.s32 $0xFFFFFEF7, lr;
	s5 =	simm.s32 $0xFFFFFFFF;
	p2 =	slt.u32 s8, $0xFFFFF086  }
0x1c: {  	p1 =	slt.u32 s9, $0xF7A;
	s5 =	simm.s32 @!p2 $0x0  }
0x1d: {  	s5 =	simm.s32 @p1 $0x1;
	p0 =	seq.s32 s7, s2  }
0x1e: {  	s7 =	smul.u32 @!p0 $0xF7A, s2;
	p2 =	seq.s32 @!p0 s5, $0x0  }
0x1f: {  	s9 =	smul.u32 $0xF7A, s1;
	s8 =	simm.s32 @!p0 $0x1BF5;
	p2 =	por !p2, p0  }
0x20: {  	[sflag:s8] =	ssyncset.s32 @!p0 $0xFFFFF086;
	s6 =	sadd.s32 @!p0 s3, s7;
	s7 =	simm.s32 @!p0 $0x108  }
0x21: {  	s3 =	sadd.s32 s3, s9;
	s6 =	sadd.s32 @!p0 $0x88, s6;
	s7 =	simm.s32 @p2 $0x1082  }
0x22: {  	[simem:s7], [sflag:s8] =	dma.local @!p0 [hbm:s6], $0xF7A  }
0x23: {  	s9 =	sor.u32 $0xD0000000, s2;
	s6 =	simm.s32 $0x108;
	_ =	swait.ge @!p0 [sflag:s8], $0x0  }
0x24: {  	s3 =	sadd.s32 $0x88, s3;
	s6 =	simm.s32 @!p1 $0x1082;
	[sflag:s4] =	ssyncset.s32 $0xFFFFF086  }
0x25: {  	[simem:s6], [sflag:s4] =	dma.local [hbm:s3], $0xF7A  }
0x26: {  	[smem:$0x3F9C] =	sst s1;
	(tag) =	ssettag s2;
	_ =	strace s9  }
0x27: {  	s1 =	sld [smem:$0x3FAC]  }
0x28: {  	s2 =	sld [smem:$0x3FAD]  }
0x29: {  	s4 =	sld [smem:$0x3FAF]  }
0x2a: {  	p0 =	seq.s32 s5, $0x0;
	s5 =	sld [smem:$0x3FB0]  }
0x2b: {  	s6 =	sld [smem:$0x3FB1]  }
0x2c: {  	s7 =	sld [smem:$0x3FB2]  }
0x2d: {  	s3 =	simm.s32 $0x108;
	s8 =	sld [smem:$0x3FB3]  }
0x2e: {  	s3 =	simm.s32 @!p0 $0x1082;
	s9 =	sld [smem:$0x3FB4]  }
0x2f: {  	lr =	sadd.s32 s0, s3;
	s0 =	sld [smem:$0x3FAB]  }
0x30: {  	s3 =	sld [smem:$0x3FAE]  }
0x31: {  	[smem:$0x3FB7] =	sst s10  }
0x32: {  	s10 =	sld [smem:$0x3FB5];
	_ =	sdelay $0x3  }
0x33: {  	p0 =	seq.s32 s10, $0x1;
	s10 =	sld [smem:$0x3FB7];
	_ =	sdelay $0x3  }
0x34: {  	[smem:$0x3FB7] =	sst s10  }
0x35: {  	s10 =	sld [smem:$0x3FB6];
	_ =	sdelay $0x3  }
0x36: {  	p1 =	seq.s32 s10, $0x1;
	s10 =	sld [smem:$0x3FB7];
	_ =	sdelay $0x3  }
0x37: {  	[smem:$0x3FB7] =	sst s10  }
0x38: {  	s10 =	sld [smem:$0x3FB8]  }
0x39: {  	_ = 	snop;
	(pc) =	sbr.ind lr, $3  }
0x3a: {  	_ = 	snop  }
0x3b: {  	_ = 	snop  }
0x3c: {  	p2 =	seq.s32 s10, $0x1;
	s10 =	sld [smem:$0x3FB7]  }
0x3d: {  	_ =	shalt  }
0x3e: {  	_ =	shalt  }
0x3f: {  	_ =	shalt  }
0x40: {  	_ =	shalt  }
0x41: {  	_ =	shalt  }
0x42: {  	_ =	shalt  }
0x43: {  	_ =	shalt  }
0x44: {  	_ =	shalt  }
0x45: {  	_ =	shalt  }
0x46: {  	_ =	shalt  }
0x47: {  	_ =	shalt  }
0x48: {  	_ =	shalt  }
0x49: {  	_ =	shalt  }
0x4a: {  	_ =	shalt  }
0x4b: {  	_ =	shalt  }
0x4c: {  	_ =	shalt  }
0x4d: {  	_ =	shalt  }
0x4e: {  	_ =	shalt  }
0x4f: {  	_ =	shalt  }
0x50: {  	_ =	shalt  }
0x51: {  	_ =	shalt  }
0x52: {  	_ =	shalt  }
0x53: {  	_ =	shalt  }
0x54: {  	_ =	shalt  }
0x55: {  	_ =	shalt  }
0x56: {  	_ =	shalt  }
0x57: {  	_ =	shalt  }
0x58: {  	_ =	shalt  }
0x59: {  	_ =	shalt  }
0x5a: {  	_ =	shalt  }
0x5b: {  	_ =	shalt  }
0x5c: {  	_ =	shalt  }
0x5d: {  	_ =	shalt  }
0x5e: {  	_ =	shalt  }
0x5f: {  	_ =	shalt  }
0x60: {  	_ =	shalt  }
0x61: {  	_ =	shalt  }
0x62: {  	_ =	shalt  }
0x63: {  	_ =	shalt  }
0x64: {  	_ =	shalt  }
0x65: {  	_ =	shalt  }
0x66: {  	_ =	shalt  }
0x67: {  	_ =	shalt  }
0x68: {  	_ =	shalt  }
0x69: {  	_ =	shalt  }
0x6a: {  	_ =	shalt  }
0x6b: {  	_ =	shalt  }
0x6c: {  	_ =	shalt  }
0x6d: {  	_ =	shalt  }
0x6e: {  	_ =	shalt  }
0x6f: {  	_ =	shalt  }
0x70: {  	_ =	shalt  }
0x71: {  	_ =	shalt  }
0x72: {  	_ =	shalt  }
0x73: {  	_ =	shalt  }
0x74: {  	_ =	shalt  }
0x75: {  	_ =	shalt  }
0x76: {  	_ =	shalt  }
0x77: {  	_ =	shalt  }
0x78: {  	_ =	shalt  }
0x79: {  	_ =	shalt  }
0x7a: {  	_ =	shalt  }
0x7b: {  	_ =	shalt  }
0x7c: {  	_ =	shalt  }
0x7d: {  	_ =	shalt  }
0x7e: {  	_ =	shalt  }
0x7f: {  	_ =	shalt  }
0x80: {  	_ =	shalt  }
0x81: {  	_ =	shalt  }
0x82: {  	_ =	shalt  }
0x83: {  	_ =	shalt  }
0x84: {  	_ =	shalt  }
0x85: {  	_ =	shalt  }
0x86: {  	_ =	shalt  }
0x87: {  	_ =	shalt  }
.Lfunc_end0:
.L_simem_size_0:
called_computation.2_lowered:
.L_overlay_start_0:
0x88: {  	s2 =	sld [smem:$0x3FD9]  }
0x89: {  	s3 =	sld [smem:$0x3FFE];
	_ =	sdelay $0x1  }
0x8a: {  	s1 =	srdreg.scid  }
0x8b: {  	s0 =	sand.u32 $0x1, s1  }
0x8c: {  	s14 =	sshll.u32 s0, $0xA;
	s2 =	sadd.s32 s3, s2  }
0x8d: {  	s2 =	sadd.s32 s2, s14  }
0x8e: {  	[smem:$0x3FC3] =	sst s2  }
0x8f: {  	_ = 	snop  }
0x90: {  	s2 =	sld [smem:$0x3FD0];
	_ =	sdelay $0x2  }
0x91: {  	s15 =	simm.s32 $0xA;
	s4 =	simm.s32 $0x10  }
0x92: {  	[smem:s4], [sflag:s15] =	dma.local [hbm:s2], $0x1  }
0x93: {  	_ =	swait.eq [sflag:s15], $0x1  }
0x94: {  	[sflag:s15] =	ssyncset.done $0x0  }
0x95: {  	[sflag:s15] =	ssyncadd.s32 $0xFFFFFFFF  }
0x96: {  	s16 =	sld [smem:$0x10];
	(tm) =	ssettm $0x1  }
0x97: {  	s17 =	sld [smem:$0x3FFB];
	_ =	sdelay $0x3  }
0x98: {  	_ =	strace s17  }
0x99: {  	s3 =	sld [smem:$0x3FFC];
	_ =	sdelay $0x3  }
0x9a: {  	_ =	strace s3  }
0x9b: {  	s3 =	sld [smem:$0x3FFD];
	_ =	sdelay $0x3  }
0x9c: {  	_ =	strace s3  }
0x9d: {  	_ =	strace $0x8FFFFFFF  }
0x9e: {  	s18 =	sld [smem:$0x3FDB];
	_ =	sdelay $0x1  }
0x9f: {  	s19 =	simm.s32 $_scs_section_size  }
0xa0: {  	s5 =	simm.s32 $_size__tile_overlayer_lowered;
	s6 =	simm.s32 $_tile_overlayer_lowered  }
0xa1: {  	s22 =	simm.s32 $0x1BFF;
	s21 =	sshll.u32 s6, $0x1;
	s3 =	sadd.s32 s19, s18  }
0xa2: {  	s7 =	simm.s32 $0x0;
	s20 =	sshll.u32 s5, $0x1;
	s5 =	sadd.s32 s21, s3  }
0xa3: {  	[timem:s7], [sflag:s22] =	dma.local [hbm:s5], s20  }
0xa4: {  	_ =	swait.ge [sflag:s22], s20  }
0xa5: {  	s4 =	ssub.s32 $0x0, s20;
	[sflag:s22] =	ssyncset.done $0x0  }
0xa6: {  	[sflag:s22] =	ssyncadd.s32 s4;
	_ =	sdelay $0x1  }
0xa7: {  	s23 =	simm.s32 $0x1B8B  }
0xa8: {  	_ =	swait.ge [sflag:s23], $0x1  }
0xa9: {  	[sflag:s23] =	ssyncset.done $0x0  }
0xaa: {  	s25 =	simm.s32 $0x1B8E;
	s24 =	sld [smem:$0x3FFE];
	[sflag:s23] =	ssyncadd.s32 $0xFFFFFFFF  }
0xab: {  	s26 =	simm.s32 $execute0_lowered;
	[smem:$0x3FD2] =	sst s25  }
0xac: {  	s5 =	sshll.u32 s26, $0x1;
	_ =	strace $0x8000004C;
	[dreg:$0x1] =	wrdreg $0xFFFFFFFF  }
0xad: {  	s28 =	simm.s32 $_size_execute0_lowered;
	s3 =	sadd.s32 s3, s5;
	[dreg:$0x0] =	wrdreg $0x0  }
0xae: {  	s5 =	sshll.u32 s28, $0x1;
	[dreg:$0x2] =	wrdreg s3  }
0xaf: {  	[dreg:$0x3] =	wrdreg s5  }
0xb0: {  	[dreg:$0x4] =	wrdreg $0xC0  }
0xb1: {  	_ =	task [dreg:s7], $0x5FFFF  }
0xb2: {  	[dreg:$0x1] =	wrdreg $0xFFFFFFFF  }
0xb3: {  	[dreg:$0x0] =	wrdreg $0x60  }
0xb4: {  	[dreg:$0x2] =	wrdreg s24  }
0xb5: {  	[dreg:$0x3] =	wrdreg s16  }
0xb6: {  	[dreg:$0x4] =	wrdreg $0x9  }
0xb7: {  	_ =	task.clear_ibuf [dreg:s7], $0x5FFFF;
	_ =	strace $0x9000004C  }
0xb8: {  	s29 =	simm.s32 $0x9;
	_ =	strace $0x8000004E  }
0xb9: {  	_ =	swait.ge [sflag:s29], $0x1  }
0xba: {  	[sflag:s29] =	ssyncadd.s32 $0xFFFFFFFF  }
0xbb: {  	_ =	strace $0x9000004E  }
0xbc: {  	_ =	sfence  }
0xbd: {  	s30 =	sld [smem:$0x0];
	_ =	sdelay $0x2  }
0xbe: {  	s31 =	sshll.u32 s1, $0xD;
	s1 =	sshrl.u32 s1, $0x2  }
0xbf: {  	s3 =	sand.u32 $0x4000, s31;
	s1 =	sadd.s32 s1, s30  }
0xc0: {  	s0 =	sor.u32 s3, s0;
	s1 =	sshll.u32 s1, $0x11  }
0xc1: {  	s0 =	sor.u32 s1, s0  }
0xc2: {  	s0 =	sadd.s32 $0x8F2B, s0  }
0xc3: {  	[sflag:s0] =	ssyncadd.remote.s32 $0x1  }
0xc4: {  	_ =	sfence.sel $0xFFFF  }
0xc5: {  	[dreg:$0x0] =	wrdreg $0xFFFFFFFF;
	(pc) =	sbr.abs _section_cstart, $3  }
0xc6: {  	[dreg:$0x1] =	wrdreg $0xFFFFFFFF  }
0xc7: {  	_ =	task.clear_ibuf [dreg:s7], $0x2FFFF;
	_ =	strace $0x9FFFFFFF  }
0xc8: {  	(tm) =	ssettm $0x7FFFFFFF  }
0xc9: {  	_ =	shalt  }
tec
execute0_lowered:
.L_overlay_start_1:
0x0: {  	(tag) =	ssettag $0x1  }
0x1: {  	s1 =	srdreg.scid;
	s2 =	stileid.u32  }
0x2: {  	s6 =	sand.u32 $0x1, s1;
	s2 =	sshll.u32 s2, $0x1  }
0x3: {  	s0 =	rddreg [dreg:$0x0];
	s3 =	sor.u32 s6, s2  }
0x4: {  	s1 =	rddreg [dreg:$0x1];
	s2 =	simm.s32 $0x0;
	s4 =	sshll.u32 s3, $0x5  }
0x5: {  	[smem:$0x7FF] =	sst s2;
	s4 =	sadd.s32 s4, s0  }
0x6: {  	s5 =	sadd.s32 $0x163000, s0;
	_ =	strace $0x8000004D;
	s7 =	sadd.s32 $0x22C00, s4  }
0x7: {  	s20 =	sadd.s32 $0x2C00, s4;
	s4 =	sshll.u32 s3, $0xE;
	[dreg:$0x3] =	wrdreg s7  }
0x8: {  	[dreg:$0x4] =	wrdreg s20;
	s3 =	sadd.s32 s5, s4  }
0x9: {  	s21 =	sor.u32 $0x400, s4;
	s23 =	sadd.s32 s1, s4;
	[dreg:$0x5] =	wrdreg s3  }
0xa: {  	s8 =	sor.u32 $0x800, s4;
	s22 =	sadd.s32 s5, s21;
	[dreg:$0x7] =	wrdreg s23  }
0xb: {  	s24 =	sadd.s32 s5, s8;
	[dreg:$0x6] =	wrdreg s22  }
0xc: {  	s26 =	sor.u32 $0xC00, s4;
	s25 =	sadd.s32 s1, s21;
	[dreg:$0x8] =	wrdreg s24  }
0xd: {  	s9 =	sadd.s32 s5, s26;
	[dreg:$0x9] =	wrdreg s25  }
0xe: {  	s11 =	sor.u32 $0x1000, s4;
	s10 =	sadd.s32 s1, s8;
	[dreg:$0xa] =	wrdreg s9  }
0xf: {  	s28 =	simm.s32 $0xA200;
	s12 =	sadd.s32 s5, s11;
	[dreg:$0xb] =	wrdreg s10  }
0x10: {  	s14 =	sor.u32 $0x1400, s4;
	s13 =	sadd.s32 s1, s26;
	[dreg:$0xc] =	wrdreg s12  }
0x11: {  	s29 =	simm.s32 $0x1;
	s15 =	sadd.s32 s5, s14;
	[dreg:$0xd] =	wrdreg s13  }
0x12: {  	s17 =	sor.u32 $0x1800, s4;
	s16 =	sadd.s32 s1, s11;
	[dreg:$0xe] =	wrdreg s15  }
0x13: {  	s30 =	simm.s32 $0x2;
	s18 =	sadd.s32 s5, s17;
	[dreg:$0xf] =	wrdreg s16  }
0x14: {  	s20 =	sor.u32 $0x1C00, s4;
	s19 =	sadd.s32 s1, s14;
	[dreg:$0x10] =	wrdreg s18  }
0x15: {  	s31 =	simm.s32 $0xC200;
	s21 =	sadd.s32 s5, s20;
	[dreg:$0x11] =	wrdreg s19  }
0x16: {  	s23 =	sor.u32 $0x2000, s4;
	[dreg:$0x12] =	wrdreg s21;
	s22 =	sadd.s32 s1, s17  }
0x17: {  	s6 =	ssub.s32 $0x2, s6;
	s24 =	sadd.s32 s5, s23;
	[dreg:$0x13] =	wrdreg s22  }
0x18: {  	v2 =	vlaneseq.u32;
	s26 =	sor.u32 $0x2400, s4;
	s25 =	sadd.s32 s1, s20;
	[dreg:$0x14] =	wrdreg s24  }
0x19: {  	vm0 =	vmmov $0xffff;
	v11 =	vimm.s32 $0x8C;
	v12 =	vimm.s32 $0x8E;
	s11 =	sor.u32 $0x2800, s4;
	s9 =	sadd.s32 s5, s26;
	[dreg:$0x15] =	wrdreg s25  }
0x1a: {  	v13 =	vimm.s32 $0x90;
	v14 =	vimm.s32 $0x92;
	v15 =	vimm.s32 $0x94;
	s3 =	sadd.s32 $0x23000, s0;
	s10 =	sadd.s32 s1, s23;
	[dreg:$0x16] =	wrdreg s9  }
0x1b: {  	v16 =	vimm.s32 $0x96;
	v17 =	vimm.s32 $0x98;
	v18 =	vimm.s32 $0x9A;
	s12 =	sadd.s32 s5, s11;
	s7 =	sadd.s32 s1, s26;
	[dreg:$0x17] =	wrdreg s10  }
0x1c: {  	v19 =	vimm.s32 $0x9C;
	v20 =	vimm.s32 $0x9E;
	v21 =	vimm.s32 $0xA0;
	s14 =	sadd.s32 s1, s11;
	s15 =	sor.u32 $0x3000, s4;
	[dreg:$0x18] =	wrdreg s12  }
0x1d: {  	v22 =	vimm.s32 $0xA2;
	v23 =	vimm.s32 $0xA4;
	v24 =	vimm.s32 $0xA6;
	s18 =	sor.u32 $0x3400, s4;
	s21 =	sor.u32 $0x3800, s4;
	[dreg:$0x19] =	wrdreg s7  }
0x1e: {  	v25 =	vimm.s32 $0xA8;
	v26 =	vimm.s32 $0xAA;
	v27 =	vimm.s32 $0xAC;
	s11 =	simm.s32 $0xA00;
	s9 =	sor.u32 $0x2C00, s4;
	[dreg:$0x1b] =	wrdreg s14  }
0x1f: {  	v28 =	vimm.s32 $0xAE;
	v29 =	vimm.s32 $0xB0;
	v30 =	vimm.s32 $0xB2;
	s16 =	sadd.s32 s5, s15;
	s10 =	sshrl.u32 s6, $0x1;
	s19 =	sadd.s32 s5, s18  }
0x20: {  	v31 =	vimm.s32 $0xB4;
	v32 =	vimm.s32 $0xB6;
	v33 =	vimm.s32 $0xB8;
	s20 =	sadd.s32 s1, s15;
	s22 =	sadd.s32 s5, s21;
	s23 =	sadd.s32 s1, s18  }
0x21: {  	v34 =	vimm.s32 $0xBA;
	v35 =	vimm.s32 $0xBC;
	v36 =	vimm.s32 $0xBE;
	s24 =	sor.u32 $0x3C00, s4;
	s4 =	sadd.s32 $0x23100, s0;
	s8 =	sadd.s32 s1, s21  }
0x22: {  	v37 =	vimm.s32 $0xC0;
	v38 =	vimm.s32 $0xC2;
	v39 =	vimm.s32 $0xC4;
	s12 =	simm.s32 $0x1200;
	s14 =	simm.s32 $0x2200;
	[dreg:$0x1c] =	wrdreg s16  }
0x23: {  	v40 =	vimm.s32 $0xC6;
	v41 =	vimm.s32 $0xC8;
	v42 =	vimm.s32 $0xCA;
	s15 =	simm.s32 $0x2A00;
	s18 =	simm.s32 $0x8200;
	[dreg:$0x1e] =	wrdreg s19  }
0x24: {  	v43 =	vimm.s32 $0xCC;
	v44 =	vimm.s32 $0xCE;
	v45 =	vimm.s32 $0xD0;
	s21 =	simm.s32 $0x5200;
	s13 =	sadd.s32 s5, s9;
	[dreg:$0x1f] =	wrdreg s20  }
0x25: {  	v46 =	vimm.s32 $0xD2;
	v47 =	vimm.s32 $0xD4;
	v48 =	vimm.s32 $0xD6;
	s17 =	sadd.s32 s1, s9;
	s10 =	ssub.s32 s6, s10;
	[smem:$0x7F9] =	sst s22  }
0x26: {  	v49 =	vimm.s32 $0xD8;
	v50 =	vimm.s32 $0xDA;
	v51 =	vimm.s32 $0xDC;
	[smem:$0x7FA] =	sst s23;
	s25 =	sadd.s32 s5, s24;
	s5 =	sadd.s32 $0x23200, s0  }
0x27: {  	v52 =	vimm.s32 $0xDE;
	v53 =	vimm.s32 $0xE0;
	v54 =	vimm.s32 $0xE2;
	s6 =	sadd.s32 $0x23300, s0;
	[smem:$0x7FC] =	sst s8;
	s26 =	sadd.s32 s1, s24  }
0x28: {  	v55 =	vimm.s32 $0xE4;
	v56 =	vimm.s32 $0xE6;
	v57 =	vimm.s32 $0xE8;
	s9 =	simm.s32 $0x100;
	s16 =	simm.s32 $0x3200;
	s19 =	simm.s32 $0x4200  }
0x29: {  	v58 =	vimm.s32 $0xEA;
	v59 =	vimm.s32 $0xEC;
	v60 =	vimm.s32 $0xEE;
	s20 =	simm.s32 $0x4A00;
	s22 =	simm.s32 $0x5A00;
	[dreg:$0x1a] =	wrdreg s13  }
0x2a: {  	v61 =	vimm.s32 $0xF0;
	v62 =	vimm.s32 $0xF2;
	v63 =	vimm.s32 $0xF4;
	s23 =	simm.s32 $0x6200;
	s24 =	simm.s32 $0x6A00;
	[dreg:$0x1d] =	wrdreg s17  }
0x2b: {  	v3 =	vimm.s32 $0xF6;
	v4 =	vimm.s32 $0xF8;
	v5 =	vimm.s32 $0xFA;
	s1 =	simm.s32 $0x3;
	s0 =	simm.s32 $0xE200;
	[smem:$0x7FB] =	sst s25  }
0x2c: {  	v6 =	vimm.s32 $0xFC;
	v7 =	vimm.s32 $0xFE;
	v1 =	vshrl.u32 v2, $0x3;
	[smem:$0x7FD] =	sst s26;
	s7 =	smax.u32 s10, $0x1;
	s13 =	simm.s32 $0x1A00  }
0x2d: {  	v0 =	vand.u32 $0x7, v2;
	v2 =	vor.u32 $0x8, v2;
	v1 =	vmul.u32 $0x8, v1;
	s17 =	simm.s32 $0x3A00;
	s25 =	simm.s32 $0x7200;
	s26 =	simm.s32 $0x7A00  }
.LBB2_1:
0x2e: {  	s8 =	rddreg [dreg:$0x3];
	s10 =	simm.s32 $0x4  }
0x2f: {  	[tilespmem:s2], [sflag:$0x4] =	stream.linear.gather [hbm4b:s8+s2], $0x100, $0x38;
	[tilespmem:$0x10200] =	vst v63  }
0x30: {  	_ =	swait.ge [sflag:s10], $0x100  }
0x31: {  	[sflag:s10] =	ssyncset.done $0x0  }
0x32: {  	s8 =	rddreg [dreg:$0x4];
	[sflag:s10] =	ssyncadd.s32 $0xFFFFFF00  }
0x33: {  	[tilespmem:s9], [sflag:$0x4] =	stream.linear.gather [hbm4b:s8+s2], $0x100, $0x38;
	[tilespmem:$0x10200] =	vst v63  }
0x34: {  	_ =	swait.ge [sflag:s10], $0x100  }
0x35: {  	[sflag:s10] =	ssyncset.done $0x0  }
0x36: {  	[sflag:s10] =	ssyncadd.s32 $0xFFFFFF00  }
0x37: {  	v8 =	vld [tilespmem:$0x0];
	_ =	sdelay $0x4  }
0x38: {  	v9 =	vshll.u32 v8, $0x3  }
0x39: {  	v8 =	vand.u32 $0x7, v8;
	v9 =	vand.u32 $0xFFFFFFC0, v9  }
0x3a: {  	v8 =	vor.u32 v8, v9  }
0x3b: {  	v9 =	vperm.xlane v8, v0;
	_ =	sdelay $0x1  }
0x3c: {  	v9 =	vadd.s32 v1, v9;
	_ =	sdelay $0x3  }
0x3d: {  	s10 =	simm.s32 $0x200  }
0x3e: {  	[tilespmem:s10], [sflag:$0x1] =	stream.indirect_vreg.gather [hbm4b:s3+s2], $0x80, v9, vm0, $0xb8;
	[tilespmem:$0x10200] =	vst v63  }
0x3f: {  	v8 =	vperm.xlane v8, v2  }
0x40: {  	[tilespmem:s11], [sflag:$0x1] =	stream.indirect_vreg.gather [hbm4b:s4+s2], $0x80, v9, vm0, $0xb8;
	[tilespmem:$0x10200] =	vst v63  }
0x41: {  	v8 =	vadd.s32 v1, v8  }
0x42: {  	[tilespmem:s12], [sflag:$0x1] =	stream.indirect_vreg.gather [hbm4b:s5+s2], $0x80, v9, vm0, $0xb8;
	[tilespmem:$0x10200] =	vst v63  }
0x43: {  	_ = 	snop  }
0x44: {  	[tilespmem:s13], [sflag:$0x1] =	stream.indirect_vreg.gather [hbm4b:s6+s2], $0x80, v9, vm0, $0xb8;
	[tilespmem:$0x10200] =	vst v63  }
0x45: {  	_ = 	snop  }
0x46: {  	[tilespmem:s14], [sflag:$0x1] =	stream.indirect_vreg.gather [hbm4b:s3+s2], $0x80, v8, vm0, $0xb8;
	[tilespmem:$0x10200] =	vst v63  }
0x47: {  	_ = 	snop  }
0x48: {  	[tilespmem:s15], [sflag:$0x1] =	stream.indirect_vreg.gather [hbm4b:s4+s2], $0x80, v8, vm0, $0xb8;
	[tilespmem:$0x10200] =	vst v63  }
0x49: {  	_ = 	snop  }
0x4a: {  	[tilespmem:s16], [sflag:$0x1] =	stream.indirect_vreg.gather [hbm4b:s5+s2], $0x80, v8, vm0, $0xb8;
	[tilespmem:$0x10200] =	vst v63  }
0x4b: {  	_ = 	snop  }
0x4c: {  	[tilespmem:s17], [sflag:$0x1] =	stream.indirect_vreg.gather [hbm4b:s6+s2], $0x80, v8, vm0, $0xb8;
	[tilespmem:$0x10200] =	vst v63  }
0x4d: {  	s8 =	rddreg [dreg:$0x5]  }
0x4e: {  	[tilespmem:s18], [sflag:$0x2] =	stream.linear.gather [hbm4b:s8+s2], $0x2000, $0x38;
	[tilespmem:$0x10200] =	vst v63  }
0x4f: {  	v8 =	vld [tilespmem:$0x10];
	_ =	sdelay $0x4  }
0x50: {  	v9 =	vshll.u32 v8, $0x3  }
0x51: {  	v8 =	vand.u32 $0x7, v8;
	v9 =	vand.u32 $0xFFFFFFC0, v9  }
0x52: {  	v8 =	vor.u32 v8, v9  }
0x53: {  	v9 =	vperm.xlane v8, v0;
	_ =	sdelay $0x1  }
0x54: {  	v9 =	vadd.s32 v1, v9;
	_ =	sdelay $0x4  }
0x55: {  	[tilespmem:s19], [sflag:$0x1] =	stream.indirect_vreg.gather [hbm4b:s3+s2], $0x80, v9, vm0, $0xb8;
	[tilespmem:$0x10200] =	vst v63  }
0x56: {  	v8 =	vperm.xlane v8, v2  }
0x57: {  	[tilespmem:s20], [sflag:$0x1] =	stream.indirect_vreg.gather [hbm4b:s4+s2], $0x80, v9, vm0, $0xb8;
	[tilespmem:$0x10200] =	vst v63  }
0x58: {  	v8 =	vadd.s32 v1, v8  }
0x59: {  	[tilespmem:s21], [sflag:$0x1] =	stream.indirect_vreg.gather [hbm4b:s5+s2], $0x80, v9, vm0, $0xb8;
	[tilespmem:$0x10200] =	vst v63  }
0x5a: {  	_ = 	snop  }
0x5b: {  	[tilespmem:s22], [sflag:$0x1] =	stream.indirect_vreg.gather [hbm4b:s6+s2], $0x80, v9, vm0, $0xb8;
	[tilespmem:$0x10200] =	vst v63  }
0x5c: {  	_ = 	snop  }
0x5d: {  	[tilespmem:s23], [sflag:$0x1] =	stream.indirect_vreg.gather [hbm4b:s3+s2], $0x80, v8, vm0, $0xb8;
	[tilespmem:$0x10200] =	vst v63  }
0x5e: {  	_ = 	snop  }
0x5f: {  	[tilespmem:s24], [sflag:$0x1] =	stream.indirect_vreg.gather [hbm4b:s4+s2], $0x80, v8, vm0, $0xb8;
	[tilespmem:$0x10200] =	vst v63  }
0x60: {  	_ = 	snop  }
0x61: {  	[tilespmem:s25], [sflag:$0x1] =	stream.indirect_vreg.gather [hbm4b:s5+s2], $0x80, v8, vm0, $0xb8;
	[tilespmem:$0x10200] =	vst v63  }
0x62: {  	_ = 	snop  }
0x63: {  	[tilespmem:s26], [sflag:$0x1] =	stream.indirect_vreg.gather [hbm4b:s6+s2], $0x80, v8, vm0, $0xb8;
	[tilespmem:$0x10200] =	vst v63  }
0x64: {  	s8 =	rddreg [dreg:$0x6]  }
0x65: {  	[tilespmem:s28], [sflag:$0x2] =	stream.linear.gather [hbm4b:s8+s2], $0x2000, $0x38;
	[tilespmem:$0x10200] =	vst v63  }
0x66: {  	_ =	swait.ge [sflag:s29], $0x4000  }
0x67: {  	[sflag:s29] =	ssyncset.done $0x0  }
0x68: {  	[sflag:s29] =	ssyncadd.s32 $0xFFFFC000  }
0x69: {  	_ =	swait.ge [sflag:s30], $0x2000  }
0x6a: {  	[sflag:s30] =	ssyncset.done $0x0  }
0x6b: {  	[sflag:s30] =	ssyncadd.s32 $0xFFFFE000  }
0x6c: {  	v8 =	vld.msk [tilespmem:s9+$0x0], $0xffff  }
0x6d: {  	v9 =	vld [tilespmem:$0x200];
	_ =	sdelay $0x1  }
0x6e: {  	v10 =	vld [tilespmem:$0x8200];
	_ =	sdelay $0x2  }
0x6f: {  	v8 =	vmul.f32 v9, v8;
	_ =	sdelay $0x1  }
0x70: {  	v8 =	vadd.f32 v10, v8;
	_ =	sdelay $0x1  }
0x71: {  	[tilespmem:$0xC200] =	vst v8;
	v8 =	vimm.s32 $0x2;
	_ =	sdelay $0x3  }
0x72: {  	v9 =	vld [tilespmem:$0x300]  }
0x73: {  	v8 =	vld.idx.msk [tilespmem:v8+s9+$0x0], $0xffff;
	_ =	sdelay $0x1  }
0x74: {  	v10 =	vld [tilespmem:$0x8280];
	_ =	sdelay $0x2  }
0x75: {  	v8 =	vmul.f32 v9, v8;
	_ =	sdelay $0x1  }
0x76: {  	v8 =	vadd.f32 v10, v8;
	_ =	sdelay $0x1  }
0x77: {  	[tilespmem:$0xC280] =	vst v8;
	v8 =	vimm.s32 $0x4;
	_ =	sdelay $0x3  }
0x78: {  	v9 =	vld [tilespmem:$0x400]  }
0x79: {  	v8 =	vld.idx.msk [tilespmem:v8+s9+$0x0], $0xffff;
	_ =	sdelay $0x1  }
0x7a: {  	v10 =	vld [tilespmem:$0x8300];
	_ =	sdelay $0x2  }
0x7b: {  	v8 =	vmul.f32 v9, v8;
	_ =	sdelay $0x1  }
0x7c: {  	v8 =	vadd.f32 v10, v8;
	_ =	sdelay $0x1  }
0x7d: {  	[tilespmem:$0xC300] =	vst v8;
	v8 =	vimm.s32 $0x6;
	_ =	sdelay $0x3  }
0x7e: {  	v9 =	vld [tilespmem:$0x500]  }
0x7f: {  	v8 =	vld.idx.msk [tilespmem:v8+s9+$0x0], $0xffff;
	_ =	sdelay $0x1  }
0x80: {  	v10 =	vld [tilespmem:$0x8380];
	_ =	sdelay $0x2  }
0x81: {  	v8 =	vmul.f32 v9, v8;
	_ =	sdelay $0x1  }
0x82: {  	v8 =	vadd.f32 v10, v8;
	_ =	sdelay $0x1  }
0x83: {  	[tilespmem:$0xC380] =	vst v8;
	v8 =	vimm.s32 $0x8;
	_ =	sdelay $0x3  }
0x84: {  	v9 =	vld [tilespmem:$0x2200]  }
0x85: {  	v8 =	vld.idx.msk [tilespmem:v8+s9+$0x0], $0xffff;
	_ =	sdelay $0x1  }
0x86: {  	v10 =	vld [tilespmem:$0x8400];
	_ =	sdelay $0x2  }
0x87: {  	v8 =	vmul.f32 v9, v8;
	_ =	sdelay $0x1  }
0x88: {  	v8 =	vadd.f32 v10, v8;
	_ =	sdelay $0x1  }
0x89: {  	[tilespmem:$0xC400] =	vst v8;
	v8 =	vimm.s32 $0xA;
	_ =	sdelay $0x3  }
0x8a: {  	v9 =	vld [tilespmem:$0x2300]  }
0x8b: {  	v8 =	vld.idx.msk [tilespmem:v8+s9+$0x0], $0xffff;
	_ =	sdelay $0x1  }
0x8c: {  	v10 =	vld [tilespmem:$0x8480];
	_ =	sdelay $0x2  }
0x8d: {  	v8 =	vmul.f32 v9, v8;
	_ =	sdelay $0x1  }
0x8e: {  	v8 =	vadd.f32 v10, v8;
	_ =	sdelay $0x1  }
0x8f: {  	[tilespmem:$0xC480] =	vst v8;
	v8 =	vimm.s32 $0xC;
	_ =	sdelay $0x3  }
0x90: {  	v9 =	vld [tilespmem:$0x2400]  }
0x91: {  	v8 =	vld.idx.msk [tilespmem:v8+s9+$0x0], $0xffff;
	_ =	sdelay $0x1  }
0x92: {  	v10 =	vld [tilespmem:$0x8500];
	_ =	sdelay $0x2  }
0x93: {  	v8 =	vmul.f32 v9, v8;
	_ =	sdelay $0x1  }
0x94: {  	v8 =	vadd.f32 v10, v8;
	_ =	sdelay $0x1  }
0x95: {  	[tilespmem:$0xC500] =	vst v8;
	v8 =	vimm.s32 $0xE;
	_ =	sdelay $0x3  }
0x96: {  	v9 =	vld [tilespmem:$0x2500]  }
0x97: {  	v8 =	vld.idx.msk [tilespmem:v8+s9+$0x0], $0xffff;
	_ =	sdelay $0x1  }
0x98: {  	v10 =	vld [tilespmem:$0x8580];
	_ =	sdelay $0x2  }
0x99: {  	v8 =	vmul.f32 v9, v8;
	_ =	sdelay $0x1  }
0x9a: {  	v8 =	vadd.f32 v10, v8;
	_ =	sdelay $0x1  }
0x9b: {  	s8 =	rddreg [dreg:$0x7];
	[tilespmem:$0xC580] =	vst v8  }
0x9c: {  	[hbm4b:s8+s2] =	stream.linear.scatter [tilespmem:s31], [sflag:$0x3], $0x2000, $0x38;
	[tilespmem:$0x10200] =	vst v63  }
0x9d: {  	_ =	swait.ge [sflag:s1], $0x2000  }
0x9e: {  	[sflag:s1] =	ssyncset.done $0x0  }
0x9f: {  	[sflag:s1] =	ssyncadd.s32 $0xFFFFE000  }
0xa0: {  	v8 =	vld [tilespmem:$0x20];
	_ =	sdelay $0x4  }
0xa1: {  	v9 =	vshll.u32 v8, $0x3  }
0xa2: {  	v8 =	vand.u32 $0x7, v8;
	v9 =	vand.u32 $0xFFFFFFC0, v9  }
0xa3: {  	v8 =	vor.u32 v8, v9  }
0xa4: {  	v9 =	vperm.xlane v8, v0;
	_ =	sdelay $0x1  }
0xa5: {  	v9 =	vadd.s32 v1, v9;
	_ =	sdelay $0x4  }
0xa6: {  	[tilespmem:s10], [sflag:$0x1] =	stream.indirect_vreg.gather [hbm4b:s3+s2], $0x80, v9, vm0, $0xb8;
	[tilespmem:$0x10200] =	vst v63  }
0xa7: {  	v8 =	vperm.xlane v8, v2  }
0xa8: {  	[tilespmem:s11], [sflag:$0x1] =	stream.indirect_vreg.gather [hbm4b:s4+s2], $0x80, v9, vm0, $0xb8;
	[tilespmem:$0x10200] =	vst v63  }
0xa9: {  	v8 =	vadd.s32 v1, v8  }
0xaa: {  	[tilespmem:s12], [sflag:$0x1] =	stream.indirect_vreg.gather [hbm4b:s5+s2], $0x80, v9, vm0, $0xb8;
	[tilespmem:$0x10200] =	vst v63  }
0xab: {  	_ = 	snop  }
0xac: {  	[tilespmem:s13], [sflag:$0x1] =	stream.indirect_vreg.gather [hbm4b:s6+s2], $0x80, v9, vm0, $0xb8;
	[tilespmem:$0x10200] =	vst v63  }
0xad: {  	_ = 	snop  }
0xae: {  	[tilespmem:s14], [sflag:$0x1] =	stream.indirect_vreg.gather [hbm4b:s3+s2], $0x80, v8, vm0, $0xb8;
	[tilespmem:$0x10200] =	vst v63  }
0xaf: {  	_ = 	snop  }
0xb0: {  	[tilespmem:s15], [sflag:$0x1] =	stream.indirect_vreg.gather [hbm4b:s4+s2], $0x80, v8, vm0, $0xb8;
	[tilespmem:$0x10200] =	vst v63  }
0xb1: {  	_ = 	snop  }
0xb2: {  	[tilespmem:s16], [sflag:$0x1] =	stream.indirect_vreg.gather [hbm4b:s5+s2], $0x80, v8, vm0, $0xb8;
	[tilespmem:$0x10200] =	vst v63  }
0xb3: {  	_ = 	snop  }
0xb4: {  	[tilespmem:s17], [sflag:$0x1] =	stream.indirect_vreg.gather [hbm4b:s6+s2], $0x80, v8, vm0, $0xb8;
	[tilespmem:$0x10200] =	vst v63  }
0xb5: {  	s8 =	rddreg [dreg:$0x8]  }
0xb6: {  	[tilespmem:s18], [sflag:$0x2] =	stream.linear.gather [hbm4b:s8+s2], $0x2000, $0x38;
	[tilespmem:$0x10200] =	vst v63  }
0xb7: {  	_ =	swait.ge [sflag:s29], $0x4000  }
0xb8: {  	v8 =	vimm.s32 $0x10;
	[sflag:s29] =	ssyncset.done $0x0  }
0xb9: {  	[sflag:s29] =	ssyncadd.s32 $0xFFFFC000  }
0xba: {  	_ =	swait.ge [sflag:s30], $0x2000  }
0xbb: {  	[sflag:s30] =	ssyncset.done $0x0  }
0xbc: {  	[sflag:s30] =	ssyncadd.s32 $0xFFFFE000  }
0xbd: {  	v8 =	vld.idx.msk [tilespmem:v8+s9+$0x0], $0xffff  }
0xbe: {  	v9 =	vld [tilespmem:$0x4200];
	_ =	sdelay $0x1  }
0xbf: {  	v10 =	vld [tilespmem:$0xA200];
	_ =	sdelay $0x2  }
0xc0: {  	v8 =	vmul.f32 v9, v8;
	_ =	sdelay $0x1  }
0xc1: {  	v8 =	vadd.f32 v10, v8;
	_ =	sdelay $0x1  }
0xc2: {  	[tilespmem:$0xE200] =	vst v8;
	v8 =	vimm.s32 $0x12;
	_ =	sdelay $0x3  }
0xc3: {  	v9 =	vld [tilespmem:$0x4300]  }
0xc4: {  	v8 =	vld.idx.msk [tilespmem:v8+s9+$0x0], $0xffff;
	_ =	sdelay $0x1  }
0xc5: {  	v10 =	vld [tilespmem:$0xA280];
	_ =	sdelay $0x2  }
0xc6: {  	v8 =	vmul.f32 v9, v8;
	_ =	sdelay $0x1  }
0xc7: {  	v8 =	vadd.f32 v10, v8;
	_ =	sdelay $0x1  }
0xc8: {  	[tilespmem:$0xE280] =	vst v8;
	v8 =	vimm.s32 $0x14;
	_ =	sdelay $0x3  }
0xc9: {  	v9 =	vld [tilespmem:$0x4400]  }
0xca: {  	v8 =	vld.idx.msk [tilespmem:v8+s9+$0x0], $0xffff;
	_ =	sdelay $0x1  }
0xcb: {  	v10 =	vld [tilespmem:$0xA300];
	_ =	sdelay $0x2  }
0xcc: {  	v8 =	vmul.f32 v9, v8;
	_ =	sdelay $0x1  }
0xcd: {  	v8 =	vadd.f32 v10, v8;
	_ =	sdelay $0x1  }
0xce: {  	[tilespmem:$0xE300] =	vst v8;
	v8 =	vimm.s32 $0x16;
	_ =	sdelay $0x3  }
0xcf: {  	v9 =	vld [tilespmem:$0x4500]  }
0xd0: {  	v8 =	vld.idx.msk [tilespmem:v8+s9+$0x0], $0xffff;
	_ =	sdelay $0x1  }
0xd1: {  	v10 =	vld [tilespmem:$0xA380];
	_ =	sdelay $0x2  }
0xd2: {  	v8 =	vmul.f32 v9, v8;
	_ =	sdelay $0x1  }
0xd3: {  	v8 =	vadd.f32 v10, v8;
	_ =	sdelay $0x1  }
0xd4: {  	[tilespmem:$0xE380] =	vst v8;
	v8 =	vimm.s32 $0x18;
	_ =	sdelay $0x3  }
0xd5: {  	v9 =	vld [tilespmem:$0x6200]  }
0xd6: {  	v8 =	vld.idx.msk [tilespmem:v8+s9+$0x0], $0xffff;
	_ =	sdelay $0x1  }
0xd7: {  	v10 =	vld [tilespmem:$0xA400];
	_ =	sdelay $0x2  }
0xd8: {  	v8 =	vmul.f32 v9, v8;
	_ =	sdelay $0x1  }
0xd9: {  	v8 =	vadd.f32 v10, v8;
	_ =	sdelay $0x1  }
0xda: {  	[tilespmem:$0xE400] =	vst v8;
	v8 =	vimm.s32 $0x1A;
	_ =	sdelay $0x3  }
0xdb: {  	v9 =	vld [tilespmem:$0x6300]  }
0xdc: {  	v8 =	vld.idx.msk [tilespmem:v8+s9+$0x0], $0xffff;
	_ =	sdelay $0x1  }
0xdd: {  	v10 =	vld [tilespmem:$0xA480];
	_ =	sdelay $0x2  }
0xde: {  	v8 =	vmul.f32 v9, v8;
	_ =	sdelay $0x1  }
0xdf: {  	v8 =	vadd.f32 v10, v8;
	_ =	sdelay $0x1  }
0xe0: {  	[tilespmem:$0xE480] =	vst v8;
	v8 =	vimm.s32 $0x1C;
	_ =	sdelay $0x3  }
0xe1: {  	v9 =	vld [tilespmem:$0x6400]  }
0xe2: {  	v8 =	vld.idx.msk [tilespmem:v8+s9+$0x0], $0xffff;
	_ =	sdelay $0x1  }
0xe3: {  	v10 =	vld [tilespmem:$0xA500];
	_ =	sdelay $0x2  }
0xe4: {  	v8 =	vmul.f32 v9, v8;
	_ =	sdelay $0x1  }
0xe5: {  	v8 =	vadd.f32 v10, v8;
	_ =	sdelay $0x1  }
0xe6: {  	[tilespmem:$0xE500] =	vst v8;
	v8 =	vimm.s32 $0x1E;
	_ =	sdelay $0x3  }
0xe7: {  	v9 =	vld [tilespmem:$0x6500]  }
0xe8: {  	v8 =	vld.idx.msk [tilespmem:v8+s9+$0x0], $0xffff;
	_ =	sdelay $0x1  }
0xe9: {  	v10 =	vld [tilespmem:$0xA580];
	_ =	sdelay $0x2  }
0xea: {  	v8 =	vmul.f32 v9, v8;
	_ =	sdelay $0x1  }
0xeb: {  	v8 =	vadd.f32 v10, v8;
	_ =	sdelay $0x1  }
0xec: {  	s8 =	rddreg [dreg:$0x9];
	[tilespmem:$0xE580] =	vst v8  }
0xed: {  	[hbm4b:s8+s2] =	stream.linear.scatter [tilespmem:s0], [sflag:$0x3], $0x2000, $0x38;
	[tilespmem:$0x10200] =	vst v63  }
0xee: {  	_ =	swait.ge [sflag:s1], $0x2000  }
0xef: {  	[sflag:s1] =	ssyncset.done $0x0  }
0xf0: {  	[sflag:s1] =	ssyncadd.s32 $0xFFFFE000  }
0xf1: {  	v8 =	vld [tilespmem:$0x30];
	_ =	sdelay $0x4  }
0xf2: {  	v9 =	vshll.u32 v8, $0x3  }
0xf3: {  	v8 =	vand.u32 $0x7, v8;
	v9 =	vand.u32 $0xFFFFFFC0, v9  }
0xf4: {  	v8 =	vor.u32 v8, v9  }
0xf5: {  	v9 =	vperm.xlane v8, v0;
	_ =	sdelay $0x1  }
0xf6: {  	v9 =	vadd.s32 v1, v9;
	_ =	sdelay $0x4  }
0xf7: {  	[tilespmem:s19], [sflag:$0x1] =	stream.indirect_vreg.gather [hbm4b:s3+s2], $0x80, v9, vm0, $0xb8;
	[tilespmem:$0x10200] =	vst v63  }
0xf8: {  	v8 =	vperm.xlane v8, v2  }
0xf9: {  	[tilespmem:s20], [sflag:$0x1] =	stream.indirect_vreg.gather [hbm4b:s4+s2], $0x80, v9, vm0, $0xb8;
	[tilespmem:$0x10200] =	vst v63  }
0xfa: {  	v8 =	vadd.s32 v1, v8  }
0xfb: {  	[tilespmem:s21], [sflag:$0x1] =	stream.indirect_vreg.gather [hbm4b:s5+s2], $0x80, v9, vm0, $0xb8;
	[tilespmem:$0x10200] =	vst v63  }
0xfc: {  	_ = 	snop  }
0xfd: {  	[tilespmem:s22], [sflag:$0x1] =	stream.indirect_vreg.gather [hbm4b:s6+s2], $0x80, v9, vm0, $0xb8;
	[tilespmem:$0x10200] =	vst v63  }
0xfe: {  	_ = 	snop  }
0xff: {  	[tilespmem:s23], [sflag:$0x1] =	stream.indirect_vreg.gather [hbm4b:s3+s2], $0x80, v8, vm0, $0xb8;
	[tilespmem:$0x10200] =	vst v63  }
0x100: {  	_ = 	snop  }
0x101: {  	[tilespmem:s24], [sflag:$0x1] =	stream.indirect_vreg.gather [hbm4b:s4+s2], $0x80, v8, vm0, $0xb8;
	[tilespmem:$0x10200] =	vst v63  }
0x102: {  	_ = 	snop  }
0x103: {  	[tilespmem:s25], [sflag:$0x1] =	stream.indirect_vreg.gather [hbm4b:s5+s2], $0x80, v8, vm0, $0xb8;
	[tilespmem:$0x10200] =	vst v63  }
0x104: {  	_ = 	snop  }
0x105: {  	[tilespmem:s26], [sflag:$0x1] =	stream.indirect_vreg.gather [hbm4b:s6+s2], $0x80, v8, vm0, $0xb8;
	[tilespmem:$0x10200] =	vst v63  }
0x106: {  	s8 =	rddreg [dreg:$0xa]  }
0x107: {  	[tilespmem:s28], [sflag:$0x2] =	stream.linear.gather [hbm4b:s8+s2], $0x2000, $0x38;
	[tilespmem:$0x10200] =	vst v63  }
0x108: {  	_ =	swait.ge [sflag:s29], $0x4000  }
0x109: {  	v8 =	vimm.s32 $0x20;
	[sflag:s29] =	ssyncset.done $0x0  }
0x10a: {  	[sflag:s29] =	ssyncadd.s32 $0xFFFFC000  }
0x10b: {  	_ =	swait.ge [sflag:s30], $0x2000  }
0x10c: {  	[sflag:s30] =	ssyncset.done $0x0  }
0x10d: {  	[sflag:s30] =	ssyncadd.s32 $0xFFFFE000  }
0x10e: {  	v8 =	vld.idx.msk [tilespmem:v8+s9+$0x0], $0xffff  }
0x10f: {  	v9 =	vld [tilespmem:$0x200];
	_ =	sdelay $0x1  }
0x110: {  	v10 =	vld [tilespmem:$0x8200];
	_ =	sdelay $0x2  }
0x111: {  	v8 =	vmul.f32 v9, v8;
	_ =	sdelay $0x1  }
0x112: {  	v8 =	vadd.f32 v10, v8;
	_ =	sdelay $0x1  }
0x113: {  	[tilespmem:$0xC200] =	vst v8;
	v8 =	vimm.s32 $0x22;
	_ =	sdelay $0x3  }
0x114: {  	v9 =	vld [tilespmem:$0x300]  }
0x115: {  	v8 =	vld.idx.msk [tilespmem:v8+s9+$0x0], $0xffff;
	_ =	sdelay $0x1  }
0x116: {  	v10 =	vld [tilespmem:$0x8280];
	_ =	sdelay $0x2  }
0x117: {  	v8 =	vmul.f32 v9, v8;
	_ =	sdelay $0x1  }
0x118: {  	v8 =	vadd.f32 v10, v8;
	_ =	sdelay $0x1  }
0x119: {  	[tilespmem:$0xC280] =	vst v8;
	v8 =	vimm.s32 $0x24;
	_ =	sdelay $0x3  }
0x11a: {  	v9 =	vld [tilespmem:$0x400]  }
0x11b: {  	v8 =	vld.idx.msk [tilespmem:v8+s9+$0x0], $0xffff;
	_ =	sdelay $0x1  }
0x11c: {  	v10 =	vld [tilespmem:$0x8300];
	_ =	sdelay $0x2  }
0x11d: {  	v8 =	vmul.f32 v9, v8;
	_ =	sdelay $0x1  }
0x11e: {  	v8 =	vadd.f32 v10, v8;
	_ =	sdelay $0x1  }
0x11f: {  	[tilespmem:$0xC300] =	vst v8;
	v8 =	vimm.s32 $0x26;
	_ =	sdelay $0x3  }
0x120: {  	v9 =	vld [tilespmem:$0x500]  }
0x121: {  	v8 =	vld.idx.msk [tilespmem:v8+s9+$0x0], $0xffff;
	_ =	sdelay $0x1  }
0x122: {  	v10 =	vld [tilespmem:$0x8380];
	_ =	sdelay $0x2  }
0x123: {  	v8 =	vmul.f32 v9, v8;
	_ =	sdelay $0x1  }
0x124: {  	v8 =	vadd.f32 v10, v8;
	_ =	sdelay $0x1  }
0x125: {  	[tilespmem:$0xC380] =	vst v8;
	v8 =	vimm.s32 $0x28;
	_ =	sdelay $0x3  }
0x126: {  	v9 =	vld [tilespmem:$0x2200]  }
0x127: {  	v8 =	vld.idx.msk [tilespmem:v8+s9+$0x0], $0xffff;
	_ =	sdelay $0x1  }
0x128: {  	v10 =	vld [tilespmem:$0x8400];
	_ =	sdelay $0x2  }
0x129: {  	v8 =	vmul.f32 v9, v8;
	_ =	sdelay $0x1  }
0x12a: {  	v8 =	vadd.f32 v10, v8;
	_ =	sdelay $0x1  }
0x12b: {  	[tilespmem:$0xC400] =	vst v8;
	v8 =	vimm.s32 $0x2A;
	_ =	sdelay $0x3  }
0x12c: {  	v9 =	vld [tilespmem:$0x2300]  }
0x12d: {  	v8 =	vld.idx.msk [tilespmem:v8+s9+$0x0], $0xffff;
	_ =	sdelay $0x1  }
0x12e: {  	v10 =	vld [tilespmem:$0x8480];
	_ =	sdelay $0x2  }
0x12f: {  	v8 =	vmul.f32 v9, v8;
	_ =	sdelay $0x1  }
0x130: {  	v8 =	vadd.f32 v10, v8;
	_ =	sdelay $0x1  }
0x131: {  	[tilespmem:$0xC480] =	vst v8;
	v8 =	vimm.s32 $0x2C;
	_ =	sdelay $0x3  }
0x132: {  	v9 =	vld [tilespmem:$0x2400]  }
0x133: {  	v8 =	vld.idx.msk [tilespmem:v8+s9+$0x0], $0xffff;
	_ =	sdelay $0x1  }
0x134: {  	v10 =	vld [tilespmem:$0x8500];
	_ =	sdelay $0x2  }
0x135: {  	v8 =	vmul.f32 v9, v8;
	_ =	sdelay $0x1  }
0x136: {  	v8 =	vadd.f32 v10, v8;
	_ =	sdelay $0x1  }
0x137: {  	[tilespmem:$0xC500] =	vst v8;
	v8 =	vimm.s32 $0x2E;
	_ =	sdelay $0x3  }
0x138: {  	v9 =	vld [tilespmem:$0x2500]  }
0x139: {  	v8 =	vld.idx.msk [tilespmem:v8+s9+$0x0], $0xffff;
	_ =	sdelay $0x1  }
0x13a: {  	v10 =	vld [tilespmem:$0x8580];
	_ =	sdelay $0x2  }
0x13b: {  	v8 =	vmul.f32 v9, v8;
	_ =	sdelay $0x1  }
0x13c: {  	v8 =	vadd.f32 v10, v8;
	_ =	sdelay $0x1  }
0x13d: {  	s8 =	rddreg [dreg:$0xb];
	[tilespmem:$0xC580] =	vst v8  }
0x13e: {  	[hbm4b:s8+s2] =	stream.linear.scatter [tilespmem:s31], [sflag:$0x3], $0x2000, $0x38;
	[tilespmem:$0x10200] =	vst v63  }
0x13f: {  	_ =	swait.ge [sflag:s1], $0x2000  }
0x140: {  	[sflag:s1] =	ssyncset.done $0x0  }
0x141: {  	[sflag:s1] =	ssyncadd.s32 $0xFFFFE000  }
0x142: {  	v8 =	vld [tilespmem:$0x40];
	_ =	sdelay $0x4  }
0x143: {  	v9 =	vshll.u32 v8, $0x3  }
0x144: {  	v8 =	vand.u32 $0x7, v8;
	v9 =	vand.u32 $0xFFFFFFC0, v9  }
0x145: {  	v8 =	vor.u32 v8, v9  }
0x146: {  	v9 =	vperm.xlane v8, v0;
	_ =	sdelay $0x1  }
0x147: {  	v9 =	vadd.s32 v1, v9;
	_ =	sdelay $0x4  }
0x148: {  	[tilespmem:s10], [sflag:$0x1] =	stream.indirect_vreg.gather [hbm4b:s3+s2], $0x80, v9, vm0, $0xb8;
	[tilespmem:$0x10200] =	vst v63  }
0x149: {  	v8 =	vperm.xlane v8, v2  }
0x14a: {  	[tilespmem:s11], [sflag:$0x1] =	stream.indirect_vreg.gather [hbm4b:s4+s2], $0x80, v9, vm0, $0xb8;
	[tilespmem:$0x10200] =	vst v63  }
0x14b: {  	v8 =	vadd.s32 v1, v8  }
0x14c: {  	[tilespmem:s12], [sflag:$0x1] =	stream.indirect_vreg.gather [hbm4b:s5+s2], $0x80, v9, vm0, $0xb8;
	[tilespmem:$0x10200] =	vst v63  }
0x14d: {  	_ = 	snop  }
0x14e: {  	[tilespmem:s13], [sflag:$0x1] =	stream.indirect_vreg.gather [hbm4b:s6+s2], $0x80, v9, vm0, $0xb8;
	[tilespmem:$0x10200] =	vst v63  }
0x14f: {  	_ = 	snop  }
0x150: {  	[tilespmem:s14], [sflag:$0x1] =	stream.indirect_vreg.gather [hbm4b:s3+s2], $0x80, v8, vm0, $0xb8;
	[tilespmem:$0x10200] =	vst v63  }
0x151: {  	_ = 	snop  }
0x152: {  	[tilespmem:s15], [sflag:$0x1] =	stream.indirect_vreg.gather [hbm4b:s4+s2], $0x80, v8, vm0, $0xb8;
	[tilespmem:$0x10200] =	vst v63  }
0x153: {  	_ = 	snop  }
0x154: {  	[tilespmem:s16], [sflag:$0x1] =	stream.indirect_vreg.gather [hbm4b:s5+s2], $0x80, v8, vm0, $0xb8;
	[tilespmem:$0x10200] =	vst v63  }
0x155: {  	_ = 	snop  }
0x156: {  	[tilespmem:s17], [sflag:$0x1] =	stream.indirect_vreg.gather [hbm4b:s6+s2], $0x80, v8, vm0, $0xb8;
	[tilespmem:$0x10200] =	vst v63  }
0x157: {  	s8 =	rddreg [dreg:$0xc]  }
0x158: {  	[tilespmem:s18], [sflag:$0x2] =	stream.linear.gather [hbm4b:s8+s2], $0x2000, $0x38;
	[tilespmem:$0x10200] =	vst v63  }
0x159: {  	_ =	swait.ge [sflag:s29], $0x4000  }
0x15a: {  	v8 =	vimm.s32 $0x30;
	[sflag:s29] =	ssyncset.done $0x0  }
0x15b: {  	[sflag:s29] =	ssyncadd.s32 $0xFFFFC000  }
0x15c: {  	_ =	swait.ge [sflag:s30], $0x2000  }
0x15d: {  	[sflag:s30] =	ssyncset.done $0x0  }
0x15e: {  	[sflag:s30] =	ssyncadd.s32 $0xFFFFE000  }
0x15f: {  	v8 =	vld.idx.msk [tilespmem:v8+s9+$0x0], $0xffff  }
0x160: {  	v9 =	vld [tilespmem:$0x4200];
	_ =	sdelay $0x1  }
0x161: {  	v10 =	vld [tilespmem:$0xA200];
	_ =	sdelay $0x2  }
0x162: {  	v8 =	vmul.f32 v9, v8;
	_ =	sdelay $0x1  }
0x163: {  	v8 =	vadd.f32 v10, v8;
	_ =	sdelay $0x1  }
0x164: {  	[tilespmem:$0xE200] =	vst v8;
	v8 =	vimm.s32 $0x32;
	_ =	sdelay $0x3  }
0x165: {  	v9 =	vld [tilespmem:$0x4300]  }
0x166: {  	v8 =	vld.idx.msk [tilespmem:v8+s9+$0x0], $0xffff;
	_ =	sdelay $0x1  }
0x167: {  	v10 =	vld [tilespmem:$0xA280];
	_ =	sdelay $0x2  }
0x168: {  	v8 =	vmul.f32 v9, v8;
	_ =	sdelay $0x1  }
0x169: {  	v8 =	vadd.f32 v10, v8;
	_ =	sdelay $0x1  }
0x16a: {  	[tilespmem:$0xE280] =	vst v8;
	v8 =	vimm.s32 $0x34;
	_ =	sdelay $0x3  }
0x16b: {  	v9 =	vld [tilespmem:$0x4400]  }
0x16c: {  	v8 =	vld.idx.msk [tilespmem:v8+s9+$0x0], $0xffff;
	_ =	sdelay $0x1  }
0x16d: {  	v10 =	vld [tilespmem:$0xA300];
	_ =	sdelay $0x2  }
0x16e: {  	v8 =	vmul.f32 v9, v8;
	_ =	sdelay $0x1  }
0x16f: {  	v8 =	vadd.f32 v10, v8;
	_ =	sdelay $0x1  }
0x170: {  	[tilespmem:$0xE300] =	vst v8;
	v8 =	vimm.s32 $0x36;
	_ =	sdelay $0x3  }
0x171: {  	v9 =	vld [tilespmem:$0x4500]  }
0x172: {  	v8 =	vld.idx.msk [tilespmem:v8+s9+$0x0], $0xffff;
	_ =	sdelay $0x1  }
0x173: {  	v10 =	vld [tilespmem:$0xA380];
	_ =	sdelay $0x2  }
0x174: {  	v8 =	vmul.f32 v9, v8;
	_ =	sdelay $0x1  }
0x175: {  	v8 =	vadd.f32 v10, v8;
	_ =	sdelay $0x1  }
0x176: {  	[tilespmem:$0xE380] =	vst v8;
	v8 =	vimm.s32 $0x38;
	_ =	sdelay $0x3  }
0x177: {  	v9 =	vld [tilespmem:$0x6200]  }
0x178: {  	v8 =	vld.idx.msk [tilespmem:v8+s9+$0x0], $0xffff;
	_ =	sdelay $0x1  }
0x179: {  	v10 =	vld [tilespmem:$0xA400];
	_ =	sdelay $0x2  }
0x17a: {  	v8 =	vmul.f32 v9, v8;
	_ =	sdelay $0x1  }
0x17b: {  	v8 =	vadd.f32 v10, v8;
	_ =	sdelay $0x1  }
0x17c: {  	[tilespmem:$0xE400] =	vst v8;
	v8 =	vimm.s32 $0x3A;
	_ =	sdelay $0x3  }
0x17d: {  	v9 =	vld [tilespmem:$0x6300]  }
0x17e: {  	v8 =	vld.idx.msk [tilespmem:v8+s9+$0x0], $0xffff;
	_ =	sdelay $0x1  }
0x17f: {  	v10 =	vld [tilespmem:$0xA480];
	_ =	sdelay $0x2  }
0x180: {  	v8 =	vmul.f32 v9, v8;
	_ =	sdelay $0x1  }
0x181: {  	v8 =	vadd.f32 v10, v8;
	_ =	sdelay $0x1  }
0x182: {  	[tilespmem:$0xE480] =	vst v8;
	v8 =	vimm.s32 $0x3C;
	_ =	sdelay $0x3  }
0x183: {  	v9 =	vld [tilespmem:$0x6400]  }
0x184: {  	v8 =	vld.idx.msk [tilespmem:v8+s9+$0x0], $0xffff;
	_ =	sdelay $0x1  }
0x185: {  	v10 =	vld [tilespmem:$0xA500];
	_ =	sdelay $0x2  }
0x186: {  	v8 =	vmul.f32 v9, v8;
	_ =	sdelay $0x1  }
0x187: {  	v8 =	vadd.f32 v10, v8;
	_ =	sdelay $0x1  }
0x188: {  	[tilespmem:$0xE500] =	vst v8;
	v8 =	vimm.s32 $0x3E;
	_ =	sdelay $0x3  }
0x189: {  	v9 =	vld [tilespmem:$0x6500]  }
0x18a: {  	v8 =	vld.idx.msk [tilespmem:v8+s9+$0x0], $0xffff;
	_ =	sdelay $0x1  }
0x18b: {  	v10 =	vld [tilespmem:$0xA580];
	_ =	sdelay $0x2  }
0x18c: {  	v8 =	vmul.f32 v9, v8;
	_ =	sdelay $0x1  }
0x18d: {  	v8 =	vadd.f32 v10, v8;
	_ =	sdelay $0x1  }
0x18e: {  	s8 =	rddreg [dreg:$0xd];
	[tilespmem:$0xE580] =	vst v8  }
0x18f: {  	[hbm4b:s8+s2] =	stream.linear.scatter [tilespmem:s0], [sflag:$0x3], $0x2000, $0x38;
	[tilespmem:$0x10200] =	vst v63  }
0x190: {  	_ =	swait.ge [sflag:s1], $0x2000  }
0x191: {  	[sflag:s1] =	ssyncset.done $0x0  }
0x192: {  	[sflag:s1] =	ssyncadd.s32 $0xFFFFE000  }
0x193: {  	v8 =	vld [tilespmem:$0x50];
	_ =	sdelay $0x4  }
0x194: {  	v9 =	vshll.u32 v8, $0x3  }
0x195: {  	v8 =	vand.u32 $0x7, v8;
	v9 =	vand.u32 $0xFFFFFFC0, v9  }
0x196: {  	v8 =	vor.u32 v8, v9  }
0x197: {  	v9 =	vperm.xlane v8, v0;
	_ =	sdelay $0x1  }
0x198: {  	v9 =	vadd.s32 v1, v9;
	_ =	sdelay $0x4  }
0x199: {  	[tilespmem:s19], [sflag:$0x1] =	stream.indirect_vreg.gather [hbm4b:s3+s2], $0x80, v9, vm0, $0xb8;
	[tilespmem:$0x10200] =	vst v63  }
0x19a: {  	v8 =	vperm.xlane v8, v2  }
0x19b: {  	[tilespmem:s20], [sflag:$0x1] =	stream.indirect_vreg.gather [hbm4b:s4+s2], $0x80, v9, vm0, $0xb8;
	[tilespmem:$0x10200] =	vst v63  }
0x19c: {  	v8 =	vadd.s32 v1, v8  }
0x19d: {  	[tilespmem:s21], [sflag:$0x1] =	stream.indirect_vreg.gather [hbm4b:s5+s2], $0x80, v9, vm0, $0xb8;
	[tilespmem:$0x10200] =	vst v63  }
0x19e: {  	_ = 	snop  }
0x19f: {  	[tilespmem:s22], [sflag:$0x1] =	stream.indirect_vreg.gather [hbm4b:s6+s2], $0x80, v9, vm0, $0xb8;
	[tilespmem:$0x10200] =	vst v63  }
0x1a0: {  	_ = 	snop  }
0x1a1: {  	[tilespmem:s23], [sflag:$0x1] =	stream.indirect_vreg.gather [hbm4b:s3+s2], $0x80, v8, vm0, $0xb8;
	[tilespmem:$0x10200] =	vst v63  }
0x1a2: {  	_ = 	snop  }
0x1a3: {  	[tilespmem:s24], [sflag:$0x1] =	stream.indirect_vreg.gather [hbm4b:s4+s2], $0x80, v8, vm0, $0xb8;
	[tilespmem:$0x10200] =	vst v63  }
0x1a4: {  	_ = 	snop  }
0x1a5: {  	[tilespmem:s25], [sflag:$0x1] =	stream.indirect_vreg.gather [hbm4b:s5+s2], $0x80, v8, vm0, $0xb8;
	[tilespmem:$0x10200] =	vst v63  }
0x1a6: {  	_ = 	snop  }
0x1a7: {  	[tilespmem:s26], [sflag:$0x1] =	stream.indirect_vreg.gather [hbm4b:s6+s2], $0x80, v8, vm0, $0xb8;
	[tilespmem:$0x10200] =	vst v63  }
0x1a8: {  	s8 =	rddreg [dreg:$0xe]  }
0x1a9: {  	[tilespmem:s28], [sflag:$0x2] =	stream.linear.gather [hbm4b:s8+s2], $0x2000, $0x38;
	[tilespmem:$0x10200] =	vst v63  }
0x1aa: {  	_ =	swait.ge [sflag:s29], $0x4000  }
0x1ab: {  	v8 =	vimm.s32 $0x40;
	[sflag:s29] =	ssyncset.done $0x0  }
0x1ac: {  	[sflag:s29] =	ssyncadd.s32 $0xFFFFC000  }
0x1ad: {  	_ =	swait.ge [sflag:s30], $0x2000  }
0x1ae: {  	[sflag:s30] =	ssyncset.done $0x0  }
0x1af: {  	[sflag:s30] =	ssyncadd.s32 $0xFFFFE000  }
0x1b0: {  	v8 =	vld.idx.msk [tilespmem:v8+s9+$0x0], $0xffff  }
0x1b1: {  	v9 =	vld [tilespmem:$0x200];
	_ =	sdelay $0x1  }
0x1b2: {  	v10 =	vld [tilespmem:$0x8200];
	_ =	sdelay $0x2  }
0x1b3: {  	v8 =	vmul.f32 v9, v8;
	_ =	sdelay $0x1  }
0x1b4: {  	v8 =	vadd.f32 v10, v8;
	_ =	sdelay $0x1  }
0x1b5: {  	[tilespmem:$0xC200] =	vst v8;
	v8 =	vimm.s32 $0x42;
	_ =	sdelay $0x3  }
0x1b6: {  	v9 =	vld [tilespmem:$0x300]  }
0x1b7: {  	v8 =	vld.idx.msk [tilespmem:v8+s9+$0x0], $0xffff;
	_ =	sdelay $0x1  }
0x1b8: {  	v10 =	vld [tilespmem:$0x8280];
	_ =	sdelay $0x2  }
0x1b9: {  	v8 =	vmul.f32 v9, v8;
	_ =	sdelay $0x1  }
0x1ba: {  	v8 =	vadd.f32 v10, v8;
	_ =	sdelay $0x1  }
0x1bb: {  	[tilespmem:$0xC280] =	vst v8;
	v8 =	vimm.s32 $0x44;
	_ =	sdelay $0x3  }
0x1bc: {  	v9 =	vld [tilespmem:$0x400]  }
0x1bd: {  	v8 =	vld.idx.msk [tilespmem:v8+s9+$0x0], $0xffff;
	_ =	sdelay $0x1  }
0x1be: {  	v10 =	vld [tilespmem:$0x8300];
	_ =	sdelay $0x2  }
0x1bf: {  	v8 =	vmul.f32 v9, v8;
	_ =	sdelay $0x1  }
0x1c0: {  	v8 =	vadd.f32 v10, v8;
	_ =	sdelay $0x1  }
0x1c1: {  	[tilespmem:$0xC300] =	vst v8;
	v8 =	vimm.s32 $0x46;
	_ =	sdelay $0x3  }
0x1c2: {  	v9 =	vld [tilespmem:$0x500]  }
0x1c3: {  	v8 =	vld.idx.msk [tilespmem:v8+s9+$0x0], $0xffff;
	_ =	sdelay $0x1  }
0x1c4: {  	v10 =	vld [tilespmem:$0x8380];
	_ =	sdelay $0x2  }
0x1c5: {  	v8 =	vmul.f32 v9, v8;
	_ =	sdelay $0x1  }
0x1c6: {  	v8 =	vadd.f32 v10, v8;
	_ =	sdelay $0x1  }
0x1c7: {  	[tilespmem:$0xC380] =	vst v8;
	v8 =	vimm.s32 $0x48;
	_ =	sdelay $0x3  }
0x1c8: {  	v9 =	vld [tilespmem:$0x2200]  }
0x1c9: {  	v8 =	vld.idx.msk [tilespmem:v8+s9+$0x0], $0xffff;
	_ =	sdelay $0x1  }
0x1ca: {  	v10 =	vld [tilespmem:$0x8400];
	_ =	sdelay $0x2  }
0x1cb: {  	v8 =	vmul.f32 v9, v8;
	_ =	sdelay $0x1  }
0x1cc: {  	v8 =	vadd.f32 v10, v8;
	_ =	sdelay $0x1  }
0x1cd: {  	[tilespmem:$0xC400] =	vst v8;
	v8 =	vimm.s32 $0x4A;
	_ =	sdelay $0x3  }
0x1ce: {  	v9 =	vld [tilespmem:$0x2300]  }
0x1cf: {  	v8 =	vld.idx.msk [tilespmem:v8+s9+$0x0], $0xffff;
	_ =	sdelay $0x1  }
0x1d0: {  	v10 =	vld [tilespmem:$0x8480];
	_ =	sdelay $0x2  }
0x1d1: {  	v8 =	vmul.f32 v9, v8;
	_ =	sdelay $0x1  }
0x1d2: {  	v8 =	vadd.f32 v10, v8;
	_ =	sdelay $0x1  }
0x1d3: {  	[tilespmem:$0xC480] =	vst v8;
	v8 =	vimm.s32 $0x4C;
	_ =	sdelay $0x3  }
0x1d4: {  	v9 =	vld [tilespmem:$0x2400]  }
0x1d5: {  	v8 =	vld.idx.msk [tilespmem:v8+s9+$0x0], $0xffff;
	_ =	sdelay $0x1  }
0x1d6: {  	v10 =	vld [tilespmem:$0x8500];
	_ =	sdelay $0x2  }
0x1d7: {  	v8 =	vmul.f32 v9, v8;
	_ =	sdelay $0x1  }
0x1d8: {  	v8 =	vadd.f32 v10, v8;
	_ =	sdelay $0x1  }
0x1d9: {  	[tilespmem:$0xC500] =	vst v8;
	v8 =	vimm.s32 $0x4E;
	_ =	sdelay $0x3  }
0x1da: {  	v9 =	vld [tilespmem:$0x2500]  }
0x1db: {  	v8 =	vld.idx.msk [tilespmem:v8+s9+$0x0], $0xffff;
	_ =	sdelay $0x1  }
0x1dc: {  	v10 =	vld [tilespmem:$0x8580];
	_ =	sdelay $0x2  }
0x1dd: {  	v8 =	vmul.f32 v9, v8;
	_ =	sdelay $0x1  }
0x1de: {  	v8 =	vadd.f32 v10, v8;
	_ =	sdelay $0x1  }
0x1df: {  	s8 =	rddreg [dreg:$0xf];
	[tilespmem:$0xC580] =	vst v8  }
0x1e0: {  	[hbm4b:s8+s2] =	stream.linear.scatter [tilespmem:s31], [sflag:$0x3], $0x2000, $0x38;
	[tilespmem:$0x10200] =	vst v63  }
0x1e1: {  	_ =	swait.ge [sflag:s1], $0x2000  }
0x1e2: {  	[sflag:s1] =	ssyncset.done $0x0  }
0x1e3: {  	[sflag:s1] =	ssyncadd.s32 $0xFFFFE000  }
0x1e4: {  	v8 =	vld [tilespmem:$0x60];
	_ =	sdelay $0x4  }
0x1e5: {  	v9 =	vshll.u32 v8, $0x3  }
0x1e6: {  	v8 =	vand.u32 $0x7, v8;
	v9 =	vand.u32 $0xFFFFFFC0, v9  }
0x1e7: {  	v8 =	vor.u32 v8, v9  }
0x1e8: {  	v9 =	vperm.xlane v8, v0;
	_ =	sdelay $0x1  }
0x1e9: {  	v9 =	vadd.s32 v1, v9;
	_ =	sdelay $0x4  }
0x1ea: {  	[tilespmem:s10], [sflag:$0x1] =	stream.indirect_vreg.gather [hbm4b:s3+s2], $0x80, v9, vm0, $0xb8;
	[tilespmem:$0x10200] =	vst v63  }
0x1eb: {  	v8 =	vperm.xlane v8, v2  }
0x1ec: {  	[tilespmem:s11], [sflag:$0x1] =	stream.indirect_vreg.gather [hbm4b:s4+s2], $0x80, v9, vm0, $0xb8;
	[tilespmem:$0x10200] =	vst v63  }
0x1ed: {  	v8 =	vadd.s32 v1, v8  }
0x1ee: {  	[tilespmem:s12], [sflag:$0x1] =	stream.indirect_vreg.gather [hbm4b:s5+s2], $0x80, v9, vm0, $0xb8;
	[tilespmem:$0x10200] =	vst v63  }
0x1ef: {  	_ = 	snop  }
0x1f0: {  	[tilespmem:s13], [sflag:$0x1] =	stream.indirect_vreg.gather [hbm4b:s6+s2], $0x80, v9, vm0, $0xb8;
	[tilespmem:$0x10200] =	vst v63  }
0x1f1: {  	_ = 	snop  }
0x1f2: {  	[tilespmem:s14], [sflag:$0x1] =	stream.indirect_vreg.gather [hbm4b:s3+s2], $0x80, v8, vm0, $0xb8;
	[tilespmem:$0x10200] =	vst v63  }
0x1f3: {  	_ = 	snop  }
0x1f4: {  	[tilespmem:s15], [sflag:$0x1] =	stream.indirect_vreg.gather [hbm4b:s4+s2], $0x80, v8, vm0, $0xb8;
	[tilespmem:$0x10200] =	vst v63  }
0x1f5: {  	_ = 	snop  }
0x1f6: {  	[tilespmem:s16], [sflag:$0x1] =	stream.indirect_vreg.gather [hbm4b:s5+s2], $0x80, v8, vm0, $0xb8;
	[tilespmem:$0x10200] =	vst v63  }
0x1f7: {  	_ = 	snop  }
0x1f8: {  	[tilespmem:s17], [sflag:$0x1] =	stream.indirect_vreg.gather [hbm4b:s6+s2], $0x80, v8, vm0, $0xb8;
	[tilespmem:$0x10200] =	vst v63  }
0x1f9: {  	s8 =	rddreg [dreg:$0x10]  }
0x1fa: {  	[tilespmem:s18], [sflag:$0x2] =	stream.linear.gather [hbm4b:s8+s2], $0x2000, $0x38;
	[tilespmem:$0x10200] =	vst v63  }
0x1fb: {  	_ =	swait.ge [sflag:s29], $0x4000  }
0x1fc: {  	v8 =	vimm.s32 $0x50;
	[sflag:s29] =	ssyncset.done $0x0  }
0x1fd: {  	[sflag:s29] =	ssyncadd.s32 $0xFFFFC000  }
0x1fe: {  	_ =	swait.ge [sflag:s30], $0x2000  }
0x1ff: {  	[sflag:s30] =	ssyncset.done $0x0  }
0x200: {  	[sflag:s30] =	ssyncadd.s32 $0xFFFFE000  }
0x201: {  	v8 =	vld.idx.msk [tilespmem:v8+s9+$0x0], $0xffff  }
0x202: {  	v9 =	vld [tilespmem:$0x4200];
	_ =	sdelay $0x1  }
0x203: {  	v10 =	vld [tilespmem:$0xA200];
	_ =	sdelay $0x2  }
0x204: {  	v8 =	vmul.f32 v9, v8;
	_ =	sdelay $0x1  }
0x205: {  	v8 =	vadd.f32 v10, v8;
	_ =	sdelay $0x1  }
0x206: {  	[tilespmem:$0xE200] =	vst v8;
	v8 =	vimm.s32 $0x52;
	_ =	sdelay $0x3  }
0x207: {  	v9 =	vld [tilespmem:$0x4300]  }
0x208: {  	v8 =	vld.idx.msk [tilespmem:v8+s9+$0x0], $0xffff;
	_ =	sdelay $0x1  }
0x209: {  	v10 =	vld [tilespmem:$0xA280];
	_ =	sdelay $0x2  }
0x20a: {  	v8 =	vmul.f32 v9, v8;
	_ =	sdelay $0x1  }
0x20b: {  	v8 =	vadd.f32 v10, v8;
	_ =	sdelay $0x1  }
0x20c: {  	[tilespmem:$0xE280] =	vst v8;
	v8 =	vimm.s32 $0x54;
	_ =	sdelay $0x3  }
0x20d: {  	v9 =	vld [tilespmem:$0x4400]  }
0x20e: {  	v8 =	vld.idx.msk [tilespmem:v8+s9+$0x0], $0xffff;
	_ =	sdelay $0x1  }
0x20f: {  	v10 =	vld [tilespmem:$0xA300];
	_ =	sdelay $0x2  }
0x210: {  	v8 =	vmul.f32 v9, v8;
	_ =	sdelay $0x1  }
0x211: {  	v8 =	vadd.f32 v10, v8;
	_ =	sdelay $0x1  }
0x212: {  	[tilespmem:$0xE300] =	vst v8;
	v8 =	vimm.s32 $0x56;
	_ =	sdelay $0x3  }
0x213: {  	v9 =	vld [tilespmem:$0x4500]  }
0x214: {  	v8 =	vld.idx.msk [tilespmem:v8+s9+$0x0], $0xffff;
	_ =	sdelay $0x1  }
0x215: {  	v10 =	vld [tilespmem:$0xA380];
	_ =	sdelay $0x2  }
0x216: {  	v8 =	vmul.f32 v9, v8;
	_ =	sdelay $0x1  }
0x217: {  	v8 =	vadd.f32 v10, v8;
	_ =	sdelay $0x1  }
0x218: {  	[tilespmem:$0xE380] =	vst v8;
	v8 =	vimm.s32 $0x58;
	_ =	sdelay $0x3  }
0x219: {  	v9 =	vld [tilespmem:$0x6200]  }
0x21a: {  	v8 =	vld.idx.msk [tilespmem:v8+s9+$0x0], $0xffff;
	_ =	sdelay $0x1  }
0x21b: {  	v10 =	vld [tilespmem:$0xA400];
	_ =	sdelay $0x2  }
0x21c: {  	v8 =	vmul.f32 v9, v8;
	_ =	sdelay $0x1  }
0x21d: {  	v8 =	vadd.f32 v10, v8;
	_ =	sdelay $0x1  }
0x21e: {  	[tilespmem:$0xE400] =	vst v8;
	v8 =	vimm.s32 $0x5A;
	_ =	sdelay $0x3  }
0x21f: {  	v9 =	vld [tilespmem:$0x6300]  }
0x220: {  	v8 =	vld.idx.msk [tilespmem:v8+s9+$0x0], $0xffff;
	_ =	sdelay $0x1  }
0x221: {  	v10 =	vld [tilespmem:$0xA480];
	_ =	sdelay $0x2  }
0x222: {  	v8 =	vmul.f32 v9, v8;
	_ =	sdelay $0x1  }
0x223: {  	v8 =	vadd.f32 v10, v8;
	_ =	sdelay $0x1  }
0x224: {  	[tilespmem:$0xE480] =	vst v8;
	v8 =	vimm.s32 $0x5C;
	_ =	sdelay $0x3  }
0x225: {  	v9 =	vld [tilespmem:$0x6400]  }
0x226: {  	v8 =	vld.idx.msk [tilespmem:v8+s9+$0x0], $0xffff;
	_ =	sdelay $0x1  }
0x227: {  	v10 =	vld [tilespmem:$0xA500];
	_ =	sdelay $0x2  }
0x228: {  	v8 =	vmul.f32 v9, v8;
	_ =	sdelay $0x1  }
0x229: {  	v8 =	vadd.f32 v10, v8;
	_ =	sdelay $0x1  }
0x22a: {  	[tilespmem:$0xE500] =	vst v8;
	v8 =	vimm.s32 $0x5E;
	_ =	sdelay $0x3  }
0x22b: {  	v9 =	vld [tilespmem:$0x6500]  }
0x22c: {  	v8 =	vld.idx.msk [tilespmem:v8+s9+$0x0], $0xffff;
	_ =	sdelay $0x1  }
0x22d: {  	v10 =	vld [tilespmem:$0xA580];
	_ =	sdelay $0x2  }
0x22e: {  	v8 =	vmul.f32 v9, v8;
	_ =	sdelay $0x1  }
0x22f: {  	v8 =	vadd.f32 v10, v8;
	_ =	sdelay $0x1  }
0x230: {  	s8 =	rddreg [dreg:$0x11];
	[tilespmem:$0xE580] =	vst v8  }
0x231: {  	[hbm4b:s8+s2] =	stream.linear.scatter [tilespmem:s0], [sflag:$0x3], $0x2000, $0x38;
	[tilespmem:$0x10200] =	vst v63  }
0x232: {  	_ =	swait.ge [sflag:s1], $0x2000  }
0x233: {  	[sflag:s1] =	ssyncset.done $0x0  }
0x234: {  	[sflag:s1] =	ssyncadd.s32 $0xFFFFE000  }
0x235: {  	v8 =	vld [tilespmem:$0x70];
	_ =	sdelay $0x4  }
0x236: {  	v9 =	vshll.u32 v8, $0x3  }
0x237: {  	v8 =	vand.u32 $0x7, v8;
	v9 =	vand.u32 $0xFFFFFFC0, v9  }
0x238: {  	v8 =	vor.u32 v8, v9  }
0x239: {  	v9 =	vperm.xlane v8, v0;
	_ =	sdelay $0x1  }
0x23a: {  	v9 =	vadd.s32 v1, v9;
	_ =	sdelay $0x4  }
0x23b: {  	[tilespmem:s19], [sflag:$0x1] =	stream.indirect_vreg.gather [hbm4b:s3+s2], $0x80, v9, vm0, $0xb8;
	[tilespmem:$0x10200] =	vst v63  }
0x23c: {  	v8 =	vperm.xlane v8, v2  }
0x23d: {  	[tilespmem:s20], [sflag:$0x1] =	stream.indirect_vreg.gather [hbm4b:s4+s2], $0x80, v9, vm0, $0xb8;
	[tilespmem:$0x10200] =	vst v63  }
0x23e: {  	v8 =	vadd.s32 v1, v8  }
0x23f: {  	[tilespmem:s21], [sflag:$0x1] =	stream.indirect_vreg.gather [hbm4b:s5+s2], $0x80, v9, vm0, $0xb8;
	[tilespmem:$0x10200] =	vst v63  }
0x240: {  	_ = 	snop  }
0x241: {  	[tilespmem:s22], [sflag:$0x1] =	stream.indirect_vreg.gather [hbm4b:s6+s2], $0x80, v9, vm0, $0xb8;
	[tilespmem:$0x10200] =	vst v63  }
0x242: {  	_ = 	snop  }
0x243: {  	[tilespmem:s23], [sflag:$0x1] =	stream.indirect_vreg.gather [hbm4b:s3+s2], $0x80, v8, vm0, $0xb8;
	[tilespmem:$0x10200] =	vst v63  }
0x244: {  	_ = 	snop  }
0x245: {  	[tilespmem:s24], [sflag:$0x1] =	stream.indirect_vreg.gather [hbm4b:s4+s2], $0x80, v8, vm0, $0xb8;
	[tilespmem:$0x10200] =	vst v63  }
0x246: {  	_ = 	snop  }
0x247: {  	[tilespmem:s25], [sflag:$0x1] =	stream.indirect_vreg.gather [hbm4b:s5+s2], $0x80, v8, vm0, $0xb8;
	[tilespmem:$0x10200] =	vst v63  }
0x248: {  	_ = 	snop  }
0x249: {  	[tilespmem:s26], [sflag:$0x1] =	stream.indirect_vreg.gather [hbm4b:s6+s2], $0x80, v8, vm0, $0xb8;
	[tilespmem:$0x10200] =	vst v63  }
0x24a: {  	s8 =	rddreg [dreg:$0x12]  }
0x24b: {  	[tilespmem:s28], [sflag:$0x2] =	stream.linear.gather [hbm4b:s8+s2], $0x2000, $0x38;
	[tilespmem:$0x10200] =	vst v63  }
0x24c: {  	_ =	swait.ge [sflag:s29], $0x4000  }
0x24d: {  	v8 =	vimm.s32 $0x60;
	[sflag:s29] =	ssyncset.done $0x0  }
0x24e: {  	[sflag:s29] =	ssyncadd.s32 $0xFFFFC000  }
0x24f: {  	_ =	swait.ge [sflag:s30], $0x2000  }
0x250: {  	[sflag:s30] =	ssyncset.done $0x0  }
0x251: {  	[sflag:s30] =	ssyncadd.s32 $0xFFFFE000  }
0x252: {  	v8 =	vld.idx.msk [tilespmem:v8+s9+$0x0], $0xffff  }
0x253: {  	v9 =	vld [tilespmem:$0x200];
	_ =	sdelay $0x1  }
0x254: {  	v10 =	vld [tilespmem:$0x8200];
	_ =	sdelay $0x2  }
0x255: {  	v8 =	vmul.f32 v9, v8;
	_ =	sdelay $0x1  }
0x256: {  	v8 =	vadd.f32 v10, v8;
	_ =	sdelay $0x1  }
0x257: {  	[tilespmem:$0xC200] =	vst v8;
	v8 =	vimm.s32 $0x62;
	_ =	sdelay $0x3  }
0x258: {  	v9 =	vld [tilespmem:$0x300]  }
0x259: {  	v8 =	vld.idx.msk [tilespmem:v8+s9+$0x0], $0xffff;
	_ =	sdelay $0x1  }
0x25a: {  	v10 =	vld [tilespmem:$0x8280];
	_ =	sdelay $0x2  }
0x25b: {  	v8 =	vmul.f32 v9, v8;
	_ =	sdelay $0x1  }
0x25c: {  	v8 =	vadd.f32 v10, v8;
	_ =	sdelay $0x1  }
0x25d: {  	[tilespmem:$0xC280] =	vst v8;
	v8 =	vimm.s32 $0x64;
	_ =	sdelay $0x3  }
0x25e: {  	v9 =	vld [tilespmem:$0x400]  }
0x25f: {  	v8 =	vld.idx.msk [tilespmem:v8+s9+$0x0], $0xffff;
	_ =	sdelay $0x1  }
0x260: {  	v10 =	vld [tilespmem:$0x8300];
	_ =	sdelay $0x2  }
0x261: {  	v8 =	vmul.f32 v9, v8;
	_ =	sdelay $0x1  }
0x262: {  	v8 =	vadd.f32 v10, v8;
	_ =	sdelay $0x1  }
0x263: {  	[tilespmem:$0xC300] =	vst v8;
	v8 =	vimm.s32 $0x66;
	_ =	sdelay $0x3  }
0x264: {  	v9 =	vld [tilespmem:$0x500]  }
0x265: {  	v8 =	vld.idx.msk [tilespmem:v8+s9+$0x0], $0xffff;
	_ =	sdelay $0x1  }
0x266: {  	v10 =	vld [tilespmem:$0x8380];
	_ =	sdelay $0x2  }
0x267: {  	v8 =	vmul.f32 v9, v8;
	_ =	sdelay $0x1  }
0x268: {  	v8 =	vadd.f32 v10, v8;
	_ =	sdelay $0x1  }
0x269: {  	[tilespmem:$0xC380] =	vst v8;
	v8 =	vimm.s32 $0x68;
	_ =	sdelay $0x3  }
0x26a: {  	v9 =	vld [tilespmem:$0x2200]  }
0x26b: {  	v8 =	vld.idx.msk [tilespmem:v8+s9+$0x0], $0xffff;
	_ =	sdelay $0x1  }
0x26c: {  	v10 =	vld [tilespmem:$0x8400];
	_ =	sdelay $0x2  }
0x26d: {  	v8 =	vmul.f32 v9, v8;
	_ =	sdelay $0x1  }
0x26e: {  	v8 =	vadd.f32 v10, v8;
	_ =	sdelay $0x1  }
0x26f: {  	[tilespmem:$0xC400] =	vst v8;
	v8 =	vimm.s32 $0x6A;
	_ =	sdelay $0x3  }
0x270: {  	v9 =	vld [tilespmem:$0x2300]  }
0x271: {  	v8 =	vld.idx.msk [tilespmem:v8+s9+$0x0], $0xffff;
	_ =	sdelay $0x1  }
0x272: {  	v10 =	vld [tilespmem:$0x8480];
	_ =	sdelay $0x2  }
0x273: {  	v8 =	vmul.f32 v9, v8;
	_ =	sdelay $0x1  }
0x274: {  	v8 =	vadd.f32 v10, v8;
	_ =	sdelay $0x1  }
0x275: {  	[tilespmem:$0xC480] =	vst v8;
	v8 =	vimm.s32 $0x6C;
	_ =	sdelay $0x3  }
0x276: {  	v9 =	vld [tilespmem:$0x2400]  }
0x277: {  	v8 =	vld.idx.msk [tilespmem:v8+s9+$0x0], $0xffff;
	_ =	sdelay $0x1  }
0x278: {  	v10 =	vld [tilespmem:$0x8500];
	_ =	sdelay $0x2  }
0x279: {  	v8 =	vmul.f32 v9, v8;
	_ =	sdelay $0x1  }
0x27a: {  	v8 =	vadd.f32 v10, v8;
	_ =	sdelay $0x1  }
0x27b: {  	[tilespmem:$0xC500] =	vst v8;
	v8 =	vimm.s32 $0x6E;
	_ =	sdelay $0x3  }
0x27c: {  	v9 =	vld [tilespmem:$0x2500]  }
0x27d: {  	v8 =	vld.idx.msk [tilespmem:v8+s9+$0x0], $0xffff;
	_ =	sdelay $0x1  }
0x27e: {  	v10 =	vld [tilespmem:$0x8580];
	_ =	sdelay $0x2  }
0x27f: {  	v8 =	vmul.f32 v9, v8;
	_ =	sdelay $0x1  }
0x280: {  	v8 =	vadd.f32 v10, v8;
	_ =	sdelay $0x1  }
0x281: {  	s8 =	rddreg [dreg:$0x13];
	[tilespmem:$0xC580] =	vst v8  }
0x282: {  	[hbm4b:s8+s2] =	stream.linear.scatter [tilespmem:s31], [sflag:$0x3], $0x2000, $0x38;
	[tilespmem:$0x10200] =	vst v63  }
0x283: {  	_ =	swait.ge [sflag:s1], $0x2000  }
0x284: {  	[sflag:s1] =	ssyncset.done $0x0  }
0x285: {  	[sflag:s1] =	ssyncadd.s32 $0xFFFFE000  }
0x286: {  	v8 =	vld [tilespmem:$0x80];
	_ =	sdelay $0x4  }
0x287: {  	v9 =	vshll.u32 v8, $0x3  }
0x288: {  	v8 =	vand.u32 $0x7, v8;
	v9 =	vand.u32 $0xFFFFFFC0, v9  }
0x289: {  	v8 =	vor.u32 v8, v9  }
0x28a: {  	v9 =	vperm.xlane v8, v0;
	_ =	sdelay $0x1  }
0x28b: {  	v9 =	vadd.s32 v1, v9;
	_ =	sdelay $0x4  }
0x28c: {  	[tilespmem:s10], [sflag:$0x1] =	stream.indirect_vreg.gather [hbm4b:s3+s2], $0x80, v9, vm0, $0xb8;
	[tilespmem:$0x10200] =	vst v63  }
0x28d: {  	v8 =	vperm.xlane v8, v2  }
0x28e: {  	[tilespmem:s11], [sflag:$0x1] =	stream.indirect_vreg.gather [hbm4b:s4+s2], $0x80, v9, vm0, $0xb8;
	[tilespmem:$0x10200] =	vst v63  }
0x28f: {  	v8 =	vadd.s32 v1, v8  }
0x290: {  	[tilespmem:s12], [sflag:$0x1] =	stream.indirect_vreg.gather [hbm4b:s5+s2], $0x80, v9, vm0, $0xb8;
	[tilespmem:$0x10200] =	vst v63  }
0x291: {  	_ = 	snop  }
0x292: {  	[tilespmem:s13], [sflag:$0x1] =	stream.indirect_vreg.gather [hbm4b:s6+s2], $0x80, v9, vm0, $0xb8;
	[tilespmem:$0x10200] =	vst v63  }
0x293: {  	_ = 	snop  }
0x294: {  	[tilespmem:s14], [sflag:$0x1] =	stream.indirect_vreg.gather [hbm4b:s3+s2], $0x80, v8, vm0, $0xb8;
	[tilespmem:$0x10200] =	vst v63  }
0x295: {  	_ = 	snop  }
0x296: {  	[tilespmem:s15], [sflag:$0x1] =	stream.indirect_vreg.gather [hbm4b:s4+s2], $0x80, v8, vm0, $0xb8;
	[tilespmem:$0x10200] =	vst v63  }
0x297: {  	_ = 	snop  }
0x298: {  	[tilespmem:s16], [sflag:$0x1] =	stream.indirect_vreg.gather [hbm4b:s5+s2], $0x80, v8, vm0, $0xb8;
	[tilespmem:$0x10200] =	vst v63  }
0x299: {  	_ = 	snop  }
0x29a: {  	[tilespmem:s17], [sflag:$0x1] =	stream.indirect_vreg.gather [hbm4b:s6+s2], $0x80, v8, vm0, $0xb8;
	[tilespmem:$0x10200] =	vst v63  }
0x29b: {  	s8 =	rddreg [dreg:$0x14]  }
0x29c: {  	[tilespmem:s18], [sflag:$0x2] =	stream.linear.gather [hbm4b:s8+s2], $0x2000, $0x38;
	[tilespmem:$0x10200] =	vst v63  }
0x29d: {  	_ =	swait.ge [sflag:s29], $0x4000  }
0x29e: {  	v8 =	vimm.s32 $0x70;
	[sflag:s29] =	ssyncset.done $0x0  }
0x29f: {  	[sflag:s29] =	ssyncadd.s32 $0xFFFFC000  }
0x2a0: {  	_ =	swait.ge [sflag:s30], $0x2000  }
0x2a1: {  	[sflag:s30] =	ssyncset.done $0x0  }
0x2a2: {  	[sflag:s30] =	ssyncadd.s32 $0xFFFFE000  }
0x2a3: {  	v8 =	vld.idx.msk [tilespmem:v8+s9+$0x0], $0xffff  }
0x2a4: {  	v9 =	vld [tilespmem:$0x4200];
	_ =	sdelay $0x1  }
0x2a5: {  	v10 =	vld [tilespmem:$0xA200];
	_ =	sdelay $0x2  }
0x2a6: {  	v8 =	vmul.f32 v9, v8;
	_ =	sdelay $0x1  }
0x2a7: {  	v8 =	vadd.f32 v10, v8;
	_ =	sdelay $0x1  }
0x2a8: {  	[tilespmem:$0xE200] =	vst v8;
	v8 =	vimm.s32 $0x72;
	_ =	sdelay $0x3  }
0x2a9: {  	v9 =	vld [tilespmem:$0x4300]  }
0x2aa: {  	v8 =	vld.idx.msk [tilespmem:v8+s9+$0x0], $0xffff;
	_ =	sdelay $0x1  }
0x2ab: {  	v10 =	vld [tilespmem:$0xA280];
	_ =	sdelay $0x2  }
0x2ac: {  	v8 =	vmul.f32 v9, v8;
	_ =	sdelay $0x1  }
0x2ad: {  	v8 =	vadd.f32 v10, v8;
	_ =	sdelay $0x1  }
0x2ae: {  	[tilespmem:$0xE280] =	vst v8;
	v8 =	vimm.s32 $0x74;
	_ =	sdelay $0x3  }
0x2af: {  	v9 =	vld [tilespmem:$0x4400]  }
0x2b0: {  	v8 =	vld.idx.msk [tilespmem:v8+s9+$0x0], $0xffff;
	_ =	sdelay $0x1  }
0x2b1: {  	v10 =	vld [tilespmem:$0xA300];
	_ =	sdelay $0x2  }
0x2b2: {  	v8 =	vmul.f32 v9, v8;
	_ =	sdelay $0x1  }
0x2b3: {  	v8 =	vadd.f32 v10, v8;
	_ =	sdelay $0x1  }
0x2b4: {  	[tilespmem:$0xE300] =	vst v8;
	v8 =	vimm.s32 $0x76;
	_ =	sdelay $0x3  }
0x2b5: {  	v9 =	vld [tilespmem:$0x4500]  }
0x2b6: {  	v8 =	vld.idx.msk [tilespmem:v8+s9+$0x0], $0xffff;
	_ =	sdelay $0x1  }
0x2b7: {  	v10 =	vld [tilespmem:$0xA380];
	_ =	sdelay $0x2  }
0x2b8: {  	v8 =	vmul.f32 v9, v8;
	_ =	sdelay $0x1  }
0x2b9: {  	v8 =	vadd.f32 v10, v8;
	_ =	sdelay $0x1  }
0x2ba: {  	[tilespmem:$0xE380] =	vst v8;
	v8 =	vimm.s32 $0x78;
	_ =	sdelay $0x3  }
0x2bb: {  	v9 =	vld [tilespmem:$0x6200]  }
0x2bc: {  	v8 =	vld.idx.msk [tilespmem:v8+s9+$0x0], $0xffff;
	_ =	sdelay $0x1  }
0x2bd: {  	v10 =	vld [tilespmem:$0xA400];
	_ =	sdelay $0x2  }
0x2be: {  	v8 =	vmul.f32 v9, v8;
	_ =	sdelay $0x1  }
0x2bf: {  	v8 =	vadd.f32 v10, v8;
	_ =	sdelay $0x1  }
0x2c0: {  	[tilespmem:$0xE400] =	vst v8;
	v8 =	vimm.s32 $0x7A;
	_ =	sdelay $0x3  }
0x2c1: {  	v9 =	vld [tilespmem:$0x6300]  }
0x2c2: {  	v8 =	vld.idx.msk [tilespmem:v8+s9+$0x0], $0xffff;
	_ =	sdelay $0x1  }
0x2c3: {  	v10 =	vld [tilespmem:$0xA480];
	_ =	sdelay $0x2  }
0x2c4: {  	v8 =	vmul.f32 v9, v8;
	_ =	sdelay $0x1  }
0x2c5: {  	v8 =	vadd.f32 v10, v8;
	_ =	sdelay $0x1  }
0x2c6: {  	[tilespmem:$0xE480] =	vst v8;
	v8 =	vimm.s32 $0x7C;
	_ =	sdelay $0x3  }
0x2c7: {  	v9 =	vld [tilespmem:$0x6400]  }
0x2c8: {  	v8 =	vld.idx.msk [tilespmem:v8+s9+$0x0], $0xffff;
	_ =	sdelay $0x1  }
0x2c9: {  	v10 =	vld [tilespmem:$0xA500];
	_ =	sdelay $0x2  }
0x2ca: {  	v8 =	vmul.f32 v9, v8;
	_ =	sdelay $0x1  }
0x2cb: {  	v8 =	vadd.f32 v10, v8;
	_ =	sdelay $0x1  }
0x2cc: {  	[tilespmem:$0xE500] =	vst v8;
	v8 =	vimm.s32 $0x7E;
	_ =	sdelay $0x3  }
0x2cd: {  	v9 =	vld [tilespmem:$0x6500]  }
0x2ce: {  	v8 =	vld.idx.msk [tilespmem:v8+s9+$0x0], $0xffff;
	_ =	sdelay $0x1  }
0x2cf: {  	v10 =	vld [tilespmem:$0xA580];
	_ =	sdelay $0x2  }
0x2d0: {  	v8 =	vmul.f32 v9, v8;
	_ =	sdelay $0x1  }
0x2d1: {  	v8 =	vadd.f32 v10, v8;
	_ =	sdelay $0x1  }
0x2d2: {  	s8 =	rddreg [dreg:$0x15];
	[tilespmem:$0xE580] =	vst v8  }
0x2d3: {  	[hbm4b:s8+s2] =	stream.linear.scatter [tilespmem:s0], [sflag:$0x3], $0x2000, $0x38;
	[tilespmem:$0x10200] =	vst v63  }
0x2d4: {  	_ =	swait.ge [sflag:s1], $0x2000  }
0x2d5: {  	[sflag:s1] =	ssyncset.done $0x0  }
0x2d6: {  	[sflag:s1] =	ssyncadd.s32 $0xFFFFE000  }
0x2d7: {  	v8 =	vld [tilespmem:$0x90];
	_ =	sdelay $0x4  }
0x2d8: {  	v9 =	vshll.u32 v8, $0x3  }
0x2d9: {  	v8 =	vand.u32 $0x7, v8;
	v9 =	vand.u32 $0xFFFFFFC0, v9  }
0x2da: {  	v8 =	vor.u32 v8, v9  }
0x2db: {  	v9 =	vperm.xlane v8, v0;
	_ =	sdelay $0x1  }
0x2dc: {  	v9 =	vadd.s32 v1, v9;
	_ =	sdelay $0x4  }
0x2dd: {  	[tilespmem:s19], [sflag:$0x1] =	stream.indirect_vreg.gather [hbm4b:s3+s2], $0x80, v9, vm0, $0xb8;
	[tilespmem:$0x10200] =	vst v63  }
0x2de: {  	v8 =	vperm.xlane v8, v2  }
0x2df: {  	[tilespmem:s20], [sflag:$0x1] =	stream.indirect_vreg.gather [hbm4b:s4+s2], $0x80, v9, vm0, $0xb8;
	[tilespmem:$0x10200] =	vst v63  }
0x2e0: {  	v8 =	vadd.s32 v1, v8  }
0x2e1: {  	[tilespmem:s21], [sflag:$0x1] =	stream.indirect_vreg.gather [hbm4b:s5+s2], $0x80, v9, vm0, $0xb8;
	[tilespmem:$0x10200] =	vst v63  }
0x2e2: {  	_ = 	snop  }
0x2e3: {  	[tilespmem:s22], [sflag:$0x1] =	stream.indirect_vreg.gather [hbm4b:s6+s2], $0x80, v9, vm0, $0xb8;
	[tilespmem:$0x10200] =	vst v63  }
0x2e4: {  	_ = 	snop  }
0x2e5: {  	[tilespmem:s23], [sflag:$0x1] =	stream.indirect_vreg.gather [hbm4b:s3+s2], $0x80, v8, vm0, $0xb8;
	[tilespmem:$0x10200] =	vst v63  }
0x2e6: {  	_ = 	snop  }
0x2e7: {  	[tilespmem:s24], [sflag:$0x1] =	stream.indirect_vreg.gather [hbm4b:s4+s2], $0x80, v8, vm0, $0xb8;
	[tilespmem:$0x10200] =	vst v63  }
0x2e8: {  	_ = 	snop  }
0x2e9: {  	[tilespmem:s25], [sflag:$0x1] =	stream.indirect_vreg.gather [hbm4b:s5+s2], $0x80, v8, vm0, $0xb8;
	[tilespmem:$0x10200] =	vst v63  }
0x2ea: {  	_ = 	snop  }
0x2eb: {  	[tilespmem:s26], [sflag:$0x1] =	stream.indirect_vreg.gather [hbm4b:s6+s2], $0x80, v8, vm0, $0xb8;
	[tilespmem:$0x10200] =	vst v63  }
0x2ec: {  	s8 =	rddreg [dreg:$0x16]  }
0x2ed: {  	[tilespmem:s28], [sflag:$0x2] =	stream.linear.gather [hbm4b:s8+s2], $0x2000, $0x38;
	[tilespmem:$0x10200] =	vst v63  }
0x2ee: {  	_ =	swait.ge [sflag:s29], $0x4000  }
0x2ef: {  	v8 =	vimm.s32 $0x80;
	[sflag:s29] =	ssyncset.done $0x0  }
0x2f0: {  	[sflag:s29] =	ssyncadd.s32 $0xFFFFC000  }
0x2f1: {  	_ =	swait.ge [sflag:s30], $0x2000  }
0x2f2: {  	[sflag:s30] =	ssyncset.done $0x0  }
0x2f3: {  	[sflag:s30] =	ssyncadd.s32 $0xFFFFE000  }
0x2f4: {  	v8 =	vld.idx.msk [tilespmem:v8+s9+$0x0], $0xffff  }
0x2f5: {  	v9 =	vld [tilespmem:$0x200];
	_ =	sdelay $0x1  }
0x2f6: {  	v10 =	vld [tilespmem:$0x8200];
	_ =	sdelay $0x2  }
0x2f7: {  	v8 =	vmul.f32 v9, v8;
	_ =	sdelay $0x1  }
0x2f8: {  	v8 =	vadd.f32 v10, v8;
	_ =	sdelay $0x1  }
0x2f9: {  	[tilespmem:$0xC200] =	vst v8;
	v8 =	vimm.s32 $0x82;
	_ =	sdelay $0x3  }
0x2fa: {  	v9 =	vld [tilespmem:$0x300]  }
0x2fb: {  	v8 =	vld.idx.msk [tilespmem:v8+s9+$0x0], $0xffff;
	_ =	sdelay $0x1  }
0x2fc: {  	v10 =	vld [tilespmem:$0x8280];
	_ =	sdelay $0x2  }
0x2fd: {  	v8 =	vmul.f32 v9, v8;
	_ =	sdelay $0x1  }
0x2fe: {  	v8 =	vadd.f32 v10, v8;
	_ =	sdelay $0x1  }
0x2ff: {  	[tilespmem:$0xC280] =	vst v8;
	v8 =	vimm.s32 $0x84;
	_ =	sdelay $0x3  }
0x300: {  	v9 =	vld [tilespmem:$0x400]  }
0x301: {  	v8 =	vld.idx.msk [tilespmem:v8+s9+$0x0], $0xffff;
	_ =	sdelay $0x1  }
0x302: {  	v10 =	vld [tilespmem:$0x8300];
	_ =	sdelay $0x2  }
0x303: {  	v8 =	vmul.f32 v9, v8;
	_ =	sdelay $0x1  }
0x304: {  	v8 =	vadd.f32 v10, v8;
	_ =	sdelay $0x1  }
0x305: {  	[tilespmem:$0xC300] =	vst v8;
	v8 =	vimm.s32 $0x86;
	_ =	sdelay $0x3  }
0x306: {  	v9 =	vld [tilespmem:$0x500]  }
0x307: {  	v8 =	vld.idx.msk [tilespmem:v8+s9+$0x0], $0xffff;
	_ =	sdelay $0x1  }
0x308: {  	v10 =	vld [tilespmem:$0x8380];
	_ =	sdelay $0x2  }
0x309: {  	v8 =	vmul.f32 v9, v8;
	_ =	sdelay $0x1  }
0x30a: {  	v8 =	vadd.f32 v10, v8;
	_ =	sdelay $0x1  }
0x30b: {  	[tilespmem:$0xC380] =	vst v8;
	v8 =	vimm.s32 $0x88;
	_ =	sdelay $0x3  }
0x30c: {  	v9 =	vld [tilespmem:$0x2200]  }
0x30d: {  	v8 =	vld.idx.msk [tilespmem:v8+s9+$0x0], $0xffff;
	_ =	sdelay $0x1  }
0x30e: {  	v10 =	vld [tilespmem:$0x8400];
	_ =	sdelay $0x2  }
0x30f: {  	v8 =	vmul.f32 v9, v8;
	_ =	sdelay $0x1  }
0x310: {  	v8 =	vadd.f32 v10, v8;
	_ =	sdelay $0x1  }
0x311: {  	[tilespmem:$0xC400] =	vst v8;
	v8 =	vimm.s32 $0x8A;
	_ =	sdelay $0x3  }
0x312: {  	v9 =	vld [tilespmem:$0x2300]  }
0x313: {  	v8 =	vld.idx.msk [tilespmem:v8+s9+$0x0], $0xffff;
	_ =	sdelay $0x1  }
0x314: {  	v10 =	vld [tilespmem:$0x8480];
	_ =	sdelay $0x2  }
0x315: {  	v8 =	vmul.f32 v9, v8;
	_ =	sdelay $0x1  }
0x316: {  	v8 =	vadd.f32 v10, v8;
	_ =	sdelay $0x1  }
0x317: {  	v9 =	vld [tilespmem:$0x2400];
	[tilespmem:$0xC480] =	vst v8  }
0x318: {  	v8 =	vld.idx.msk [tilespmem:v11+s9+$0x0], $0xffff;
	_ =	sdelay $0x1  }
0x319: {  	v10 =	vld [tilespmem:$0x8500];
	_ =	sdelay $0x2  }
0x31a: {  	v8 =	vmul.f32 v9, v8;
	_ =	sdelay $0x1  }
0x31b: {  	v8 =	vadd.f32 v10, v8;
	_ =	sdelay $0x1  }
0x31c: {  	v9 =	vld [tilespmem:$0x2500];
	[tilespmem:$0xC500] =	vst v8  }
0x31d: {  	v8 =	vld.idx.msk [tilespmem:v12+s9+$0x0], $0xffff;
	_ =	sdelay $0x1  }
0x31e: {  	v10 =	vld [tilespmem:$0x8580];
	_ =	sdelay $0x2  }
0x31f: {  	v8 =	vmul.f32 v9, v8;
	_ =	sdelay $0x1  }
0x320: {  	v8 =	vadd.f32 v10, v8;
	_ =	sdelay $0x1  }
0x321: {  	s8 =	rddreg [dreg:$0x17];
	[tilespmem:$0xC580] =	vst v8  }
0x322: {  	[hbm4b:s8+s2] =	stream.linear.scatter [tilespmem:s31], [sflag:$0x3], $0x2000, $0x38;
	[tilespmem:$0x10200] =	vst v63  }
0x323: {  	_ =	swait.ge [sflag:s1], $0x2000  }
0x324: {  	[sflag:s1] =	ssyncset.done $0x0  }
0x325: {  	[sflag:s1] =	ssyncadd.s32 $0xFFFFE000  }
0x326: {  	v8 =	vld [tilespmem:$0xA0];
	_ =	sdelay $0x4  }
0x327: {  	v9 =	vshll.u32 v8, $0x3  }
0x328: {  	v8 =	vand.u32 $0x7, v8;
	v9 =	vand.u32 $0xFFFFFFC0, v9  }
0x329: {  	v8 =	vor.u32 v8, v9  }
0x32a: {  	v9 =	vperm.xlane v8, v0;
	_ =	sdelay $0x1  }
0x32b: {  	v9 =	vadd.s32 v1, v9;
	_ =	sdelay $0x4  }
0x32c: {  	[tilespmem:s10], [sflag:$0x1] =	stream.indirect_vreg.gather [hbm4b:s3+s2], $0x80, v9, vm0, $0xb8;
	[tilespmem:$0x10200] =	vst v63  }
0x32d: {  	v8 =	vperm.xlane v8, v2  }
0x32e: {  	[tilespmem:s11], [sflag:$0x1] =	stream.indirect_vreg.gather [hbm4b:s4+s2], $0x80, v9, vm0, $0xb8;
	[tilespmem:$0x10200] =	vst v63  }
0x32f: {  	v8 =	vadd.s32 v1, v8  }
0x330: {  	[tilespmem:s12], [sflag:$0x1] =	stream.indirect_vreg.gather [hbm4b:s5+s2], $0x80, v9, vm0, $0xb8;
	[tilespmem:$0x10200] =	vst v63  }
0x331: {  	_ = 	snop  }
0x332: {  	[tilespmem:s13], [sflag:$0x1] =	stream.indirect_vreg.gather [hbm4b:s6+s2], $0x80, v9, vm0, $0xb8;
	[tilespmem:$0x10200] =	vst v63  }
0x333: {  	_ = 	snop  }
0x334: {  	[tilespmem:s14], [sflag:$0x1] =	stream.indirect_vreg.gather [hbm4b:s3+s2], $0x80, v8, vm0, $0xb8;
	[tilespmem:$0x10200] =	vst v63  }
0x335: {  	_ = 	snop  }
0x336: {  	[tilespmem:s15], [sflag:$0x1] =	stream.indirect_vreg.gather [hbm4b:s4+s2], $0x80, v8, vm0, $0xb8;
	[tilespmem:$0x10200] =	vst v63  }
0x337: {  	_ = 	snop  }
0x338: {  	[tilespmem:s16], [sflag:$0x1] =	stream.indirect_vreg.gather [hbm4b:s5+s2], $0x80, v8, vm0, $0xb8;
	[tilespmem:$0x10200] =	vst v63  }
0x339: {  	_ = 	snop  }
0x33a: {  	[tilespmem:s17], [sflag:$0x1] =	stream.indirect_vreg.gather [hbm4b:s6+s2], $0x80, v8, vm0, $0xb8;
	[tilespmem:$0x10200] =	vst v63  }
0x33b: {  	s8 =	rddreg [dreg:$0x18]  }
0x33c: {  	[tilespmem:s18], [sflag:$0x2] =	stream.linear.gather [hbm4b:s8+s2], $0x2000, $0x38;
	[tilespmem:$0x10200] =	vst v63  }
0x33d: {  	_ =	swait.ge [sflag:s29], $0x4000  }
0x33e: {  	[sflag:s29] =	ssyncset.done $0x0  }
0x33f: {  	[sflag:s29] =	ssyncadd.s32 $0xFFFFC000  }
0x340: {  	_ =	swait.ge [sflag:s30], $0x2000  }
0x341: {  	[sflag:s30] =	ssyncset.done $0x0  }
0x342: {  	[sflag:s30] =	ssyncadd.s32 $0xFFFFE000  }
0x343: {  	v8 =	vld.idx.msk [tilespmem:v13+s9+$0x0], $0xffff  }
0x344: {  	v9 =	vld [tilespmem:$0x4200];
	_ =	sdelay $0x1  }
0x345: {  	v10 =	vld [tilespmem:$0xA200];
	_ =	sdelay $0x2  }
0x346: {  	v8 =	vmul.f32 v9, v8;
	_ =	sdelay $0x1  }
0x347: {  	v8 =	vadd.f32 v10, v8;
	_ =	sdelay $0x1  }
0x348: {  	v9 =	vld [tilespmem:$0x4300];
	[tilespmem:$0xE200] =	vst v8  }
0x349: {  	v8 =	vld.idx.msk [tilespmem:v14+s9+$0x0], $0xffff;
	_ =	sdelay $0x1  }
0x34a: {  	v10 =	vld [tilespmem:$0xA280];
	_ =	sdelay $0x2  }
0x34b: {  	v8 =	vmul.f32 v9, v8;
	_ =	sdelay $0x1  }
0x34c: {  	v8 =	vadd.f32 v10, v8;
	_ =	sdelay $0x1  }
0x34d: {  	v9 =	vld [tilespmem:$0x4400];
	[tilespmem:$0xE280] =	vst v8  }
0x34e: {  	v8 =	vld.idx.msk [tilespmem:v15+s9+$0x0], $0xffff;
	_ =	sdelay $0x1  }
0x34f: {  	v10 =	vld [tilespmem:$0xA300];
	_ =	sdelay $0x2  }
0x350: {  	v8 =	vmul.f32 v9, v8;
	_ =	sdelay $0x1  }
0x351: {  	v8 =	vadd.f32 v10, v8;
	_ =	sdelay $0x1  }
0x352: {  	v9 =	vld [tilespmem:$0x4500];
	[tilespmem:$0xE300] =	vst v8  }
0x353: {  	v8 =	vld.idx.msk [tilespmem:v16+s9+$0x0], $0xffff;
	_ =	sdelay $0x1  }
0x354: {  	v10 =	vld [tilespmem:$0xA380];
	_ =	sdelay $0x2  }
0x355: {  	v8 =	vmul.f32 v9, v8;
	_ =	sdelay $0x1  }
0x356: {  	v8 =	vadd.f32 v10, v8;
	_ =	sdelay $0x1  }
0x357: {  	v9 =	vld [tilespmem:$0x6200];
	[tilespmem:$0xE380] =	vst v8  }
0x358: {  	v8 =	vld.idx.msk [tilespmem:v17+s9+$0x0], $0xffff;
	_ =	sdelay $0x1  }
0x359: {  	v10 =	vld [tilespmem:$0xA400];
	_ =	sdelay $0x2  }
0x35a: {  	v8 =	vmul.f32 v9, v8;
	_ =	sdelay $0x1  }
0x35b: {  	v8 =	vadd.f32 v10, v8;
	_ =	sdelay $0x1  }
0x35c: {  	v9 =	vld [tilespmem:$0x6300];
	[tilespmem:$0xE400] =	vst v8  }
0x35d: {  	v8 =	vld.idx.msk [tilespmem:v18+s9+$0x0], $0xffff;
	_ =	sdelay $0x1  }
0x35e: {  	v10 =	vld [tilespmem:$0xA480];
	_ =	sdelay $0x2  }
0x35f: {  	v8 =	vmul.f32 v9, v8;
	_ =	sdelay $0x1  }
0x360: {  	v8 =	vadd.f32 v10, v8;
	_ =	sdelay $0x1  }
0x361: {  	v9 =	vld [tilespmem:$0x6400];
	[tilespmem:$0xE480] =	vst v8  }
0x362: {  	v8 =	vld.idx.msk [tilespmem:v19+s9+$0x0], $0xffff;
	_ =	sdelay $0x1  }
0x363: {  	v10 =	vld [tilespmem:$0xA500];
	_ =	sdelay $0x2  }
0x364: {  	v8 =	vmul.f32 v9, v8;
	_ =	sdelay $0x1  }
0x365: {  	v8 =	vadd.f32 v10, v8;
	_ =	sdelay $0x1  }
0x366: {  	v9 =	vld [tilespmem:$0x6500];
	[tilespmem:$0xE500] =	vst v8  }
0x367: {  	v8 =	vld.idx.msk [tilespmem:v20+s9+$0x0], $0xffff;
	_ =	sdelay $0x1  }
0x368: {  	v10 =	vld [tilespmem:$0xA580];
	_ =	sdelay $0x2  }
0x369: {  	v8 =	vmul.f32 v9, v8;
	_ =	sdelay $0x1  }
0x36a: {  	v8 =	vadd.f32 v10, v8;
	_ =	sdelay $0x1  }
0x36b: {  	s8 =	rddreg [dreg:$0x19];
	[tilespmem:$0xE580] =	vst v8  }
0x36c: {  	[hbm4b:s8+s2] =	stream.linear.scatter [tilespmem:s0], [sflag:$0x3], $0x2000, $0x38;
	[tilespmem:$0x10200] =	vst v63  }
0x36d: {  	_ =	swait.ge [sflag:s1], $0x2000  }
0x36e: {  	[sflag:s1] =	ssyncset.done $0x0  }
0x36f: {  	[sflag:s1] =	ssyncadd.s32 $0xFFFFE000  }
0x370: {  	v8 =	vld [tilespmem:$0xB0];
	_ =	sdelay $0x4  }
0x371: {  	v9 =	vshll.u32 v8, $0x3  }
0x372: {  	v8 =	vand.u32 $0x7, v8;
	v9 =	vand.u32 $0xFFFFFFC0, v9  }
0x373: {  	v8 =	vor.u32 v8, v9  }
0x374: {  	v9 =	vperm.xlane v8, v0;
	_ =	sdelay $0x1  }
0x375: {  	v9 =	vadd.s32 v1, v9;
	_ =	sdelay $0x4  }
0x376: {  	[tilespmem:s19], [sflag:$0x1] =	stream.indirect_vreg.gather [hbm4b:s3+s2], $0x80, v9, vm0, $0xb8;
	[tilespmem:$0x10200] =	vst v63  }
0x377: {  	v8 =	vperm.xlane v8, v2  }
0x378: {  	[tilespmem:s20], [sflag:$0x1] =	stream.indirect_vreg.gather [hbm4b:s4+s2], $0x80, v9, vm0, $0xb8;
	[tilespmem:$0x10200] =	vst v63  }
0x379: {  	v8 =	vadd.s32 v1, v8  }
0x37a: {  	[tilespmem:s21], [sflag:$0x1] =	stream.indirect_vreg.gather [hbm4b:s5+s2], $0x80, v9, vm0, $0xb8;
	[tilespmem:$0x10200] =	vst v63  }
0x37b: {  	_ = 	snop  }
0x37c: {  	[tilespmem:s22], [sflag:$0x1] =	stream.indirect_vreg.gather [hbm4b:s6+s2], $0x80, v9, vm0, $0xb8;
	[tilespmem:$0x10200] =	vst v63  }
0x37d: {  	_ = 	snop  }
0x37e: {  	[tilespmem:s23], [sflag:$0x1] =	stream.indirect_vreg.gather [hbm4b:s3+s2], $0x80, v8, vm0, $0xb8;
	[tilespmem:$0x10200] =	vst v63  }
0x37f: {  	_ = 	snop  }
0x380: {  	[tilespmem:s24], [sflag:$0x1] =	stream.indirect_vreg.gather [hbm4b:s4+s2], $0x80, v8, vm0, $0xb8;
	[tilespmem:$0x10200] =	vst v63  }
0x381: {  	_ = 	snop  }
0x382: {  	[tilespmem:s25], [sflag:$0x1] =	stream.indirect_vreg.gather [hbm4b:s5+s2], $0x80, v8, vm0, $0xb8;
	[tilespmem:$0x10200] =	vst v63  }
0x383: {  	_ = 	snop  }
0x384: {  	[tilespmem:s26], [sflag:$0x1] =	stream.indirect_vreg.gather [hbm4b:s6+s2], $0x80, v8, vm0, $0xb8;
	[tilespmem:$0x10200] =	vst v63  }
0x385: {  	s8 =	rddreg [dreg:$0x1a]  }
0x386: {  	[tilespmem:s28], [sflag:$0x2] =	stream.linear.gather [hbm4b:s8+s2], $0x2000, $0x38;
	[tilespmem:$0x10200] =	vst v63  }
0x387: {  	_ =	swait.ge [sflag:s29], $0x4000  }
0x388: {  	[sflag:s29] =	ssyncset.done $0x0  }
0x389: {  	[sflag:s29] =	ssyncadd.s32 $0xFFFFC000  }
0x38a: {  	_ =	swait.ge [sflag:s30], $0x2000  }
0x38b: {  	[sflag:s30] =	ssyncset.done $0x0  }
0x38c: {  	[sflag:s30] =	ssyncadd.s32 $0xFFFFE000  }
0x38d: {  	v8 =	vld.idx.msk [tilespmem:v21+s9+$0x0], $0xffff  }
0x38e: {  	v9 =	vld [tilespmem:$0x200];
	_ =	sdelay $0x1  }
0x38f: {  	v10 =	vld [tilespmem:$0x8200];
	_ =	sdelay $0x2  }
0x390: {  	v8 =	vmul.f32 v9, v8;
	_ =	sdelay $0x1  }
0x391: {  	v8 =	vadd.f32 v10, v8;
	_ =	sdelay $0x1  }
0x392: {  	v9 =	vld [tilespmem:$0x300];
	[tilespmem:$0xC200] =	vst v8  }
0x393: {  	v8 =	vld.idx.msk [tilespmem:v22+s9+$0x0], $0xffff;
	_ =	sdelay $0x1  }
0x394: {  	v10 =	vld [tilespmem:$0x8280];
	_ =	sdelay $0x2  }
0x395: {  	v8 =	vmul.f32 v9, v8;
	_ =	sdelay $0x1  }
0x396: {  	v8 =	vadd.f32 v10, v8;
	_ =	sdelay $0x1  }
0x397: {  	v9 =	vld [tilespmem:$0x400];
	[tilespmem:$0xC280] =	vst v8  }
0x398: {  	v8 =	vld.idx.msk [tilespmem:v23+s9+$0x0], $0xffff;
	_ =	sdelay $0x1  }
0x399: {  	v10 =	vld [tilespmem:$0x8300];
	_ =	sdelay $0x2  }
0x39a: {  	v8 =	vmul.f32 v9, v8;
	_ =	sdelay $0x1  }
0x39b: {  	v8 =	vadd.f32 v10, v8;
	_ =	sdelay $0x1  }
0x39c: {  	v9 =	vld [tilespmem:$0x500];
	[tilespmem:$0xC300] =	vst v8  }
0x39d: {  	v8 =	vld.idx.msk [tilespmem:v24+s9+$0x0], $0xffff;
	_ =	sdelay $0x1  }
0x39e: {  	v10 =	vld [tilespmem:$0x8380];
	_ =	sdelay $0x2  }
0x39f: {  	v8 =	vmul.f32 v9, v8;
	_ =	sdelay $0x1  }
0x3a0: {  	v8 =	vadd.f32 v10, v8;
	_ =	sdelay $0x1  }
0x3a1: {  	v9 =	vld [tilespmem:$0x2200];
	[tilespmem:$0xC380] =	vst v8  }
0x3a2: {  	v8 =	vld.idx.msk [tilespmem:v25+s9+$0x0], $0xffff;
	_ =	sdelay $0x1  }
0x3a3: {  	v10 =	vld [tilespmem:$0x8400];
	_ =	sdelay $0x2  }
0x3a4: {  	v8 =	vmul.f32 v9, v8;
	_ =	sdelay $0x1  }
0x3a5: {  	v8 =	vadd.f32 v10, v8;
	_ =	sdelay $0x1  }
0x3a6: {  	v9 =	vld [tilespmem:$0x2300];
	[tilespmem:$0xC400] =	vst v8  }
0x3a7: {  	v8 =	vld.idx.msk [tilespmem:v26+s9+$0x0], $0xffff;
	_ =	sdelay $0x1  }
0x3a8: {  	v10 =	vld [tilespmem:$0x8480];
	_ =	sdelay $0x2  }
0x3a9: {  	v8 =	vmul.f32 v9, v8;
	_ =	sdelay $0x1  }
0x3aa: {  	v8 =	vadd.f32 v10, v8;
	_ =	sdelay $0x1  }
0x3ab: {  	v9 =	vld [tilespmem:$0x2400];
	[tilespmem:$0xC480] =	vst v8  }
0x3ac: {  	v8 =	vld.idx.msk [tilespmem:v27+s9+$0x0], $0xffff;
	_ =	sdelay $0x1  }
0x3ad: {  	v10 =	vld [tilespmem:$0x8500];
	_ =	sdelay $0x2  }
0x3ae: {  	v8 =	vmul.f32 v9, v8;
	_ =	sdelay $0x1  }
0x3af: {  	v8 =	vadd.f32 v10, v8;
	_ =	sdelay $0x1  }
0x3b0: {  	v9 =	vld [tilespmem:$0x2500];
	[tilespmem:$0xC500] =	vst v8  }
0x3b1: {  	v8 =	vld.idx.msk [tilespmem:v28+s9+$0x0], $0xffff;
	_ =	sdelay $0x1  }
0x3b2: {  	v10 =	vld [tilespmem:$0x8580];
	_ =	sdelay $0x2  }
0x3b3: {  	v8 =	vmul.f32 v9, v8;
	_ =	sdelay $0x1  }
0x3b4: {  	v8 =	vadd.f32 v10, v8;
	_ =	sdelay $0x1  }
0x3b5: {  	s8 =	rddreg [dreg:$0x1b];
	[tilespmem:$0xC580] =	vst v8  }
0x3b6: {  	[hbm4b:s8+s2] =	stream.linear.scatter [tilespmem:s31], [sflag:$0x3], $0x2000, $0x38;
	[tilespmem:$0x10200] =	vst v63  }
0x3b7: {  	_ =	swait.ge [sflag:s1], $0x2000  }
0x3b8: {  	[sflag:s1] =	ssyncset.done $0x0  }
0x3b9: {  	[sflag:s1] =	ssyncadd.s32 $0xFFFFE000  }
0x3ba: {  	v8 =	vld [tilespmem:$0xC0];
	_ =	sdelay $0x4  }
0x3bb: {  	v9 =	vshll.u32 v8, $0x3  }
0x3bc: {  	v8 =	vand.u32 $0x7, v8;
	v9 =	vand.u32 $0xFFFFFFC0, v9  }
0x3bd: {  	v8 =	vor.u32 v8, v9  }
0x3be: {  	v9 =	vperm.xlane v8, v0;
	_ =	sdelay $0x1  }
0x3bf: {  	v9 =	vadd.s32 v1, v9;
	_ =	sdelay $0x4  }
0x3c0: {  	[tilespmem:s10], [sflag:$0x1] =	stream.indirect_vreg.gather [hbm4b:s3+s2], $0x80, v9, vm0, $0xb8;
	[tilespmem:$0x10200] =	vst v63  }
0x3c1: {  	v8 =	vperm.xlane v8, v2  }
0x3c2: {  	[tilespmem:s11], [sflag:$0x1] =	stream.indirect_vreg.gather [hbm4b:s4+s2], $0x80, v9, vm0, $0xb8;
	[tilespmem:$0x10200] =	vst v63  }
0x3c3: {  	v8 =	vadd.s32 v1, v8  }
0x3c4: {  	[tilespmem:s12], [sflag:$0x1] =	stream.indirect_vreg.gather [hbm4b:s5+s2], $0x80, v9, vm0, $0xb8;
	[tilespmem:$0x10200] =	vst v63  }
0x3c5: {  	_ = 	snop  }
0x3c6: {  	[tilespmem:s13], [sflag:$0x1] =	stream.indirect_vreg.gather [hbm4b:s6+s2], $0x80, v9, vm0, $0xb8;
	[tilespmem:$0x10200] =	vst v63  }
0x3c7: {  	_ = 	snop  }
0x3c8: {  	[tilespmem:s14], [sflag:$0x1] =	stream.indirect_vreg.gather [hbm4b:s3+s2], $0x80, v8, vm0, $0xb8;
	[tilespmem:$0x10200] =	vst v63  }
0x3c9: {  	_ = 	snop  }
0x3ca: {  	[tilespmem:s15], [sflag:$0x1] =	stream.indirect_vreg.gather [hbm4b:s4+s2], $0x80, v8, vm0, $0xb8;
	[tilespmem:$0x10200] =	vst v63  }
0x3cb: {  	_ = 	snop  }
0x3cc: {  	[tilespmem:s16], [sflag:$0x1] =	stream.indirect_vreg.gather [hbm4b:s5+s2], $0x80, v8, vm0, $0xb8;
	[tilespmem:$0x10200] =	vst v63  }
0x3cd: {  	_ = 	snop  }
0x3ce: {  	[tilespmem:s17], [sflag:$0x1] =	stream.indirect_vreg.gather [hbm4b:s6+s2], $0x80, v8, vm0, $0xb8;
	[tilespmem:$0x10200] =	vst v63  }
0x3cf: {  	s8 =	rddreg [dreg:$0x1c]  }
0x3d0: {  	[tilespmem:s18], [sflag:$0x2] =	stream.linear.gather [hbm4b:s8+s2], $0x2000, $0x38;
	[tilespmem:$0x10200] =	vst v63  }
0x3d1: {  	_ =	swait.ge [sflag:s29], $0x4000  }
0x3d2: {  	[sflag:s29] =	ssyncset.done $0x0  }
0x3d3: {  	[sflag:s29] =	ssyncadd.s32 $0xFFFFC000  }
0x3d4: {  	_ =	swait.ge [sflag:s30], $0x2000  }
0x3d5: {  	[sflag:s30] =	ssyncset.done $0x0  }
0x3d6: {  	[sflag:s30] =	ssyncadd.s32 $0xFFFFE000  }
0x3d7: {  	v8 =	vld.idx.msk [tilespmem:v29+s9+$0x0], $0xffff  }
0x3d8: {  	v9 =	vld [tilespmem:$0x4200];
	_ =	sdelay $0x1  }
0x3d9: {  	v10 =	vld [tilespmem:$0xA200];
	_ =	sdelay $0x2  }
0x3da: {  	v8 =	vmul.f32 v9, v8;
	_ =	sdelay $0x1  }
0x3db: {  	v8 =	vadd.f32 v10, v8;
	_ =	sdelay $0x1  }
0x3dc: {  	v9 =	vld [tilespmem:$0x4300];
	[tilespmem:$0xE200] =	vst v8  }
0x3dd: {  	v8 =	vld.idx.msk [tilespmem:v30+s9+$0x0], $0xffff;
	_ =	sdelay $0x1  }
0x3de: {  	v10 =	vld [tilespmem:$0xA280];
	_ =	sdelay $0x2  }
0x3df: {  	v8 =	vmul.f32 v9, v8;
	_ =	sdelay $0x1  }
0x3e0: {  	v8 =	vadd.f32 v10, v8;
	_ =	sdelay $0x1  }
0x3e1: {  	v9 =	vld [tilespmem:$0x4400];
	[tilespmem:$0xE280] =	vst v8  }
0x3e2: {  	v8 =	vld.idx.msk [tilespmem:v31+s9+$0x0], $0xffff;
	_ =	sdelay $0x1  }
0x3e3: {  	v10 =	vld [tilespmem:$0xA300];
	_ =	sdelay $0x2  }
0x3e4: {  	v8 =	vmul.f32 v9, v8;
	_ =	sdelay $0x1  }
0x3e5: {  	v8 =	vadd.f32 v10, v8;
	_ =	sdelay $0x1  }
0x3e6: {  	v9 =	vld [tilespmem:$0x4500];
	[tilespmem:$0xE300] =	vst v8  }
0x3e7: {  	v8 =	vld.idx.msk [tilespmem:v32+s9+$0x0], $0xffff;
	_ =	sdelay $0x1  }
0x3e8: {  	v10 =	vld [tilespmem:$0xA380];
	_ =	sdelay $0x2  }
0x3e9: {  	v8 =	vmul.f32 v9, v8;
	_ =	sdelay $0x1  }
0x3ea: {  	v8 =	vadd.f32 v10, v8;
	_ =	sdelay $0x1  }
0x3eb: {  	v9 =	vld [tilespmem:$0x6200];
	[tilespmem:$0xE380] =	vst v8  }
0x3ec: {  	v8 =	vld.idx.msk [tilespmem:v33+s9+$0x0], $0xffff;
	_ =	sdelay $0x1  }
0x3ed: {  	v10 =	vld [tilespmem:$0xA400];
	_ =	sdelay $0x2  }
0x3ee: {  	v8 =	vmul.f32 v9, v8;
	_ =	sdelay $0x1  }
0x3ef: {  	v8 =	vadd.f32 v10, v8;
	_ =	sdelay $0x1  }
0x3f0: {  	v9 =	vld [tilespmem:$0x6300];
	[tilespmem:$0xE400] =	vst v8  }
0x3f1: {  	v8 =	vld.idx.msk [tilespmem:v34+s9+$0x0], $0xffff;
	_ =	sdelay $0x1  }
0x3f2: {  	v10 =	vld [tilespmem:$0xA480];
	_ =	sdelay $0x2  }
0x3f3: {  	v8 =	vmul.f32 v9, v8;
	_ =	sdelay $0x1  }
0x3f4: {  	v8 =	vadd.f32 v10, v8;
	_ =	sdelay $0x1  }
0x3f5: {  	v9 =	vld [tilespmem:$0x6400];
	[tilespmem:$0xE480] =	vst v8  }
0x3f6: {  	v8 =	vld.idx.msk [tilespmem:v35+s9+$0x0], $0xffff;
	_ =	sdelay $0x1  }
0x3f7: {  	v10 =	vld [tilespmem:$0xA500];
	_ =	sdelay $0x2  }
0x3f8: {  	v8 =	vmul.f32 v9, v8;
	_ =	sdelay $0x1  }
0x3f9: {  	v8 =	vadd.f32 v10, v8;
	_ =	sdelay $0x1  }
0x3fa: {  	v9 =	vld [tilespmem:$0x6500];
	[tilespmem:$0xE500] =	vst v8  }
0x3fb: {  	v8 =	vld.idx.msk [tilespmem:v36+s9+$0x0], $0xffff;
	_ =	sdelay $0x1  }
0x3fc: {  	v10 =	vld [tilespmem:$0xA580];
	_ =	sdelay $0x2  }
0x3fd: {  	v8 =	vmul.f32 v9, v8;
	_ =	sdelay $0x1  }
0x3fe: {  	v8 =	vadd.f32 v10, v8;
	_ =	sdelay $0x1  }
0x3ff: {  	s8 =	rddreg [dreg:$0x1d];
	[tilespmem:$0xE580] =	vst v8  }
0x400: {  	[hbm4b:s8+s2] =	stream.linear.scatter [tilespmem:s0], [sflag:$0x3], $0x2000, $0x38;
	[tilespmem:$0x10200] =	vst v63  }
0x401: {  	_ =	swait.ge [sflag:s1], $0x2000  }
0x402: {  	[sflag:s1] =	ssyncset.done $0x0  }
0x403: {  	[sflag:s1] =	ssyncadd.s32 $0xFFFFE000  }
0x404: {  	v8 =	vld [tilespmem:$0xD0];
	_ =	sdelay $0x4  }
0x405: {  	v9 =	vshll.u32 v8, $0x3  }
0x406: {  	v8 =	vand.u32 $0x7, v8;
	v9 =	vand.u32 $0xFFFFFFC0, v9  }
0x407: {  	v8 =	vor.u32 v8, v9  }
0x408: {  	v9 =	vperm.xlane v8, v0;
	_ =	sdelay $0x1  }
0x409: {  	v9 =	vadd.s32 v1, v9;
	_ =	sdelay $0x4  }
0x40a: {  	[tilespmem:s19], [sflag:$0x1] =	stream.indirect_vreg.gather [hbm4b:s3+s2], $0x80, v9, vm0, $0xb8;
	[tilespmem:$0x10200] =	vst v63  }
0x40b: {  	v8 =	vperm.xlane v8, v2  }
0x40c: {  	[tilespmem:s20], [sflag:$0x1] =	stream.indirect_vreg.gather [hbm4b:s4+s2], $0x80, v9, vm0, $0xb8;
	[tilespmem:$0x10200] =	vst v63  }
0x40d: {  	v8 =	vadd.s32 v1, v8  }
0x40e: {  	[tilespmem:s21], [sflag:$0x1] =	stream.indirect_vreg.gather [hbm4b:s5+s2], $0x80, v9, vm0, $0xb8;
	[tilespmem:$0x10200] =	vst v63  }
0x40f: {  	_ = 	snop  }
0x410: {  	[tilespmem:s22], [sflag:$0x1] =	stream.indirect_vreg.gather [hbm4b:s6+s2], $0x80, v9, vm0, $0xb8;
	[tilespmem:$0x10200] =	vst v63  }
0x411: {  	_ = 	snop  }
0x412: {  	[tilespmem:s23], [sflag:$0x1] =	stream.indirect_vreg.gather [hbm4b:s3+s2], $0x80, v8, vm0, $0xb8;
	[tilespmem:$0x10200] =	vst v63  }
0x413: {  	_ = 	snop  }
0x414: {  	[tilespmem:s24], [sflag:$0x1] =	stream.indirect_vreg.gather [hbm4b:s4+s2], $0x80, v8, vm0, $0xb8;
	[tilespmem:$0x10200] =	vst v63  }
0x415: {  	_ = 	snop  }
0x416: {  	[tilespmem:s25], [sflag:$0x1] =	stream.indirect_vreg.gather [hbm4b:s5+s2], $0x80, v8, vm0, $0xb8;
	[tilespmem:$0x10200] =	vst v63  }
0x417: {  	_ = 	snop  }
0x418: {  	[tilespmem:s26], [sflag:$0x1] =	stream.indirect_vreg.gather [hbm4b:s6+s2], $0x80, v8, vm0, $0xb8;
	[tilespmem:$0x10200] =	vst v63  }
0x419: {  	s8 =	rddreg [dreg:$0x1e]  }
0x41a: {  	[tilespmem:s28], [sflag:$0x2] =	stream.linear.gather [hbm4b:s8+s2], $0x2000, $0x38;
	[tilespmem:$0x10200] =	vst v63  }
0x41b: {  	_ =	swait.ge [sflag:s29], $0x4000  }
0x41c: {  	[sflag:s29] =	ssyncset.done $0x0  }
0x41d: {  	[sflag:s29] =	ssyncadd.s32 $0xFFFFC000  }
0x41e: {  	_ =	swait.ge [sflag:s30], $0x2000  }
0x41f: {  	[sflag:s30] =	ssyncset.done $0x0  }
0x420: {  	[sflag:s30] =	ssyncadd.s32 $0xFFFFE000  }
0x421: {  	v8 =	vld.idx.msk [tilespmem:v37+s9+$0x0], $0xffff  }
0x422: {  	v9 =	vld [tilespmem:$0x200];
	_ =	sdelay $0x1  }
0x423: {  	v10 =	vld [tilespmem:$0x8200];
	_ =	sdelay $0x2  }
0x424: {  	v8 =	vmul.f32 v9, v8;
	_ =	sdelay $0x1  }
0x425: {  	v8 =	vadd.f32 v10, v8;
	_ =	sdelay $0x1  }
0x426: {  	v9 =	vld [tilespmem:$0x300];
	[tilespmem:$0xC200] =	vst v8  }
0x427: {  	v8 =	vld.idx.msk [tilespmem:v38+s9+$0x0], $0xffff;
	_ =	sdelay $0x1  }
0x428: {  	v10 =	vld [tilespmem:$0x8280];
	_ =	sdelay $0x2  }
0x429: {  	v8 =	vmul.f32 v9, v8;
	_ =	sdelay $0x1  }
0x42a: {  	v8 =	vadd.f32 v10, v8;
	_ =	sdelay $0x1  }
0x42b: {  	v9 =	vld [tilespmem:$0x400];
	[tilespmem:$0xC280] =	vst v8  }
0x42c: {  	v8 =	vld.idx.msk [tilespmem:v39+s9+$0x0], $0xffff;
	_ =	sdelay $0x1  }
0x42d: {  	v10 =	vld [tilespmem:$0x8300];
	_ =	sdelay $0x2  }
0x42e: {  	v8 =	vmul.f32 v9, v8;
	_ =	sdelay $0x1  }
0x42f: {  	v8 =	vadd.f32 v10, v8;
	_ =	sdelay $0x1  }
0x430: {  	v9 =	vld [tilespmem:$0x500];
	[tilespmem:$0xC300] =	vst v8  }
0x431: {  	v8 =	vld.idx.msk [tilespmem:v40+s9+$0x0], $0xffff;
	_ =	sdelay $0x1  }
0x432: {  	v10 =	vld [tilespmem:$0x8380];
	_ =	sdelay $0x2  }
0x433: {  	v8 =	vmul.f32 v9, v8;
	_ =	sdelay $0x1  }
0x434: {  	v8 =	vadd.f32 v10, v8;
	_ =	sdelay $0x1  }
0x435: {  	v9 =	vld [tilespmem:$0x2200];
	[tilespmem:$0xC380] =	vst v8  }
0x436: {  	v8 =	vld.idx.msk [tilespmem:v41+s9+$0x0], $0xffff;
	_ =	sdelay $0x1  }
0x437: {  	v10 =	vld [tilespmem:$0x8400];
	_ =	sdelay $0x2  }
0x438: {  	v8 =	vmul.f32 v9, v8;
	_ =	sdelay $0x1  }
0x439: {  	v8 =	vadd.f32 v10, v8;
	_ =	sdelay $0x1  }
0x43a: {  	v9 =	vld [tilespmem:$0x2300];
	[tilespmem:$0xC400] =	vst v8  }
0x43b: {  	v8 =	vld.idx.msk [tilespmem:v42+s9+$0x0], $0xffff;
	_ =	sdelay $0x1  }
0x43c: {  	v10 =	vld [tilespmem:$0x8480];
	_ =	sdelay $0x2  }
0x43d: {  	v8 =	vmul.f32 v9, v8;
	_ =	sdelay $0x1  }
0x43e: {  	v8 =	vadd.f32 v10, v8;
	_ =	sdelay $0x1  }
0x43f: {  	v9 =	vld [tilespmem:$0x2400];
	[tilespmem:$0xC480] =	vst v8  }
0x440: {  	v8 =	vld.idx.msk [tilespmem:v43+s9+$0x0], $0xffff;
	_ =	sdelay $0x1  }
0x441: {  	v10 =	vld [tilespmem:$0x8500];
	_ =	sdelay $0x2  }
0x442: {  	v8 =	vmul.f32 v9, v8;
	_ =	sdelay $0x1  }
0x443: {  	v8 =	vadd.f32 v10, v8;
	_ =	sdelay $0x1  }
0x444: {  	v9 =	vld [tilespmem:$0x2500];
	[tilespmem:$0xC500] =	vst v8  }
0x445: {  	v8 =	vld.idx.msk [tilespmem:v44+s9+$0x0], $0xffff;
	_ =	sdelay $0x1  }
0x446: {  	v10 =	vld [tilespmem:$0x8580];
	_ =	sdelay $0x2  }
0x447: {  	v8 =	vmul.f32 v9, v8;
	_ =	sdelay $0x1  }
0x448: {  	v8 =	vadd.f32 v10, v8;
	_ =	sdelay $0x1  }
0x449: {  	s8 =	rddreg [dreg:$0x1f];
	[tilespmem:$0xC580] =	vst v8  }
0x44a: {  	[hbm4b:s8+s2] =	stream.linear.scatter [tilespmem:s31], [sflag:$0x3], $0x2000, $0x38;
	[tilespmem:$0x10200] =	vst v63  }
0x44b: {  	_ =	swait.ge [sflag:s1], $0x2000  }
0x44c: {  	[sflag:s1] =	ssyncset.done $0x0  }
0x44d: {  	[sflag:s1] =	ssyncadd.s32 $0xFFFFE000  }
0x44e: {  	v8 =	vld [tilespmem:$0xE0];
	_ =	sdelay $0x4  }
0x44f: {  	v9 =	vshll.u32 v8, $0x3  }
0x450: {  	v8 =	vand.u32 $0x7, v8;
	v9 =	vand.u32 $0xFFFFFFC0, v9  }
0x451: {  	v8 =	vor.u32 v8, v9  }
0x452: {  	v9 =	vperm.xlane v8, v0;
	_ =	sdelay $0x1  }
0x453: {  	v9 =	vadd.s32 v1, v9;
	_ =	sdelay $0x4  }
0x454: {  	[tilespmem:s10], [sflag:$0x1] =	stream.indirect_vreg.gather [hbm4b:s3+s2], $0x80, v9, vm0, $0xb8;
	[tilespmem:$0x10200] =	vst v63  }
0x455: {  	v8 =	vperm.xlane v8, v2  }
0x456: {  	[tilespmem:s11], [sflag:$0x1] =	stream.indirect_vreg.gather [hbm4b:s4+s2], $0x80, v9, vm0, $0xb8;
	[tilespmem:$0x10200] =	vst v63  }
0x457: {  	v8 =	vadd.s32 v1, v8  }
0x458: {  	[tilespmem:s12], [sflag:$0x1] =	stream.indirect_vreg.gather [hbm4b:s5+s2], $0x80, v9, vm0, $0xb8;
	[tilespmem:$0x10200] =	vst v63  }
0x459: {  	_ = 	snop  }
0x45a: {  	[tilespmem:s13], [sflag:$0x1] =	stream.indirect_vreg.gather [hbm4b:s6+s2], $0x80, v9, vm0, $0xb8;
	[tilespmem:$0x10200] =	vst v63  }
0x45b: {  	_ = 	snop  }
0x45c: {  	[tilespmem:s14], [sflag:$0x1] =	stream.indirect_vreg.gather [hbm4b:s3+s2], $0x80, v8, vm0, $0xb8;
	[tilespmem:$0x10200] =	vst v63  }
0x45d: {  	_ = 	snop  }
0x45e: {  	[tilespmem:s15], [sflag:$0x1] =	stream.indirect_vreg.gather [hbm4b:s4+s2], $0x80, v8, vm0, $0xb8;
	[tilespmem:$0x10200] =	vst v63  }
0x45f: {  	_ = 	snop  }
0x460: {  	[tilespmem:s16], [sflag:$0x1] =	stream.indirect_vreg.gather [hbm4b:s5+s2], $0x80, v8, vm0, $0xb8;
	[tilespmem:$0x10200] =	vst v63  }
0x461: {  	s10 =	sld [smem:$0x7F9]  }
0x462: {  	[tilespmem:s17], [sflag:$0x1] =	stream.indirect_vreg.gather [hbm4b:s6+s2], $0x80, v8, vm0, $0xb8;
	[tilespmem:$0x10200] =	vst v63  }
0x463: {  	_ = 	snop  }
0x464: {  	[tilespmem:s18], [sflag:$0x2] =	stream.linear.gather [hbm4b:s10+s2], $0x2000, $0x38;
	[tilespmem:$0x10200] =	vst v63  }
0x465: {  	_ =	swait.ge [sflag:s29], $0x4000  }
0x466: {  	[sflag:s29] =	ssyncset.done $0x0  }
0x467: {  	[sflag:s29] =	ssyncadd.s32 $0xFFFFC000  }
0x468: {  	_ =	swait.ge [sflag:s30], $0x2000  }
0x469: {  	[sflag:s30] =	ssyncset.done $0x0  }
0x46a: {  	[sflag:s30] =	ssyncadd.s32 $0xFFFFE000  }
0x46b: {  	v8 =	vld.idx.msk [tilespmem:v45+s9+$0x0], $0xffff  }
0x46c: {  	v9 =	vld [tilespmem:$0x4200];
	_ =	sdelay $0x1  }
0x46d: {  	v10 =	vld [tilespmem:$0xA200];
	_ =	sdelay $0x2  }
0x46e: {  	v8 =	vmul.f32 v9, v8;
	_ =	sdelay $0x1  }
0x46f: {  	v8 =	vadd.f32 v10, v8;
	_ =	sdelay $0x1  }
0x470: {  	v9 =	vld [tilespmem:$0x4300];
	[tilespmem:$0xE200] =	vst v8  }
0x471: {  	v8 =	vld.idx.msk [tilespmem:v46+s9+$0x0], $0xffff;
	_ =	sdelay $0x1  }
0x472: {  	v10 =	vld [tilespmem:$0xA280];
	_ =	sdelay $0x2  }
0x473: {  	v8 =	vmul.f32 v9, v8;
	_ =	sdelay $0x1  }
0x474: {  	v8 =	vadd.f32 v10, v8;
	_ =	sdelay $0x1  }
0x475: {  	v9 =	vld [tilespmem:$0x4400];
	[tilespmem:$0xE280] =	vst v8  }
0x476: {  	v8 =	vld.idx.msk [tilespmem:v47+s9+$0x0], $0xffff;
	_ =	sdelay $0x1  }
0x477: {  	v10 =	vld [tilespmem:$0xA300];
	_ =	sdelay $0x2  }
0x478: {  	v8 =	vmul.f32 v9, v8;
	_ =	sdelay $0x1  }
0x479: {  	v8 =	vadd.f32 v10, v8;
	_ =	sdelay $0x1  }
0x47a: {  	v9 =	vld [tilespmem:$0x4500];
	[tilespmem:$0xE300] =	vst v8  }
0x47b: {  	v8 =	vld.idx.msk [tilespmem:v48+s9+$0x0], $0xffff;
	_ =	sdelay $0x1  }
0x47c: {  	v10 =	vld [tilespmem:$0xA380];
	_ =	sdelay $0x2  }
0x47d: {  	v8 =	vmul.f32 v9, v8;
	_ =	sdelay $0x1  }
0x47e: {  	v8 =	vadd.f32 v10, v8;
	_ =	sdelay $0x1  }
0x47f: {  	v9 =	vld [tilespmem:$0x6200];
	[tilespmem:$0xE380] =	vst v8  }
0x480: {  	v8 =	vld.idx.msk [tilespmem:v49+s9+$0x0], $0xffff;
	_ =	sdelay $0x1  }
0x481: {  	v10 =	vld [tilespmem:$0xA400];
	_ =	sdelay $0x2  }
0x482: {  	v8 =	vmul.f32 v9, v8;
	_ =	sdelay $0x1  }
0x483: {  	v8 =	vadd.f32 v10, v8;
	_ =	sdelay $0x1  }
0x484: {  	v9 =	vld [tilespmem:$0x6300];
	[tilespmem:$0xE400] =	vst v8  }
0x485: {  	v8 =	vld.idx.msk [tilespmem:v50+s9+$0x0], $0xffff;
	_ =	sdelay $0x1  }
0x486: {  	v10 =	vld [tilespmem:$0xA480];
	_ =	sdelay $0x2  }
0x487: {  	v8 =	vmul.f32 v9, v8;
	_ =	sdelay $0x1  }
0x488: {  	v8 =	vadd.f32 v10, v8;
	_ =	sdelay $0x1  }
0x489: {  	v9 =	vld [tilespmem:$0x6400];
	[tilespmem:$0xE480] =	vst v8  }
0x48a: {  	v8 =	vld.idx.msk [tilespmem:v51+s9+$0x0], $0xffff;
	_ =	sdelay $0x1  }
0x48b: {  	v10 =	vld [tilespmem:$0xA500];
	_ =	sdelay $0x2  }
0x48c: {  	v8 =	vmul.f32 v9, v8;
	_ =	sdelay $0x1  }
0x48d: {  	v8 =	vadd.f32 v10, v8;
	_ =	sdelay $0x1  }
0x48e: {  	v9 =	vld [tilespmem:$0x6500];
	[tilespmem:$0xE500] =	vst v8  }
0x48f: {  	v8 =	vld.idx.msk [tilespmem:v52+s9+$0x0], $0xffff;
	_ =	sdelay $0x1  }
0x490: {  	v10 =	vld [tilespmem:$0xA580];
	_ =	sdelay $0x2  }
0x491: {  	v8 =	vmul.f32 v9, v8;
	_ =	sdelay $0x1  }
0x492: {  	s10 =	sld [smem:$0x7FA];
	v8 =	vadd.f32 v10, v8;
	_ =	sdelay $0x1  }
0x493: {  	[tilespmem:$0xE580] =	vst v8  }
0x494: {  	[hbm4b:s10+s2] =	stream.linear.scatter [tilespmem:s0], [sflag:$0x3], $0x2000, $0x38;
	[tilespmem:$0x10200] =	vst v63  }
0x495: {  	_ =	swait.ge [sflag:s1], $0x2000  }
0x496: {  	[sflag:s1] =	ssyncset.done $0x0  }
0x497: {  	[sflag:s1] =	ssyncadd.s32 $0xFFFFE000  }
0x498: {  	v8 =	vld [tilespmem:$0xF0];
	_ =	sdelay $0x4  }
0x499: {  	v9 =	vshll.u32 v8, $0x3  }
0x49a: {  	v8 =	vand.u32 $0x7, v8;
	v9 =	vand.u32 $0xFFFFFFC0, v9  }
0x49b: {  	v8 =	vor.u32 v8, v9  }
0x49c: {  	v9 =	vperm.xlane v8, v0;
	_ =	sdelay $0x1  }
0x49d: {  	v9 =	vadd.s32 v1, v9;
	_ =	sdelay $0x4  }
0x49e: {  	[tilespmem:s19], [sflag:$0x1] =	stream.indirect_vreg.gather [hbm4b:s3+s2], $0x80, v9, vm0, $0xb8;
	[tilespmem:$0x10200] =	vst v63  }
0x49f: {  	v8 =	vperm.xlane v8, v2  }
0x4a0: {  	[tilespmem:s20], [sflag:$0x1] =	stream.indirect_vreg.gather [hbm4b:s4+s2], $0x80, v9, vm0, $0xb8;
	[tilespmem:$0x10200] =	vst v63  }
0x4a1: {  	v8 =	vadd.s32 v1, v8  }
0x4a2: {  	[tilespmem:s21], [sflag:$0x1] =	stream.indirect_vreg.gather [hbm4b:s5+s2], $0x80, v9, vm0, $0xb8;
	[tilespmem:$0x10200] =	vst v63  }
0x4a3: {  	_ = 	snop  }
0x4a4: {  	[tilespmem:s22], [sflag:$0x1] =	stream.indirect_vreg.gather [hbm4b:s6+s2], $0x80, v9, vm0, $0xb8;
	[tilespmem:$0x10200] =	vst v63  }
0x4a5: {  	_ = 	snop  }
0x4a6: {  	[tilespmem:s23], [sflag:$0x1] =	stream.indirect_vreg.gather [hbm4b:s3+s2], $0x80, v8, vm0, $0xb8;
	[tilespmem:$0x10200] =	vst v63  }
0x4a7: {  	_ = 	snop  }
0x4a8: {  	[tilespmem:s24], [sflag:$0x1] =	stream.indirect_vreg.gather [hbm4b:s4+s2], $0x80, v8, vm0, $0xb8;
	[tilespmem:$0x10200] =	vst v63  }
0x4a9: {  	_ = 	snop  }
0x4aa: {  	[tilespmem:s25], [sflag:$0x1] =	stream.indirect_vreg.gather [hbm4b:s5+s2], $0x80, v8, vm0, $0xb8;
	[tilespmem:$0x10200] =	vst v63  }
0x4ab: {  	s10 =	sld [smem:$0x7FB]  }
0x4ac: {  	[tilespmem:s26], [sflag:$0x1] =	stream.indirect_vreg.gather [hbm4b:s6+s2], $0x80, v8, vm0, $0xb8;
	[tilespmem:$0x10200] =	vst v63  }
0x4ad: {  	_ = 	snop  }
0x4ae: {  	[tilespmem:s28], [sflag:$0x2] =	stream.linear.gather [hbm4b:s10+s2], $0x2000, $0x38;
	[tilespmem:$0x10200] =	vst v63  }
0x4af: {  	_ =	swait.ge [sflag:s29], $0x4000  }
0x4b0: {  	[sflag:s29] =	ssyncset.done $0x0  }
0x4b1: {  	[sflag:s29] =	ssyncadd.s32 $0xFFFFC000  }
0x4b2: {  	_ =	swait.ge [sflag:s30], $0x2000  }
0x4b3: {  	[sflag:s30] =	ssyncset.done $0x0  }
0x4b4: {  	[sflag:s30] =	ssyncadd.s32 $0xFFFFE000  }
0x4b5: {  	v8 =	vld.idx.msk [tilespmem:v53+s9+$0x0], $0xffff  }
0x4b6: {  	v9 =	vld [tilespmem:$0x200];
	_ =	sdelay $0x1  }
0x4b7: {  	v10 =	vld [tilespmem:$0x8200];
	_ =	sdelay $0x2  }
0x4b8: {  	v8 =	vmul.f32 v9, v8;
	_ =	sdelay $0x1  }
0x4b9: {  	v8 =	vadd.f32 v10, v8;
	_ =	sdelay $0x1  }
0x4ba: {  	v9 =	vld [tilespmem:$0x300];
	[tilespmem:$0xC200] =	vst v8  }
0x4bb: {  	v8 =	vld.idx.msk [tilespmem:v54+s9+$0x0], $0xffff;
	_ =	sdelay $0x1  }
0x4bc: {  	v10 =	vld [tilespmem:$0x8280];
	_ =	sdelay $0x2  }
0x4bd: {  	v8 =	vmul.f32 v9, v8;
	_ =	sdelay $0x1  }
0x4be: {  	v8 =	vadd.f32 v10, v8;
	_ =	sdelay $0x1  }
0x4bf: {  	v9 =	vld [tilespmem:$0x400];
	[tilespmem:$0xC280] =	vst v8  }
0x4c0: {  	v8 =	vld.idx.msk [tilespmem:v55+s9+$0x0], $0xffff;
	_ =	sdelay $0x1  }
0x4c1: {  	v10 =	vld [tilespmem:$0x8300];
	_ =	sdelay $0x2  }
0x4c2: {  	v8 =	vmul.f32 v9, v8;
	_ =	sdelay $0x1  }
0x4c3: {  	v8 =	vadd.f32 v10, v8;
	_ =	sdelay $0x1  }
0x4c4: {  	v9 =	vld [tilespmem:$0x500];
	[tilespmem:$0xC300] =	vst v8  }
0x4c5: {  	v8 =	vld.idx.msk [tilespmem:v56+s9+$0x0], $0xffff;
	_ =	sdelay $0x1  }
0x4c6: {  	v10 =	vld [tilespmem:$0x8380];
	_ =	sdelay $0x2  }
0x4c7: {  	v8 =	vmul.f32 v9, v8;
	_ =	sdelay $0x1  }
0x4c8: {  	v8 =	vadd.f32 v10, v8;
	_ =	sdelay $0x1  }
0x4c9: {  	v9 =	vld [tilespmem:$0x2200];
	[tilespmem:$0xC380] =	vst v8  }
0x4ca: {  	v8 =	vld.idx.msk [tilespmem:v57+s9+$0x0], $0xffff;
	_ =	sdelay $0x1  }
0x4cb: {  	v10 =	vld [tilespmem:$0x8400];
	_ =	sdelay $0x2  }
0x4cc: {  	v8 =	vmul.f32 v9, v8;
	_ =	sdelay $0x1  }
0x4cd: {  	v8 =	vadd.f32 v10, v8;
	_ =	sdelay $0x1  }
0x4ce: {  	v9 =	vld [tilespmem:$0x2300];
	[tilespmem:$0xC400] =	vst v8  }
0x4cf: {  	v8 =	vld.idx.msk [tilespmem:v58+s9+$0x0], $0xffff;
	_ =	sdelay $0x1  }
0x4d0: {  	v10 =	vld [tilespmem:$0x8480];
	_ =	sdelay $0x2  }
0x4d1: {  	v8 =	vmul.f32 v9, v8;
	_ =	sdelay $0x1  }
0x4d2: {  	v8 =	vadd.f32 v10, v8;
	_ =	sdelay $0x1  }
0x4d3: {  	v9 =	vld [tilespmem:$0x2400];
	[tilespmem:$0xC480] =	vst v8  }
0x4d4: {  	v8 =	vld.idx.msk [tilespmem:v59+s9+$0x0], $0xffff;
	_ =	sdelay $0x1  }
0x4d5: {  	v10 =	vld [tilespmem:$0x8500];
	_ =	sdelay $0x2  }
0x4d6: {  	v8 =	vmul.f32 v9, v8;
	_ =	sdelay $0x1  }
0x4d7: {  	v8 =	vadd.f32 v10, v8;
	_ =	sdelay $0x1  }
0x4d8: {  	v9 =	vld [tilespmem:$0x2500];
	[tilespmem:$0xC500] =	vst v8  }
0x4d9: {  	v8 =	vld.idx.msk [tilespmem:v60+s9+$0x0], $0xffff;
	_ =	sdelay $0x1  }
0x4da: {  	v10 =	vld [tilespmem:$0x8580];
	_ =	sdelay $0x2  }
0x4db: {  	v8 =	vmul.f32 v9, v8;
	_ =	sdelay $0x1  }
0x4dc: {  	s10 =	sld [smem:$0x7FC];
	v8 =	vadd.f32 v10, v8;
	_ =	sdelay $0x1  }
0x4dd: {  	[tilespmem:$0xC580] =	vst v8  }
0x4de: {  	[hbm4b:s10+s2] =	stream.linear.scatter [tilespmem:s31], [sflag:$0x3], $0x2000, $0x38;
	[tilespmem:$0x10200] =	vst v63  }
0x4df: {  	_ =	swait.ge [sflag:s29], $0x4000  }
0x4e0: {  	[sflag:s29] =	ssyncset.done $0x0  }
0x4e1: {  	[sflag:s29] =	ssyncadd.s32 $0xFFFFC000  }
0x4e2: {  	_ =	swait.ge [sflag:s30], $0x2000  }
0x4e3: {  	[sflag:s30] =	ssyncset.done $0x0  }
0x4e4: {  	[sflag:s30] =	ssyncadd.s32 $0xFFFFE000  }
0x4e5: {  	v8 =	vld.idx.msk [tilespmem:v61+s9+$0x0], $0xffff  }
0x4e6: {  	v9 =	vld [tilespmem:$0x4200];
	_ =	sdelay $0x1  }
0x4e7: {  	v10 =	vld [tilespmem:$0xA200];
	_ =	sdelay $0x2  }
0x4e8: {  	v8 =	vmul.f32 v9, v8;
	_ =	sdelay $0x1  }
0x4e9: {  	v8 =	vadd.f32 v10, v8;
	_ =	sdelay $0x1  }
0x4ea: {  	v9 =	vld [tilespmem:$0x4300];
	[tilespmem:$0xE200] =	vst v8  }
0x4eb: {  	v8 =	vld.idx.msk [tilespmem:v62+s9+$0x0], $0xffff;
	_ =	sdelay $0x1  }
0x4ec: {  	v10 =	vld [tilespmem:$0xA280];
	_ =	sdelay $0x2  }
0x4ed: {  	v8 =	vmul.f32 v9, v8;
	_ =	sdelay $0x1  }
0x4ee: {  	v8 =	vadd.f32 v10, v8;
	_ =	sdelay $0x1  }
0x4ef: {  	v9 =	vld [tilespmem:$0x4400];
	[tilespmem:$0xE280] =	vst v8  }
0x4f0: {  	v8 =	vld.idx.msk [tilespmem:v63+s9+$0x0], $0xffff;
	_ =	sdelay $0x1  }
0x4f1: {  	v10 =	vld [tilespmem:$0xA300];
	_ =	sdelay $0x2  }
0x4f2: {  	v8 =	vmul.f32 v9, v8;
	_ =	sdelay $0x1  }
0x4f3: {  	v8 =	vadd.f32 v10, v8;
	_ =	sdelay $0x1  }
0x4f4: {  	v9 =	vld [tilespmem:$0x4500];
	[tilespmem:$0xE300] =	vst v8  }
0x4f5: {  	v8 =	vld.idx.msk [tilespmem:v3+s9+$0x0], $0xffff;
	_ =	sdelay $0x1  }
0x4f6: {  	v10 =	vld [tilespmem:$0xA380];
	_ =	sdelay $0x2  }
0x4f7: {  	v8 =	vmul.f32 v9, v8;
	_ =	sdelay $0x1  }
0x4f8: {  	v8 =	vadd.f32 v10, v8;
	_ =	sdelay $0x1  }
0x4f9: {  	v9 =	vld [tilespmem:$0x6200];
	[tilespmem:$0xE380] =	vst v8  }
0x4fa: {  	v8 =	vld.idx.msk [tilespmem:v4+s9+$0x0], $0xffff;
	_ =	sdelay $0x1  }
0x4fb: {  	v10 =	vld [tilespmem:$0xA400];
	_ =	sdelay $0x2  }
0x4fc: {  	v8 =	vmul.f32 v9, v8;
	_ =	sdelay $0x1  }
0x4fd: {  	v8 =	vadd.f32 v10, v8;
	_ =	sdelay $0x1  }
0x4fe: {  	v9 =	vld [tilespmem:$0x6300];
	[tilespmem:$0xE400] =	vst v8  }
0x4ff: {  	v8 =	vld.idx.msk [tilespmem:v5+s9+$0x0], $0xffff;
	_ =	sdelay $0x1  }
0x500: {  	v10 =	vld [tilespmem:$0xA480];
	_ =	sdelay $0x2  }
0x501: {  	v8 =	vmul.f32 v9, v8;
	_ =	sdelay $0x1  }
0x502: {  	v8 =	vadd.f32 v10, v8;
	_ =	sdelay $0x1  }
0x503: {  	v9 =	vld [tilespmem:$0x6400];
	[tilespmem:$0xE480] =	vst v8  }
0x504: {  	v8 =	vld.idx.msk [tilespmem:v6+s9+$0x0], $0xffff;
	_ =	sdelay $0x1  }
0x505: {  	v10 =	vld [tilespmem:$0xA500];
	_ =	sdelay $0x2  }
0x506: {  	v8 =	vmul.f32 v9, v8;
	_ =	sdelay $0x1  }
0x507: {  	v8 =	vadd.f32 v10, v8;
	_ =	sdelay $0x1  }
0x508: {  	v9 =	vld [tilespmem:$0x6500];
	[tilespmem:$0xE500] =	vst v8  }
0x509: {  	v8 =	vld.idx.msk [tilespmem:v7+s9+$0x0], $0xffff;
	_ =	sdelay $0x1  }
0x50a: {  	v10 =	vld [tilespmem:$0xA580];
	_ =	sdelay $0x2  }
0x50b: {  	v8 =	vmul.f32 v9, v8;
	_ =	sdelay $0x1  }
0x50c: {  	s10 =	sld [smem:$0x7FD];
	v8 =	vadd.f32 v10, v8;
	_ =	sdelay $0x1  }
0x50d: {  	[tilespmem:$0xE580] =	vst v8  }
0x50e: {  	[hbm4b:s10+s2] =	stream.linear.scatter [tilespmem:s0], [sflag:$0x3], $0x2000, $0x38;
	[tilespmem:$0x10200] =	vst v63  }
0x50f: {  	p0 =	sne.s32 s7, $0x1;
	_ =	swait.ge [sflag:s1], $0x2000  }
.Ltmp0:
0x510: {  	[sflag:s1] =	ssyncset.done $0x0;
	(pc) =	sbr.rel @p0 .LBB2_1-.Ltmp0, $4  }
0x511: {  	[sflag:s1] =	ssyncadd.s32 $0xFFFFE000  }
0x512: {  	_ =	swait.ge [sflag:s1], $0x2000  }
0x513: {  	[sflag:s1] =	ssyncset.done $0x0  }
0x514: {  	s7 =	sadd.s32 $0xFFFFFFFF, s7;
	[sflag:s1] =	ssyncadd.s32 $0xFFFFE000  }
0x515: {  	_ =	sfence.sel $0x180000  }
0x516: {  	[bflag:$0x0] =	sbarrier.arrive $0xFFFF  }
0x517: {  	_ =	strace $0x9000004D  }
0x518: {  	s0 =	stileid.u32;
	[bflag:$0x2] =	sbarrier.arrive $0xFFFF  }
0x519: {  	p0 =	sne.s32 s0, $0x0;
	s0 =	rddreg [dreg:$0x2]  }
0x51a: {  	s0 =	sadd.s32 @!p0 $0x100000, s0  }
0x51b: {  	[sflag:s0] =	ssyncadd.tile.s32 @!p0 $0x1;
	_ =	shalt  }
.Lfunc_end2:
_tile_overlayer_lowered:
.L_overlay_start_2:
0x51c: {  	(tag) =	ssettag $0x2  }
0x51d: {  	s0 =	rddreg [dreg:$0x0];
	s2 =	stileid.u32  }
0x51e: {  	s1 =	rddreg [dreg:$0x1];
	p0 =	sne.s32 s2, $0x0  }
0x51f: {  	s3 =	rddreg [dreg:$0x2];
	[bflag:$0x3] =	sbarrier.arrive $0xFFFF;
	s2 =	simm.s32 @!p0 $0x1C04  }
0x520: {  	[timem:s3], [sflag:s2] =	dma.local @!p0 [hbm:s0], s1  }
0x521: {  	s0 =	simm.s32 @!p0 $0x4  }
0x522: {  	_ =	swait.ge @!p0 [sflag:s0], s1  }
0x523: {  	s1 =	ssub.s32 @!p0 $0x0, s1;
	[sflag:s0] =	ssyncset.done @!p0 $0x0  }
0x524: {  	[sflag:s0] =	ssyncadd.s32 @!p0 s1  }
0x525: {  	[bflag:$0x3] =	sbarrier.arrive $0xFFFF  }
0x526: {  	_ =	shalt  }

// kernel: kernel.7.cloned.1.call-start
scs
__scs_entry_jumppad:
0x0: {  	(pc) =	sbr.rel $0x88, $3  }
0x1: {  	(tag) =	ssettag $0x0;
	lr =	simm.s32 $0x1  }
0x2: {  	[smem:$0x3F9C] =	sst lr;
	_ =	strace $0xD0000000  }
0x3: {  	_ = 	snop  }
0x4: {  	_ = 	snop  }
0x5: {  	_ = 	snop  }
0x6: {  	_ = 	snop  }
0x7: {  	_ = 	snop  }
__scs_overlays_trampoline_lowered:
0x8: {  	[smem:$0x3FAB] =	sst s0  }
0x9: {  	[smem:$0x3FAC] =	sst s1  }
0xa: {  	[smem:$0x3FAD] =	sst s2  }
0xb: {  	[smem:$0x3FAE] =	sst s3  }
0xc: {  	[smem:$0x3FAF] =	sst s4  }
0xd: {  	[smem:$0x3FB0] =	sst s5  }
0xe: {  	[smem:$0x3FB1] =	sst s6  }
0xf: {  	[smem:$0x3FB2] =	sst s7  }
0x10: {  	[smem:$0x3FB3] =	sst s8  }
0x11: {  	[smem:$0x3FB4] =	sst s9;
	s0 =	simm.s32 @!p0 $0x0  }
0x12: {  	s1 =	sld [smem:$0x3F9A];
	s0 =	simm.s32 @p0 $0x1  }
0x13: {  	[smem:$0x3FB5] =	sst s0;
	s0 =	simm.s32 @!p1 $0x0  }
0x14: {  	s2 =	sld [smem:$0x3F99];
	s0 =	simm.s32 @p1 $0x1  }
0x15: {  	[smem:$0x3FB6] =	sst s0;
	s0 =	simm.s32 @!p2 $0x0  }
0x16: {  	s3 =	sld [smem:$0x3FDB];
	s0 =	simm.s32 @p2 $0x1  }
0x17: {  	s4 =	simm.s32 $0x1BF5;
	[smem:$0x3FB8] =	sst s0  }
0x18: {  	s0 =	sld [smem:$0x3F9B];
	_ =	swait.ge [sflag:s4], $0x0  }
0x19: {  	s7 =	sld [smem:$0x3F9C]  }
0x1a: {  	s8 =	sadd.s32 $0xFFFFE003, lr  }
0x1b: {  	s9 =	sadd.s32 $0xFFFFFEF7, lr;
	s5 =	simm.s32 $0xFFFFFFFF;
	p2 =	slt.u32 s8, $0xFFFFF086  }
0x1c: {  	p1 =	slt.u32 s9, $0xF7A;
	s5 =	simm.s32 @!p2 $0x0  }
0x1d: {  	s5 =	simm.s32 @p1 $0x1;
	p0 =	seq.s32 s7, s2  }
0x1e: {  	s7 =	smul.u32 @!p0 $0xF7A, s2;
	p2 =	seq.s32 @!p0 s5, $0x0  }
0x1f: {  	s9 =	smul.u32 $0xF7A, s1;
	s8 =	simm.s32 @!p0 $0x1BF5;
	p2 =	por !p2, p0  }
0x20: {  	[sflag:s8] =	ssyncset.s32 @!p0 $0xFFFFF086;
	s6 =	sadd.s32 @!p0 s3, s7;
	s7 =	simm.s32 @!p0 $0x108  }
0x21: {  	s3 =	sadd.s32 s3, s9;
	s6 =	sadd.s32 @!p0 $0x88, s6;
	s7 =	simm.s32 @p2 $0x1082  }
0x22: {  	[simem:s7], [sflag:s8] =	dma.local @!p0 [hbm:s6], $0xF7A  }
0x23: {  	s9 =	sor.u32 $0xD0000000, s2;
	s6 =	simm.s32 $0x108;
	_ =	swait.ge @!p0 [sflag:s8], $0x0  }
0x24: {  	s3 =	sadd.s32 $0x88, s3;
	s6 =	simm.s32 @!p1 $0x1082;
	[sflag:s4] =	ssyncset.s32 $0xFFFFF086  }
0x25: {  	[simem:s6], [sflag:s4] =	dma.local [hbm:s3], $0xF7A  }
0x26: {  	[smem:$0x3F9C] =	sst s1;
	(tag) =	ssettag s2;
	_ =	strace s9  }
0x27: {  	s1 =	sld [smem:$0x3FAC]  }
0x28: {  	s2 =	sld [smem:$0x3FAD]  }
0x29: {  	s4 =	sld [smem:$0x3FAF]  }
0x2a: {  	p0 =	seq.s32 s5, $0x0;
	s5 =	sld [smem:$0x3FB0]  }
0x2b: {  	s6 =	sld [smem:$0x3FB1]  }
0x2c: {  	s7 =	sld [smem:$0x3FB2]  }
0x2d: {  	s3 =	simm.s32 $0x108;
	s8 =	sld [smem:$0x3FB3]  }
0x2e: {  	s3 =	simm.s32 @!p0 $0x1082;
	s9 =	sld [smem:$0x3FB4]  }
0x2f: {  	lr =	sadd.s32 s0, s3;
	s0 =	sld [smem:$0x3FAB]  }
0x30: {  	s3 =	sld [smem:$0x3FAE]  }
0x31: {  	[smem:$0x3FB7] =	sst s10  }
0x32: {  	s10 =	sld [smem:$0x3FB5];
	_ =	sdelay $0x3  }
0x33: {  	p0 =	seq.s32 s10, $0x1;
	s10 =	sld [smem:$0x3FB7];
	_ =	sdelay $0x3  }
0x34: {  	[smem:$0x3FB7] =	sst s10  }
0x35: {  	s10 =	sld [smem:$0x3FB6];
	_ =	sdelay $0x3  }
0x36: {  	p1 =	seq.s32 s10, $0x1;
	s10 =	sld [smem:$0x3FB7];
	_ =	sdelay $0x3  }
0x37: {  	[smem:$0x3FB7] =	sst s10  }
0x38: {  	s10 =	sld [smem:$0x3FB8]  }
0x39: {  	_ = 	snop;
	(pc) =	sbr.ind lr, $3  }
0x3a: {  	_ = 	snop  }
0x3b: {  	_ = 	snop  }
0x3c: {  	p2 =	seq.s32 s10, $0x1;
	s10 =	sld [smem:$0x3FB7]  }
0x3d: {  	_ =	shalt  }
0x3e: {  	_ =	shalt  }
0x3f: {  	_ =	shalt  }
0x40: {  	_ =	shalt  }
0x41: {  	_ =	shalt  }
0x42: {  	_ =	shalt  }
0x43: {  	_ =	shalt  }
0x44: {  	_ =	shalt  }
0x45: {  	_ =	shalt  }
0x46: {  	_ =	shalt  }
0x47: {  	_ =	shalt  }
0x48: {  	_ =	shalt  }
0x49: {  	_ =	shalt  }
0x4a: {  	_ =	shalt  }
0x4b: {  	_ =	shalt  }
0x4c: {  	_ =	shalt  }
0x4d: {  	_ =	shalt  }
0x4e: {  	_ =	shalt  }
0x4f: {  	_ =	shalt  }
0x50: {  	_ =	shalt  }
0x51: {  	_ =	shalt  }
0x52: {  	_ =	shalt  }
0x53: {  	_ =	shalt  }
0x54: {  	_ =	shalt  }
0x55: {  	_ =	shalt  }
0x56: {  	_ =	shalt  }
0x57: {  	_ =	shalt  }
0x58: {  	_ =	shalt  }
0x59: {  	_ =	shalt  }
0x5a: {  	_ =	shalt  }
0x5b: {  	_ =	shalt  }
0x5c: {  	_ =	shalt  }
0x5d: {  	_ =	shalt  }
0x5e: {  	_ =	shalt  }
0x5f: {  	_ =	shalt  }
0x60: {  	_ =	shalt  }
0x61: {  	_ =	shalt  }
0x62: {  	_ =	shalt  }
0x63: {  	_ =	shalt  }
0x64: {  	_ =	shalt  }
0x65: {  	_ =	shalt  }
0x66: {  	_ =	shalt  }
0x67: {  	_ =	shalt  }
0x68: {  	_ =	shalt  }
0x69: {  	_ =	shalt  }
0x6a: {  	_ =	shalt  }
0x6b: {  	_ =	shalt  }
0x6c: {  	_ =	shalt  }
0x6d: {  	_ =	shalt  }
0x6e: {  	_ =	shalt  }
0x6f: {  	_ =	shalt  }
0x70: {  	_ =	shalt  }
0x71: {  	_ =	shalt  }
0x72: {  	_ =	shalt  }
0x73: {  	_ =	shalt  }
0x74: {  	_ =	shalt  }
0x75: {  	_ =	shalt  }
0x76: {  	_ =	shalt  }
0x77: {  	_ =	shalt  }
0x78: {  	_ =	shalt  }
0x79: {  	_ =	shalt  }
0x7a: {  	_ =	shalt  }
0x7b: {  	_ =	shalt  }
0x7c: {  	_ =	shalt  }
0x7d: {  	_ =	shalt  }
0x7e: {  	_ =	shalt  }
0x7f: {  	_ =	shalt  }
0x80: {  	_ =	shalt  }
0x81: {  	_ =	shalt  }
0x82: {  	_ =	shalt  }
0x83: {  	_ =	shalt  }
0x84: {  	_ =	shalt  }
0x85: {  	_ =	shalt  }
0x86: {  	_ =	shalt  }
0x87: {  	_ =	shalt  }
.Lfunc_end0:
.L_simem_size_0:
called_computation.1_lowered:
.L_overlay_start_0:
0x88: {  	s2 =	sld [smem:$0x3FD9]  }
0x89: {  	s3 =	sld [smem:$0x3FFE];
	_ =	sdelay $0x1  }
0x8a: {  	s1 =	srdreg.scid  }
0x8b: {  	s0 =	sand.u32 $0x1, s1  }
0x8c: {  	s14 =	sshll.u32 s0, $0xA;
	s2 =	sadd.s32 s3, s2  }
0x8d: {  	s2 =	sadd.s32 s2, s14  }
0x8e: {  	[smem:$0x3FC3] =	sst s2  }
0x8f: {  	_ = 	snop  }
0x90: {  	s2 =	sld [smem:$0x3FD0];
	_ =	sdelay $0x2  }
0x91: {  	s15 =	simm.s32 $0xA;
	s4 =	simm.s32 $0x10  }
0x92: {  	[smem:s4], [sflag:s15] =	dma.local [hbm:s2], $0x1  }
0x93: {  	_ =	swait.eq [sflag:s15], $0x1  }
0x94: {  	[sflag:s15] =	ssyncset.done $0x0  }
0x95: {  	[sflag:s15] =	ssyncadd.s32 $0xFFFFFFFF  }
0x96: {  	s16 =	sld [smem:$0x10];
	(tm) =	ssettm $0x1  }
0x97: {  	s17 =	sld [smem:$0x3FFB];
	_ =	sdelay $0x3  }
0x98: {  	_ =	strace s17  }
0x99: {  	s3 =	sld [smem:$0x3FFC];
	_ =	sdelay $0x3  }
0x9a: {  	_ =	strace s3  }
0x9b: {  	s3 =	sld [smem:$0x3FFD];
	_ =	sdelay $0x3  }
0x9c: {  	_ =	strace s3  }
0x9d: {  	_ =	strace $0x8FFFFFFF  }
0x9e: {  	s18 =	sld [smem:$0x3FDB];
	_ =	sdelay $0x1  }
0x9f: {  	s19 =	simm.s32 $_scs_section_size  }
0xa0: {  	s5 =	simm.s32 $_size__tile_overlayer_lowered;
	s6 =	simm.s32 $_tile_overlayer_lowered  }
0xa1: {  	s22 =	simm.s32 $0x1BFF;
	s21 =	sshll.u32 s6, $0x1;
	s3 =	sadd.s32 s19, s18  }
0xa2: {  	s7 =	simm.s32 $0x0;
	s20 =	sshll.u32 s5, $0x1;
	s5 =	sadd.s32 s21, s3  }
0xa3: {  	[timem:s7], [sflag:s22] =	dma.local [hbm:s5], s20  }
0xa4: {  	_ =	swait.ge [sflag:s22], s20  }
0xa5: {  	s4 =	ssub.s32 $0x0, s20;
	[sflag:s22] =	ssyncset.done $0x0  }
0xa6: {  	[sflag:s22] =	ssyncadd.s32 s4;
	_ =	sdelay $0x1  }
0xa7: {  	s23 =	simm.s32 $0x1B8B  }
0xa8: {  	_ =	swait.ge [sflag:s23], $0x1  }
0xa9: {  	[sflag:s23] =	ssyncset.done $0x0  }
0xaa: {  	s25 =	simm.s32 $0x1B8E;
	s24 =	sld [smem:$0x3FFE];
	[sflag:s23] =	ssyncadd.s32 $0xFFFFFFFF  }
0xab: {  	s26 =	simm.s32 $execute0_lowered;
	[smem:$0x3FD2] =	sst s25  }
0xac: {  	s5 =	sshll.u32 s26, $0x1;
	_ =	strace $0x80000046;
	[dreg:$0x1] =	wrdreg $0xFFFFFFFF  }
0xad: {  	s28 =	simm.s32 $_size_execute0_lowered;
	s3 =	sadd.s32 s3, s5;
	[dreg:$0x0] =	wrdreg $0x0  }
0xae: {  	s5 =	sshll.u32 s28, $0x1;
	[dreg:$0x2] =	wrdreg s3  }
0xaf: {  	[dreg:$0x3] =	wrdreg s5  }
0xb0: {  	[dreg:$0x4] =	wrdreg $0xC0  }
0xb1: {  	_ =	task [dreg:s7], $0x5FFFF  }
0xb2: {  	[dreg:$0x1] =	wrdreg $0xFFFFFFFF  }
0xb3: {  	[dreg:$0x0] =	wrdreg $0x60  }
0xb4: {  	[dreg:$0x2] =	wrdreg s24  }
0xb5: {  	[dreg:$0x3] =	wrdreg s16  }
0xb6: {  	[dreg:$0x4] =	wrdreg $0x9  }
0xb7: {  	_ =	task.clear_ibuf [dreg:s7], $0x5FFFF;
	_ =	strace $0x90000046  }
0xb8: {  	s29 =	simm.s32 $0x9;
	_ =	strace $0x80000048  }
0xb9: {  	_ =	swait.ge [sflag:s29], $0x1  }
0xba: {  	[sflag:s29] =	ssyncadd.s32 $0xFFFFFFFF  }
0xbb: {  	_ =	strace $0x90000048  }
0xbc: {  	_ =	sfence  }
0xbd: {  	s30 =	sld [smem:$0x0];
	_ =	sdelay $0x2  }
0xbe: {  	s31 =	sshll.u32 s1, $0xD;
	s1 =	sshrl.u32 s1, $0x2  }
0xbf: {  	s3 =	sand.u32 $0x4000, s31;
	s1 =	sadd.s32 s1, s30  }
0xc0: {  	s0 =	sor.u32 s3, s0;
	s1 =	sshll.u32 s1, $0x11  }
0xc1: {  	s0 =	sor.u32 s1, s0  }
0xc2: {  	s0 =	sadd.s32 $0x8F2B, s0  }
0xc3: {  	[sflag:s0] =	ssyncadd.remote.s32 $0x1  }
0xc4: {  	_ =	sfence.sel $0xFFFF  }
0xc5: {  	[dreg:$0x0] =	wrdreg $0xFFFFFFFF;
	(pc) =	sbr.abs _section_cstart, $3  }
0xc6: {  	[dreg:$0x1] =	wrdreg $0xFFFFFFFF  }
0xc7: {  	_ =	task.clear_ibuf [dreg:s7], $0x2FFFF;
	_ =	strace $0x9FFFFFFF  }
0xc8: {  	(tm) =	ssettm $0x7FFFFFFF  }
0xc9: {  	_ =	shalt  }
tec
execute0_lowered:
.L_overlay_start_1:
0x0: {  	(tag) =	ssettag $0x1  }
0x1: {  	s0 =	rddreg [dreg:$0x0]  }
0x2: {  	s2 =	rddreg [dreg:$0x1]  }
0x3: {  	s1 =	srdreg.scid;
	s4 =	stileid.u32  }
0x4: {  	s3 =	simm.s32 $0x0;
	s10 =	simm.s32 $0x1;
	s13 =	simm.s32 $0x2  }
0x5: {  	s14 =	simm.s32 $0x0;
	s31 =	simm.s32 $0xA000;
	s18 =	simm.s32 $0xC800  }
0x6: {  	s19 =	simm.s32 $0xE000;
	s8 =	simm.s32 $0xF800;
	s20 =	simm.s32 $0x10000  }
0x7: {  	s28 =	simm.s32 $0x13800;
	s29 =	simm.s32 $0x14000;
	s1 =	sand.u32 $0x1, s1  }
0x8: {  	s4 =	sshll.u32 s4, $0x1;
	[smem:$0x7FF] =	sst s3;
	s6 =	sadd.s32 $0x22C00, s0  }
0x9: {  	s0 =	sadd.s32 $0x23000, s0;
	s5 =	sor.u32 s1, s4;
	_ =	strace $0x80000047  }
0xa: {  	[dreg:$0x3] =	wrdreg s6;
	s1 =	ssub.s32 $0x2, s1;
	s4 =	smul.u32 $0x140, s5  }
0xb: {  	s6 =	simm.s32 $0xF000;
	s7 =	sshrl.u32 s1, $0x1;
	s5 =	smul.u32 $0x5000, s5  }
0xc: {  	s1 =	ssub.s32 s1, s7;
	s7 =	sadd.s32 $0x100, s2;
	s30 =	sadd.s32 $0x40, s4  }
0xd: {  	s5 =	sadd.s32 s0, s5;
	s9 =	sadd.s32 $0x80, s4;
	s11 =	sadd.s32 $0xC0, s4  }
0xe: {  	s12 =	sadd.s32 $0x100, s4;
	s26 =	smax.u32 s1, $0x1;
	s21 =	sshll.u32 s30, $0x6  }
0xf: {  	[dreg:$0x4] =	wrdreg s5;
	s23 =	sshll.u32 s9, $0x6;
	s24 =	sshll.u32 s11, $0x6  }
0x10: {  	s25 =	sshll.u32 s12, $0x6;
	[dreg:$0x9] =	wrdreg s26;
	s22 =	sadd.s32 s0, s21  }
0x11: {  	s26 =	simm.s32 $0x13000;
	s5 =	sadd.s32 s0, s23;
	[dreg:$0x5] =	wrdreg s22  }
0x12: {  	s21 =	simm.s32 $0x10800;
	s23 =	simm.s32 $0x11800;
	[dreg:$0x6] =	wrdreg s5  }
0x13: {  	v2 =	vlaneseq.u32;
	s5 =	sadd.s32 s0, s24;
	s0 =	sadd.s32 s0, s25;
	s22 =	simm.s32 $0x11000  }
0x14: {  	vm0 =	vmmov $0xffff;
	v1 =	vshrl.u32 v2, $0x3;
	s24 =	simm.s32 $0x12000;
	s25 =	simm.s32 $0x12800;
	[dreg:$0x7] =	wrdreg s5  }
0x15: {  	v0 =	vand.u32 $0x7, v2;
	v2 =	vor.u32 $0x8, v2;
	v1 =	vmul.u32 $0x8, v1;
	[dreg:$0x8] =	wrdreg s0;
	s0 =	simm.s32 $0x4800;
	s5 =	simm.s32 $0xB800  }
.LBB2_1:
0x16: {  	s15 =	rddreg [dreg:$0x3];
	s16 =	simm.s32 $0x3  }
0x17: {  	[tilespmem:s3], [sflag:$0x3] =	stream.linear.gather [hbm4b:s15+s3], $0x2000, $0x38;
	[tilespmem:$0x14800] =	vst v63  }
0x18: {  	_ =	swait.ge [sflag:s16], $0x2000  }
0x19: {  	[sflag:s16] =	ssyncset.done $0x0  }
0x1a: {  	s17 =	sand.u32 $0x1FF0, s3;
	[sflag:s16] =	ssyncadd.s32 $0xFFFFE000  }
0x1b: {  	v3 =	vld [tilespmem:s17+$0x0];
	_ =	sdelay $0x4  }
0x1c: {  	s15 =	simm.s32 $0x2000;
	s16 =	simm.s32 $0x10;
	v3 =	vshra.s32 v3, $0x2  }
0x1d: {  	s17 =	sand.u32 $0x1FF0, s16;
	s16 =	simm.s32 $0x20;
	[tilespmem:s15+$0x0] =	vst v3  }
.LBB2_2:
0x1e: {  	p0 =	sne.s32 s16, $0x27F0;
	v3 =	vld [tilespmem:s17+$0x0];
	_ =	sdelay $0x1  }
.Ltmp0:
0x1f: {  	(pc) =	sbr.rel @p0 .LBB2_2-.Ltmp0, $3  }
0x20: {  	_ =	sdelay $0x1  }
0x21: {  	s15 =	sadd.s32 $0x10, s15;
	v3 =	vshra.s32 v3, $0x2  }
0x22: {  	s17 =	sand.u32 $0x1FF0, s16;
	s16 =	sadd.s32 $0x10, s16;
	[tilespmem:s15+$0x0] =	vst v3  }
0x23: {  	v3 =	vld [tilespmem:s17+$0x0];
	_ =	sdelay $0x4  }
0x24: {  	s15 =	sadd.s32 $0x10, s15;
	v3 =	vshra.s32 v3, $0x2  }
0x25: {  	[tilespmem:s15+$0x0] =	vst v3  }
0x26: {  	v3 =	vld [tilespmem:s4+$0x2000];
	_ =	sdelay $0x4  }
0x27: {  	v4 =	vshll.u32 v3, $0x2  }
0x28: {  	v3 =	vand.u32 $0x7, v3;
	v4 =	vand.u32 $0xFFFFFFE0, v4  }
0x29: {  	v3 =	vor.u32 v3, v4  }
0x2a: {  	v4 =	vperm.xlane v3, v0;
	_ =	sdelay $0x1  }
0x2b: {  	v4 =	vadd.s32 v1, v4;
	_ =	sdelay $0x1  }
0x2c: {  	v3 =	vperm.xlane v3, v2;
	_ =	sdelay $0x1  }
0x2d: {  	v3 =	vadd.s32 v1, v3  }
0x2e: {  	[tilespmem:s0], [sflag:$0x1] =	stream.indirect_vreg.gather [hbm4b:s2+s3], $0x80, v4, vm0, $0xb8;
	[tilespmem:$0x14800] =	vst v63  }
0x2f: {  	s1 =	simm.s32 $0x5000  }
0x30: {  	[tilespmem:s1], [sflag:$0x1] =	stream.indirect_vreg.gather [hbm4b:s7+s3], $0x80, v4, vm0, $0xb8;
	[tilespmem:$0x14800] =	vst v63  }
0x31: {  	s16 =	simm.s32 $0x5800  }
0x32: {  	[tilespmem:s16], [sflag:$0x1] =	stream.indirect_vreg.gather [hbm4b:s2+s3], $0x80, v3, vm0, $0xb8;
	[tilespmem:$0x14800] =	vst v63  }
0x33: {  	s17 =	simm.s32 $0x6000  }
0x34: {  	[tilespmem:s17], [sflag:$0x1] =	stream.indirect_vreg.gather [hbm4b:s7+s3], $0x80, v3, vm0, $0xb8;
	[tilespmem:$0x14800] =	vst v63  }
0x35: {  	v3 =	vld [tilespmem:s4+$0x2010];
	_ =	sdelay $0x4  }
0x36: {  	v45 =	vshll.u32 v3, $0x2  }
0x37: {  	v3 =	vand.u32 $0x7, v3;
	v4 =	vand.u32 $0xFFFFFFE0, v45  }
0x38: {  	v3 =	vor.u32 v3, v4  }
0x39: {  	v4 =	vperm.xlane v3, v0;
	_ =	sdelay $0x1  }
0x3a: {  	v4 =	vadd.s32 v1, v4;
	_ =	sdelay $0x1  }
0x3b: {  	v3 =	vperm.xlane v3, v2;
	_ =	sdelay $0x1  }
0x3c: {  	s15 =	simm.s32 $0x6800;
	v3 =	vadd.s32 v1, v3  }
0x3d: {  	[tilespmem:s15], [sflag:$0x1] =	stream.indirect_vreg.gather [hbm4b:s2+s3], $0x80, v4, vm0, $0xb8;
	[tilespmem:$0x14800] =	vst v63  }
0x3e: {  	s16 =	simm.s32 $0x7000  }
0x3f: {  	[tilespmem:s16], [sflag:$0x1] =	stream.indirect_vreg.gather [hbm4b:s7+s3], $0x80, v4, vm0, $0xb8;
	[tilespmem:$0x14800] =	vst v63  }
0x40: {  	s17 =	simm.s32 $0x7800  }
0x41: {  	[tilespmem:s17], [sflag:$0x1] =	stream.indirect_vreg.gather [hbm4b:s2+s3], $0x80, v3, vm0, $0xb8;
	[tilespmem:$0x14800] =	vst v63  }
0x42: {  	s15 =	simm.s32 $0x8000  }
0x43: {  	[tilespmem:s15], [sflag:$0x1] =	stream.indirect_vreg.gather [hbm4b:s7+s3], $0x80, v3, vm0, $0xb8;
	[tilespmem:$0x14800] =	vst v63  }
0x44: {  	v3 =	vld [tilespmem:s4+$0x2020];
	_ =	sdelay $0x4  }
0x45: {  	v46 =	vshll.u32 v3, $0x2  }
0x46: {  	v3 =	vand.u32 $0x7, v3;
	v4 =	vand.u32 $0xFFFFFFE0, v46  }
0x47: {  	v3 =	vor.u32 v3, v4  }
0x48: {  	v4 =	vperm.xlane v3, v0;
	_ =	sdelay $0x1  }
0x49: {  	v4 =	vadd.s32 v1, v4;
	_ =	sdelay $0x1  }
0x4a: {  	v3 =	vperm.xlane v3, v2;
	_ =	sdelay $0x1  }
0x4b: {  	s16 =	simm.s32 $0x8800;
	v3 =	vadd.s32 v1, v3  }
0x4c: {  	[tilespmem:s16], [sflag:$0x1] =	stream.indirect_vreg.gather [hbm4b:s2+s3], $0x80, v4, vm0, $0xb8;
	[tilespmem:$0x14800] =	vst v63  }
0x4d: {  	s17 =	simm.s32 $0x9000  }
0x4e: {  	[tilespmem:s17], [sflag:$0x1] =	stream.indirect_vreg.gather [hbm4b:s7+s3], $0x80, v4, vm0, $0xb8;
	[tilespmem:$0x14800] =	vst v63  }
0x4f: {  	s15 =	simm.s32 $0x9800  }
0x50: {  	[tilespmem:s15], [sflag:$0x1] =	stream.indirect_vreg.gather [hbm4b:s2+s3], $0x80, v3, vm0, $0xb8;
	[tilespmem:$0x14800] =	vst v63  }
0x51: {  	_ = 	snop  }
0x52: {  	[tilespmem:s31], [sflag:$0x1] =	stream.indirect_vreg.gather [hbm4b:s7+s3], $0x80, v3, vm0, $0xb8;
	[tilespmem:$0x14800] =	vst v63  }
0x53: {  	v3 =	vld [tilespmem:s4+$0x2030];
	_ =	sdelay $0x4  }
0x54: {  	v47 =	vshll.u32 v3, $0x2  }
0x55: {  	v3 =	vand.u32 $0x7, v3;
	v4 =	vand.u32 $0xFFFFFFE0, v47  }
0x56: {  	v3 =	vor.u32 v3, v4  }
0x57: {  	v4 =	vperm.xlane v3, v0;
	_ =	sdelay $0x1  }
0x58: {  	v4 =	vadd.s32 v1, v4;
	_ =	sdelay $0x1  }
0x59: {  	v3 =	vperm.xlane v3, v2;
	_ =	sdelay $0x1  }
0x5a: {  	s16 =	simm.s32 $0xA800;
	v3 =	vadd.s32 v1, v3  }
0x5b: {  	[tilespmem:s16], [sflag:$0x1] =	stream.indirect_vreg.gather [hbm4b:s2+s3], $0x80, v4, vm0, $0xb8;
	[tilespmem:$0x14800] =	vst v63  }
0x5c: {  	s17 =	simm.s32 $0xB000  }
0x5d: {  	[tilespmem:s17], [sflag:$0x1] =	stream.indirect_vreg.gather [hbm4b:s7+s3], $0x80, v4, vm0, $0xb8;
	[tilespmem:$0x14800] =	vst v63  }
0x5e: {  	_ = 	snop  }
0x5f: {  	[tilespmem:s5], [sflag:$0x1] =	stream.indirect_vreg.gather [hbm4b:s2+s3], $0x80, v3, vm0, $0xb8;
	[tilespmem:$0x14800] =	vst v63  }
0x60: {  	s15 =	simm.s32 $0xC000  }
0x61: {  	[tilespmem:s15], [sflag:$0x1] =	stream.indirect_vreg.gather [hbm4b:s7+s3], $0x80, v3, vm0, $0xb8;
	[tilespmem:$0x14800] =	vst v63  }
0x62: {  	v3 =	vld [tilespmem:s30+$0x2000];
	_ =	sdelay $0x4  }
0x63: {  	v48 =	vshll.u32 v3, $0x2  }
0x64: {  	v3 =	vand.u32 $0x7, v3;
	v4 =	vand.u32 $0xFFFFFFE0, v48  }
0x65: {  	v3 =	vor.u32 v3, v4  }
0x66: {  	v4 =	vperm.xlane v3, v0;
	_ =	sdelay $0x1  }
0x67: {  	v4 =	vadd.s32 v1, v4;
	_ =	sdelay $0x1  }
0x68: {  	v3 =	vperm.xlane v3, v2;
	_ =	sdelay $0x1  }
0x69: {  	v3 =	vadd.s32 v1, v3  }
0x6a: {  	[tilespmem:s18], [sflag:$0x1] =	stream.indirect_vreg.gather [hbm4b:s2+s3], $0x80, v4, vm0, $0xb8;
	[tilespmem:$0x14800] =	vst v63  }
0x6b: {  	s16 =	simm.s32 $0xD000  }
0x6c: {  	[tilespmem:s16], [sflag:$0x1] =	stream.indirect_vreg.gather [hbm4b:s7+s3], $0x80, v4, vm0, $0xb8;
	[tilespmem:$0x14800] =	vst v63  }
0x6d: {  	s17 =	simm.s32 $0xD800  }
0x6e: {  	[tilespmem:s17], [sflag:$0x1] =	stream.indirect_vreg.gather [hbm4b:s2+s3], $0x80, v3, vm0, $0xb8;
	[tilespmem:$0x14800] =	vst v63  }
0x6f: {  	_ = 	snop  }
0x70: {  	[tilespmem:s19], [sflag:$0x1] =	stream.indirect_vreg.gather [hbm4b:s7+s3], $0x80, v3, vm0, $0xb8;
	[tilespmem:$0x14800] =	vst v63  }
0x71: {  	v3 =	vld [tilespmem:s30+$0x2010];
	_ =	sdelay $0x4  }
0x72: {  	v49 =	vshll.u32 v3, $0x2  }
0x73: {  	v3 =	vand.u32 $0x7, v3;
	v4 =	vand.u32 $0xFFFFFFE0, v49  }
0x74: {  	v3 =	vor.u32 v3, v4  }
0x75: {  	v4 =	vperm.xlane v3, v0;
	_ =	sdelay $0x1  }
0x76: {  	v4 =	vadd.s32 v1, v4;
	_ =	sdelay $0x1  }
0x77: {  	v3 =	vperm.xlane v3, v2;
	_ =	sdelay $0x1  }
0x78: {  	s1 =	simm.s32 $0xE800;
	v3 =	vadd.s32 v1, v3  }
0x79: {  	[tilespmem:s1], [sflag:$0x1] =	stream.indirect_vreg.gather [hbm4b:s2+s3], $0x80, v4, vm0, $0xb8;
	[tilespmem:$0x14800] =	vst v63  }
0x7a: {  	_ = 	snop  }
0x7b: {  	[tilespmem:s6], [sflag:$0x1] =	stream.indirect_vreg.gather [hbm4b:s7+s3], $0x80, v4, vm0, $0xb8;
	[tilespmem:$0x14800] =	vst v63  }
0x7c: {  	_ = 	snop  }
0x7d: {  	[tilespmem:s8], [sflag:$0x1] =	stream.indirect_vreg.gather [hbm4b:s2+s3], $0x80, v3, vm0, $0xb8;
	[tilespmem:$0x14800] =	vst v63  }
0x7e: {  	_ = 	snop  }
0x7f: {  	[tilespmem:s20], [sflag:$0x1] =	stream.indirect_vreg.gather [hbm4b:s7+s3], $0x80, v3, vm0, $0xb8;
	[tilespmem:$0x14800] =	vst v63  }
0x80: {  	v3 =	vld [tilespmem:s30+$0x2020];
	_ =	sdelay $0x4  }
0x81: {  	v50 =	vshll.u32 v3, $0x2  }
0x82: {  	v3 =	vand.u32 $0x7, v3;
	v4 =	vand.u32 $0xFFFFFFE0, v50  }
0x83: {  	v3 =	vor.u32 v3, v4  }
0x84: {  	v4 =	vperm.xlane v3, v0;
	_ =	sdelay $0x1  }
0x85: {  	v4 =	vadd.s32 v1, v4;
	_ =	sdelay $0x1  }
0x86: {  	v3 =	vperm.xlane v3, v2;
	_ =	sdelay $0x1  }
0x87: {  	v3 =	vadd.s32 v1, v3  }
0x88: {  	[tilespmem:s21], [sflag:$0x1] =	stream.indirect_vreg.gather [hbm4b:s2+s3], $0x80, v4, vm0, $0xb8;
	[tilespmem:$0x14800] =	vst v63  }
0x89: {  	_ = 	snop  }
0x8a: {  	[tilespmem:s22], [sflag:$0x1] =	stream.indirect_vreg.gather [hbm4b:s7+s3], $0x80, v4, vm0, $0xb8;
	[tilespmem:$0x14800] =	vst v63  }
0x8b: {  	_ = 	snop  }
0x8c: {  	[tilespmem:s23], [sflag:$0x1] =	stream.indirect_vreg.gather [hbm4b:s2+s3], $0x80, v3, vm0, $0xb8;
	[tilespmem:$0x14800] =	vst v63  }
0x8d: {  	_ = 	snop  }
0x8e: {  	[tilespmem:s24], [sflag:$0x1] =	stream.indirect_vreg.gather [hbm4b:s7+s3], $0x80, v3, vm0, $0xb8;
	[tilespmem:$0x14800] =	vst v63  }
0x8f: {  	v3 =	vld [tilespmem:s30+$0x2030];
	_ =	sdelay $0x4  }
0x90: {  	v51 =	vshll.u32 v3, $0x2  }
0x91: {  	v3 =	vand.u32 $0x7, v3;
	v4 =	vand.u32 $0xFFFFFFE0, v51  }
0x92: {  	v3 =	vor.u32 v3, v4  }
0x93: {  	v4 =	vperm.xlane v3, v0;
	_ =	sdelay $0x1  }
0x94: {  	v4 =	vadd.s32 v1, v4;
	_ =	sdelay $0x1  }
0x95: {  	v3 =	vperm.xlane v3, v2;
	_ =	sdelay $0x1  }
0x96: {  	v3 =	vadd.s32 v1, v3  }
0x97: {  	[tilespmem:s25], [sflag:$0x1] =	stream.indirect_vreg.gather [hbm4b:s2+s3], $0x80, v4, vm0, $0xb8;
	[tilespmem:$0x14800] =	vst v63  }
0x98: {  	_ = 	snop  }
0x99: {  	[tilespmem:s26], [sflag:$0x1] =	stream.indirect_vreg.gather [hbm4b:s7+s3], $0x80, v4, vm0, $0xb8;
	[tilespmem:$0x14800] =	vst v63  }
0x9a: {  	_ = 	snop  }
0x9b: {  	[tilespmem:s28], [sflag:$0x1] =	stream.indirect_vreg.gather [hbm4b:s2+s3], $0x80, v3, vm0, $0xb8;
	[tilespmem:$0x14800] =	vst v63  }
0x9c: {  	_ = 	snop  }
0x9d: {  	[tilespmem:s29], [sflag:$0x1] =	stream.indirect_vreg.gather [hbm4b:s7+s3], $0x80, v3, vm0, $0xb8;
	[tilespmem:$0x14800] =	vst v63  }
0x9e: {  	_ =	swait.ge [sflag:s10], $0x8000  }
0x9f: {  	[sflag:s10] =	ssyncset.done $0x0  }
0xa0: {  	s15 =	rddreg [dreg:$0x4];
	[sflag:s10] =	ssyncadd.s32 $0xFFFF8000  }
0xa1: {  	[hbm4b:s15+s3] =	stream.linear.scatter [tilespmem:s0], [sflag:$0x2], $0x8000, $0x38;
	[tilespmem:$0x14800] =	vst v63  }
0xa2: {  	_ =	swait.ge [sflag:s13], $0x8000  }
0xa3: {  	[sflag:s13] =	ssyncset.done $0x0  }
0xa4: {  	[sflag:s13] =	ssyncadd.s32 $0xFFFF8000  }
0xa5: {  	v3 =	vld [tilespmem:s9+$0x2000];
	_ =	sdelay $0x4  }
0xa6: {  	v52 =	vshll.u32 v3, $0x2  }
0xa7: {  	v3 =	vand.u32 $0x7, v3;
	v4 =	vand.u32 $0xFFFFFFE0, v52  }
0xa8: {  	v3 =	vor.u32 v3, v4  }
0xa9: {  	v4 =	vperm.xlane v3, v0;
	_ =	sdelay $0x1  }
0xaa: {  	v4 =	vadd.s32 v1, v4;
	_ =	sdelay $0x1  }
0xab: {  	v3 =	vperm.xlane v3, v2;
	_ =	sdelay $0x1  }
0xac: {  	v3 =	vadd.s32 v1, v3  }
0xad: {  	[tilespmem:s0], [sflag:$0x1] =	stream.indirect_vreg.gather [hbm4b:s2+s3], $0x80, v4, vm0, $0xb8;
	[tilespmem:$0x14800] =	vst v63  }
0xae: {  	s15 =	simm.s32 $0x5000  }
0xaf: {  	[tilespmem:s15], [sflag:$0x1] =	stream.indirect_vreg.gather [hbm4b:s7+s3], $0x80, v4, vm0, $0xb8;
	[tilespmem:$0x14800] =	vst v63  }
0xb0: {  	s15 =	simm.s32 $0x5800  }
0xb1: {  	[tilespmem:s15], [sflag:$0x1] =	stream.indirect_vreg.gather [hbm4b:s2+s3], $0x80, v3, vm0, $0xb8;
	[tilespmem:$0x14800] =	vst v63  }
0xb2: {  	s15 =	simm.s32 $0x6000  }
0xb3: {  	[tilespmem:s15], [sflag:$0x1] =	stream.indirect_vreg.gather [hbm4b:s7+s3], $0x80, v3, vm0, $0xb8;
	[tilespmem:$0x14800] =	vst v63  }
0xb4: {  	v3 =	vld [tilespmem:s9+$0x2010];
	_ =	sdelay $0x4  }
0xb5: {  	v53 =	vshll.u32 v3, $0x2  }
0xb6: {  	v3 =	vand.u32 $0x7, v3;
	v4 =	vand.u32 $0xFFFFFFE0, v53  }
0xb7: {  	v3 =	vor.u32 v3, v4  }
0xb8: {  	v4 =	vperm.xlane v3, v0;
	_ =	sdelay $0x1  }
0xb9: {  	v4 =	vadd.s32 v1, v4;
	_ =	sdelay $0x1  }
0xba: {  	v3 =	vperm.xlane v3, v2;
	_ =	sdelay $0x1  }
0xbb: {  	s15 =	simm.s32 $0x6800;
	v3 =	vadd.s32 v1, v3  }
0xbc: {  	[tilespmem:s15], [sflag:$0x1] =	stream.indirect_vreg.gather [hbm4b:s2+s3], $0x80, v4, vm0, $0xb8;
	[tilespmem:$0x14800] =	vst v63  }
0xbd: {  	s15 =	simm.s32 $0x7000  }
0xbe: {  	[tilespmem:s15], [sflag:$0x1] =	stream.indirect_vreg.gather [hbm4b:s7+s3], $0x80, v4, vm0, $0xb8;
	[tilespmem:$0x14800] =	vst v63  }
0xbf: {  	s15 =	simm.s32 $0x7800  }
0xc0: {  	[tilespmem:s15], [sflag:$0x1] =	stream.indirect_vreg.gather [hbm4b:s2+s3], $0x80, v3, vm0, $0xb8;
	[tilespmem:$0x14800] =	vst v63  }
0xc1: {  	s15 =	simm.s32 $0x8000  }
0xc2: {  	[tilespmem:s15], [sflag:$0x1] =	stream.indirect_vreg.gather [hbm4b:s7+s3], $0x80, v3, vm0, $0xb8;
	[tilespmem:$0x14800] =	vst v63  }
0xc3: {  	v3 =	vld [tilespmem:s9+$0x2020];
	_ =	sdelay $0x4  }
0xc4: {  	v54 =	vshll.u32 v3, $0x2  }
0xc5: {  	v3 =	vand.u32 $0x7, v3;
	v4 =	vand.u32 $0xFFFFFFE0, v54  }
0xc6: {  	v3 =	vor.u32 v3, v4  }
0xc7: {  	v4 =	vperm.xlane v3, v0;
	_ =	sdelay $0x1  }
0xc8: {  	v4 =	vadd.s32 v1, v4;
	_ =	sdelay $0x1  }
0xc9: {  	v3 =	vperm.xlane v3, v2;
	_ =	sdelay $0x1  }
0xca: {  	s15 =	simm.s32 $0x8800;
	v3 =	vadd.s32 v1, v3  }
0xcb: {  	[tilespmem:s15], [sflag:$0x1] =	stream.indirect_vreg.gather [hbm4b:s2+s3], $0x80, v4, vm0, $0xb8;
	[tilespmem:$0x14800] =	vst v63  }
0xcc: {  	s15 =	simm.s32 $0x9000  }
0xcd: {  	[tilespmem:s15], [sflag:$0x1] =	stream.indirect_vreg.gather [hbm4b:s7+s3], $0x80, v4, vm0, $0xb8;
	[tilespmem:$0x14800] =	vst v63  }
0xce: {  	s15 =	simm.s32 $0x9800  }
0xcf: {  	[tilespmem:s15], [sflag:$0x1] =	stream.indirect_vreg.gather [hbm4b:s2+s3], $0x80, v3, vm0, $0xb8;
	[tilespmem:$0x14800] =	vst v63  }
0xd0: {  	_ = 	snop  }
0xd1: {  	[tilespmem:s31], [sflag:$0x1] =	stream.indirect_vreg.gather [hbm4b:s7+s3], $0x80, v3, vm0, $0xb8;
	[tilespmem:$0x14800] =	vst v63  }
0xd2: {  	v3 =	vld [tilespmem:s9+$0x2030];
	_ =	sdelay $0x4  }
0xd3: {  	v55 =	vshll.u32 v3, $0x2  }
0xd4: {  	v3 =	vand.u32 $0x7, v3;
	v4 =	vand.u32 $0xFFFFFFE0, v55  }
0xd5: {  	v3 =	vor.u32 v3, v4  }
0xd6: {  	v4 =	vperm.xlane v3, v0;
	_ =	sdelay $0x1  }
0xd7: {  	v4 =	vadd.s32 v1, v4;
	_ =	sdelay $0x1  }
0xd8: {  	v3 =	vperm.xlane v3, v2;
	_ =	sdelay $0x1  }
0xd9: {  	s15 =	simm.s32 $0xA800;
	v3 =	vadd.s32 v1, v3  }
0xda: {  	[tilespmem:s15], [sflag:$0x1] =	stream.indirect_vreg.gather [hbm4b:s2+s3], $0x80, v4, vm0, $0xb8;
	[tilespmem:$0x14800] =	vst v63  }
0xdb: {  	s15 =	simm.s32 $0xB000  }
0xdc: {  	[tilespmem:s15], [sflag:$0x1] =	stream.indirect_vreg.gather [hbm4b:s7+s3], $0x80, v4, vm0, $0xb8;
	[tilespmem:$0x14800] =	vst v63  }
0xdd: {  	_ = 	snop  }
0xde: {  	[tilespmem:s5], [sflag:$0x1] =	stream.indirect_vreg.gather [hbm4b:s2+s3], $0x80, v3, vm0, $0xb8;
	[tilespmem:$0x14800] =	vst v63  }
0xdf: {  	s15 =	simm.s32 $0xC000  }
0xe0: {  	[tilespmem:s15], [sflag:$0x1] =	stream.indirect_vreg.gather [hbm4b:s7+s3], $0x80, v3, vm0, $0xb8;
	[tilespmem:$0x14800] =	vst v63  }
0xe1: {  	_ =	swait.ge [sflag:s10], $0x8000  }
0xe2: {  	[sflag:s10] =	ssyncset.done $0x0  }
0xe3: {  	s15 =	rddreg [dreg:$0x5];
	[sflag:s10] =	ssyncadd.s32 $0xFFFF8000  }
0xe4: {  	[hbm4b:s15+s3] =	stream.linear.scatter [tilespmem:s18], [sflag:$0x2], $0x8000, $0x38;
	[tilespmem:$0x14800] =	vst v63  }
0xe5: {  	_ =	swait.ge [sflag:s13], $0x8000  }
0xe6: {  	[sflag:s13] =	ssyncset.done $0x0  }
0xe7: {  	[sflag:s13] =	ssyncadd.s32 $0xFFFF8000  }
0xe8: {  	v3 =	vld [tilespmem:s11+$0x2000];
	_ =	sdelay $0x4  }
0xe9: {  	v56 =	vshll.u32 v3, $0x2  }
0xea: {  	v3 =	vand.u32 $0x7, v3;
	v4 =	vand.u32 $0xFFFFFFE0, v56  }
0xeb: {  	v3 =	vor.u32 v3, v4  }
0xec: {  	v4 =	vperm.xlane v3, v0;
	_ =	sdelay $0x1  }
0xed: {  	v4 =	vadd.s32 v1, v4;
	_ =	sdelay $0x1  }
0xee: {  	v3 =	vperm.xlane v3, v2;
	_ =	sdelay $0x1  }
0xef: {  	v3 =	vadd.s32 v1, v3  }
0xf0: {  	[tilespmem:s18], [sflag:$0x1] =	stream.indirect_vreg.gather [hbm4b:s2+s3], $0x80, v4, vm0, $0xb8;
	[tilespmem:$0x14800] =	vst v63  }
0xf1: {  	_ = 	snop  }
0xf2: {  	[tilespmem:s16], [sflag:$0x1] =	stream.indirect_vreg.gather [hbm4b:s7+s3], $0x80, v4, vm0, $0xb8;
	[tilespmem:$0x14800] =	vst v63  }
0xf3: {  	_ = 	snop  }
0xf4: {  	[tilespmem:s17], [sflag:$0x1] =	stream.indirect_vreg.gather [hbm4b:s2+s3], $0x80, v3, vm0, $0xb8;
	[tilespmem:$0x14800] =	vst v63  }
0xf5: {  	_ = 	snop  }
0xf6: {  	[tilespmem:s19], [sflag:$0x1] =	stream.indirect_vreg.gather [hbm4b:s7+s3], $0x80, v3, vm0, $0xb8;
	[tilespmem:$0x14800] =	vst v63  }
0xf7: {  	v3 =	vld [tilespmem:s11+$0x2010];
	_ =	sdelay $0x4  }
0xf8: {  	v57 =	vshll.u32 v3, $0x2  }
0xf9: {  	v3 =	vand.u32 $0x7, v3;
	v4 =	vand.u32 $0xFFFFFFE0, v57  }
0xfa: {  	v3 =	vor.u32 v3, v4  }
0xfb: {  	v4 =	vperm.xlane v3, v0;
	_ =	sdelay $0x1  }
0xfc: {  	v4 =	vadd.s32 v1, v4;
	_ =	sdelay $0x1  }
0xfd: {  	v3 =	vperm.xlane v3, v2;
	_ =	sdelay $0x1  }
0xfe: {  	v3 =	vadd.s32 v1, v3  }
0xff: {  	[tilespmem:s1], [sflag:$0x1] =	stream.indirect_vreg.gather [hbm4b:s2+s3], $0x80, v4, vm0, $0xb8;
	[tilespmem:$0x14800] =	vst v63  }
0x100: {  	_ = 	snop  }
0x101: {  	[tilespmem:s6], [sflag:$0x1] =	stream.indirect_vreg.gather [hbm4b:s7+s3], $0x80, v4, vm0, $0xb8;
	[tilespmem:$0x14800] =	vst v63  }
0x102: {  	_ = 	snop  }
0x103: {  	[tilespmem:s8], [sflag:$0x1] =	stream.indirect_vreg.gather [hbm4b:s2+s3], $0x80, v3, vm0, $0xb8;
	[tilespmem:$0x14800] =	vst v63  }
0x104: {  	_ = 	snop  }
0x105: {  	[tilespmem:s20], [sflag:$0x1] =	stream.indirect_vreg.gather [hbm4b:s7+s3], $0x80, v3, vm0, $0xb8;
	[tilespmem:$0x14800] =	vst v63  }
0x106: {  	v3 =	vld [tilespmem:s11+$0x2020];
	_ =	sdelay $0x4  }
0x107: {  	v58 =	vshll.u32 v3, $0x2  }
0x108: {  	v3 =	vand.u32 $0x7, v3;
	v4 =	vand.u32 $0xFFFFFFE0, v58  }
0x109: {  	v3 =	vor.u32 v3, v4  }
0x10a: {  	v4 =	vperm.xlane v3, v0;
	_ =	sdelay $0x1  }
0x10b: {  	v4 =	vadd.s32 v1, v4;
	_ =	sdelay $0x1  }
0x10c: {  	v3 =	vperm.xlane v3, v2;
	_ =	sdelay $0x1  }
0x10d: {  	v3 =	vadd.s32 v1, v3  }
0x10e: {  	[tilespmem:s21], [sflag:$0x1] =	stream.indirect_vreg.gather [hbm4b:s2+s3], $0x80, v4, vm0, $0xb8;
	[tilespmem:$0x14800] =	vst v63  }
0x10f: {  	_ = 	snop  }
0x110: {  	[tilespmem:s22], [sflag:$0x1] =	stream.indirect_vreg.gather [hbm4b:s7+s3], $0x80, v4, vm0, $0xb8;
	[tilespmem:$0x14800] =	vst v63  }
0x111: {  	_ = 	snop  }
0x112: {  	[tilespmem:s23], [sflag:$0x1] =	stream.indirect_vreg.gather [hbm4b:s2+s3], $0x80, v3, vm0, $0xb8;
	[tilespmem:$0x14800] =	vst v63  }
0x113: {  	_ = 	snop  }
0x114: {  	[tilespmem:s24], [sflag:$0x1] =	stream.indirect_vreg.gather [hbm4b:s7+s3], $0x80, v3, vm0, $0xb8;
	[tilespmem:$0x14800] =	vst v63  }
0x115: {  	v3 =	vld [tilespmem:s11+$0x2030];
	_ =	sdelay $0x4  }
0x116: {  	v59 =	vshll.u32 v3, $0x2  }
0x117: {  	v3 =	vand.u32 $0x7, v3;
	v4 =	vand.u32 $0xFFFFFFE0, v59  }
0x118: {  	v3 =	vor.u32 v3, v4  }
0x119: {  	v4 =	vperm.xlane v3, v0;
	_ =	sdelay $0x1  }
0x11a: {  	v4 =	vadd.s32 v1, v4;
	_ =	sdelay $0x1  }
0x11b: {  	v3 =	vperm.xlane v3, v2;
	_ =	sdelay $0x1  }
0x11c: {  	v3 =	vadd.s32 v1, v3  }
0x11d: {  	[tilespmem:s25], [sflag:$0x1] =	stream.indirect_vreg.gather [hbm4b:s2+s3], $0x80, v4, vm0, $0xb8;
	[tilespmem:$0x14800] =	vst v63  }
0x11e: {  	_ = 	snop  }
0x11f: {  	[tilespmem:s26], [sflag:$0x1] =	stream.indirect_vreg.gather [hbm4b:s7+s3], $0x80, v4, vm0, $0xb8;
	[tilespmem:$0x14800] =	vst v63  }
0x120: {  	_ = 	snop  }
0x121: {  	[tilespmem:s28], [sflag:$0x1] =	stream.indirect_vreg.gather [hbm4b:s2+s3], $0x80, v3, vm0, $0xb8;
	[tilespmem:$0x14800] =	vst v63  }
0x122: {  	_ = 	snop  }
0x123: {  	[tilespmem:s29], [sflag:$0x1] =	stream.indirect_vreg.gather [hbm4b:s7+s3], $0x80, v3, vm0, $0xb8;
	[tilespmem:$0x14800] =	vst v63  }
0x124: {  	_ =	swait.ge [sflag:s10], $0x8000  }
0x125: {  	[sflag:s10] =	ssyncset.done $0x0  }
0x126: {  	s16 =	rddreg [dreg:$0x6];
	[sflag:s10] =	ssyncadd.s32 $0xFFFF8000  }
0x127: {  	[hbm4b:s16+s3] =	stream.linear.scatter [tilespmem:s0], [sflag:$0x2], $0x8000, $0x38;
	[tilespmem:$0x14800] =	vst v63  }
0x128: {  	_ =	swait.ge [sflag:s13], $0x8000  }
0x129: {  	[sflag:s13] =	ssyncset.done $0x0  }
0x12a: {  	[sflag:s13] =	ssyncadd.s32 $0xFFFF8000  }
0x12b: {  	v3 =	vld [tilespmem:s12+$0x2000];
	_ =	sdelay $0x4  }
0x12c: {  	v60 =	vshll.u32 v3, $0x2  }
0x12d: {  	v3 =	vand.u32 $0x7, v3;
	v4 =	vand.u32 $0xFFFFFFE0, v60  }
0x12e: {  	v3 =	vor.u32 v3, v4  }
0x12f: {  	v4 =	vperm.xlane v3, v0;
	_ =	sdelay $0x1  }
0x130: {  	v4 =	vadd.s32 v1, v4;
	_ =	sdelay $0x1  }
0x131: {  	v3 =	vperm.xlane v3, v2;
	_ =	sdelay $0x1  }
0x132: {  	v3 =	vadd.s32 v1, v3  }
0x133: {  	[tilespmem:s0], [sflag:$0x1] =	stream.indirect_vreg.gather [hbm4b:s2+s3], $0x80, v4, vm0, $0xb8;
	[tilespmem:$0x14800] =	vst v63  }
0x134: {  	s17 =	simm.s32 $0x5000  }
0x135: {  	[tilespmem:s17], [sflag:$0x1] =	stream.indirect_vreg.gather [hbm4b:s7+s3], $0x80, v4, vm0, $0xb8;
	[tilespmem:$0x14800] =	vst v63  }
0x136: {  	s15 =	simm.s32 $0x5800  }
0x137: {  	[tilespmem:s15], [sflag:$0x1] =	stream.indirect_vreg.gather [hbm4b:s2+s3], $0x80, v3, vm0, $0xb8;
	[tilespmem:$0x14800] =	vst v63  }
0x138: {  	s16 =	simm.s32 $0x6000  }
0x139: {  	[tilespmem:s16], [sflag:$0x1] =	stream.indirect_vreg.gather [hbm4b:s7+s3], $0x80, v3, vm0, $0xb8;
	[tilespmem:$0x14800] =	vst v63  }
0x13a: {  	v3 =	vld [tilespmem:s12+$0x2010];
	_ =	sdelay $0x4  }
0x13b: {  	v61 =	vshll.u32 v3, $0x2  }
0x13c: {  	v3 =	vand.u32 $0x7, v3;
	v4 =	vand.u32 $0xFFFFFFE0, v61  }
0x13d: {  	v3 =	vor.u32 v3, v4  }
0x13e: {  	v4 =	vperm.xlane v3, v0;
	_ =	sdelay $0x1  }
0x13f: {  	v4 =	vadd.s32 v1, v4;
	_ =	sdelay $0x1  }
0x140: {  	v3 =	vperm.xlane v3, v2;
	_ =	sdelay $0x1  }
0x141: {  	s17 =	simm.s32 $0x6800;
	v3 =	vadd.s32 v1, v3  }
0x142: {  	[tilespmem:s17], [sflag:$0x1] =	stream.indirect_vreg.gather [hbm4b:s2+s3], $0x80, v4, vm0, $0xb8;
	[tilespmem:$0x14800] =	vst v63  }
0x143: {  	s15 =	simm.s32 $0x7000  }
0x144: {  	[tilespmem:s15], [sflag:$0x1] =	stream.indirect_vreg.gather [hbm4b:s7+s3], $0x80, v4, vm0, $0xb8;
	[tilespmem:$0x14800] =	vst v63  }
0x145: {  	s16 =	simm.s32 $0x7800  }
0x146: {  	[tilespmem:s16], [sflag:$0x1] =	stream.indirect_vreg.gather [hbm4b:s2+s3], $0x80, v3, vm0, $0xb8;
	[tilespmem:$0x14800] =	vst v63  }
0x147: {  	s17 =	simm.s32 $0x8000  }
0x148: {  	[tilespmem:s17], [sflag:$0x1] =	stream.indirect_vreg.gather [hbm4b:s7+s3], $0x80, v3, vm0, $0xb8;
	[tilespmem:$0x14800] =	vst v63  }
0x149: {  	v3 =	vld [tilespmem:s12+$0x2020];
	_ =	sdelay $0x4  }
0x14a: {  	v62 =	vshll.u32 v3, $0x2  }
0x14b: {  	v3 =	vand.u32 $0x7, v3;
	v4 =	vand.u32 $0xFFFFFFE0, v62  }
0x14c: {  	v3 =	vor.u32 v3, v4  }
0x14d: {  	v4 =	vperm.xlane v3, v0;
	_ =	sdelay $0x1  }
0x14e: {  	v4 =	vadd.s32 v1, v4;
	_ =	sdelay $0x1  }
0x14f: {  	v3 =	vperm.xlane v3, v2;
	_ =	sdelay $0x1  }
0x150: {  	s15 =	simm.s32 $0x8800;
	v3 =	vadd.s32 v1, v3  }
0x151: {  	[tilespmem:s15], [sflag:$0x1] =	stream.indirect_vreg.gather [hbm4b:s2+s3], $0x80, v4, vm0, $0xb8;
	[tilespmem:$0x14800] =	vst v63  }
0x152: {  	s16 =	simm.s32 $0x9000  }
0x153: {  	[tilespmem:s16], [sflag:$0x1] =	stream.indirect_vreg.gather [hbm4b:s7+s3], $0x80, v4, vm0, $0xb8;
	[tilespmem:$0x14800] =	vst v63  }
0x154: {  	s17 =	simm.s32 $0x9800  }
0x155: {  	[tilespmem:s17], [sflag:$0x1] =	stream.indirect_vreg.gather [hbm4b:s2+s3], $0x80, v3, vm0, $0xb8;
	[tilespmem:$0x14800] =	vst v63  }
0x156: {  	_ = 	snop  }
0x157: {  	[tilespmem:s31], [sflag:$0x1] =	stream.indirect_vreg.gather [hbm4b:s7+s3], $0x80, v3, vm0, $0xb8;
	[tilespmem:$0x14800] =	vst v63  }
0x158: {  	v3 =	vld [tilespmem:s12+$0x2030];
	_ =	sdelay $0x4  }
0x159: {  	v63 =	vshll.u32 v3, $0x2  }
0x15a: {  	v3 =	vand.u32 $0x7, v3;
	v4 =	vand.u32 $0xFFFFFFE0, v63  }
0x15b: {  	v3 =	vor.u32 v3, v4  }
0x15c: {  	v4 =	vperm.xlane v3, v0;
	_ =	sdelay $0x1  }
0x15d: {  	v4 =	vadd.s32 v1, v4;
	_ =	sdelay $0x1  }
0x15e: {  	v3 =	vperm.xlane v3, v2;
	_ =	sdelay $0x1  }
0x15f: {  	s15 =	simm.s32 $0xA800;
	v3 =	vadd.s32 v1, v3  }
0x160: {  	[tilespmem:s15], [sflag:$0x1] =	stream.indirect_vreg.gather [hbm4b:s2+s3], $0x80, v4, vm0, $0xb8;
	[tilespmem:$0x14800] =	vst v63  }
0x161: {  	s16 =	simm.s32 $0xB000  }
0x162: {  	[tilespmem:s16], [sflag:$0x1] =	stream.indirect_vreg.gather [hbm4b:s7+s3], $0x80, v4, vm0, $0xb8;
	[tilespmem:$0x14800] =	vst v63  }
0x163: {  	_ = 	snop  }
0x164: {  	[tilespmem:s5], [sflag:$0x1] =	stream.indirect_vreg.gather [hbm4b:s2+s3], $0x80, v3, vm0, $0xb8;
	[tilespmem:$0x14800] =	vst v63  }
0x165: {  	s17 =	simm.s32 $0xC000  }
0x166: {  	[tilespmem:s17], [sflag:$0x1] =	stream.indirect_vreg.gather [hbm4b:s7+s3], $0x80, v3, vm0, $0xb8;
	[tilespmem:$0x14800] =	vst v63  }
0x167: {  	_ =	swait.ge [sflag:s10], $0x8000  }
0x168: {  	[sflag:s10] =	ssyncset.done $0x0  }
0x169: {  	s1 =	rddreg [dreg:$0x7];
	[sflag:s10] =	ssyncadd.s32 $0xFFFF8000  }
0x16a: {  	[hbm4b:s1+s3] =	stream.linear.scatter [tilespmem:s18], [sflag:$0x2], $0x8000, $0x38;
	[tilespmem:$0x14800] =	vst v63  }
0x16b: {  	_ =	swait.ge [sflag:s10], $0x8000  }
0x16c: {  	[sflag:s10] =	ssyncset.done $0x0  }
0x16d: {  	s16 =	rddreg [dreg:$0x8];
	[sflag:s10] =	ssyncadd.s32 $0xFFFF8000  }
0x16e: {  	[hbm4b:s16+s3] =	stream.linear.scatter [tilespmem:s0], [sflag:$0x2], $0x8000, $0x38;
	[tilespmem:$0x14800] =	vst v63  }
0x16f: {  	_ =	swait.ge [sflag:s13], $0x8000  }
0x170: {  	[sflag:s13] =	ssyncset.done $0x0  }
0x171: {  	[sflag:s13] =	ssyncadd.s32 $0xFFFF8000  }
0x172: {  	_ =	swait.ge [sflag:s13], $0x8000  }
0x173: {  	s14 =	sadd.s32 $0x1, s14;
	s17 =	rddreg [dreg:$0x9]  }
0x174: {  	p0 =	sne.s32 s14, s17  }
.Ltmp1:
0x175: {  	_ = 	snop;
	(pc) =	sbr.rel @p0 .LBB2_1-.Ltmp1, $3  }
0x176: {  	_ =	sdelay $0x1  }
0x177: {  	[sflag:s13] =	ssyncset.done $0x0  }
0x178: {  	[sflag:s13] =	ssyncadd.s32 $0xFFFF8000  }
0x179: {  	_ =	sfence.sel $0x180000  }
0x17a: {  	[bflag:$0x0] =	sbarrier.arrive $0xFFFF  }
0x17b: {  	_ =	strace $0x90000047  }
0x17c: {  	s0 =	stileid.u32;
	[bflag:$0x2] =	sbarrier.arrive $0xFFFF  }
0x17d: {  	p0 =	sne.s32 s0, $0x0;
	s0 =	rddreg [dreg:$0x2]  }
0x17e: {  	s0 =	sadd.s32 @!p0 $0x100000, s0  }
0x17f: {  	[sflag:s0] =	ssyncadd.tile.s32 @!p0 $0x1;
	_ =	shalt  }
.Lfunc_end2:
_tile_overlayer_lowered:
.L_overlay_start_2:
0x180: {  	(tag) =	ssettag $0x2  }
0x181: {  	s0 =	rddreg [dreg:$0x0];
	s2 =	stileid.u32  }
0x182: {  	s1 =	rddreg [dreg:$0x1];
	p0 =	sne.s32 s2, $0x0  }
0x183: {  	s3 =	rddreg [dreg:$0x2];
	[bflag:$0x3] =	sbarrier.arrive $0xFFFF;
	s2 =	simm.s32 @!p0 $0x1C03  }
0x184: {  	[timem:s3], [sflag:s2] =	dma.local @!p0 [hbm:s0], s1  }
0x185: {  	s0 =	simm.s32 @!p0 $0x3  }
0x186: {  	_ =	swait.ge @!p0 [sflag:s0], s1  }
0x187: {  	s1 =	ssub.s32 @!p0 $0x0, s1;
	[sflag:s0] =	ssyncset.done @!p0 $0x0  }
0x188: {  	[sflag:s0] =	ssyncadd.s32 @!p0 s1  }
0x189: {  	[bflag:$0x3] =	sbarrier.arrive $0xFFFF  }
0x18a: {  	_ =	shalt  }

// kernel: sparse-core-data-format-call.cloned.1.call-start
scs
called_computation_lowered:
.L_overlay_start_0:
0x0: {  	s1 =	sld [smem:$0x3FD9]  }
0x1: {  	s2 =	sld [smem:$0x3FFE];
	_ =	sdelay $0x1  }
0x2: {  	s3 =	srdreg.scid  }
0x3: {  	s0 =	sand.u32 $0x1, s3  }
0x4: {  	s17 =	sshll.u32 s0, $0xA;
	s1 =	sadd.s32 s2, s1  }
0x5: {  	s1 =	sadd.s32 s1, s17  }
0x6: {  	[smem:$0x3FC3] =	sst s1  }
0x7: {  	_ = 	snop  }
0x8: {  	(tm) =	ssettm $0x1  }
0x9: {  	s18 =	sld [smem:$0x3FFB];
	_ =	sdelay $0x3  }
0xa: {  	_ =	strace s18  }
0xb: {  	s1 =	sld [smem:$0x3FFC];
	_ =	sdelay $0x3  }
0xc: {  	_ =	strace s1  }
0xd: {  	s1 =	sld [smem:$0x3FFD];
	_ =	sdelay $0x3  }
0xe: {  	_ =	strace s1  }
0xf: {  	_ =	strace $0x8FFFFFFF  }
0x10: {  	s19 =	sld [smem:$0x3FDB];
	_ =	sdelay $0x1  }
0x11: {  	s20 =	simm.s32 $_scs_section_size  }
0x12: {  	s4 =	simm.s32 $_size__tile_overlayer_lowered;
	s5 =	simm.s32 $_tile_overlayer_lowered  }
0x13: {  	s23 =	simm.s32 $0x1BFF;
	s22 =	sshll.u32 s5, $0x1;
	s1 =	sadd.s32 s20, s19  }
0x14: {  	s6 =	simm.s32 $0x0;
	s21 =	sshll.u32 s4, $0x1;
	s4 =	sadd.s32 s22, s1  }
0x15: {  	[timem:s6], [sflag:s23] =	dma.local [hbm:s4], s21  }
0x16: {  	_ =	swait.ge [sflag:s23], s21  }
0x17: {  	s2 =	ssub.s32 $0x0, s21;
	[sflag:s23] =	ssyncset.done $0x0  }
0x18: {  	[sflag:s23] =	ssyncadd.s32 s2;
	_ =	sdelay $0x1  }
0x19: {  	s24 =	simm.s32 $0x1B8B  }
0x1a: {  	_ =	swait.ge [sflag:s24], $0x1  }
0x1b: {  	[sflag:s24] =	ssyncset.done $0x0  }
0x1c: {  	s26 =	simm.s32 $0x1B8E;
	s25 =	sld [smem:$0x3FFE];
	[sflag:s24] =	ssyncadd.s32 $0xFFFFFFFF  }
0x1d: {  	s27 =	simm.s32 $execute0_lowered;
	[smem:$0x3FD2] =	sst s26  }
0x1e: {  	s4 =	sshll.u32 s27, $0x1;
	_ =	strace $0x80000049;
	[dreg:$0x1] =	wrdreg $0xFFFFFFFF  }
0x1f: {  	s28 =	simm.s32 $_size_execute0_lowered;
	s1 =	sadd.s32 s1, s4;
	[dreg:$0x0] =	wrdreg $0x0  }
0x20: {  	s4 =	sshll.u32 s28, $0x1;
	[dreg:$0x2] =	wrdreg s1  }
0x21: {  	[dreg:$0x3] =	wrdreg s4  }
0x22: {  	[dreg:$0x4] =	wrdreg $0xC0  }
0x23: {  	_ =	task [dreg:s6], $0x5FFFF  }
0x24: {  	[dreg:$0x1] =	wrdreg $0xFFFFFFFF  }
0x25: {  	[dreg:$0x0] =	wrdreg $0x60  }
0x26: {  	[dreg:$0x2] =	wrdreg s25  }
0x27: {  	[dreg:$0x3] =	wrdreg $0x9  }
0x28: {  	_ =	task.clear_ibuf [dreg:s6], $0x4FFFF;
	_ =	strace $0x90000049  }
0x29: {  	s29 =	simm.s32 $0x9;
	_ =	strace $0x8000004B  }
0x2a: {  	_ =	swait.ge [sflag:s29], $0x1  }
0x2b: {  	[sflag:s29] =	ssyncadd.s32 $0xFFFFFFFF  }
0x2c: {  	_ =	strace $0x9000004B  }
0x2d: {  	_ =	sfence  }
0x2e: {  	s30 =	sld [smem:$0x0];
	_ =	sdelay $0x2  }
0x2f: {  	s31 =	sshll.u32 s3, $0xD;
	s3 =	sshrl.u32 s3, $0x2  }
0x30: {  	s2 =	sand.u32 $0x4000, s31;
	s1 =	sadd.s32 s3, s30  }
0x31: {  	s0 =	sor.u32 s2, s0;
	s1 =	sshll.u32 s1, $0x11  }
0x32: {  	s0 =	sor.u32 s1, s0  }
0x33: {  	s0 =	sadd.s32 $0x8F2B, s0  }
0x34: {  	[sflag:s0] =	ssyncadd.remote.s32 $0x1  }
0x35: {  	_ =	sfence.sel $0xFFFF  }
0x36: {  	[dreg:$0x0] =	wrdreg $0xFFFFFFFF;
	(pc) =	sbr.abs _section_cstart, $3  }
0x37: {  	[dreg:$0x1] =	wrdreg $0xFFFFFFFF  }
0x38: {  	_ =	task.clear_ibuf [dreg:s6], $0x2FFFF;
	_ =	strace $0x9FFFFFFF  }
0x39: {  	(tm) =	ssettm $0x7FFFFFFF  }
tec
execute0_lowered:
.L_overlay_start_1:
0x0: {  	(tag) =	ssettag $0x1  }
0x1: {  	s0 =	stileid.u32;
	s1 =	srdreg.scid  }
0x2: {  	s7 =	rddreg [dreg:$0x0];
	s31 =	simm.s32 $0x2;
	s14 =	simm.s32 $0x0  }
0x3: {  	s13 =	simm.s32 $0x0;
	s12 =	simm.s32 $0x0;
	s2 =	sshll.u32 s0, $0x7  }
0x4: {  	s3 =	sshll.u32 s0, $0x4;
	s1 =	sshll.u32 s1, $0x8;
	s2 =	sand.u32 $0x380, s2  }
0x5: {  	s3 =	sor.u32 s3, s1;
	s1 =	rddreg [dreg:$0x1];
	_ =	strace $0x8000004A  }
0x6: {  	s3 =	sand.u32 $0x180, s3;
	s4 =	ssub.s32 $0x400, s2;
	s11 =	smov.u32 s2  }
0x7: {  	s5 =	sand.u32 $0x380, s4;
	s6 =	ssub.s32 $0x2800, s3;
	s9 =	sshrl.u32 s4, $0xA  }
0x8: {  	p0 =	sne.s32 s5, $0x0;
	s5 =	simm.s32 $0x1;
	s8 =	sand.u32 $0x180, s6  }
0x9: {  	s5 =	simm.s32 @!p0 $0x0;
	p0 =	sne.s32 s8, $0x0;
	s8 =	simm.s32 $0x1  }
.Ltmp0:
0xa: {  	s6 =	sshrl.u32 s6, $0x9;
	s8 =	simm.s32 @!p0 $0x0;
	(pc) =	sbr.rel .LBB1_1-.Ltmp0, $4  }
0xb: {  	s4 =	simm.s32 $0x1;
	s5 =	sadd.s32 s5, s9;
	s6 =	sadd.s32 s8, s6  }
0xc: {  	s10 =	smov.u32 s3;
	[sflag:s4] =	ssyncpa.u1 $0x0;
	s5 =	smul.u32 s5, s6  }
0xd: {  	[sflag:s31] =	ssyncpa.u1 $0x0;
	p0 =	por $0x0, $0x0;
	s9 =	simm.s32 $0x2000  }
0xe: {  	s6 =	sadd.s32 $0x203000, s7;
	s7 =	sadd.s32 $0x23000, s7;
	s8 =	sadd.s32 $0x1, s5  }
.LBB1_4:
0xf: {  	v5 =	vld [tilespmem:s18+$0xFFFFFFD0];
	[tilespmem:s17+$0x2040 ss:$0x81] =	vst.msk $0xffff, v4;
	s20 =	sshll.u32 s14, $0xA;
	s21 =	sshll.u32 s13, $0x3  }
0x10: {  	v58 =	vld [tilespmem:s18+$0xFFFFFFE0];
	[tilespmem:s17+$0x2850 ss:$0x81] =	vst.msk $0xffff, v3;
	s20 =	sand.u32 $0xFFFFE000, s20;
	s21 =	sand.u32 $0xFFFFFC00, s21  }
0x11: {  	s19 =	sshra.s32 s19, $0x2;
	v59 =	vld [tilespmem:s18+$0xFFFFFFF0];
	[tilespmem:s17+$0x3060 ss:$0x81] =	vst.msk $0xffff, v2;
	s20 =	sadd.s32 s21, s20  }
0x12: {  	v60 =	vld [tilespmem:s18+$0x0];
	[tilespmem:s17+$0x0 ss:$0x81] =	vst.msk $0xffff, v0;
	s16 =	sadd.s32 s19, s16;
	s26 =	sshrl.u32 s20, $0xA  }
0x13: {  	v61 =	vld [tilespmem:s18+$0x10];
	[tilespmem:s16+$0x3870 ss:$0x81] =	vst.msk $0xffff, v1;
	s27 =	smulhi.u32 $0xCCCCD, s26  }
0x14: {  	v62 =	vld [tilespmem:s18+$0x20];
	[tilespmem:s16+$0x810 ss:$0x81] =	vst.msk $0xffff, v5  }
0x15: {  	v63 =	vld [tilespmem:s18+$0xFFFFFFC0];
	s28 =	sshll.u32 s14, $0x7;
	[tilespmem:s16+$0x1020 ss:$0x81] =	vst.msk $0xffff, v58;
	s29 =	sshrl.u32 s27, $0x1  }
0x16: {  	s30 =	sand.u32 $0x78, s13;
	s14 =	sand.u32 $0x380, s28;
	[tilespmem:s16+$0x1830 ss:$0x81] =	vst.msk $0xffff, v59;
	s18 =	smul.u32 $0x2800, s29  }
0x17: {  	s14 =	sor.u32 s30, s14;
	[tilespmem:s16+$0x2040 ss:$0x81] =	vst.msk $0xffff, v60  }
0x18: {  	s31 =	sand.u32 $0x7, s13;
	s14 =	sshrl.u32 s14, $0x3;
	[tilespmem:s16+$0x2850 ss:$0x81] =	vst.msk $0xffff, v61;
	s17 =	ssub.s32 s26, s18  }
0x19: {  	s13 =	sshll.u32 s31, $0x12;
	s14 =	sadd.s32 s7, s14;
	[tilespmem:s16+$0x3060 ss:$0x81] =	vst.msk $0xffff, v62;
	s17 =	sshll.u32 s17, $0x7  }
0x1a: {  	s13 =	sor.u32 $0x400, s13;
	[tilespmem:s16+$0x0 ss:$0x81] =	vst.msk $0xffff, v63;
	s14 =	sadd.s32 s17, s14  }
0x1b: {  	[hbm4b:s14+s13] =	stream.strided.scatter [tilespmem:s15], [sflag:$0x2], $0x4000, s9, s13, $0x20;
	[tilespmem:$0x10100] =	vst v63  }
.LBB1_5:
0x1c: {  	s15 =	sadd.s32 $0x200, s10  }
0x1d: {  	s13 =	sadd.s32 $0x400, s11;
	s17 =	smov.u32 s11;
	p2 =	sgt.s32 s15, $0x27FF  }
0x1e: {  	s17 =	smov.u32 @p2 s13  }
0x1f: {  	s15 =	smov.u32 @p2 s3;
	p2 =	sgt.s32 s17, $0x3FF  }
0x20: {  	s17 =	smov.u32 @p2 s2;
	p2 =	sne.s32 s12, s8  }
.Ltmp1:
0x21: {  	p1 =	slt.u32 s12, $0x2;
	(pc) =	sbr.rel @!p2 .LBB1_6-.Ltmp1, $4  }
0x22: {  	s16 =	simm.s32 @!p1 $0x2  }
0x23: {  	s14 =	smov.u32 s10;
	p0 =	por !p0, !p0;
	_ =	swait.ge @!p1 [sflag:s16], $0x4000  }
0x24: {  	s13 =	smov.u32 s11;
	[sflag:s16] =	ssyncset.done @!p1 $0x0;
	s10 =	smov.u32 s15  }
0x25: {  	s12 =	sadd.s32 $0x1, s12;
	[sflag:s16] =	ssyncadd.s32 @!p1 $0xFFFFC000;
	s11 =	smov.u32 s17  }
.LBB1_1:
0x26: {  	p1 =	sge.u32 s12, s5  }
0x27: {  	s15 =	sshrl.u32 @!p1 s11, $0x3  }
0x28: {  	s16 =	sshll.u32 @!p1 s10, $0x3;
	s17 =	sshll.u32 @!p1 s11, $0x7;
	s15 =	smul.u32 @!p1 $0x14000, s15  }
0x29: {  	s18 =	sand.u32 @!p1 $0x7F, s10;
	s16 =	sand.u32 @!p1 $0xFFFFFC00, s16;
	s17 =	sand.u32 @!p1 $0x380, s17  }
0x2a: {  	s15 =	sadd.s32 @!p1 s15, s16;
	s16 =	sor.u32 @!p1 s18, s17  }
0x2b: {  	s16 =	sor.u32 @!p1 s15, s16  }
0x2c: {  	s17 =	smulhi.u32 @!p1 $0xCCCCCCCD, s16;
	_ =	sdelay $0x1  }
0x2d: {  	s15 =	smulhi.u32 @!p1 $0xCCCCCCCD, s15;
	s17 =	sshrl.u32 @!p1 s17, $0xD  }
0x2e: {  	s17 =	smul.u32 @!p1 $0x2800, s17  }
0x2f: {  	s31 =	sadd.s32 $0xFFFFFFFF, s12;
	s18 =	sxor.u32 @!p1 $0xFFFFFFFF, s12;
	s15 =	sshrl.u32 @!p1 s15, $0xD  }
0x30: {  	s18 =	sshll.u32 @!p1 s18, $0xE;
	s15 =	sand.u32 @!p1 $0x3FF, s15;
	s16 =	ssub.s32 @!p1 s16, s17  }
0x31: {  	s15 =	smul.u32 @!p1 $0x500, s15;
	s17 =	sshrl.u32 @!p1 s16, $0x3;
	s16 =	sand.u32 @!p1 $0x7, s16  }
0x32: {  	s18 =	sand.u32 @!p1 $0x4000, s18;
	s17 =	sadd.s32 @!p1 s6, s17;
	s16 =	sshll.u32 @!p1 s16, $0x12  }
0x33: {  	s15 =	sadd.s32 @!p1 s15, s17;
	s16 =	sor.u32 @!p1 $0x400, s16;
	s17 =	simm.s32 @!p1 $0x14000  }
0x34: {  	[tilespmem:s18], [sflag:$0x1] =	stream.strided.gather @!p1 [hbm4b:s15+s16], $0x4000, s17, s16, $0x38;
	[tilespmem:$0x10100] =	vst v63  }
0x35: {  	p1 =	sge.u32 s31, s5  }
.Ltmp2:
0x36: {  	_ = 	snop;
	(pc) =	sbr.rel @p1 .LBB1_5-.Ltmp2, $1  }
0x37: {  	_ =	sdelay $0x3  }
0x38: {  	s15 =	simm.s32 $0x1  }
0x39: {  	_ =	swait.ge [sflag:s4], $0x4000;
	s15 =	simm.s32 @!p0 $0x0  }
0x3a: {  	[sflag:s4] =	ssyncset.done $0x0;
	s16 =	sshll.u32 s15, $0xE  }
0x3b: {  	[sflag:s4] =	ssyncadd.s32 $0xFFFFC000;
	s18 =	sor.u32 $0x40, s16  }
0x3c: {  	s15 =	smul.u32 $0x10200, s15;
	v0 =	vld [tilespmem:s18+$0x30]  }
0x3d: {  	v1 =	vld [tilespmem:s18+$0xFFFFFFD0]  }
0x3e: {  	s15 =	sshrl.u32 s15, $0x2;
	v5 =	vld [tilespmem:s18+$0xFFFFFFE0]  }
0x3f: {  	v6 =	vld [tilespmem:s18+$0xFFFFFFF0];
	s16 =	sor.u32 $0x8000, s15  }
0x40: {  	s31 =	sand.u32 $0x1, s12;
	v4 =	vld [tilespmem:s18+$0x0];
	s17 =	sadd.s32 $0x0, s16  }
0x41: {  	v3 =	vld [tilespmem:s18+$0x10];
	s15 =	smul.u32 $0x10200, s31;
	[tilespmem:s17+$0x3870 ss:$0x81] =	vst.msk $0xffff, v0  }
0x42: {  	v2 =	vld [tilespmem:s18+$0x20];
	[tilespmem:s17+$0x810 ss:$0x81] =	vst.msk $0xffff, v1  }
0x43: {  	s15 =	sshrl.u32 s15, $0x2;
	v0 =	vld [tilespmem:s18+$0xFFFFFFC0];
	[tilespmem:s17+$0x1020 ss:$0x81] =	vst.msk $0xffff, v5;
	s18 =	sadd.s32 $0x80, s18  }
0x44: {  	s19 =	simm.s32 $0x4;
	s20 =	simm.s32 $0x8;
	s15 =	sor.u32 $0x8000, s15;
	[tilespmem:s17+$0x1830 ss:$0x81] =	vst.msk $0xffff, v6;
	v1 =	vld [tilespmem:s18+$0x30]  }
.LBB1_3:
0x45: {  	p1 =	sne.s32 s20, $0x1FC;
	v5 =	vld [tilespmem:s18+$0xFFFFFFD0];
	[tilespmem:s17+$0x2040 ss:$0x81] =	vst.msk $0xffff, v4  }
0x46: {  	v6 =	vld [tilespmem:s18+$0xFFFFFFE0];
	[tilespmem:s17+$0x2850 ss:$0x81] =	vst.msk $0xffff, v3  }
0x47: {  	s21 =	sshra.s32 s19, $0x2;
	s19 =	smov.u32 s20;
	v7 =	vld [tilespmem:s18+$0xFFFFFFF0];
	[tilespmem:s17+$0x3060 ss:$0x81] =	vst.msk $0xffff, v2  }
.Ltmp3:
0x48: {  	v4 =	vld [tilespmem:s18+$0x0];
	[tilespmem:s17+$0x0 ss:$0x81] =	vst.msk $0xffff, v0;
	s17 =	sadd.s32 s21, s16;
	(pc) =	sbr.rel @p1 .LBB1_3-.Ltmp3, $4  }
0x49: {  	v3 =	vld [tilespmem:s18+$0x10];
	[tilespmem:s17+$0x3870 ss:$0x81] =	vst.msk $0xffff, v1  }
0x4a: {  	[tilespmem:s17+$0x810 ss:$0x81] =	vst.msk $0xffff, v5;
	v2 =	vld [tilespmem:s18+$0x20]  }
0x4b: {  	v0 =	vld [tilespmem:s18+$0xFFFFFFC0];
	[tilespmem:s17+$0x1020 ss:$0x81] =	vst.msk $0xffff, v6;
	s18 =	sadd.s32 $0x80, s18  }
0x4c: {  	s20 =	sadd.s32 $0x4, s20;
	v1 =	vld [tilespmem:s18+$0x30];
	[tilespmem:s17+$0x1830 ss:$0x81] =	vst.msk $0xffff, v7  }
.Ltmp4:
0x4d: {  	_ = 	snop;
	(pc) =	sbr.rel .LBB1_4-.Ltmp4, $1  }
0x4e: {  	_ =	sdelay $0x3  }
.LBB1_6:
0x4f: {  	_ =	sfence.sel $0x180000  }
0x50: {  	s2 =	simm.s32 $0x1;
	[bflag:$0x0] =	sbarrier.arrive $0xFFFF  }
0x51: {  	s31 =	simm.s32 $0x2;
	[sflag:s2] =	ssyncpa.u1 $0x1  }
0x52: {  	[sflag:s31] =	ssyncpa.u1 $0x1  }
0x53: {  	p0 =	sne.s32 s0, $0x0;
	_ =	strace $0x9000004A  }
0x54: {  	s0 =	sadd.s32 @!p0 $0x100000, s1;
	[bflag:$0x2] =	sbarrier.arrive $0xFFFF  }
0x55: {  	[sflag:s0] =	ssyncadd.tile.s32 @!p0 $0x1;
	_ =	shalt  }
.Lfunc_end1:
_tile_overlayer_lowered:
.L_overlay_start_2:
0x56: {  	(tag) =	ssettag $0x2  }
0x57: {  	s0 =	rddreg [dreg:$0x0];
	s2 =	stileid.u32  }
0x58: {  	s1 =	rddreg [dreg:$0x1];
	p0 =	sne.s32 s2, $0x0  }
0x59: {  	s3 =	rddreg [dreg:$0x2];
	[bflag:$0x3] =	sbarrier.arrive $0xFFFF;
	s2 =	simm.s32 @!p0 $0x1C01  }
0x5a: {  	[timem:s3], [sflag:s2] =	dma.local @!p0 [hbm:s0], s1  }
0x5b: {  	s0 =	simm.s32 @!p0 $0x1  }
0x5c: {  	_ =	swait.ge @!p0 [sflag:s0], s1  }
0x5d: {  	s1 =	ssub.s32 @!p0 $0x0, s1;
	[sflag:s0] =	ssyncset.done @!p0 $0x0  }
0x5e: {  	[sflag:s0] =	ssyncadd.s32 @!p0 s1  }
0x5f: {  	[bflag:$0x3] =	sbarrier.arrive $0xFFFF  }
0x60: {  	_ =	shalt  }

</sc_bundles>
